<compile_context>
chip_gen: v7x
topology: tpu7x:2x2x1
jax: 0.10.2.dev20260603
libtpu: 0.0.44.dev20260713+nightly
codegen_flags: <defaults>
</compile_context>

<pallas_src>
import functools

import jax
import jax.numpy as jnp
from jax import lax
from jax.experimental import pallas as pl
from jax.experimental.pallas import tpu as pltpu
from jax.experimental.pallas import tpu_sc as plsc

WINDOW = 61
PSIZE = 4
IMG = 64
NQ = 961
NQ_PAD = 976
T = PSIZE * PSIZE
OUT_ROWS = NQ * T
LANES = 16
NW = 32
CQ = 4
CROWS = CQ * T
NCHUNK = 8
LB = 4
CGROWS = CROWS * LB


def _tr_body(x4_hbm, xt_hbm, xv0, xv1, tb0, tb1,
             in_sem0, in_sem1, out_sem0, out_sem1):
    nc = 2
    wid = lax.axis_index("s") * nc + lax.axis_index("c")
    b = wid // 2
    c0 = (wid % 2) * 16
    tn = wid // 8
    ln0 = (wid % 8) * 16

    iota = lax.broadcasted_iota(jnp.int32, (LANES,), 0)
    kv = [jnp.broadcast_to(jnp.int32(k), (LANES,)) for k in range(16)]

    xvs = (xv0, xv1)
    tbs = (tb0, tb1)
    in_sems = (in_sem0, in_sem1)
    out_sems = (out_sem0, out_sem1)

    def start_in(ch, bb):
        cp = pltpu.make_async_copy(
            x4_hbm.at[b, pl.ds(c0, 16), pl.ds(ch * 16, 16)],
            xvs[bb], in_sems[bb])
        cp.start()
        return cp

    copies_in = [None, None]
    copies_out = [None, None]
    copies_in[0] = start_in(0, 0)
    for ch in range(4):
        bb = ch % 2
        nb = (ch + 1) % 2
        if ch + 1 < 4:
            if copies_out[nb] is not None:
                copies_out[nb].wait()
                copies_out[nb] = None
            copies_in[nb] = start_in(ch + 1, nb)
        copies_in[bb].wait()
        xv = xvs[bb]
        tb = tbs[bb]

        @plsc.parallel_loop(0, 1024 // LANES, unroll=4)
        def eg_step(eg):
            e0 = eg * LANES
            rr = lax.shift_right_logical(e0, 6)
            cc0 = e0 & 63
            ev = e0 + iota
            for k in range(16):
                vals = xv[k, rr, pl.ds(cc0, LANES)]
                plsc.store_scatter(tb, [ev, kv[k]], vals)

        copies_out[bb] = pltpu.make_async_copy(
            tb, xt_hbm.at[pl.ds(ch * 1024, 1024), tn, pl.ds(ln0, LANES)],
            out_sems[bb])
        copies_out[bb].start()
    for bb in range(2):
        if copies_out[bb] is not None:
            copies_out[bb].wait()


def _sc_body(xt_hbm, mask_hbm, out_hbm, mask_v, src_v, src2_v,
             buf0, buf1, buf2,
             in_sem0, in_sem1, in_sem2, out_sem0, out_sem1, out_sem2):
    nc = 2
    wid = lax.axis_index("s") * nc + lax.axis_index("c")
    q_start = (NQ * wid) // NW
    q_end = (NQ * (wid + 1)) // NW

    iota = lax.broadcasted_iota(jnp.int32, (LANES,), 0)
    off_v = lax.shift_right_logical(iota, 2) * IMG + (iota & 3)

    pltpu.sync_copy(mask_hbm, mask_v)

    def build_idx(c):
        qc = jnp.minimum(q_start + CQ * c, q_end - CQ)
        for gq in range(CQ):
            qv = jnp.broadcast_to(qc + gq, (LANES,))
            w = plsc.load_gather(mask_v, [qv])
            rr = lax.shift_right_logical(w * 68760, 22)
            base = w + 3 * rr
            src_v[c, pl.ds(gq * LANES, LANES)] = base + off_v

        def build(jg, _, c=c):
            jv = jg * LANES + iota
            tp = lax.shift_right_logical(jv, 5)
            tn = lax.shift_right_logical(jv, 3) & 3
            sp = jv & 7
            p_local = tp * 8 + sp
            cv = jnp.broadcast_to(jnp.int32(c), (LANES,))
            sr = plsc.load_gather(src_v, [cv, p_local])
            h = lax.shift_right_logical(jv, 7)
            jr = jv & 127
            plsc.store_scatter(src2_v, [2 * c + h, jr], sr * LB + tn)
            return 0

        lax.fori_loop(0, CGROWS // LANES, build, 0)

    bufs = (buf0, buf1, buf2)
    in_sems = (in_sem0, in_sem1, in_sem2)
    out_sems = (out_sem0, out_sem1, out_sem2)

    def band0(c):
        qc = jnp.minimum(q_start + CQ * c, q_end - CQ)
        return qc * (T // 8) * (LB * 8)

    def start_gather(c, b):
        copies = (
            pltpu.make_async_copy(
                xt_hbm.at[src2_v.at[2 * c]],
                bufs[b].at[pl.ds(0, 128)], in_sems[b]),
            pltpu.make_async_copy(
                xt_hbm.at[src2_v.at[2 * c + 1]],
                bufs[b].at[pl.ds(128, 128)], in_sems[b]),
        )
        for cp in copies:
            cp.start()
        return copies

    copies_in = [None, None, None]
    copies_out = [None, None, None]
    build_idx(0)
    copies_in[0] = start_gather(0, 0)
    build_idx(1)
    copies_in[1] = start_gather(1, 1)
    for c in range(NCHUNK):
        b = c % 3
        if c + 2 < NCHUNK:
            pb = (c + 2) % 3
            if copies_out[pb] is not None:
                copies_out[pb].wait()
                copies_out[pb] = None
            build_idx(c + 2)
            copies_in[pb] = start_gather(c + 2, pb)
        for cp in copies_in[b]:
            cp.wait()
        copies_out[b] = pltpu.make_async_copy(
            bufs[b], out_hbm.at[pl.ds(band0(c), CGROWS)], out_sems[b])
        copies_out[b].start()
    for b in range(3):
        if copies_out[b] is not None:
            copies_out[b].wait()


def kernel(input_data, mask):
    B, C, H, W = input_data.shape
    rows = B * C
    mask_p = jnp.pad(mask.astype(jnp.int32), (0, NQ_PAD - NQ))

    mesh = plsc.VectorSubcoreMesh(core_axis_name="c", subcore_axis_name="s")
    run_tr = functools.partial(
        pl.kernel,
        mesh=mesh,
        compiler_params=pltpu.CompilerParams(
            needs_layout_passes=False,
            use_tc_tiling_on_sc=False,
        ),
        out_type=jax.ShapeDtypeStruct((H * W, LB, rows // LB), jnp.float32),
        scratch_types=[
            pltpu.VMEM((16, 16, IMG), jnp.float32),
            pltpu.VMEM((16, 16, IMG), jnp.float32),
            pltpu.VMEM((1024, LANES), jnp.float32),
            pltpu.VMEM((1024, LANES), jnp.float32),
            pltpu.SemaphoreType.DMA,
            pltpu.SemaphoreType.DMA,
            pltpu.SemaphoreType.DMA,
            pltpu.SemaphoreType.DMA,
        ],
    )(_tr_body)
    xt4 = run_tr(input_data).reshape(H * W * LB, rows // LB)
    run = functools.partial(
        pl.kernel,
        mesh=mesh,
        compiler_params=pltpu.CompilerParams(
            needs_layout_passes=False,
            use_tc_tiling_on_sc=False,
        ),
        out_type=jax.ShapeDtypeStruct((OUT_ROWS * LB, rows // LB),
                                      jnp.float32),
        scratch_types=[
            pltpu.VMEM((NQ_PAD,), jnp.int32),
            pltpu.VMEM((NCHUNK, CROWS), jnp.int32),
            pltpu.VMEM((2 * NCHUNK, 128), jnp.int32),
            pltpu.VMEM((CGROWS, rows // LB), jnp.float32),
            pltpu.VMEM((CGROWS, rows // LB), jnp.float32),
            pltpu.VMEM((CGROWS, rows // LB), jnp.float32),
            pltpu.SemaphoreType.DMA,
            pltpu.SemaphoreType.DMA,
            pltpu.SemaphoreType.DMA,
            pltpu.SemaphoreType.DMA,
            pltpu.SemaphoreType.DMA,
            pltpu.SemaphoreType.DMA,
        ],
    )(_sc_body)
    out4 = run(xt4, mask_p)
    out2d = (out4.reshape(OUT_ROWS // 8, LB, 8, rows // LB)
             .transpose(0, 2, 1, 3)
             .reshape(OUT_ROWS, rows))
    return out2d.T.reshape(rows, NQ, T)

# --- scband reference (transcript-rebuilt; emitter-appended) ---
"""Pipeline reference for scband-image2patch-4801773436970 (READ-ONLY COPY).

The authoritative reference and input builder live on the scoring server;
editing this copy changes nothing except your own understanding.
"""

import jax, jax.numpy as jnp
import numpy as np

IMAGE_SIZE = 64
PSIZE = 4
STRIDE = 2
WINDOW = IMAGE_SIZE + 1 - PSIZE  # 61


def _make_mask():
    m = np.arange(WINDOW * WINDOW).reshape(WINDOW, WINDOW)
    cur = np.arange(0, WINDOW, STRIDE)
    if cur[-1] != WINDOW - 1:
        cur = np.concatenate([cur, np.array([WINDOW - 1])])
    m = m[cur][:, cur]
    return jnp.asarray(m.reshape(-1), dtype=jnp.int32)  # [961]


def setup_inputs(seed: int = 0) -> dict:
    key = jax.random.key(seed)
    x = jax.random.normal(key, (16, 32, IMAGE_SIZE, IMAGE_SIZE), dtype=jnp.float32)
    return {"input_data": x, "mask": _make_mask()}


def reference(input_data, mask):
    # Faithful translation of image2patch.forward -> to_patch(x, mask, sizes) with mode='sum'.
    B, C, H, W = input_data.shape
    # Build patch_set[:, :, i*PSIZE + j] = x[:, :, i:i+WINDOW, j:j+WINDOW] flattened,
    # exactly matching the torch loop order over (i, j) in range(PSIZE).
    patches = []
    for i in range(PSIZE):
        for j in range(PSIZE):
            temp = input_data[:, :, i:i + WINDOW, j:j + WINDOW]
            temp = temp.reshape(B * C, WINDOW * WINDOW)
            patches.append(temp)
    patch_set = jnp.stack(patches, axis=-1)  # [B*C, WINDOW^2, PSIZE^2]
    # output = patch_set[:, mask] : gather of selected window positions along dim 1
    output = jnp.take(patch_set, mask, axis=1)  # [B*C, 961, 16]
    return output

if __name__ == "__main__":
    import jax
    _d = setup_inputs()
    print(jax.jit(kernel)(*tuple(_d.values())))

</pallas_src>

<mosaic_0001>
#map = affine_map<(d0, d1) -> (0, 0, 0, 0)>
#map1 = affine_map<(d0, d1) -> (0, 0, 0)>
module attributes {stable_mosaic.version = 14 : i64} {
  func.func @_tr_body(%arg0: i32, %arg1: i32, %arg2: memref<16x32x64x64xf32, #tpu.memory_space<hbm>>, %arg3: memref<4096x4x128xf32, #tpu.memory_space<hbm>>, %arg4: memref<16x16x64xf32, #tpu.memory_space<vmem>>, %arg5: memref<16x16x64xf32, #tpu.memory_space<vmem>>, %arg6: memref<1024x16xf32, #tpu.memory_space<vmem>>, %arg7: memref<1024x16xf32, #tpu.memory_space<vmem>>, %arg8: memref<!tpu.dma_semaphore, #tpu.memory_space<semaphore_mem>>, %arg9: memref<!tpu.dma_semaphore, #tpu.memory_space<semaphore_mem>>, %arg10: memref<!tpu.dma_semaphore, #tpu.memory_space<semaphore_mem>>, %arg11: memref<!tpu.dma_semaphore, #tpu.memory_space<semaphore_mem>>) attributes {dimension_semantics = [#tpu.dimension_semantics<core_parallel>, #tpu.dimension_semantics<subcore_parallel>], iteration_bounds = array<i64: 2, 16>, scalar_prefetch = 0 : i64, scratch_operands = 8 : i64, tpu.core_type = #tpu.core_type<sc_vector_subcore>, window_params = [{transform_indices = #map}, {transform_indices = #map1}]} {
    %mul3A = arith.constant 2 : i32
    %mul3A_0 = arith.muli %arg1, %mul3A : i32
    %add3A = arith.addi %mul3A_0, %arg0 : i32
    %jit3A = arith.constant 2 : i32
    %div3A = arith.divsi %add3A, %jit3A : i32
    %sign3A = arith.constant 0 : i32
    %sign3A_1 = arith.cmpi sgt, %add3A, %sign3A : i32
    %sign3A_2 = arith.extui %sign3A_1 : i1 to i32
    %sign3A_3 = arith.constant 0 : i32
    %sign3A_4 = arith.cmpi slt, %add3A, %sign3A_3 : i32
    %sign3A_5 = arith.extui %sign3A_4 : i1 to i32
    %sign3A_6 = arith.subi %sign3A_2, %sign3A_5 : i32
    %sign3A_7 = arith.constant 0 : i32
    %sign3A_8 = arith.cmpi sgt, %jit3A, %sign3A_7 : i32
    %sign3A_9 = arith.extui %sign3A_8 : i1 to i32
    %sign3A_10 = arith.constant 0 : i32
    %sign3A_11 = arith.cmpi slt, %jit3A, %sign3A_10 : i32
    %sign3A_12 = arith.extui %sign3A_11 : i1 to i32
    %sign3A_13 = arith.subi %sign3A_9, %sign3A_12 : i32
    %ne3A = arith.cmpi ne, %sign3A_6, %sign3A_13 : i32
    %rem3A = arith.remsi %add3A, %jit3A : i32
    %ne3A_14 = arith.constant 0 : i32
    %ne3A_15 = arith.cmpi ne, %rem3A, %ne3A_14 : i32
    %and3A = arith.andi %ne3A, %ne3A_15 : i1
    %sub3A = arith.constant 1 : i32
    %sub3A_16 = arith.subi %div3A, %sub3A : i32
    %select_n3A = arith.select %and3A, %sub3A_16, %div3A : i32
    %jit3A_17 = arith.constant 2 : i32
    %eq3A = arith.constant 0 : i32
    %eq3A_18 = arith.cmpi eq, %jit3A_17, %eq3A : i32
    %jit3A_19 = arith.constant 1 : i32
    %select_n3A_20 = arith.select %eq3A_18, %jit3A_19, %jit3A_17 : i32
    %rem3A_21 = arith.remsi %add3A, %select_n3A_20 : i32
    %ne3A_22 = arith.constant 0 : i32
    %ne3A_23 = arith.cmpi ne, %rem3A_21, %ne3A_22 : i32
    %lt3A = arith.constant 0 : i32
    %lt3A_24 = arith.cmpi slt, %rem3A_21, %lt3A : i32
    %lt3A_25 = arith.constant 0 : i32
    %lt3A_26 = arith.cmpi slt, %select_n3A_20, %lt3A_25 : i32
    %ne3A_27 = arith.xori %lt3A_24, %lt3A_26 : i1
    %and3A_28 = arith.andi %ne3A_27, %ne3A_23 : i1
    %add3A_29 = arith.addi %rem3A_21, %select_n3A_20 : i32
    %select_n3A_30 = arith.select %and3A_28, %add3A_29, %rem3A_21 : i32
    %mul3A_31 = arith.constant 16 : i32
    %mul3A_32 = arith.muli %select_n3A_30, %mul3A_31 : i32
    %jit3A_33 = arith.constant 8 : i32
    %div3A_34 = arith.divsi %add3A, %jit3A_33 : i32
    %sign3A_35 = arith.constant 0 : i32
    %sign3A_36 = arith.cmpi sgt, %add3A, %sign3A_35 : i32
    %sign3A_37 = arith.extui %sign3A_36 : i1 to i32
    %sign3A_38 = arith.constant 0 : i32
    %sign3A_39 = arith.cmpi slt, %add3A, %sign3A_38 : i32
    %sign3A_40 = arith.extui %sign3A_39 : i1 to i32
    %sign3A_41 = arith.subi %sign3A_37, %sign3A_40 : i32
    %sign3A_42 = arith.constant 0 : i32
    %sign3A_43 = arith.cmpi sgt, %jit3A_33, %sign3A_42 : i32
    %sign3A_44 = arith.extui %sign3A_43 : i1 to i32
    %sign3A_45 = arith.constant 0 : i32
    %sign3A_46 = arith.cmpi slt, %jit3A_33, %sign3A_45 : i32
    %sign3A_47 = arith.extui %sign3A_46 : i1 to i32
    %sign3A_48 = arith.subi %sign3A_44, %sign3A_47 : i32
    %ne3A_49 = arith.cmpi ne, %sign3A_41, %sign3A_48 : i32
    %rem3A_50 = arith.remsi %add3A, %jit3A_33 : i32
    %ne3A_51 = arith.constant 0 : i32
    %ne3A_52 = arith.cmpi ne, %rem3A_50, %ne3A_51 : i32
    %and3A_53 = arith.andi %ne3A_49, %ne3A_52 : i1
    %sub3A_54 = arith.constant 1 : i32
    %sub3A_55 = arith.subi %div3A_34, %sub3A_54 : i32
    %select_n3A_56 = arith.select %and3A_53, %sub3A_55, %div3A_34 : i32
    %jit3A_57 = arith.constant 8 : i32
    %eq3A_58 = arith.constant 0 : i32
    %eq3A_59 = arith.cmpi eq, %jit3A_57, %eq3A_58 : i32
    %jit3A_60 = arith.constant 1 : i32
    %select_n3A_61 = arith.select %eq3A_59, %jit3A_60, %jit3A_57 : i32
    %rem3A_62 = arith.remsi %add3A, %select_n3A_61 : i32
    %ne3A_63 = arith.constant 0 : i32
    %ne3A_64 = arith.cmpi ne, %rem3A_62, %ne3A_63 : i32
    %lt3A_65 = arith.constant 0 : i32
    %lt3A_66 = arith.cmpi slt, %rem3A_62, %lt3A_65 : i32
    %lt3A_67 = arith.constant 0 : i32
    %lt3A_68 = arith.cmpi slt, %select_n3A_61, %lt3A_67 : i32
    %ne3A_69 = arith.xori %lt3A_66, %lt3A_68 : i1
    %and3A_70 = arith.andi %ne3A_69, %ne3A_64 : i1
    %add3A_71 = arith.addi %rem3A_62, %select_n3A_61 : i32
    %select_n3A_72 = arith.select %and3A_70, %add3A_71, %rem3A_62 : i32
    %mul3A_73 = arith.constant 16 : i32
    %mul3A_74 = arith.muli %select_n3A_72, %mul3A_73 : i32
    %iota3A = tpu.iota {dimensions = array<i32: 0>} : vector<16xi32>
    %broadcast_in_dim3A = arith.constant 0 : i32
    %broadcast_in_dim3A_75 = vector.broadcast %broadcast_in_dim3A : i32 to vector<16xi32>
    %broadcast_in_dim3A_76 = arith.constant 1 : i32
    %broadcast_in_dim3A_77 = vector.broadcast %broadcast_in_dim3A_76 : i32 to vector<16xi32>
    %broadcast_in_dim3A_78 = arith.constant 2 : i32
    %broadcast_in_dim3A_79 = vector.broadcast %broadcast_in_dim3A_78 : i32 to vector<16xi32>
    %broadcast_in_dim3A_80 = arith.constant 3 : i32
    %broadcast_in_dim3A_81 = vector.broadcast %broadcast_in_dim3A_80 : i32 to vector<16xi32>
    %broadcast_in_dim3A_82 = arith.constant 4 : i32
    %broadcast_in_dim3A_83 = vector.broadcast %broadcast_in_dim3A_82 : i32 to vector<16xi32>
    %broadcast_in_dim3A_84 = arith.constant 5 : i32
    %broadcast_in_dim3A_85 = vector.broadcast %broadcast_in_dim3A_84 : i32 to vector<16xi32>
    %broadcast_in_dim3A_86 = arith.constant 6 : i32
    %broadcast_in_dim3A_87 = vector.broadcast %broadcast_in_dim3A_86 : i32 to vector<16xi32>
    %broadcast_in_dim3A_88 = arith.constant 7 : i32
    %broadcast_in_dim3A_89 = vector.broadcast %broadcast_in_dim3A_88 : i32 to vector<16xi32>
    %broadcast_in_dim3A_90 = arith.constant 8 : i32
    %broadcast_in_dim3A_91 = vector.broadcast %broadcast_in_dim3A_90 : i32 to vector<16xi32>
    %broadcast_in_dim3A_92 = arith.constant 9 : i32
    %broadcast_in_dim3A_93 = vector.broadcast %broadcast_in_dim3A_92 : i32 to vector<16xi32>
    %broadcast_in_dim3A_94 = arith.constant 10 : i32
    %broadcast_in_dim3A_95 = vector.broadcast %broadcast_in_dim3A_94 : i32 to vector<16xi32>
    %broadcast_in_dim3A_96 = arith.constant 11 : i32
    %broadcast_in_dim3A_97 = vector.broadcast %broadcast_in_dim3A_96 : i32 to vector<16xi32>
    %broadcast_in_dim3A_98 = arith.constant 12 : i32
    %broadcast_in_dim3A_99 = vector.broadcast %broadcast_in_dim3A_98 : i32 to vector<16xi32>
    %broadcast_in_dim3A_100 = arith.constant 13 : i32
    %broadcast_in_dim3A_101 = vector.broadcast %broadcast_in_dim3A_100 : i32 to vector<16xi32>
    %broadcast_in_dim3A_102 = arith.constant 14 : i32
    %broadcast_in_dim3A_103 = vector.broadcast %broadcast_in_dim3A_102 : i32 to vector<16xi32>
    %broadcast_in_dim3A_104 = arith.constant 15 : i32
    %broadcast_in_dim3A_105 = vector.broadcast %broadcast_in_dim3A_104 : i32 to vector<16xi32>
    %dma_start3A = arith.constant 0 : i32
    %dma_start3A_106 = arith.constant 0 : i32
    %dma_start3A_107 = tpu.memref_slice %arg2[%select_n3A, %mul3A_32, %dma_start3A, %dma_start3A_106] : memref<16x32x64x64xf32, #tpu.memory_space<hbm>> -> memref<1x16x16x64xf32, #tpu.memory_space<hbm>>
    %dma_start3A_108 = tpu.memref_squeeze %dma_start3A_107 : memref<1x16x16x64xf32, #tpu.memory_space<hbm>> -> memref<16x16x64xf32, #tpu.memory_space<hbm>>
    %dma_start3A_109 = arith.constant 0 : i32
    %dma_start3A_110 = arith.constant 0 : i32
    %dma_start3A_111 = tpu.memref_slice %arg2[%select_n3A, %mul3A_32, %dma_start3A_109, %dma_start3A_110] : memref<16x32x64x64xf32, #tpu.memory_space<hbm>> -> memref<1x16x16x64xf32, #tpu.memory_space<hbm>>
    %dma_start3A_112 = tpu.memref_squeeze %dma_start3A_111 : memref<1x16x16x64xf32, #tpu.memory_space<hbm>> -> memref<16x16x64xf32, #tpu.memory_space<hbm>>
    tpu.enqueue_dma source(%dma_start3A_112 : memref<16x16x64xf32, #tpu.memory_space<hbm>>) target(%arg4 : memref<16x16x64xf32, #tpu.memory_space<vmem>>) target_semaphore(%arg8 : memref<!tpu.dma_semaphore, #tpu.memory_space<semaphore_mem>>)
    %dma_start3A_113 = arith.constant 16 : i32
    %dma_start3A_114 = arith.constant 0 : i32
    %dma_start3A_115 = tpu.memref_slice %arg2[%select_n3A, %mul3A_32, %dma_start3A_113, %dma_start3A_114] : memref<16x32x64x64xf32, #tpu.memory_space<hbm>> -> memref<1x16x16x64xf32, #tpu.memory_space<hbm>>
    %dma_start3A_116 = tpu.memref_squeeze %dma_start3A_115 : memref<1x16x16x64xf32, #tpu.memory_space<hbm>> -> memref<16x16x64xf32, #tpu.memory_space<hbm>>
    %dma_start3A_117 = arith.constant 16 : i32
    %dma_start3A_118 = arith.constant 0 : i32
    %dma_start3A_119 = tpu.memref_slice %arg2[%select_n3A, %mul3A_32, %dma_start3A_117, %dma_start3A_118] : memref<16x32x64x64xf32, #tpu.memory_space<hbm>> -> memref<1x16x16x64xf32, #tpu.memory_space<hbm>>
    %dma_start3A_120 = tpu.memref_squeeze %dma_start3A_119 : memref<1x16x16x64xf32, #tpu.memory_space<hbm>> -> memref<16x16x64xf32, #tpu.memory_space<hbm>>
    tpu.enqueue_dma source(%dma_start3A_120 : memref<16x16x64xf32, #tpu.memory_space<hbm>>) target(%arg5 : memref<16x16x64xf32, #tpu.memory_space<vmem>>) target_semaphore(%arg9 : memref<!tpu.dma_semaphore, #tpu.memory_space<semaphore_mem>>)
    %dma_wait3A = arith.constant 0 : i32
    %dma_wait3A_121 = arith.constant 0 : i32
    %dma_wait3A_122 = tpu.memref_slice %arg2[%select_n3A, %mul3A_32, %dma_wait3A, %dma_wait3A_121] : memref<16x32x64x64xf32, #tpu.memory_space<hbm>> -> memref<1x16x16x64xf32, #tpu.memory_space<hbm>>
    %dma_wait3A_123 = tpu.memref_squeeze %dma_wait3A_122 : memref<1x16x16x64xf32, #tpu.memory_space<hbm>> -> memref<16x16x64xf32, #tpu.memory_space<hbm>>
    %dma_wait3A_124 = arith.constant 0 : i32
    %dma_wait3A_125 = arith.constant 0 : i32
    %dma_wait3A_126 = tpu.memref_slice %arg2[%select_n3A, %mul3A_32, %dma_wait3A_124, %dma_wait3A_125] : memref<16x32x64x64xf32, #tpu.memory_space<hbm>> -> memref<1x16x16x64xf32, #tpu.memory_space<hbm>>
    %dma_wait3A_127 = tpu.memref_squeeze %dma_wait3A_126 : memref<1x16x16x64xf32, #tpu.memory_space<hbm>> -> memref<16x16x64xf32, #tpu.memory_space<hbm>>
    tpu.wait_dma2 semaphore(%arg8 : memref<!tpu.dma_semaphore, #tpu.memory_space<semaphore_mem>>) src(%dma_wait3A_127 : memref<16x16x64xf32, #tpu.memory_space<hbm>>) dst(%arg4 : memref<16x16x64xf32, #tpu.memory_space<vmem>>)
    %parallel_loop3A = arith.constant 0 : i32
    %parallel_loop3A_128 = arith.constant 64 : i32
    %parallel_loop3A_129 = arith.constant 1 : i32
    scf.for %parallel_loop3A_227 = %parallel_loop3A to %parallel_loop3A_128 step %parallel_loop3A_129  : i32 {
      %parallel_loop3A_228 = arith.constant 16 : i32
      %parallel_loop3A_229 = arith.muli %parallel_loop3A_227, %parallel_loop3A_228 : i32
      %parallel_loop3A_230 = arith.constant 6 : i32
      %parallel_loop3A_231 = arith.shrui %parallel_loop3A_229, %parallel_loop3A_230 : i32
      %parallel_loop3A_232 = arith.constant 63 : i32
      %parallel_loop3A_233 = arith.andi %parallel_loop3A_229, %parallel_loop3A_232 : i32
      %parallel_loop3A_234 = vector.broadcast %parallel_loop3A_229 : i32 to vector<16xi32>
      %parallel_loop3A_235 = arith.addi %parallel_loop3A_234, %iota3A : vector<16xi32>
      %parallel_loop3A_236 = arith.constant 0 : i32
      %parallel_loop3A_237 = arith.index_cast %parallel_loop3A_236 : i32 to index
      %parallel_loop3A_238 = arith.index_cast %parallel_loop3A_231 : i32 to index
      %parallel_loop3A_239 = arith.index_cast %parallel_loop3A_233 : i32 to index
      %parallel_loop3A_240 = tpu.vector_load %arg4[%parallel_loop3A_237, %parallel_loop3A_238, %parallel_loop3A_239] {strides = array<i32>} : memref<16x16x64xf32, #tpu.memory_space<vmem>>, vector<16xf32>,
      tpu.vector_store_idx %arg6[%parallel_loop3A_235, %broadcast_in_dim3A_75], %parallel_loop3A_240 : memref<1024x16xf32, #tpu.memory_space<vmem>>[vector<16xi32>, vector<16xi32>], vector<16xf32>,
      %parallel_loop3A_241 = arith.constant 1 : i32
      %parallel_loop3A_242 = arith.index_cast %parallel_loop3A_241 : i32 to index
      %parallel_loop3A_243 = arith.index_cast %parallel_loop3A_231 : i32 to index
      %parallel_loop3A_244 = arith.index_cast %parallel_loop3A_233 : i32 to index
      %parallel_loop3A_245 = tpu.vector_load %arg4[%parallel_loop3A_242, %parallel_loop3A_243, %parallel_loop3A_244] {strides = array<i32>} : memref<16x16x64xf32, #tpu.memory_space<vmem>>, vector<16xf32>,
      tpu.vector_store_idx %arg6[%parallel_loop3A_235, %broadcast_in_dim3A_77], %parallel_loop3A_245 : memref<1024x16xf32, #tpu.memory_space<vmem>>[vector<16xi32>, vector<16xi32>], vector<16xf32>,
      %parallel_loop3A_246 = arith.constant 2 : i32
      %parallel_loop3A_247 = arith.index_cast %parallel_loop3A_246 : i32 to index
      %parallel_loop3A_248 = arith.index_cast %parallel_loop3A_231 : i32 to index
      %parallel_loop3A_249 = arith.index_cast %parallel_loop3A_233 : i32 to index
      %parallel_loop3A_250 = tpu.vector_load %arg4[%parallel_loop3A_247, %parallel_loop3A_248, %parallel_loop3A_249] {strides = array<i32>} : memref<16x16x64xf32, #tpu.memory_space<vmem>>, vector<16xf32>,
      tpu.vector_store_idx %arg6[%parallel_loop3A_235, %broadcast_in_dim3A_79], %parallel_loop3A_250 : memref<1024x16xf32, #tpu.memory_space<vmem>>[vector<16xi32>, vector<16xi32>], vector<16xf32>,
      %parallel_loop3A_251 = arith.constant 3 : i32
      %parallel_loop3A_252 = arith.index_cast %parallel_loop3A_251 : i32 to index
      %parallel_loop3A_253 = arith.index_cast %parallel_loop3A_231 : i32 to index
      %parallel_loop3A_254 = arith.index_cast %parallel_loop3A_233 : i32 to index
      %parallel_loop3A_255 = tpu.vector_load %arg4[%parallel_loop3A_252, %parallel_loop3A_253, %parallel_loop3A_254] {strides = array<i32>} : memref<16x16x64xf32, #tpu.memory_space<vmem>>, vector<16xf32>,
      tpu.vector_store_idx %arg6[%parallel_loop3A_235, %broadcast_in_dim3A_81], %parallel_loop3A_255 : memref<1024x16xf32, #tpu.memory_space<vmem>>[vector<16xi32>, vector<16xi32>], vector<16xf32>,
      %parallel_loop3A_256 = arith.constant 4 : i32
      %parallel_loop3A_257 = arith.index_cast %parallel_loop3A_256 : i32 to index
      %parallel_loop3A_258 = arith.index_cast %parallel_loop3A_231 : i32 to index
      %parallel_loop3A_259 = arith.index_cast %parallel_loop3A_233 : i32 to index
      %parallel_loop3A_260 = tpu.vector_load %arg4[%parallel_loop3A_257, %parallel_loop3A_258, %parallel_loop3A_259] {strides = array<i32>} : memref<16x16x64xf32, #tpu.memory_space<vmem>>, vector<16xf32>,
      tpu.vector_store_idx %arg6[%parallel_loop3A_235, %broadcast_in_dim3A_83], %parallel_loop3A_260 : memref<1024x16xf32, #tpu.memory_space<vmem>>[vector<16xi32>, vector<16xi32>], vector<16xf32>,
      %parallel_loop3A_261 = arith.constant 5 : i32
      %parallel_loop3A_262 = arith.index_cast %parallel_loop3A_261 : i32 to index
      %parallel_loop3A_263 = arith.index_cast %parallel_loop3A_231 : i32 to index
      %parallel_loop3A_264 = arith.index_cast %parallel_loop3A_233 : i32 to index
      %parallel_loop3A_265 = tpu.vector_load %arg4[%parallel_loop3A_262, %parallel_loop3A_263, %parallel_loop3A_264] {strides = array<i32>} : memref<16x16x64xf32, #tpu.memory_space<vmem>>, vector<16xf32>,
      tpu.vector_store_idx %arg6[%parallel_loop3A_235, %broadcast_in_dim3A_85], %parallel_loop3A_265 : memref<1024x16xf32, #tpu.memory_space<vmem>>[vector<16xi32>, vector<16xi32>], vector<16xf32>,
      %parallel_loop3A_266 = arith.constant 6 : i32
      %parallel_loop3A_267 = arith.index_cast %parallel_loop3A_266 : i32 to index
      %parallel_loop3A_268 = arith.index_cast %parallel_loop3A_231 : i32 to index
      %parallel_loop3A_269 = arith.index_cast %parallel_loop3A_233 : i32 to index
      %parallel_loop3A_270 = tpu.vector_load %arg4[%parallel_loop3A_267, %parallel_loop3A_268, %parallel_loop3A_269] {strides = array<i32>} : memref<16x16x64xf32, #tpu.memory_space<vmem>>, vector<16xf32>,
      tpu.vector_store_idx %arg6[%parallel_loop3A_235, %broadcast_in_dim3A_87], %parallel_loop3A_270 : memref<1024x16xf32, #tpu.memory_space<vmem>>[vector<16xi32>, vector<16xi32>], vector<16xf32>,
      %parallel_loop3A_271 = arith.constant 7 : i32
      %parallel_loop3A_272 = arith.index_cast %parallel_loop3A_271 : i32 to index
      %parallel_loop3A_273 = arith.index_cast %parallel_loop3A_231 : i32 to index
      %parallel_loop3A_274 = arith.index_cast %parallel_loop3A_233 : i32 to index
      %parallel_loop3A_275 = tpu.vector_load %arg4[%parallel_loop3A_272, %parallel_loop3A_273, %parallel_loop3A_274] {strides = array<i32>} : memref<16x16x64xf32, #tpu.memory_space<vmem>>, vector<16xf32>,
      tpu.vector_store_idx %arg6[%parallel_loop3A_235, %broadcast_in_dim3A_89], %parallel_loop3A_275 : memref<1024x16xf32, #tpu.memory_space<vmem>>[vector<16xi32>, vector<16xi32>], vector<16xf32>,
      %parallel_loop3A_276 = arith.constant 8 : i32
      %parallel_loop3A_277 = arith.index_cast %parallel_loop3A_276 : i32 to index
      %parallel_loop3A_278 = arith.index_cast %parallel_loop3A_231 : i32 to index
      %parallel_loop3A_279 = arith.index_cast %parallel_loop3A_233 : i32 to index
      %parallel_loop3A_280 = tpu.vector_load %arg4[%parallel_loop3A_277, %parallel_loop3A_278, %parallel_loop3A_279] {strides = array<i32>} : memref<16x16x64xf32, #tpu.memory_space<vmem>>, vector<16xf32>,
      tpu.vector_store_idx %arg6[%parallel_loop3A_235, %broadcast_in_dim3A_91], %parallel_loop3A_280 : memref<1024x16xf32, #tpu.memory_space<vmem>>[vector<16xi32>, vector<16xi32>], vector<16xf32>,
      %parallel_loop3A_281 = arith.constant 9 : i32
      %parallel_loop3A_282 = arith.index_cast %parallel_loop3A_281 : i32 to index
      %parallel_loop3A_283 = arith.index_cast %parallel_loop3A_231 : i32 to index
      %parallel_loop3A_284 = arith.index_cast %parallel_loop3A_233 : i32 to index
      %parallel_loop3A_285 = tpu.vector_load %arg4[%parallel_loop3A_282, %parallel_loop3A_283, %parallel_loop3A_284] {strides = array<i32>} : memref<16x16x64xf32, #tpu.memory_space<vmem>>, vector<16xf32>,
      tpu.vector_store_idx %arg6[%parallel_loop3A_235, %broadcast_in_dim3A_93], %parallel_loop3A_285 : memref<1024x16xf32, #tpu.memory_space<vmem>>[vector<16xi32>, vector<16xi32>], vector<16xf32>,
      %parallel_loop3A_286 = arith.constant 10 : i32
      %parallel_loop3A_287 = arith.index_cast %parallel_loop3A_286 : i32 to index
      %parallel_loop3A_288 = arith.index_cast %parallel_loop3A_231 : i32 to index
      %parallel_loop3A_289 = arith.index_cast %parallel_loop3A_233 : i32 to index
      %parallel_loop3A_290 = tpu.vector_load %arg4[%parallel_loop3A_287, %parallel_loop3A_288, %parallel_loop3A_289] {strides = array<i32>} : memref<16x16x64xf32, #tpu.memory_space<vmem>>, vector<16xf32>,
      tpu.vector_store_idx %arg6[%parallel_loop3A_235, %broadcast_in_dim3A_95], %parallel_loop3A_290 : memref<1024x16xf32, #tpu.memory_space<vmem>>[vector<16xi32>, vector<16xi32>], vector<16xf32>,
      %parallel_loop3A_291 = arith.constant 11 : i32
      %parallel_loop3A_292 = arith.index_cast %parallel_loop3A_291 : i32 to index
      %parallel_loop3A_293 = arith.index_cast %parallel_loop3A_231 : i32 to index
      %parallel_loop3A_294 = arith.index_cast %parallel_loop3A_233 : i32 to index
      %parallel_loop3A_295 = tpu.vector_load %arg4[%parallel_loop3A_292, %parallel_loop3A_293, %parallel_loop3A_294] {strides = array<i32>} : memref<16x16x64xf32, #tpu.memory_space<vmem>>, vector<16xf32>,
      tpu.vector_store_idx %arg6[%parallel_loop3A_235, %broadcast_in_dim3A_97], %parallel_loop3A_295 : memref<1024x16xf32, #tpu.memory_space<vmem>>[vector<16xi32>, vector<16xi32>], vector<16xf32>,
      %parallel_loop3A_296 = arith.constant 12 : i32
      %parallel_loop3A_297 = arith.index_cast %parallel_loop3A_296 : i32 to index
      %parallel_loop3A_298 = arith.index_cast %parallel_loop3A_231 : i32 to index
      %parallel_loop3A_299 = arith.index_cast %parallel_loop3A_233 : i32 to index
      %parallel_loop3A_300 = tpu.vector_load %arg4[%parallel_loop3A_297, %parallel_loop3A_298, %parallel_loop3A_299] {strides = array<i32>} : memref<16x16x64xf32, #tpu.memory_space<vmem>>, vector<16xf32>,
      tpu.vector_store_idx %arg6[%parallel_loop3A_235, %broadcast_in_dim3A_99], %parallel_loop3A_300 : memref<1024x16xf32, #tpu.memory_space<vmem>>[vector<16xi32>, vector<16xi32>], vector<16xf32>,
      %parallel_loop3A_301 = arith.constant 13 : i32
      %parallel_loop3A_302 = arith.index_cast %parallel_loop3A_301 : i32 to index
      %parallel_loop3A_303 = arith.index_cast %parallel_loop3A_231 : i32 to index
      %parallel_loop3A_304 = arith.index_cast %parallel_loop3A_233 : i32 to index
      %parallel_loop3A_305 = tpu.vector_load %arg4[%parallel_loop3A_302, %parallel_loop3A_303, %parallel_loop3A_304] {strides = array<i32>} : memref<16x16x64xf32, #tpu.memory_space<vmem>>, vector<16xf32>,
      tpu.vector_store_idx %arg6[%parallel_loop3A_235, %broadcast_in_dim3A_101], %parallel_loop3A_305 : memref<1024x16xf32, #tpu.memory_space<vmem>>[vector<16xi32>, vector<16xi32>], vector<16xf32>,
      %parallel_loop3A_306 = arith.constant 14 : i32
      %parallel_loop3A_307 = arith.index_cast %parallel_loop3A_306 : i32 to index
      %parallel_loop3A_308 = arith.index_cast %parallel_loop3A_231 : i32 to index
      %parallel_loop3A_309 = arith.index_cast %parallel_loop3A_233 : i32 to index
      %parallel_loop3A_310 = tpu.vector_load %arg4[%parallel_loop3A_307, %parallel_loop3A_308, %parallel_loop3A_309] {strides = array<i32>} : memref<16x16x64xf32, #tpu.memory_space<vmem>>, vector<16xf32>,
      tpu.vector_store_idx %arg6[%parallel_loop3A_235, %broadcast_in_dim3A_103], %parallel_loop3A_310 : memref<1024x16xf32, #tpu.memory_space<vmem>>[vector<16xi32>, vector<16xi32>], vector<16xf32>,
      %parallel_loop3A_311 = arith.constant 15 : i32
      %parallel_loop3A_312 = arith.index_cast %parallel_loop3A_311 : i32 to index
      %parallel_loop3A_313 = arith.index_cast %parallel_loop3A_231 : i32 to index
      %parallel_loop3A_314 = arith.index_cast %parallel_loop3A_233 : i32 to index
      %parallel_loop3A_315 = tpu.vector_load %arg4[%parallel_loop3A_312, %parallel_loop3A_313, %parallel_loop3A_314] {strides = array<i32>} : memref<16x16x64xf32, #tpu.memory_space<vmem>>, vector<16xf32>,
      tpu.vector_store_idx %arg6[%parallel_loop3A_235, %broadcast_in_dim3A_105], %parallel_loop3A_315 : memref<1024x16xf32, #tpu.memory_space<vmem>>[vector<16xi32>, vector<16xi32>], vector<16xf32>,
    } {sc.loop_unroll_factor = 4 : i64, sc.parallel_access}
    %dma_start3A_130 = arith.constant 0 : i32
    %dma_start3A_131 = tpu.memref_slice %arg3[%dma_start3A_130, %select_n3A_56, %mul3A_74] : memref<4096x4x128xf32, #tpu.memory_space<hbm>> -> memref<1024x1x16xf32, #tpu.memory_space<hbm>>
    %dma_start3A_132 = tpu.memref_squeeze %dma_start3A_131 : memref<1024x1x16xf32, #tpu.memory_space<hbm>> -> memref<1024x16xf32, #tpu.memory_space<hbm>>
    %dma_start3A_133 = arith.constant 0 : i32
    %dma_start3A_134 = tpu.memref_slice %arg3[%dma_start3A_133, %select_n3A_56, %mul3A_74] : memref<4096x4x128xf32, #tpu.memory_space<hbm>> -> memref<1024x1x16xf32, #tpu.memory_space<hbm>>
    %dma_start3A_135 = tpu.memref_squeeze %dma_start3A_134 : memref<1024x1x16xf32, #tpu.memory_space<hbm>> -> memref<1024x16xf32, #tpu.memory_space<hbm>>
    tpu.enqueue_dma source(%arg6 : memref<1024x16xf32, #tpu.memory_space<vmem>>) target(%dma_start3A_135 : memref<1024x16xf32, #tpu.memory_space<hbm>>) target_semaphore(%arg10 : memref<!tpu.dma_semaphore, #tpu.memory_space<semaphore_mem>>)
    %dma_wait3A_136 = arith.constant 0 : i32
    %dma_wait3A_137 = tpu.memref_slice %arg3[%dma_wait3A_136, %select_n3A_56, %mul3A_74] : memref<4096x4x128xf32, #tpu.memory_space<hbm>> -> memref<1024x1x16xf32, #tpu.memory_space<hbm>>
    %dma_wait3A_138 = tpu.memref_squeeze %dma_wait3A_137 : memref<1024x1x16xf32, #tpu.memory_space<hbm>> -> memref<1024x16xf32, #tpu.memory_space<hbm>>
    %dma_wait3A_139 = arith.constant 0 : i32
    %dma_wait3A_140 = tpu.memref_slice %arg3[%dma_wait3A_139, %select_n3A_56, %mul3A_74] : memref<4096x4x128xf32, #tpu.memory_space<hbm>> -> memref<1024x1x16xf32, #tpu.memory_space<hbm>>
    %dma_wait3A_141 = tpu.memref_squeeze %dma_wait3A_140 : memref<1024x1x16xf32, #tpu.memory_space<hbm>> -> memref<1024x16xf32, #tpu.memory_space<hbm>>
    tpu.wait_dma2 semaphore(%arg10 : memref<!tpu.dma_semaphore, #tpu.memory_space<semaphore_mem>>) src(%arg6 : memref<1024x16xf32, #tpu.memory_space<vmem>>) dst(%dma_wait3A_141 : memref<1024x16xf32, #tpu.memory_space<hbm>>)
    %dma_start3A_142 = arith.constant 32 : i32
    %dma_start3A_143 = arith.constant 0 : i32
    %dma_start3A_144 = tpu.memref_slice %arg2[%select_n3A, %mul3A_32, %dma_start3A_142, %dma_start3A_143] : memref<16x32x64x64xf32, #tpu.memory_space<hbm>> -> memref<1x16x16x64xf32, #tpu.memory_space<hbm>>
    %dma_start3A_145 = tpu.memref_squeeze %dma_start3A_144 : memref<1x16x16x64xf32, #tpu.memory_space<hbm>> -> memref<16x16x64xf32, #tpu.memory_space<hbm>>
    %dma_start3A_146 = arith.constant 32 : i32
    %dma_start3A_147 = arith.constant 0 : i32
    %dma_start3A_148 = tpu.memref_slice %arg2[%select_n3A, %mul3A_32, %dma_start3A_146, %dma_start3A_147] : memref<16x32x64x64xf32, #tpu.memory_space<hbm>> -> memref<1x16x16x64xf32, #tpu.memory_space<hbm>>
    %dma_start3A_149 = tpu.memref_squeeze %dma_start3A_148 : memref<1x16x16x64xf32, #tpu.memory_space<hbm>> -> memref<16x16x64xf32, #tpu.memory_space<hbm>>
    tpu.enqueue_dma source(%dma_start3A_149 : memref<16x16x64xf32, #tpu.memory_space<hbm>>) target(%arg4 : memref<16x16x64xf32, #tpu.memory_space<vmem>>) target_semaphore(%arg8 : memref<!tpu.dma_semaphore, #tpu.memory_space<semaphore_mem>>)
    %dma_wait3A_150 = arith.constant 16 : i32
    %dma_wait3A_151 = arith.constant 0 : i32
    %dma_wait3A_152 = tpu.memref_slice %arg2[%select_n3A, %mul3A_32, %dma_wait3A_150, %dma_wait3A_151] : memref<16x32x64x64xf32, #tpu.memory_space<hbm>> -> memref<1x16x16x64xf32, #tpu.memory_space<hbm>>
    %dma_wait3A_153 = tpu.memref_squeeze %dma_wait3A_152 : memref<1x16x16x64xf32, #tpu.memory_space<hbm>> -> memref<16x16x64xf32, #tpu.memory_space<hbm>>
    %dma_wait3A_154 = arith.constant 16 : i32
    %dma_wait3A_155 = arith.constant 0 : i32
    %dma_wait3A_156 = tpu.memref_slice %arg2[%select_n3A, %mul3A_32, %dma_wait3A_154, %dma_wait3A_155] : memref<16x32x64x64xf32, #tpu.memory_space<hbm>> -> memref<1x16x16x64xf32, #tpu.memory_space<hbm>>
    %dma_wait3A_157 = tpu.memref_squeeze %dma_wait3A_156 : memref<1x16x16x64xf32, #tpu.memory_space<hbm>> -> memref<16x16x64xf32, #tpu.memory_space<hbm>>
    tpu.wait_dma2 semaphore(%arg9 : memref<!tpu.dma_semaphore, #tpu.memory_space<semaphore_mem>>) src(%dma_wait3A_157 : memref<16x16x64xf32, #tpu.memory_space<hbm>>) dst(%arg5 : memref<16x16x64xf32, #tpu.memory_space<vmem>>)
    %parallel_loop3A_158 = arith.constant 0 : i32
    %parallel_loop3A_159 = arith.constant 64 : i32
    %parallel_loop3A_160 = arith.constant 1 : i32
    scf.for %parallel_loop3A_227 = %parallel_loop3A_158 to %parallel_loop3A_159 step %parallel_loop3A_160  : i32 {
      %parallel_loop3A_228 = arith.constant 16 : i32
      %parallel_loop3A_229 = arith.muli %parallel_loop3A_227, %parallel_loop3A_228 : i32
      %parallel_loop3A_230 = arith.constant 6 : i32
      %parallel_loop3A_231 = arith.shrui %parallel_loop3A_229, %parallel_loop3A_230 : i32
      %parallel_loop3A_232 = arith.constant 63 : i32
      %parallel_loop3A_233 = arith.andi %parallel_loop3A_229, %parallel_loop3A_232 : i32
      %parallel_loop3A_234 = vector.broadcast %parallel_loop3A_229 : i32 to vector<16xi32>
      %parallel_loop3A_235 = arith.addi %parallel_loop3A_234, %iota3A : vector<16xi32>
      %parallel_loop3A_236 = arith.constant 0 : i32
      %parallel_loop3A_237 = arith.index_cast %parallel_loop3A_236 : i32 to index
      %parallel_loop3A_238 = arith.index_cast %parallel_loop3A_231 : i32 to index
      %parallel_loop3A_239 = arith.index_cast %parallel_loop3A_233 : i32 to index
      %parallel_loop3A_240 = tpu.vector_load %arg5[%parallel_loop3A_237, %parallel_loop3A_238, %parallel_loop3A_239] {strides = array<i32>} : memref<16x16x64xf32, #tpu.memory_space<vmem>>, vector<16xf32>,
      tpu.vector_store_idx %arg7[%parallel_loop3A_235, %broadcast_in_dim3A_75], %parallel_loop3A_240 : memref<1024x16xf32, #tpu.memory_space<vmem>>[vector<16xi32>, vector<16xi32>], vector<16xf32>,
      %parallel_loop3A_241 = arith.constant 1 : i32
      %parallel_loop3A_242 = arith.index_cast %parallel_loop3A_241 : i32 to index
      %parallel_loop3A_243 = arith.index_cast %parallel_loop3A_231 : i32 to index
      %parallel_loop3A_244 = arith.index_cast %parallel_loop3A_233 : i32 to index
      %parallel_loop3A_245 = tpu.vector_load %arg5[%parallel_loop3A_242, %parallel_loop3A_243, %parallel_loop3A_244] {strides = array<i32>} : memref<16x16x64xf32, #tpu.memory_space<vmem>>, vector<16xf32>,
      tpu.vector_store_idx %arg7[%parallel_loop3A_235, %broadcast_in_dim3A_77], %parallel_loop3A_245 : memref<1024x16xf32, #tpu.memory_space<vmem>>[vector<16xi32>, vector<16xi32>], vector<16xf32>,
      %parallel_loop3A_246 = arith.constant 2 : i32
      %parallel_loop3A_247 = arith.index_cast %parallel_loop3A_246 : i32 to index
      %parallel_loop3A_248 = arith.index_cast %parallel_loop3A_231 : i32 to index
      %parallel_loop3A_249 = arith.index_cast %parallel_loop3A_233 : i32 to index
      %parallel_loop3A_250 = tpu.vector_load %arg5[%parallel_loop3A_247, %parallel_loop3A_248, %parallel_loop3A_249] {strides = array<i32>} : memref<16x16x64xf32, #tpu.memory_space<vmem>>, vector<16xf32>,
      tpu.vector_store_idx %arg7[%parallel_loop3A_235, %broadcast_in_dim3A_79], %parallel_loop3A_250 : memref<1024x16xf32, #tpu.memory_space<vmem>>[vector<16xi32>, vector<16xi32>], vector<16xf32>,
      %parallel_loop3A_251 = arith.constant 3 : i32
      %parallel_loop3A_252 = arith.index_cast %parallel_loop3A_251 : i32 to index
      %parallel_loop3A_253 = arith.index_cast %parallel_loop3A_231 : i32 to index
      %parallel_loop3A_254 = arith.index_cast %parallel_loop3A_233 : i32 to index
      %parallel_loop3A_255 = tpu.vector_load %arg5[%parallel_loop3A_252, %parallel_loop3A_253, %parallel_loop3A_254] {strides = array<i32>} : memref<16x16x64xf32, #tpu.memory_space<vmem>>, vector<16xf32>,
      tpu.vector_store_idx %arg7[%parallel_loop3A_235, %broadcast_in_dim3A_81], %parallel_loop3A_255 : memref<1024x16xf32, #tpu.memory_space<vmem>>[vector<16xi32>, vector<16xi32>], vector<16xf32>,
      %parallel_loop3A_256 = arith.constant 4 : i32
      %parallel_loop3A_257 = arith.index_cast %parallel_loop3A_256 : i32 to index
      %parallel_loop3A_258 = arith.index_cast %parallel_loop3A_231 : i32 to index
      %parallel_loop3A_259 = arith.index_cast %parallel_loop3A_233 : i32 to index
      %parallel_loop3A_260 = tpu.vector_load %arg5[%parallel_loop3A_257, %parallel_loop3A_258, %parallel_loop3A_259] {strides = array<i32>} : memref<16x16x64xf32, #tpu.memory_space<vmem>>, vector<16xf32>,
      tpu.vector_store_idx %arg7[%parallel_loop3A_235, %broadcast_in_dim3A_83], %parallel_loop3A_260 : memref<1024x16xf32, #tpu.memory_space<vmem>>[vector<16xi32>, vector<16xi32>], vector<16xf32>,
      %parallel_loop3A_261 = arith.constant 5 : i32
      %parallel_loop3A_262 = arith.index_cast %parallel_loop3A_261 : i32 to index
      %parallel_loop3A_263 = arith.index_cast %parallel_loop3A_231 : i32 to index
      %parallel_loop3A_264 = arith.index_cast %parallel_loop3A_233 : i32 to index
      %parallel_loop3A_265 = tpu.vector_load %arg5[%parallel_loop3A_262, %parallel_loop3A_263, %parallel_loop3A_264] {strides = array<i32>} : memref<16x16x64xf32, #tpu.memory_space<vmem>>, vector<16xf32>,
      tpu.vector_store_idx %arg7[%parallel_loop3A_235, %broadcast_in_dim3A_85], %parallel_loop3A_265 : memref<1024x16xf32, #tpu.memory_space<vmem>>[vector<16xi32>, vector<16xi32>], vector<16xf32>,
      %parallel_loop3A_266 = arith.constant 6 : i32
      %parallel_loop3A_267 = arith.index_cast %parallel_loop3A_266 : i32 to index
      %parallel_loop3A_268 = arith.index_cast %parallel_loop3A_231 : i32 to index
      %parallel_loop3A_269 = arith.index_cast %parallel_loop3A_233 : i32 to index
      %parallel_loop3A_270 = tpu.vector_load %arg5[%parallel_loop3A_267, %parallel_loop3A_268, %parallel_loop3A_269] {strides = array<i32>} : memref<16x16x64xf32, #tpu.memory_space<vmem>>, vector<16xf32>,
      tpu.vector_store_idx %arg7[%parallel_loop3A_235, %broadcast_in_dim3A_87], %parallel_loop3A_270 : memref<1024x16xf32, #tpu.memory_space<vmem>>[vector<16xi32>, vector<16xi32>], vector<16xf32>,
      %parallel_loop3A_271 = arith.constant 7 : i32
      %parallel_loop3A_272 = arith.index_cast %parallel_loop3A_271 : i32 to index
      %parallel_loop3A_273 = arith.index_cast %parallel_loop3A_231 : i32 to index
      %parallel_loop3A_274 = arith.index_cast %parallel_loop3A_233 : i32 to index
      %parallel_loop3A_275 = tpu.vector_load %arg5[%parallel_loop3A_272, %parallel_loop3A_273, %parallel_loop3A_274] {strides = array<i32>} : memref<16x16x64xf32, #tpu.memory_space<vmem>>, vector<16xf32>,
      tpu.vector_store_idx %arg7[%parallel_loop3A_235, %broadcast_in_dim3A_89], %parallel_loop3A_275 : memref<1024x16xf32, #tpu.memory_space<vmem>>[vector<16xi32>, vector<16xi32>], vector<16xf32>,
      %parallel_loop3A_276 = arith.constant 8 : i32
      %parallel_loop3A_277 = arith.index_cast %parallel_loop3A_276 : i32 to index
      %parallel_loop3A_278 = arith.index_cast %parallel_loop3A_231 : i32 to index
      %parallel_loop3A_279 = arith.index_cast %parallel_loop3A_233 : i32 to index
      %parallel_loop3A_280 = tpu.vector_load %arg5[%parallel_loop3A_277, %parallel_loop3A_278, %parallel_loop3A_279] {strides = array<i32>} : memref<16x16x64xf32, #tpu.memory_space<vmem>>, vector<16xf32>,
      tpu.vector_store_idx %arg7[%parallel_loop3A_235, %broadcast_in_dim3A_91], %parallel_loop3A_280 : memref<1024x16xf32, #tpu.memory_space<vmem>>[vector<16xi32>, vector<16xi32>], vector<16xf32>,
      %parallel_loop3A_281 = arith.constant 9 : i32
      %parallel_loop3A_282 = arith.index_cast %parallel_loop3A_281 : i32 to index
      %parallel_loop3A_283 = arith.index_cast %parallel_loop3A_231 : i32 to index
      %parallel_loop3A_284 = arith.index_cast %parallel_loop3A_233 : i32 to index
      %parallel_loop3A_285 = tpu.vector_load %arg5[%parallel_loop3A_282, %parallel_loop3A_283, %parallel_loop3A_284] {strides = array<i32>} : memref<16x16x64xf32, #tpu.memory_space<vmem>>, vector<16xf32>,
      tpu.vector_store_idx %arg7[%parallel_loop3A_235, %broadcast_in_dim3A_93], %parallel_loop3A_285 : memref<1024x16xf32, #tpu.memory_space<vmem>>[vector<16xi32>, vector<16xi32>], vector<16xf32>,
      %parallel_loop3A_286 = arith.constant 10 : i32
      %parallel_loop3A_287 = arith.index_cast %parallel_loop3A_286 : i32 to index
      %parallel_loop3A_288 = arith.index_cast %parallel_loop3A_231 : i32 to index
      %parallel_loop3A_289 = arith.index_cast %parallel_loop3A_233 : i32 to index
      %parallel_loop3A_290 = tpu.vector_load %arg5[%parallel_loop3A_287, %parallel_loop3A_288, %parallel_loop3A_289] {strides = array<i32>} : memref<16x16x64xf32, #tpu.memory_space<vmem>>, vector<16xf32>,
      tpu.vector_store_idx %arg7[%parallel_loop3A_235, %broadcast_in_dim3A_95], %parallel_loop3A_290 : memref<1024x16xf32, #tpu.memory_space<vmem>>[vector<16xi32>, vector<16xi32>], vector<16xf32>,
      %parallel_loop3A_291 = arith.constant 11 : i32
      %parallel_loop3A_292 = arith.index_cast %parallel_loop3A_291 : i32 to index
      %parallel_loop3A_293 = arith.index_cast %parallel_loop3A_231 : i32 to index
      %parallel_loop3A_294 = arith.index_cast %parallel_loop3A_233 : i32 to index
      %parallel_loop3A_295 = tpu.vector_load %arg5[%parallel_loop3A_292, %parallel_loop3A_293, %parallel_loop3A_294] {strides = array<i32>} : memref<16x16x64xf32, #tpu.memory_space<vmem>>, vector<16xf32>,
      tpu.vector_store_idx %arg7[%parallel_loop3A_235, %broadcast_in_dim3A_97], %parallel_loop3A_295 : memref<1024x16xf32, #tpu.memory_space<vmem>>[vector<16xi32>, vector<16xi32>], vector<16xf32>,
      %parallel_loop3A_296 = arith.constant 12 : i32
      %parallel_loop3A_297 = arith.index_cast %parallel_loop3A_296 : i32 to index
      %parallel_loop3A_298 = arith.index_cast %parallel_loop3A_231 : i32 to index
      %parallel_loop3A_299 = arith.index_cast %parallel_loop3A_233 : i32 to index
      %parallel_loop3A_300 = tpu.vector_load %arg5[%parallel_loop3A_297, %parallel_loop3A_298, %parallel_loop3A_299] {strides = array<i32>} : memref<16x16x64xf32, #tpu.memory_space<vmem>>, vector<16xf32>,
      tpu.vector_store_idx %arg7[%parallel_loop3A_235, %broadcast_in_dim3A_99], %parallel_loop3A_300 : memref<1024x16xf32, #tpu.memory_space<vmem>>[vector<16xi32>, vector<16xi32>], vector<16xf32>,
      %parallel_loop3A_301 = arith.constant 13 : i32
      %parallel_loop3A_302 = arith.index_cast %parallel_loop3A_301 : i32 to index
      %parallel_loop3A_303 = arith.index_cast %parallel_loop3A_231 : i32 to index
      %parallel_loop3A_304 = arith.index_cast %parallel_loop3A_233 : i32 to index
      %parallel_loop3A_305 = tpu.vector_load %arg5[%parallel_loop3A_302, %parallel_loop3A_303, %parallel_loop3A_304] {strides = array<i32>} : memref<16x16x64xf32, #tpu.memory_space<vmem>>, vector<16xf32>,
      tpu.vector_store_idx %arg7[%parallel_loop3A_235, %broadcast_in_dim3A_101], %parallel_loop3A_305 : memref<1024x16xf32, #tpu.memory_space<vmem>>[vector<16xi32>, vector<16xi32>], vector<16xf32>,
      %parallel_loop3A_306 = arith.constant 14 : i32
      %parallel_loop3A_307 = arith.index_cast %parallel_loop3A_306 : i32 to index
      %parallel_loop3A_308 = arith.index_cast %parallel_loop3A_231 : i32 to index
      %parallel_loop3A_309 = arith.index_cast %parallel_loop3A_233 : i32 to index
      %parallel_loop3A_310 = tpu.vector_load %arg5[%parallel_loop3A_307, %parallel_loop3A_308, %parallel_loop3A_309] {strides = array<i32>} : memref<16x16x64xf32, #tpu.memory_space<vmem>>, vector<16xf32>,
      tpu.vector_store_idx %arg7[%parallel_loop3A_235, %broadcast_in_dim3A_103], %parallel_loop3A_310 : memref<1024x16xf32, #tpu.memory_space<vmem>>[vector<16xi32>, vector<16xi32>], vector<16xf32>,
      %parallel_loop3A_311 = arith.constant 15 : i32
      %parallel_loop3A_312 = arith.index_cast %parallel_loop3A_311 : i32 to index
      %parallel_loop3A_313 = arith.index_cast %parallel_loop3A_231 : i32 to index
      %parallel_loop3A_314 = arith.index_cast %parallel_loop3A_233 : i32 to index
      %parallel_loop3A_315 = tpu.vector_load %arg5[%parallel_loop3A_312, %parallel_loop3A_313, %parallel_loop3A_314] {strides = array<i32>} : memref<16x16x64xf32, #tpu.memory_space<vmem>>, vector<16xf32>,
      tpu.vector_store_idx %arg7[%parallel_loop3A_235, %broadcast_in_dim3A_105], %parallel_loop3A_315 : memref<1024x16xf32, #tpu.memory_space<vmem>>[vector<16xi32>, vector<16xi32>], vector<16xf32>,
    } {sc.loop_unroll_factor = 4 : i64, sc.parallel_access}
    %dma_start3A_161 = arith.constant 1024 : i32
    %dma_start3A_162 = tpu.memref_slice %arg3[%dma_start3A_161, %select_n3A_56, %mul3A_74] : memref<4096x4x128xf32, #tpu.memory_space<hbm>> -> memref<1024x1x16xf32, #tpu.memory_space<hbm>>
    %dma_start3A_163 = tpu.memref_squeeze %dma_start3A_162 : memref<1024x1x16xf32, #tpu.memory_space<hbm>> -> memref<1024x16xf32, #tpu.memory_space<hbm>>
    %dma_start3A_164 = arith.constant 1024 : i32
    %dma_start3A_165 = tpu.memref_slice %arg3[%dma_start3A_164, %select_n3A_56, %mul3A_74] : memref<4096x4x128xf32, #tpu.memory_space<hbm>> -> memref<1024x1x16xf32, #tpu.memory_space<hbm>>
    %dma_start3A_166 = tpu.memref_squeeze %dma_start3A_165 : memref<1024x1x16xf32, #tpu.memory_space<hbm>> -> memref<1024x16xf32, #tpu.memory_space<hbm>>
    tpu.enqueue_dma source(%arg7 : memref<1024x16xf32, #tpu.memory_space<vmem>>) target(%dma_start3A_166 : memref<1024x16xf32, #tpu.memory_space<hbm>>) target_semaphore(%arg11 : memref<!tpu.dma_semaphore, #tpu.memory_space<semaphore_mem>>)
    %dma_wait3A_167 = arith.constant 1024 : i32
    %dma_wait3A_168 = tpu.memref_slice %arg3[%dma_wait3A_167, %select_n3A_56, %mul3A_74] : memref<4096x4x128xf32, #tpu.memory_space<hbm>> -> memref<1024x1x16xf32, #tpu.memory_space<hbm>>
    %dma_wait3A_169 = tpu.memref_squeeze %dma_wait3A_168 : memref<1024x1x16xf32, #tpu.memory_space<hbm>> -> memref<1024x16xf32, #tpu.memory_space<hbm>>
    %dma_wait3A_170 = arith.constant 1024 : i32
    %dma_wait3A_171 = tpu.memref_slice %arg3[%dma_wait3A_170, %select_n3A_56, %mul3A_74] : memref<4096x4x128xf32, #tpu.memory_space<hbm>> -> memref<1024x1x16xf32, #tpu.memory_space<hbm>>
    %dma_wait3A_172 = tpu.memref_squeeze %dma_wait3A_171 : memref<1024x1x16xf32, #tpu.memory_space<hbm>> -> memref<1024x16xf32, #tpu.memory_space<hbm>>
    tpu.wait_dma2 semaphore(%arg11 : memref<!tpu.dma_semaphore, #tpu.memory_space<semaphore_mem>>) src(%arg7 : memref<1024x16xf32, #tpu.memory_space<vmem>>) dst(%dma_wait3A_172 : memref<1024x16xf32, #tpu.memory_space<hbm>>)
    %dma_start3A_173 = arith.constant 48 : i32
    %dma_start3A_174 = arith.constant 0 : i32
    %dma_start3A_175 = tpu.memref_slice %arg2[%select_n3A, %mul3A_32, %dma_start3A_173, %dma_start3A_174] : memref<16x32x64x64xf32, #tpu.memory_space<hbm>> -> memref<1x16x16x64xf32, #tpu.memory_space<hbm>>
    %dma_start3A_176 = tpu.memref_squeeze %dma_start3A_175 : memref<1x16x16x64xf32, #tpu.memory_space<hbm>> -> memref<16x16x64xf32, #tpu.memory_space<hbm>>
    %dma_start3A_177 = arith.constant 48 : i32
    %dma_start3A_178 = arith.constant 0 : i32
    %dma_start3A_179 = tpu.memref_slice %arg2[%select_n3A, %mul3A_32, %dma_start3A_177, %dma_start3A_178] : memref<16x32x64x64xf32, #tpu.memory_space<hbm>> -> memref<1x16x16x64xf32, #tpu.memory_space<hbm>>
    %dma_start3A_180 = tpu.memref_squeeze %dma_start3A_179 : memref<1x16x16x64xf32, #tpu.memory_space<hbm>> -> memref<16x16x64xf32, #tpu.memory_space<hbm>>
    tpu.enqueue_dma source(%dma_start3A_180 : memref<16x16x64xf32, #tpu.memory_space<hbm>>) target(%arg5 : memref<16x16x64xf32, #tpu.memory_space<vmem>>) target_semaphore(%arg9 : memref<!tpu.dma_semaphore, #tpu.memory_space<semaphore_mem>>)
    %dma_wait3A_181 = arith.constant 32 : i32
    %dma_wait3A_182 = arith.constant 0 : i32
    %dma_wait3A_183 = tpu.memref_slice %arg2[%select_n3A, %mul3A_32, %dma_wait3A_181, %dma_wait3A_182] : memref<16x32x64x64xf32, #tpu.memory_space<hbm>> -> memref<1x16x16x64xf32, #tpu.memory_space<hbm>>
    %dma_wait3A_184 = tpu.memref_squeeze %dma_wait3A_183 : memref<1x16x16x64xf32, #tpu.memory_space<hbm>> -> memref<16x16x64xf32, #tpu.memory_space<hbm>>
    %dma_wait3A_185 = arith.constant 32 : i32
    %dma_wait3A_186 = arith.constant 0 : i32
    %dma_wait3A_187 = tpu.memref_slice %arg2[%select_n3A, %mul3A_32, %dma_wait3A_185, %dma_wait3A_186] : memref<16x32x64x64xf32, #tpu.memory_space<hbm>> -> memref<1x16x16x64xf32, #tpu.memory_space<hbm>>
    %dma_wait3A_188 = tpu.memref_squeeze %dma_wait3A_187 : memref<1x16x16x64xf32, #tpu.memory_space<hbm>> -> memref<16x16x64xf32, #tpu.memory_space<hbm>>
    tpu.wait_dma2 semaphore(%arg8 : memref<!tpu.dma_semaphore, #tpu.memory_space<semaphore_mem>>) src(%dma_wait3A_188 : memref<16x16x64xf32, #tpu.memory_space<hbm>>) dst(%arg4 : memref<16x16x64xf32, #tpu.memory_space<vmem>>)
    %parallel_loop3A_189 = arith.constant 0 : i32
    %parallel_loop3A_190 = arith.constant 64 : i32
    %parallel_loop3A_191 = arith.constant 1 : i32
    scf.for %parallel_loop3A_227 = %parallel_loop3A_189 to %parallel_loop3A_190 step %parallel_loop3A_191  : i32 {
      %parallel_loop3A_228 = arith.constant 16 : i32
      %parallel_loop3A_229 = arith.muli %parallel_loop3A_227, %parallel_loop3A_228 : i32
      %parallel_loop3A_230 = arith.constant 6 : i32
      %parallel_loop3A_231 = arith.shrui %parallel_loop3A_229, %parallel_loop3A_230 : i32
      %parallel_loop3A_232 = arith.constant 63 : i32
      %parallel_loop3A_233 = arith.andi %parallel_loop3A_229, %parallel_loop3A_232 : i32
      %parallel_loop3A_234 = vector.broadcast %parallel_loop3A_229 : i32 to vector<16xi32>
      %parallel_loop3A_235 = arith.addi %parallel_loop3A_234, %iota3A : vector<16xi32>
      %parallel_loop3A_236 = arith.constant 0 : i32
      %parallel_loop3A_237 = arith.index_cast %parallel_loop3A_236 : i32 to index
      %parallel_loop3A_238 = arith.index_cast %parallel_loop3A_231 : i32 to index
      %parallel_loop3A_239 = arith.index_cast %parallel_loop3A_233 : i32 to index
      %parallel_loop3A_240 = tpu.vector_load %arg4[%parallel_loop3A_237, %parallel_loop3A_238, %parallel_loop3A_239] {strides = array<i32>} : memref<16x16x64xf32, #tpu.memory_space<vmem>>, vector<16xf32>,
      tpu.vector_store_idx %arg6[%parallel_loop3A_235, %broadcast_in_dim3A_75], %parallel_loop3A_240 : memref<1024x16xf32, #tpu.memory_space<vmem>>[vector<16xi32>, vector<16xi32>], vector<16xf32>,
      %parallel_loop3A_241 = arith.constant 1 : i32
      %parallel_loop3A_242 = arith.index_cast %parallel_loop3A_241 : i32 to index
      %parallel_loop3A_243 = arith.index_cast %parallel_loop3A_231 : i32 to index
      %parallel_loop3A_244 = arith.index_cast %parallel_loop3A_233 : i32 to index
      %parallel_loop3A_245 = tpu.vector_load %arg4[%parallel_loop3A_242, %parallel_loop3A_243, %parallel_loop3A_244] {strides = array<i32>} : memref<16x16x64xf32, #tpu.memory_space<vmem>>, vector<16xf32>,
      tpu.vector_store_idx %arg6[%parallel_loop3A_235, %broadcast_in_dim3A_77], %parallel_loop3A_245 : memref<1024x16xf32, #tpu.memory_space<vmem>>[vector<16xi32>, vector<16xi32>], vector<16xf32>,
      %parallel_loop3A_246 = arith.constant 2 : i32
      %parallel_loop3A_247 = arith.index_cast %parallel_loop3A_246 : i32 to index
      %parallel_loop3A_248 = arith.index_cast %parallel_loop3A_231 : i32 to index
      %parallel_loop3A_249 = arith.index_cast %parallel_loop3A_233 : i32 to index
      %parallel_loop3A_250 = tpu.vector_load %arg4[%parallel_loop3A_247, %parallel_loop3A_248, %parallel_loop3A_249] {strides = array<i32>} : memref<16x16x64xf32, #tpu.memory_space<vmem>>, vector<16xf32>,
      tpu.vector_store_idx %arg6[%parallel_loop3A_235, %broadcast_in_dim3A_79], %parallel_loop3A_250 : memref<1024x16xf32, #tpu.memory_space<vmem>>[vector<16xi32>, vector<16xi32>], vector<16xf32>,
      %parallel_loop3A_251 = arith.constant 3 : i32
      %parallel_loop3A_252 = arith.index_cast %parallel_loop3A_251 : i32 to index
      %parallel_loop3A_253 = arith.index_cast %parallel_loop3A_231 : i32 to index
      %parallel_loop3A_254 = arith.index_cast %parallel_loop3A_233 : i32 to index
      %parallel_loop3A_255 = tpu.vector_load %arg4[%parallel_loop3A_252, %parallel_loop3A_253, %parallel_loop3A_254] {strides = array<i32>} : memref<16x16x64xf32, #tpu.memory_space<vmem>>, vector<16xf32>,
      tpu.vector_store_idx %arg6[%parallel_loop3A_235, %broadcast_in_dim3A_81], %parallel_loop3A_255 : memref<1024x16xf32, #tpu.memory_space<vmem>>[vector<16xi32>, vector<16xi32>], vector<16xf32>,
      %parallel_loop3A_256 = arith.constant 4 : i32
      %parallel_loop3A_257 = arith.index_cast %parallel_loop3A_256 : i32 to index
      %parallel_loop3A_258 = arith.index_cast %parallel_loop3A_231 : i32 to index
      %parallel_loop3A_259 = arith.index_cast %parallel_loop3A_233 : i32 to index
      %parallel_loop3A_260 = tpu.vector_load %arg4[%parallel_loop3A_257, %parallel_loop3A_258, %parallel_loop3A_259] {strides = array<i32>} : memref<16x16x64xf32, #tpu.memory_space<vmem>>, vector<16xf32>,
      tpu.vector_store_idx %arg6[%parallel_loop3A_235, %broadcast_in_dim3A_83], %parallel_loop3A_260 : memref<1024x16xf32, #tpu.memory_space<vmem>>[vector<16xi32>, vector<16xi32>], vector<16xf32>,
      %parallel_loop3A_261 = arith.constant 5 : i32
      %parallel_loop3A_262 = arith.index_cast %parallel_loop3A_261 : i32 to index
      %parallel_loop3A_263 = arith.index_cast %parallel_loop3A_231 : i32 to index
      %parallel_loop3A_264 = arith.index_cast %parallel_loop3A_233 : i32 to index
      %parallel_loop3A_265 = tpu.vector_load %arg4[%parallel_loop3A_262, %parallel_loop3A_263, %parallel_loop3A_264] {strides = array<i32>} : memref<16x16x64xf32, #tpu.memory_space<vmem>>, vector<16xf32>,
      tpu.vector_store_idx %arg6[%parallel_loop3A_235, %broadcast_in_dim3A_85], %parallel_loop3A_265 : memref<1024x16xf32, #tpu.memory_space<vmem>>[vector<16xi32>, vector<16xi32>], vector<16xf32>,
      %parallel_loop3A_266 = arith.constant 6 : i32
      %parallel_loop3A_267 = arith.index_cast %parallel_loop3A_266 : i32 to index
      %parallel_loop3A_268 = arith.index_cast %parallel_loop3A_231 : i32 to index
      %parallel_loop3A_269 = arith.index_cast %parallel_loop3A_233 : i32 to index
      %parallel_loop3A_270 = tpu.vector_load %arg4[%parallel_loop3A_267, %parallel_loop3A_268, %parallel_loop3A_269] {strides = array<i32>} : memref<16x16x64xf32, #tpu.memory_space<vmem>>, vector<16xf32>,
      tpu.vector_store_idx %arg6[%parallel_loop3A_235, %broadcast_in_dim3A_87], %parallel_loop3A_270 : memref<1024x16xf32, #tpu.memory_space<vmem>>[vector<16xi32>, vector<16xi32>], vector<16xf32>,
      %parallel_loop3A_271 = arith.constant 7 : i32
      %parallel_loop3A_272 = arith.index_cast %parallel_loop3A_271 : i32 to index
      %parallel_loop3A_273 = arith.index_cast %parallel_loop3A_231 : i32 to index
      %parallel_loop3A_274 = arith.index_cast %parallel_loop3A_233 : i32 to index
      %parallel_loop3A_275 = tpu.vector_load %arg4[%parallel_loop3A_272, %parallel_loop3A_273, %parallel_loop3A_274] {strides = array<i32>} : memref<16x16x64xf32, #tpu.memory_space<vmem>>, vector<16xf32>,
      tpu.vector_store_idx %arg6[%parallel_loop3A_235, %broadcast_in_dim3A_89], %parallel_loop3A_275 : memref<1024x16xf32, #tpu.memory_space<vmem>>[vector<16xi32>, vector<16xi32>], vector<16xf32>,
      %parallel_loop3A_276 = arith.constant 8 : i32
      %parallel_loop3A_277 = arith.index_cast %parallel_loop3A_276 : i32 to index
      %parallel_loop3A_278 = arith.index_cast %parallel_loop3A_231 : i32 to index
      %parallel_loop3A_279 = arith.index_cast %parallel_loop3A_233 : i32 to index
      %parallel_loop3A_280 = tpu.vector_load %arg4[%parallel_loop3A_277, %parallel_loop3A_278, %parallel_loop3A_279] {strides = array<i32>} : memref<16x16x64xf32, #tpu.memory_space<vmem>>, vector<16xf32>,
      tpu.vector_store_idx %arg6[%parallel_loop3A_235, %broadcast_in_dim3A_91], %parallel_loop3A_280 : memref<1024x16xf32, #tpu.memory_space<vmem>>[vector<16xi32>, vector<16xi32>], vector<16xf32>,
      %parallel_loop3A_281 = arith.constant 9 : i32
      %parallel_loop3A_282 = arith.index_cast %parallel_loop3A_281 : i32 to index
      %parallel_loop3A_283 = arith.index_cast %parallel_loop3A_231 : i32 to index
      %parallel_loop3A_284 = arith.index_cast %parallel_loop3A_233 : i32 to index
      %parallel_loop3A_285 = tpu.vector_load %arg4[%parallel_loop3A_282, %parallel_loop3A_283, %parallel_loop3A_284] {strides = array<i32>} : memref<16x16x64xf32, #tpu.memory_space<vmem>>, vector<16xf32>,
      tpu.vector_store_idx %arg6[%parallel_loop3A_235, %broadcast_in_dim3A_93], %parallel_loop3A_285 : memref<1024x16xf32, #tpu.memory_space<vmem>>[vector<16xi32>, vector<16xi32>], vector<16xf32>,
      %parallel_loop3A_286 = arith.constant 10 : i32
      %parallel_loop3A_287 = arith.index_cast %parallel_loop3A_286 : i32 to index
      %parallel_loop3A_288 = arith.index_cast %parallel_loop3A_231 : i32 to index
      %parallel_loop3A_289 = arith.index_cast %parallel_loop3A_233 : i32 to index
      %parallel_loop3A_290 = tpu.vector_load %arg4[%parallel_loop3A_287, %parallel_loop3A_288, %parallel_loop3A_289] {strides = array<i32>} : memref<16x16x64xf32, #tpu.memory_space<vmem>>, vector<16xf32>,
      tpu.vector_store_idx %arg6[%parallel_loop3A_235, %broadcast_in_dim3A_95], %parallel_loop3A_290 : memref<1024x16xf32, #tpu.memory_space<vmem>>[vector<16xi32>, vector<16xi32>], vector<16xf32>,
      %parallel_loop3A_291 = arith.constant 11 : i32
      %parallel_loop3A_292 = arith.index_cast %parallel_loop3A_291 : i32 to index
      %parallel_loop3A_293 = arith.index_cast %parallel_loop3A_231 : i32 to index
      %parallel_loop3A_294 = arith.index_cast %parallel_loop3A_233 : i32 to index
      %parallel_loop3A_295 = tpu.vector_load %arg4[%parallel_loop3A_292, %parallel_loop3A_293, %parallel_loop3A_294] {strides = array<i32>} : memref<16x16x64xf32, #tpu.memory_space<vmem>>, vector<16xf32>,
      tpu.vector_store_idx %arg6[%parallel_loop3A_235, %broadcast_in_dim3A_97], %parallel_loop3A_295 : memref<1024x16xf32, #tpu.memory_space<vmem>>[vector<16xi32>, vector<16xi32>], vector<16xf32>,
      %parallel_loop3A_296 = arith.constant 12 : i32
      %parallel_loop3A_297 = arith.index_cast %parallel_loop3A_296 : i32 to index
      %parallel_loop3A_298 = arith.index_cast %parallel_loop3A_231 : i32 to index
      %parallel_loop3A_299 = arith.index_cast %parallel_loop3A_233 : i32 to index
      %parallel_loop3A_300 = tpu.vector_load %arg4[%parallel_loop3A_297, %parallel_loop3A_298, %parallel_loop3A_299] {strides = array<i32>} : memref<16x16x64xf32, #tpu.memory_space<vmem>>, vector<16xf32>,
      tpu.vector_store_idx %arg6[%parallel_loop3A_235, %broadcast_in_dim3A_99], %parallel_loop3A_300 : memref<1024x16xf32, #tpu.memory_space<vmem>>[vector<16xi32>, vector<16xi32>], vector<16xf32>,
      %parallel_loop3A_301 = arith.constant 13 : i32
      %parallel_loop3A_302 = arith.index_cast %parallel_loop3A_301 : i32 to index
      %parallel_loop3A_303 = arith.index_cast %parallel_loop3A_231 : i32 to index
      %parallel_loop3A_304 = arith.index_cast %parallel_loop3A_233 : i32 to index
      %parallel_loop3A_305 = tpu.vector_load %arg4[%parallel_loop3A_302, %parallel_loop3A_303, %parallel_loop3A_304] {strides = array<i32>} : memref<16x16x64xf32, #tpu.memory_space<vmem>>, vector<16xf32>,
      tpu.vector_store_idx %arg6[%parallel_loop3A_235, %broadcast_in_dim3A_101], %parallel_loop3A_305 : memref<1024x16xf32, #tpu.memory_space<vmem>>[vector<16xi32>, vector<16xi32>], vector<16xf32>,
      %parallel_loop3A_306 = arith.constant 14 : i32
      %parallel_loop3A_307 = arith.index_cast %parallel_loop3A_306 : i32 to index
      %parallel_loop3A_308 = arith.index_cast %parallel_loop3A_231 : i32 to index
      %parallel_loop3A_309 = arith.index_cast %parallel_loop3A_233 : i32 to index
      %parallel_loop3A_310 = tpu.vector_load %arg4[%parallel_loop3A_307, %parallel_loop3A_308, %parallel_loop3A_309] {strides = array<i32>} : memref<16x16x64xf32, #tpu.memory_space<vmem>>, vector<16xf32>,
      tpu.vector_store_idx %arg6[%parallel_loop3A_235, %broadcast_in_dim3A_103], %parallel_loop3A_310 : memref<1024x16xf32, #tpu.memory_space<vmem>>[vector<16xi32>, vector<16xi32>], vector<16xf32>,
      %parallel_loop3A_311 = arith.constant 15 : i32
      %parallel_loop3A_312 = arith.index_cast %parallel_loop3A_311 : i32 to index
      %parallel_loop3A_313 = arith.index_cast %parallel_loop3A_231 : i32 to index
      %parallel_loop3A_314 = arith.index_cast %parallel_loop3A_233 : i32 to index
      %parallel_loop3A_315 = tpu.vector_load %arg4[%parallel_loop3A_312, %parallel_loop3A_313, %parallel_loop3A_314] {strides = array<i32>} : memref<16x16x64xf32, #tpu.memory_space<vmem>>, vector<16xf32>,
      tpu.vector_store_idx %arg6[%parallel_loop3A_235, %broadcast_in_dim3A_105], %parallel_loop3A_315 : memref<1024x16xf32, #tpu.memory_space<vmem>>[vector<16xi32>, vector<16xi32>], vector<16xf32>,
    } {sc.loop_unroll_factor = 4 : i64, sc.parallel_access}
    %dma_start3A_192 = arith.constant 2048 : i32
    %dma_start3A_193 = tpu.memref_slice %arg3[%dma_start3A_192, %select_n3A_56, %mul3A_74] : memref<4096x4x128xf32, #tpu.memory_space<hbm>> -> memref<1024x1x16xf32, #tpu.memory_space<hbm>>
    %dma_start3A_194 = tpu.memref_squeeze %dma_start3A_193 : memref<1024x1x16xf32, #tpu.memory_space<hbm>> -> memref<1024x16xf32, #tpu.memory_space<hbm>>
    %dma_start3A_195 = arith.constant 2048 : i32
    %dma_start3A_196 = tpu.memref_slice %arg3[%dma_start3A_195, %select_n3A_56, %mul3A_74] : memref<4096x4x128xf32, #tpu.memory_space<hbm>> -> memref<1024x1x16xf32, #tpu.memory_space<hbm>>
    %dma_start3A_197 = tpu.memref_squeeze %dma_start3A_196 : memref<1024x1x16xf32, #tpu.memory_space<hbm>> -> memref<1024x16xf32, #tpu.memory_space<hbm>>
    tpu.enqueue_dma source(%arg6 : memref<1024x16xf32, #tpu.memory_space<vmem>>) target(%dma_start3A_197 : memref<1024x16xf32, #tpu.memory_space<hbm>>) target_semaphore(%arg10 : memref<!tpu.dma_semaphore, #tpu.memory_space<semaphore_mem>>)
    %dma_wait3A_198 = arith.constant 48 : i32
    %dma_wait3A_199 = arith.constant 0 : i32
    %dma_wait3A_200 = tpu.memref_slice %arg2[%select_n3A, %mul3A_32, %dma_wait3A_198, %dma_wait3A_199] : memref<16x32x64x64xf32, #tpu.memory_space<hbm>> -> memref<1x16x16x64xf32, #tpu.memory_space<hbm>>
    %dma_wait3A_201 = tpu.memref_squeeze %dma_wait3A_200 : memref<1x16x16x64xf32, #tpu.memory_space<hbm>> -> memref<16x16x64xf32, #tpu.memory_space<hbm>>
    %dma_wait3A_202 = arith.constant 48 : i32
    %dma_wait3A_203 = arith.constant 0 : i32
    %dma_wait3A_204 = tpu.memref_slice %arg2[%select_n3A, %mul3A_32, %dma_wait3A_202, %dma_wait3A_203] : memref<16x32x64x64xf32, #tpu.memory_space<hbm>> -> memref<1x16x16x64xf32, #tpu.memory_space<hbm>>
    %dma_wait3A_205 = tpu.memref_squeeze %dma_wait3A_204 : memref<1x16x16x64xf32, #tpu.memory_space<hbm>> -> memref<16x16x64xf32, #tpu.memory_space<hbm>>
    tpu.wait_dma2 semaphore(%arg9 : memref<!tpu.dma_semaphore, #tpu.memory_space<semaphore_mem>>) src(%dma_wait3A_205 : memref<16x16x64xf32, #tpu.memory_space<hbm>>) dst(%arg5 : memref<16x16x64xf32, #tpu.memory_space<vmem>>)
    %parallel_loop3A_206 = arith.constant 0 : i32
    %parallel_loop3A_207 = arith.constant 64 : i32
    %parallel_loop3A_208 = arith.constant 1 : i32
    scf.for %parallel_loop3A_227 = %parallel_loop3A_206 to %parallel_loop3A_207 step %parallel_loop3A_208  : i32 {
      %parallel_loop3A_228 = arith.constant 16 : i32
      %parallel_loop3A_229 = arith.muli %parallel_loop3A_227, %parallel_loop3A_228 : i32
      %parallel_loop3A_230 = arith.constant 6 : i32
      %parallel_loop3A_231 = arith.shrui %parallel_loop3A_229, %parallel_loop3A_230 : i32
      %parallel_loop3A_232 = arith.constant 63 : i32
      %parallel_loop3A_233 = arith.andi %parallel_loop3A_229, %parallel_loop3A_232 : i32
      %parallel_loop3A_234 = vector.broadcast %parallel_loop3A_229 : i32 to vector<16xi32>
      %parallel_loop3A_235 = arith.addi %parallel_loop3A_234, %iota3A : vector<16xi32>
      %parallel_loop3A_236 = arith.constant 0 : i32
      %parallel_loop3A_237 = arith.index_cast %parallel_loop3A_236 : i32 to index
      %parallel_loop3A_238 = arith.index_cast %parallel_loop3A_231 : i32 to index
      %parallel_loop3A_239 = arith.index_cast %parallel_loop3A_233 : i32 to index
      %parallel_loop3A_240 = tpu.vector_load %arg5[%parallel_loop3A_237, %parallel_loop3A_238, %parallel_loop3A_239] {strides = array<i32>} : memref<16x16x64xf32, #tpu.memory_space<vmem>>, vector<16xf32>,
      tpu.vector_store_idx %arg7[%parallel_loop3A_235, %broadcast_in_dim3A_75], %parallel_loop3A_240 : memref<1024x16xf32, #tpu.memory_space<vmem>>[vector<16xi32>, vector<16xi32>], vector<16xf32>,
      %parallel_loop3A_241 = arith.constant 1 : i32
      %parallel_loop3A_242 = arith.index_cast %parallel_loop3A_241 : i32 to index
      %parallel_loop3A_243 = arith.index_cast %parallel_loop3A_231 : i32 to index
      %parallel_loop3A_244 = arith.index_cast %parallel_loop3A_233 : i32 to index
      %parallel_loop3A_245 = tpu.vector_load %arg5[%parallel_loop3A_242, %parallel_loop3A_243, %parallel_loop3A_244] {strides = array<i32>} : memref<16x16x64xf32, #tpu.memory_space<vmem>>, vector<16xf32>,
      tpu.vector_store_idx %arg7[%parallel_loop3A_235, %broadcast_in_dim3A_77], %parallel_loop3A_245 : memref<1024x16xf32, #tpu.memory_space<vmem>>[vector<16xi32>, vector<16xi32>], vector<16xf32>,
      %parallel_loop3A_246 = arith.constant 2 : i32
      %parallel_loop3A_247 = arith.index_cast %parallel_loop3A_246 : i32 to index
      %parallel_loop3A_248 = arith.index_cast %parallel_loop3A_231 : i32 to index
      %parallel_loop3A_249 = arith.index_cast %parallel_loop3A_233 : i32 to index
      %parallel_loop3A_250 = tpu.vector_load %arg5[%parallel_loop3A_247, %parallel_loop3A_248, %parallel_loop3A_249] {strides = array<i32>} : memref<16x16x64xf32, #tpu.memory_space<vmem>>, vector<16xf32>,
      tpu.vector_store_idx %arg7[%parallel_loop3A_235, %broadcast_in_dim3A_79], %parallel_loop3A_250 : memref<1024x16xf32, #tpu.memory_space<vmem>>[vector<16xi32>, vector<16xi32>], vector<16xf32>,
      %parallel_loop3A_251 = arith.constant 3 : i32
      %parallel_loop3A_252 = arith.index_cast %parallel_loop3A_251 : i32 to index
      %parallel_loop3A_253 = arith.index_cast %parallel_loop3A_231 : i32 to index
      %parallel_loop3A_254 = arith.index_cast %parallel_loop3A_233 : i32 to index
      %parallel_loop3A_255 = tpu.vector_load %arg5[%parallel_loop3A_252, %parallel_loop3A_253, %parallel_loop3A_254] {strides = array<i32>} : memref<16x16x64xf32, #tpu.memory_space<vmem>>, vector<16xf32>,
      tpu.vector_store_idx %arg7[%parallel_loop3A_235, %broadcast_in_dim3A_81], %parallel_loop3A_255 : memref<1024x16xf32, #tpu.memory_space<vmem>>[vector<16xi32>, vector<16xi32>], vector<16xf32>,
      %parallel_loop3A_256 = arith.constant 4 : i32
      %parallel_loop3A_257 = arith.index_cast %parallel_loop3A_256 : i32 to index
      %parallel_loop3A_258 = arith.index_cast %parallel_loop3A_231 : i32 to index
      %parallel_loop3A_259 = arith.index_cast %parallel_loop3A_233 : i32 to index
      %parallel_loop3A_260 = tpu.vector_load %arg5[%parallel_loop3A_257, %parallel_loop3A_258, %parallel_loop3A_259] {strides = array<i32>} : memref<16x16x64xf32, #tpu.memory_space<vmem>>, vector<16xf32>,
      tpu.vector_store_idx %arg7[%parallel_loop3A_235, %broadcast_in_dim3A_83], %parallel_loop3A_260 : memref<1024x16xf32, #tpu.memory_space<vmem>>[vector<16xi32>, vector<16xi32>], vector<16xf32>,
      %parallel_loop3A_261 = arith.constant 5 : i32
      %parallel_loop3A_262 = arith.index_cast %parallel_loop3A_261 : i32 to index
      %parallel_loop3A_263 = arith.index_cast %parallel_loop3A_231 : i32 to index
      %parallel_loop3A_264 = arith.index_cast %parallel_loop3A_233 : i32 to index
      %parallel_loop3A_265 = tpu.vector_load %arg5[%parallel_loop3A_262, %parallel_loop3A_263, %parallel_loop3A_264] {strides = array<i32>} : memref<16x16x64xf32, #tpu.memory_space<vmem>>, vector<16xf32>,
      tpu.vector_store_idx %arg7[%parallel_loop3A_235, %broadcast_in_dim3A_85], %parallel_loop3A_265 : memref<1024x16xf32, #tpu.memory_space<vmem>>[vector<16xi32>, vector<16xi32>], vector<16xf32>,
      %parallel_loop3A_266 = arith.constant 6 : i32
      %parallel_loop3A_267 = arith.index_cast %parallel_loop3A_266 : i32 to index
      %parallel_loop3A_268 = arith.index_cast %parallel_loop3A_231 : i32 to index
      %parallel_loop3A_269 = arith.index_cast %parallel_loop3A_233 : i32 to index
      %parallel_loop3A_270 = tpu.vector_load %arg5[%parallel_loop3A_267, %parallel_loop3A_268, %parallel_loop3A_269] {strides = array<i32>} : memref<16x16x64xf32, #tpu.memory_space<vmem>>, vector<16xf32>,
      tpu.vector_store_idx %arg7[%parallel_loop3A_235, %broadcast_in_dim3A_87], %parallel_loop3A_270 : memref<1024x16xf32, #tpu.memory_space<vmem>>[vector<16xi32>, vector<16xi32>], vector<16xf32>,
      %parallel_loop3A_271 = arith.constant 7 : i32
      %parallel_loop3A_272 = arith.index_cast %parallel_loop3A_271 : i32 to index
      %parallel_loop3A_273 = arith.index_cast %parallel_loop3A_231 : i32 to index
      %parallel_loop3A_274 = arith.index_cast %parallel_loop3A_233 : i32 to index
      %parallel_loop3A_275 = tpu.vector_load %arg5[%parallel_loop3A_272, %parallel_loop3A_273, %parallel_loop3A_274] {strides = array<i32>} : memref<16x16x64xf32, #tpu.memory_space<vmem>>, vector<16xf32>,
      tpu.vector_store_idx %arg7[%parallel_loop3A_235, %broadcast_in_dim3A_89], %parallel_loop3A_275 : memref<1024x16xf32, #tpu.memory_space<vmem>>[vector<16xi32>, vector<16xi32>], vector<16xf32>,
      %parallel_loop3A_276 = arith.constant 8 : i32
      %parallel_loop3A_277 = arith.index_cast %parallel_loop3A_276 : i32 to index
      %parallel_loop3A_278 = arith.index_cast %parallel_loop3A_231 : i32 to index
      %parallel_loop3A_279 = arith.index_cast %parallel_loop3A_233 : i32 to index
      %parallel_loop3A_280 = tpu.vector_load %arg5[%parallel_loop3A_277, %parallel_loop3A_278, %parallel_loop3A_279] {strides = array<i32>} : memref<16x16x64xf32, #tpu.memory_space<vmem>>, vector<16xf32>,
      tpu.vector_store_idx %arg7[%parallel_loop3A_235, %broadcast_in_dim3A_91], %parallel_loop3A_280 : memref<1024x16xf32, #tpu.memory_space<vmem>>[vector<16xi32>, vector<16xi32>], vector<16xf32>,
      %parallel_loop3A_281 = arith.constant 9 : i32
      %parallel_loop3A_282 = arith.index_cast %parallel_loop3A_281 : i32 to index
      %parallel_loop3A_283 = arith.index_cast %parallel_loop3A_231 : i32 to index
      %parallel_loop3A_284 = arith.index_cast %parallel_loop3A_233 : i32 to index
      %parallel_loop3A_285 = tpu.vector_load %arg5[%parallel_loop3A_282, %parallel_loop3A_283, %parallel_loop3A_284] {strides = array<i32>} : memref<16x16x64xf32, #tpu.memory_space<vmem>>, vector<16xf32>,
      tpu.vector_store_idx %arg7[%parallel_loop3A_235, %broadcast_in_dim3A_93], %parallel_loop3A_285 : memref<1024x16xf32, #tpu.memory_space<vmem>>[vector<16xi32>, vector<16xi32>], vector<16xf32>,
      %parallel_loop3A_286 = arith.constant 10 : i32
      %parallel_loop3A_287 = arith.index_cast %parallel_loop3A_286 : i32 to index
      %parallel_loop3A_288 = arith.index_cast %parallel_loop3A_231 : i32 to index
      %parallel_loop3A_289 = arith.index_cast %parallel_loop3A_233 : i32 to index
      %parallel_loop3A_290 = tpu.vector_load %arg5[%parallel_loop3A_287, %parallel_loop3A_288, %parallel_loop3A_289] {strides = array<i32>} : memref<16x16x64xf32, #tpu.memory_space<vmem>>, vector<16xf32>,
      tpu.vector_store_idx %arg7[%parallel_loop3A_235, %broadcast_in_dim3A_95], %parallel_loop3A_290 : memref<1024x16xf32, #tpu.memory_space<vmem>>[vector<16xi32>, vector<16xi32>], vector<16xf32>,
      %parallel_loop3A_291 = arith.constant 11 : i32
      %parallel_loop3A_292 = arith.index_cast %parallel_loop3A_291 : i32 to index
      %parallel_loop3A_293 = arith.index_cast %parallel_loop3A_231 : i32 to index
      %parallel_loop3A_294 = arith.index_cast %parallel_loop3A_233 : i32 to index
      %parallel_loop3A_295 = tpu.vector_load %arg5[%parallel_loop3A_292, %parallel_loop3A_293, %parallel_loop3A_294] {strides = array<i32>} : memref<16x16x64xf32, #tpu.memory_space<vmem>>, vector<16xf32>,
      tpu.vector_store_idx %arg7[%parallel_loop3A_235, %broadcast_in_dim3A_97], %parallel_loop3A_295 : memref<1024x16xf32, #tpu.memory_space<vmem>>[vector<16xi32>, vector<16xi32>], vector<16xf32>,
      %parallel_loop3A_296 = arith.constant 12 : i32
      %parallel_loop3A_297 = arith.index_cast %parallel_loop3A_296 : i32 to index
      %parallel_loop3A_298 = arith.index_cast %parallel_loop3A_231 : i32 to index
      %parallel_loop3A_299 = arith.index_cast %parallel_loop3A_233 : i32 to index
      %parallel_loop3A_300 = tpu.vector_load %arg5[%parallel_loop3A_297, %parallel_loop3A_298, %parallel_loop3A_299] {strides = array<i32>} : memref<16x16x64xf32, #tpu.memory_space<vmem>>, vector<16xf32>,
      tpu.vector_store_idx %arg7[%parallel_loop3A_235, %broadcast_in_dim3A_99], %parallel_loop3A_300 : memref<1024x16xf32, #tpu.memory_space<vmem>>[vector<16xi32>, vector<16xi32>], vector<16xf32>,
      %parallel_loop3A_301 = arith.constant 13 : i32
      %parallel_loop3A_302 = arith.index_cast %parallel_loop3A_301 : i32 to index
      %parallel_loop3A_303 = arith.index_cast %parallel_loop3A_231 : i32 to index
      %parallel_loop3A_304 = arith.index_cast %parallel_loop3A_233 : i32 to index
      %parallel_loop3A_305 = tpu.vector_load %arg5[%parallel_loop3A_302, %parallel_loop3A_303, %parallel_loop3A_304] {strides = array<i32>} : memref<16x16x64xf32, #tpu.memory_space<vmem>>, vector<16xf32>,
      tpu.vector_store_idx %arg7[%parallel_loop3A_235, %broadcast_in_dim3A_101], %parallel_loop3A_305 : memref<1024x16xf32, #tpu.memory_space<vmem>>[vector<16xi32>, vector<16xi32>], vector<16xf32>,
      %parallel_loop3A_306 = arith.constant 14 : i32
      %parallel_loop3A_307 = arith.index_cast %parallel_loop3A_306 : i32 to index
      %parallel_loop3A_308 = arith.index_cast %parallel_loop3A_231 : i32 to index
      %parallel_loop3A_309 = arith.index_cast %parallel_loop3A_233 : i32 to index
      %parallel_loop3A_310 = tpu.vector_load %arg5[%parallel_loop3A_307, %parallel_loop3A_308, %parallel_loop3A_309] {strides = array<i32>} : memref<16x16x64xf32, #tpu.memory_space<vmem>>, vector<16xf32>,
      tpu.vector_store_idx %arg7[%parallel_loop3A_235, %broadcast_in_dim3A_103], %parallel_loop3A_310 : memref<1024x16xf32, #tpu.memory_space<vmem>>[vector<16xi32>, vector<16xi32>], vector<16xf32>,
      %parallel_loop3A_311 = arith.constant 15 : i32
      %parallel_loop3A_312 = arith.index_cast %parallel_loop3A_311 : i32 to index
      %parallel_loop3A_313 = arith.index_cast %parallel_loop3A_231 : i32 to index
      %parallel_loop3A_314 = arith.index_cast %parallel_loop3A_233 : i32 to index
      %parallel_loop3A_315 = tpu.vector_load %arg5[%parallel_loop3A_312, %parallel_loop3A_313, %parallel_loop3A_314] {strides = array<i32>} : memref<16x16x64xf32, #tpu.memory_space<vmem>>, vector<16xf32>,
      tpu.vector_store_idx %arg7[%parallel_loop3A_235, %broadcast_in_dim3A_105], %parallel_loop3A_315 : memref<1024x16xf32, #tpu.memory_space<vmem>>[vector<16xi32>, vector<16xi32>], vector<16xf32>,
    } {sc.loop_unroll_factor = 4 : i64, sc.parallel_access}
    %dma_start3A_209 = arith.constant 3072 : i32
    %dma_start3A_210 = tpu.memref_slice %arg3[%dma_start3A_209, %select_n3A_56, %mul3A_74] : memref<4096x4x128xf32, #tpu.memory_space<hbm>> -> memref<1024x1x16xf32, #tpu.memory_space<hbm>>
    %dma_start3A_211 = tpu.memref_squeeze %dma_start3A_210 : memref<1024x1x16xf32, #tpu.memory_space<hbm>> -> memref<1024x16xf32, #tpu.memory_space<hbm>>
    %dma_start3A_212 = arith.constant 3072 : i32
    %dma_start3A_213 = tpu.memref_slice %arg3[%dma_start3A_212, %select_n3A_56, %mul3A_74] : memref<4096x4x128xf32, #tpu.memory_space<hbm>> -> memref<1024x1x16xf32, #tpu.memory_space<hbm>>
    %dma_start3A_214 = tpu.memref_squeeze %dma_start3A_213 : memref<1024x1x16xf32, #tpu.memory_space<hbm>> -> memref<1024x16xf32, #tpu.memory_space<hbm>>
    tpu.enqueue_dma source(%arg7 : memref<1024x16xf32, #tpu.memory_space<vmem>>) target(%dma_start3A_214 : memref<1024x16xf32, #tpu.memory_space<hbm>>) target_semaphore(%arg11 : memref<!tpu.dma_semaphore, #tpu.memory_space<semaphore_mem>>)
    %dma_wait3A_215 = arith.constant 2048 : i32
    %dma_wait3A_216 = tpu.memref_slice %arg3[%dma_wait3A_215, %select_n3A_56, %mul3A_74] : memref<4096x4x128xf32, #tpu.memory_space<hbm>> -> memref<1024x1x16xf32, #tpu.memory_space<hbm>>
    %dma_wait3A_217 = tpu.memref_squeeze %dma_wait3A_216 : memref<1024x1x16xf32, #tpu.memory_space<hbm>> -> memref<1024x16xf32, #tpu.memory_space<hbm>>
    %dma_wait3A_218 = arith.constant 2048 : i32
    %dma_wait3A_219 = tpu.memref_slice %arg3[%dma_wait3A_218, %select_n3A_56, %mul3A_74] : memref<4096x4x128xf32, #tpu.memory_space<hbm>> -> memref<1024x1x16xf32, #tpu.memory_space<hbm>>
    %dma_wait3A_220 = tpu.memref_squeeze %dma_wait3A_219 : memref<1024x1x16xf32, #tpu.memory_space<hbm>> -> memref<1024x16xf32, #tpu.memory_space<hbm>>
    tpu.wait_dma2 semaphore(%arg10 : memref<!tpu.dma_semaphore, #tpu.memory_space<semaphore_mem>>) src(%arg6 : memref<1024x16xf32, #tpu.memory_space<vmem>>) dst(%dma_wait3A_220 : memref<1024x16xf32, #tpu.memory_space<hbm>>)
    %dma_wait3A_221 = arith.constant 3072 : i32
    %dma_wait3A_222 = tpu.memref_slice %arg3[%dma_wait3A_221, %select_n3A_56, %mul3A_74] : memref<4096x4x128xf32, #tpu.memory_space<hbm>> -> memref<1024x1x16xf32, #tpu.memory_space<hbm>>
    %dma_wait3A_223 = tpu.memref_squeeze %dma_wait3A_222 : memref<1024x1x16xf32, #tpu.memory_space<hbm>> -> memref<1024x16xf32, #tpu.memory_space<hbm>>
    %dma_wait3A_224 = arith.constant 3072 : i32
    %dma_wait3A_225 = tpu.memref_slice %arg3[%dma_wait3A_224, %select_n3A_56, %mul3A_74] : memref<4096x4x128xf32, #tpu.memory_space<hbm>> -> memref<1024x1x16xf32, #tpu.memory_space<hbm>>
    %dma_wait3A_226 = tpu.memref_squeeze %dma_wait3A_225 : memref<1024x1x16xf32, #tpu.memory_space<hbm>> -> memref<1024x16xf32, #tpu.memory_space<hbm>>
    tpu.wait_dma2 semaphore(%arg11 : memref<!tpu.dma_semaphore, #tpu.memory_space<semaphore_mem>>) src(%arg7 : memref<1024x16xf32, #tpu.memory_space<vmem>>) dst(%dma_wait3A_226 : memref<1024x16xf32, #tpu.memory_space<hbm>>)
    return
  }
}

#map = affine_map<(d0, d1) -> (0, 0)>
#map1 = affine_map<(d0, d1) -> (0)>
module attributes {stable_mosaic.version = 14 : i64} {
  func.func @_sc_body(%arg0: i32, %arg1: i32, %arg2: memref<16384x128xf32, #tpu.memory_space<hbm>>, %arg3: memref<976xi32, #tpu.memory_space<hbm>>, %arg4: memref<61504x128xf32, #tpu.memory_space<hbm>>, %arg5: memref<976xi32, #tpu.memory_space<vmem>>, %arg6: memref<8x64xi32, #tpu.memory_space<vmem>>, %arg7: memref<16x128xi32, #tpu.memory_space<vmem>>, %arg8: memref<256x128xf32, #tpu.memory_space<vmem>>, %arg9: memref<256x128xf32, #tpu.memory_space<vmem>>, %arg10: memref<256x128xf32, #tpu.memory_space<vmem>>, %arg11: memref<!tpu.dma_semaphore, #tpu.memory_space<semaphore_mem>>, %arg12: memref<!tpu.dma_semaphore, #tpu.memory_space<semaphore_mem>>, %arg13: memref<!tpu.dma_semaphore, #tpu.memory_space<semaphore_mem>>, %arg14: memref<!tpu.dma_semaphore, #tpu.memory_space<semaphore_mem>>, %arg15: memref<!tpu.dma_semaphore, #tpu.memory_space<semaphore_mem>>, %arg16: memref<!tpu.dma_semaphore, #tpu.memory_space<semaphore_mem>>) attributes {dimension_semantics = [#tpu.dimension_semantics<core_parallel>, #tpu.dimension_semantics<subcore_parallel>], iteration_bounds = array<i64: 2, 16>, scalar_prefetch = 0 : i64, scratch_operands = 12 : i64, tpu.core_type = #tpu.core_type<sc_vector_subcore>, window_params = [{transform_indices = #map}, {transform_indices = #map1}, {transform_indices = #map}]} {
    %mul3A = arith.constant 2 : i32
    %mul3A_0 = arith.muli %arg1, %mul3A : i32
    %add3A = arith.addi %mul3A_0, %arg0 : i32
    %mul3A_1 = arith.constant 961 : i32
    %mul3A_2 = arith.muli %mul3A_1, %add3A : i32
    %jit3A = arith.constant 32 : i32
    %div3A = arith.divsi %mul3A_2, %jit3A : i32
    %sign3A = arith.constant 0 : i32
    %sign3A_3 = arith.cmpi sgt, %mul3A_2, %sign3A : i32
    %sign3A_4 = arith.extui %sign3A_3 : i1 to i32
    %sign3A_5 = arith.constant 0 : i32
    %sign3A_6 = arith.cmpi slt, %mul3A_2, %sign3A_5 : i32
    %sign3A_7 = arith.extui %sign3A_6 : i1 to i32
    %sign3A_8 = arith.subi %sign3A_4, %sign3A_7 : i32
    %sign3A_9 = arith.constant 0 : i32
    %sign3A_10 = arith.cmpi sgt, %jit3A, %sign3A_9 : i32
    %sign3A_11 = arith.extui %sign3A_10 : i1 to i32
    %sign3A_12 = arith.constant 0 : i32
    %sign3A_13 = arith.cmpi slt, %jit3A, %sign3A_12 : i32
    %sign3A_14 = arith.extui %sign3A_13 : i1 to i32
    %sign3A_15 = arith.subi %sign3A_11, %sign3A_14 : i32
    %ne3A = arith.cmpi ne, %sign3A_8, %sign3A_15 : i32
    %rem3A = arith.remsi %mul3A_2, %jit3A : i32
    %ne3A_16 = arith.constant 0 : i32
    %ne3A_17 = arith.cmpi ne, %rem3A, %ne3A_16 : i32
    %and3A = arith.andi %ne3A, %ne3A_17 : i1
    %sub3A = arith.constant 1 : i32
    %sub3A_18 = arith.subi %div3A, %sub3A : i32
    %select_n3A = arith.select %and3A, %sub3A_18, %div3A : i32
    %add3A_19 = arith.constant 1 : i32
    %add3A_20 = arith.addi %add3A, %add3A_19 : i32
    %mul3A_21 = arith.constant 961 : i32
    %mul3A_22 = arith.muli %mul3A_21, %add3A_20 : i32
    %jit3A_23 = arith.constant 32 : i32
    %div3A_24 = arith.divsi %mul3A_22, %jit3A_23 : i32
    %sign3A_25 = arith.constant 0 : i32
    %sign3A_26 = arith.cmpi sgt, %mul3A_22, %sign3A_25 : i32
    %sign3A_27 = arith.extui %sign3A_26 : i1 to i32
    %sign3A_28 = arith.constant 0 : i32
    %sign3A_29 = arith.cmpi slt, %mul3A_22, %sign3A_28 : i32
    %sign3A_30 = arith.extui %sign3A_29 : i1 to i32
    %sign3A_31 = arith.subi %sign3A_27, %sign3A_30 : i32
    %sign3A_32 = arith.constant 0 : i32
    %sign3A_33 = arith.cmpi sgt, %jit3A_23, %sign3A_32 : i32
    %sign3A_34 = arith.extui %sign3A_33 : i1 to i32
    %sign3A_35 = arith.constant 0 : i32
    %sign3A_36 = arith.cmpi slt, %jit3A_23, %sign3A_35 : i32
    %sign3A_37 = arith.extui %sign3A_36 : i1 to i32
    %sign3A_38 = arith.subi %sign3A_34, %sign3A_37 : i32
    %ne3A_39 = arith.cmpi ne, %sign3A_31, %sign3A_38 : i32
    %rem3A_40 = arith.remsi %mul3A_22, %jit3A_23 : i32
    %ne3A_41 = arith.constant 0 : i32
    %ne3A_42 = arith.cmpi ne, %rem3A_40, %ne3A_41 : i32
    %and3A_43 = arith.andi %ne3A_39, %ne3A_42 : i1
    %sub3A_44 = arith.constant 1 : i32
    %sub3A_45 = arith.subi %div3A_24, %sub3A_44 : i32
    %select_n3A_46 = arith.select %and3A_43, %sub3A_45, %div3A_24 : i32
    %iota3A = tpu.iota {dimensions = array<i32: 0>} : vector<16xi32>
    %shift_right_logical3A = arith.constant 2 : i32
    %shift_right_logical3A_47 = vector.broadcast %shift_right_logical3A : i32 to vector<16xi32>
    %shift_right_logical3A_48 = arith.shrui %iota3A, %shift_right_logical3A_47 : vector<16xi32>
    %mul3A_49 = arith.constant 64 : i32
    %mul3A_50 = vector.broadcast %mul3A_49 : i32 to vector<16xi32>
    %mul3A_51 = arith.muli %shift_right_logical3A_48, %mul3A_50 : vector<16xi32>
    %and3A_52 = arith.constant 3 : i32
    %and3A_53 = vector.broadcast %and3A_52 : i32 to vector<16xi32>
    %and3A_54 = arith.andi %iota3A, %and3A_53 : vector<16xi32>
    %add3A_55 = arith.addi %mul3A_51, %and3A_54 : vector<16xi32>
    "tpu.region"() ({
      %run_scoped3A = tpu.sem_alloc : memref<!tpu.dma_semaphore, #tpu.memory_space<semaphore_mem>>
      tpu.enqueue_dma source(%arg3 : memref<976xi32, #tpu.memory_space<hbm>>) target(%arg5 : memref<976xi32, #tpu.memory_space<vmem>>) target_semaphore(%run_scoped3A : memref<!tpu.dma_semaphore, #tpu.memory_space<semaphore_mem>>)
      tpu.wait_dma2 semaphore(%run_scoped3A : memref<!tpu.dma_semaphore, #tpu.memory_space<semaphore_mem>>) src(%arg3 : memref<976xi32, #tpu.memory_space<hbm>>) dst(%arg5 : memref<976xi32, #tpu.memory_space<vmem>>)
      tpu.yield
    }) : () -> ()
    %add3A_56 = arith.constant 0 : i32
    %add3A_57 = arith.addi %select_n3A, %add3A_56 : i32
    %sub3A_58 = arith.constant 4 : i32
    %sub3A_59 = arith.subi %select_n3A_46, %sub3A_58 : i32
    %min3A = arith.minsi %add3A_57, %sub3A_59 : i32
    %add3A_60 = arith.constant 0 : i32
    %add3A_61 = arith.addi %min3A, %add3A_60 : i32
    %broadcast_in_dim3A = vector.broadcast %add3A_61 : i32 to vector<16xi32>
    %gather3A = tpu.vector_load_idx %arg5[%broadcast_in_dim3A] : memref<976xi32, #tpu.memory_space<vmem>>[vector<16xi32>], vector<16xi32>,
    %mul3A_62 = arith.constant 68760 : i32
    %mul3A_63 = vector.broadcast %mul3A_62 : i32 to vector<16xi32>
    %mul3A_64 = arith.muli %gather3A, %mul3A_63 : vector<16xi32>
    %shift_right_logical3A_65 = arith.constant 22 : i32
    %shift_right_logical3A_66 = vector.broadcast %shift_right_logical3A_65 : i32 to vector<16xi32>
    %shift_right_logical3A_67 = arith.shrui %mul3A_64, %shift_right_logical3A_66 : vector<16xi32>
    %mul3A_68 = arith.constant 3 : i32
    %mul3A_69 = vector.broadcast %mul3A_68 : i32 to vector<16xi32>
    %mul3A_70 = arith.muli %mul3A_69, %shift_right_logical3A_67 : vector<16xi32>
    %add3A_71 = arith.addi %gather3A, %mul3A_70 : vector<16xi32>
    %add3A_72 = arith.addi %add3A_71, %add3A_55 : vector<16xi32>
    %swap3A = arith.constant 0 : i32
    %swap3A_73 = arith.index_cast %swap3A : i32 to index
    %swap3A_74 = arith.constant 0 : index
    %swap3A_75 = tpu.vector_load %arg6[%swap3A_73, %swap3A_74] {strides = array<i32>} : memref<8x64xi32, #tpu.memory_space<vmem>>, vector<16xi32>,
    tpu.vector_store %arg6[%swap3A_73, %swap3A_74], %add3A_72 {strides = array<i32>} : memref<8x64xi32, #tpu.memory_space<vmem>>, vector<16xi32>,
    %add3A_76 = arith.constant 1 : i32
    %add3A_77 = arith.addi %min3A, %add3A_76 : i32
    %broadcast_in_dim3A_78 = vector.broadcast %add3A_77 : i32 to vector<16xi32>
    %gather3A_79 = tpu.vector_load_idx %arg5[%broadcast_in_dim3A_78] : memref<976xi32, #tpu.memory_space<vmem>>[vector<16xi32>], vector<16xi32>,
    %mul3A_80 = arith.constant 68760 : i32
    %mul3A_81 = vector.broadcast %mul3A_80 : i32 to vector<16xi32>
    %mul3A_82 = arith.muli %gather3A_79, %mul3A_81 : vector<16xi32>
    %shift_right_logical3A_83 = arith.constant 22 : i32
    %shift_right_logical3A_84 = vector.broadcast %shift_right_logical3A_83 : i32 to vector<16xi32>
    %shift_right_logical3A_85 = arith.shrui %mul3A_82, %shift_right_logical3A_84 : vector<16xi32>
    %mul3A_86 = arith.constant 3 : i32
    %mul3A_87 = vector.broadcast %mul3A_86 : i32 to vector<16xi32>
    %mul3A_88 = arith.muli %mul3A_87, %shift_right_logical3A_85 : vector<16xi32>
    %add3A_89 = arith.addi %gather3A_79, %mul3A_88 : vector<16xi32>
    %add3A_90 = arith.addi %add3A_89, %add3A_55 : vector<16xi32>
    %swap3A_91 = arith.constant 0 : i32
    %swap3A_92 = arith.index_cast %swap3A_91 : i32 to index
    %swap3A_93 = arith.constant 16 : index
    %swap3A_94 = tpu.vector_load %arg6[%swap3A_92, %swap3A_93] {strides = array<i32>} : memref<8x64xi32, #tpu.memory_space<vmem>>, vector<16xi32>,
    tpu.vector_store %arg6[%swap3A_92, %swap3A_93], %add3A_90 {strides = array<i32>} : memref<8x64xi32, #tpu.memory_space<vmem>>, vector<16xi32>,
    %add3A_95 = arith.constant 2 : i32
    %add3A_96 = arith.addi %min3A, %add3A_95 : i32
    %broadcast_in_dim3A_97 = vector.broadcast %add3A_96 : i32 to vector<16xi32>
    %gather3A_98 = tpu.vector_load_idx %arg5[%broadcast_in_dim3A_97] : memref<976xi32, #tpu.memory_space<vmem>>[vector<16xi32>], vector<16xi32>,
    %mul3A_99 = arith.constant 68760 : i32
    %mul3A_100 = vector.broadcast %mul3A_99 : i32 to vector<16xi32>
    %mul3A_101 = arith.muli %gather3A_98, %mul3A_100 : vector<16xi32>
    %shift_right_logical3A_102 = arith.constant 22 : i32
    %shift_right_logical3A_103 = vector.broadcast %shift_right_logical3A_102 : i32 to vector<16xi32>
    %shift_right_logical3A_104 = arith.shrui %mul3A_101, %shift_right_logical3A_103 : vector<16xi32>
    %mul3A_105 = arith.constant 3 : i32
    %mul3A_106 = vector.broadcast %mul3A_105 : i32 to vector<16xi32>
    %mul3A_107 = arith.muli %mul3A_106, %shift_right_logical3A_104 : vector<16xi32>
    %add3A_108 = arith.addi %gather3A_98, %mul3A_107 : vector<16xi32>
    %add3A_109 = arith.addi %add3A_108, %add3A_55 : vector<16xi32>
    %swap3A_110 = arith.constant 0 : i32
    %swap3A_111 = arith.index_cast %swap3A_110 : i32 to index
    %swap3A_112 = arith.constant 32 : index
    %swap3A_113 = tpu.vector_load %arg6[%swap3A_111, %swap3A_112] {strides = array<i32>} : memref<8x64xi32, #tpu.memory_space<vmem>>, vector<16xi32>,
    tpu.vector_store %arg6[%swap3A_111, %swap3A_112], %add3A_109 {strides = array<i32>} : memref<8x64xi32, #tpu.memory_space<vmem>>, vector<16xi32>,
    %add3A_114 = arith.constant 3 : i32
    %add3A_115 = arith.addi %min3A, %add3A_114 : i32
    %broadcast_in_dim3A_116 = vector.broadcast %add3A_115 : i32 to vector<16xi32>
    %gather3A_117 = tpu.vector_load_idx %arg5[%broadcast_in_dim3A_116] : memref<976xi32, #tpu.memory_space<vmem>>[vector<16xi32>], vector<16xi32>,
    %mul3A_118 = arith.constant 68760 : i32
    %mul3A_119 = vector.broadcast %mul3A_118 : i32 to vector<16xi32>
    %mul3A_120 = arith.muli %gather3A_117, %mul3A_119 : vector<16xi32>
    %shift_right_logical3A_121 = arith.constant 22 : i32
    %shift_right_logical3A_122 = vector.broadcast %shift_right_logical3A_121 : i32 to vector<16xi32>
    %shift_right_logical3A_123 = arith.shrui %mul3A_120, %shift_right_logical3A_122 : vector<16xi32>
    %mul3A_124 = arith.constant 3 : i32
    %mul3A_125 = vector.broadcast %mul3A_124 : i32 to vector<16xi32>
    %mul3A_126 = arith.muli %mul3A_125, %shift_right_logical3A_123 : vector<16xi32>
    %add3A_127 = arith.addi %gather3A_117, %mul3A_126 : vector<16xi32>
    %add3A_128 = arith.addi %add3A_127, %add3A_55 : vector<16xi32>
    %swap3A_129 = arith.constant 0 : i32
    %swap3A_130 = arith.index_cast %swap3A_129 : i32 to index
    %swap3A_131 = arith.constant 48 : index
    %swap3A_132 = tpu.vector_load %arg6[%swap3A_130, %swap3A_131] {strides = array<i32>} : memref<8x64xi32, #tpu.memory_space<vmem>>, vector<16xi32>,
    tpu.vector_store %arg6[%swap3A_130, %swap3A_131], %add3A_128 {strides = array<i32>} : memref<8x64xi32, #tpu.memory_space<vmem>>, vector<16xi32>,
    %scan3A = arith.constant 0 : i32
    %scan3A_133 = arith.constant 0 : i32
    %scan3A_134 = arith.constant 16 : i32
    %scan3A_135 = arith.addi %scan3A_133, %scan3A_134 : i32
    %scan3A_136 = arith.constant 1 : i32
    %scan3A_137 = scf.for %scan3A_1209 = %scan3A_133 to %scan3A_135 step %scan3A_136 iter_args(%scan3A_1210 = %scan3A) -> (i32)  : i32 {
      %mul3A_1211 = arith.constant 16 : i32
      %mul3A_1212 = arith.muli %scan3A_1209, %mul3A_1211 : i32
      %add3A_1213 = vector.broadcast %mul3A_1212 : i32 to vector<16xi32>
      %add3A_1214 = arith.addi %add3A_1213, %iota3A : vector<16xi32>
      %shift_right_logical3A_1215 = arith.constant 5 : i32
      %shift_right_logical3A_1216 = vector.broadcast %shift_right_logical3A_1215 : i32 to vector<16xi32>
      %shift_right_logical3A_1217 = arith.shrui %add3A_1214, %shift_right_logical3A_1216 : vector<16xi32>
      %shift_right_logical3A_1218 = arith.constant 3 : i32
      %shift_right_logical3A_1219 = vector.broadcast %shift_right_logical3A_1218 : i32 to vector<16xi32>
      %shift_right_logical3A_1220 = arith.shrui %add3A_1214, %shift_right_logical3A_1219 : vector<16xi32>
      %and3A_1221 = arith.constant 3 : i32
      %and3A_1222 = vector.broadcast %and3A_1221 : i32 to vector<16xi32>
      %and3A_1223 = arith.andi %shift_right_logical3A_1220, %and3A_1222 : vector<16xi32>
      %and3A_1224 = arith.constant 7 : i32
      %and3A_1225 = vector.broadcast %and3A_1224 : i32 to vector<16xi32>
      %and3A_1226 = arith.andi %add3A_1214, %and3A_1225 : vector<16xi32>
      %mul3A_1227 = arith.constant 8 : i32
      %mul3A_1228 = vector.broadcast %mul3A_1227 : i32 to vector<16xi32>
      %mul3A_1229 = arith.muli %shift_right_logical3A_1217, %mul3A_1228 : vector<16xi32>
      %add3A_1230 = arith.addi %mul3A_1229, %and3A_1226 : vector<16xi32>
      %broadcast_in_dim3A_1231 = arith.constant 0 : i32
      %broadcast_in_dim3A_1232 = vector.broadcast %broadcast_in_dim3A_1231 : i32 to vector<16xi32>
      %gather3A_1233 = tpu.vector_load_idx %arg6[%broadcast_in_dim3A_1232, %add3A_1230] : memref<8x64xi32, #tpu.memory_space<vmem>>[vector<16xi32>, vector<16xi32>], vector<16xi32>,
      %shift_right_logical3A_1234 = arith.constant 7 : i32
      %shift_right_logical3A_1235 = vector.broadcast %shift_right_logical3A_1234 : i32 to vector<16xi32>
      %shift_right_logical3A_1236 = arith.shrui %add3A_1214, %shift_right_logical3A_1235 : vector<16xi32>
      %and3A_1237 = arith.constant 127 : i32
      %and3A_1238 = vector.broadcast %and3A_1237 : i32 to vector<16xi32>
      %and3A_1239 = arith.andi %add3A_1214, %and3A_1238 : vector<16xi32>
      %add3A_1240 = arith.constant 0 : i32
      %add3A_1241 = vector.broadcast %add3A_1240 : i32 to vector<16xi32>
      %add3A_1242 = arith.addi %add3A_1241, %shift_right_logical3A_1236 : vector<16xi32>
      %mul3A_1243 = arith.constant 4 : i32
      %mul3A_1244 = vector.broadcast %mul3A_1243 : i32 to vector<16xi32>
      %mul3A_1245 = arith.muli %gather3A_1233, %mul3A_1244 : vector<16xi32>
      %add3A_1246 = arith.addi %mul3A_1245, %and3A_1223 : vector<16xi32>
      tpu.vector_store_idx %arg7[%add3A_1242, %and3A_1239], %add3A_1246 : memref<16x128xi32, #tpu.memory_space<vmem>>[vector<16xi32>, vector<16xi32>], vector<16xi32>,
      %scan3A_1247 = arith.constant 0 : i32
      scf.yield %scan3A_1247 : i32
    }
    %scan3A_138 = arith.constant 16 : i32
    %dma_start3A = arith.constant 0 : i32
    %dma_start3A_139 = arith.constant 0 : i32
    %dma_start3A_140 = arith.constant 0 : i32
    %dma_start3A_141 = tpu.memref_slice %arg8[%dma_start3A_139, %dma_start3A_140] : memref<256x128xf32, #tpu.memory_space<vmem>> -> memref<128x128xf32, #tpu.memory_space<vmem>>
    %dma_start3A_142 = arith.constant 0 : i32
    %dma_start3A_143 = tpu.memref_slice %arg7[%dma_start3A, %dma_start3A_142] : memref<16x128xi32, #tpu.memory_space<vmem>> -> memref<1x128xi32, #tpu.memory_space<vmem>>
    %dma_start3A_144 = tpu.memref_squeeze %dma_start3A_143 : memref<1x128xi32, #tpu.memory_space<vmem>> -> memref<128xi32, #tpu.memory_space<vmem>>
    %dma_start3A_145 = arith.constant 0 : i32
    %dma_start3A_146 = arith.constant 0 : i32
    %dma_start3A_147 = tpu.memref_slice %arg2[%dma_start3A_145, %dma_start3A_146] : memref<16384x128xf32, #tpu.memory_space<hbm>> -> memref<16384x128xf32, #tpu.memory_space<hbm>>
    tpu.enqueue_indirect_dma source(%dma_start3A_147 : memref<16384x128xf32, #tpu.memory_space<hbm>>) target(%dma_start3A_141 : memref<128x128xf32, #tpu.memory_space<vmem>>) offsets(%dma_start3A_144 : memref<128xi32, #tpu.memory_space<vmem>>) semaphore(%arg11 : memref<!tpu.dma_semaphore, #tpu.memory_space<semaphore_mem>>)
    %dma_start3A_148 = arith.constant 1 : i32
    %dma_start3A_149 = arith.constant 128 : i32
    %dma_start3A_150 = arith.constant 0 : i32
    %dma_start3A_151 = tpu.memref_slice %arg8[%dma_start3A_149, %dma_start3A_150] : memref<256x128xf32, #tpu.memory_space<vmem>> -> memref<128x128xf32, #tpu.memory_space<vmem>>
    %dma_start3A_152 = arith.constant 0 : i32
    %dma_start3A_153 = tpu.memref_slice %arg7[%dma_start3A_148, %dma_start3A_152] : memref<16x128xi32, #tpu.memory_space<vmem>> -> memref<1x128xi32, #tpu.memory_space<vmem>>
    %dma_start3A_154 = tpu.memref_squeeze %dma_start3A_153 : memref<1x128xi32, #tpu.memory_space<vmem>> -> memref<128xi32, #tpu.memory_space<vmem>>
    %dma_start3A_155 = arith.constant 0 : i32
    %dma_start3A_156 = arith.constant 0 : i32
    %dma_start3A_157 = tpu.memref_slice %arg2[%dma_start3A_155, %dma_start3A_156] : memref<16384x128xf32, #tpu.memory_space<hbm>> -> memref<16384x128xf32, #tpu.memory_space<hbm>>
    tpu.enqueue_indirect_dma source(%dma_start3A_157 : memref<16384x128xf32, #tpu.memory_space<hbm>>) target(%dma_start3A_151 : memref<128x128xf32, #tpu.memory_space<vmem>>) offsets(%dma_start3A_154 : memref<128xi32, #tpu.memory_space<vmem>>) semaphore(%arg11 : memref<!tpu.dma_semaphore, #tpu.memory_space<semaphore_mem>>)
    %add3A_158 = arith.constant 4 : i32
    %add3A_159 = arith.addi %select_n3A, %add3A_158 : i32
    %sub3A_160 = arith.constant 4 : i32
    %sub3A_161 = arith.subi %select_n3A_46, %sub3A_160 : i32
    %min3A_162 = arith.minsi %add3A_159, %sub3A_161 : i32
    %add3A_163 = arith.constant 0 : i32
    %add3A_164 = arith.addi %min3A_162, %add3A_163 : i32
    %broadcast_in_dim3A_165 = vector.broadcast %add3A_164 : i32 to vector<16xi32>
    %gather3A_166 = tpu.vector_load_idx %arg5[%broadcast_in_dim3A_165] : memref<976xi32, #tpu.memory_space<vmem>>[vector<16xi32>], vector<16xi32>,
    %mul3A_167 = arith.constant 68760 : i32
    %mul3A_168 = vector.broadcast %mul3A_167 : i32 to vector<16xi32>
    %mul3A_169 = arith.muli %gather3A_166, %mul3A_168 : vector<16xi32>
    %shift_right_logical3A_170 = arith.constant 22 : i32
    %shift_right_logical3A_171 = vector.broadcast %shift_right_logical3A_170 : i32 to vector<16xi32>
    %shift_right_logical3A_172 = arith.shrui %mul3A_169, %shift_right_logical3A_171 : vector<16xi32>
    %mul3A_173 = arith.constant 3 : i32
    %mul3A_174 = vector.broadcast %mul3A_173 : i32 to vector<16xi32>
    %mul3A_175 = arith.muli %mul3A_174, %shift_right_logical3A_172 : vector<16xi32>
    %add3A_176 = arith.addi %gather3A_166, %mul3A_175 : vector<16xi32>
    %add3A_177 = arith.addi %add3A_176, %add3A_55 : vector<16xi32>
    %swap3A_178 = arith.constant 1 : i32
    %swap3A_179 = arith.index_cast %swap3A_178 : i32 to index
    %swap3A_180 = arith.constant 0 : index
    %swap3A_181 = tpu.vector_load %arg6[%swap3A_179, %swap3A_180] {strides = array<i32>} : memref<8x64xi32, #tpu.memory_space<vmem>>, vector<16xi32>,
    tpu.vector_store %arg6[%swap3A_179, %swap3A_180], %add3A_177 {strides = array<i32>} : memref<8x64xi32, #tpu.memory_space<vmem>>, vector<16xi32>,
    %add3A_182 = arith.constant 1 : i32
    %add3A_183 = arith.addi %min3A_162, %add3A_182 : i32
    %broadcast_in_dim3A_184 = vector.broadcast %add3A_183 : i32 to vector<16xi32>
    %gather3A_185 = tpu.vector_load_idx %arg5[%broadcast_in_dim3A_184] : memref<976xi32, #tpu.memory_space<vmem>>[vector<16xi32>], vector<16xi32>,
    %mul3A_186 = arith.constant 68760 : i32
    %mul3A_187 = vector.broadcast %mul3A_186 : i32 to vector<16xi32>
    %mul3A_188 = arith.muli %gather3A_185, %mul3A_187 : vector<16xi32>
    %shift_right_logical3A_189 = arith.constant 22 : i32
    %shift_right_logical3A_190 = vector.broadcast %shift_right_logical3A_189 : i32 to vector<16xi32>
    %shift_right_logical3A_191 = arith.shrui %mul3A_188, %shift_right_logical3A_190 : vector<16xi32>
    %mul3A_192 = arith.constant 3 : i32
    %mul3A_193 = vector.broadcast %mul3A_192 : i32 to vector<16xi32>
    %mul3A_194 = arith.muli %mul3A_193, %shift_right_logical3A_191 : vector<16xi32>
    %add3A_195 = arith.addi %gather3A_185, %mul3A_194 : vector<16xi32>
    %add3A_196 = arith.addi %add3A_195, %add3A_55 : vector<16xi32>
    %swap3A_197 = arith.constant 1 : i32
    %swap3A_198 = arith.index_cast %swap3A_197 : i32 to index
    %swap3A_199 = arith.constant 16 : index
    %swap3A_200 = tpu.vector_load %arg6[%swap3A_198, %swap3A_199] {strides = array<i32>} : memref<8x64xi32, #tpu.memory_space<vmem>>, vector<16xi32>,
    tpu.vector_store %arg6[%swap3A_198, %swap3A_199], %add3A_196 {strides = array<i32>} : memref<8x64xi32, #tpu.memory_space<vmem>>, vector<16xi32>,
    %add3A_201 = arith.constant 2 : i32
    %add3A_202 = arith.addi %min3A_162, %add3A_201 : i32
    %broadcast_in_dim3A_203 = vector.broadcast %add3A_202 : i32 to vector<16xi32>
    %gather3A_204 = tpu.vector_load_idx %arg5[%broadcast_in_dim3A_203] : memref<976xi32, #tpu.memory_space<vmem>>[vector<16xi32>], vector<16xi32>,
    %mul3A_205 = arith.constant 68760 : i32
    %mul3A_206 = vector.broadcast %mul3A_205 : i32 to vector<16xi32>
    %mul3A_207 = arith.muli %gather3A_204, %mul3A_206 : vector<16xi32>
    %shift_right_logical3A_208 = arith.constant 22 : i32
    %shift_right_logical3A_209 = vector.broadcast %shift_right_logical3A_208 : i32 to vector<16xi32>
    %shift_right_logical3A_210 = arith.shrui %mul3A_207, %shift_right_logical3A_209 : vector<16xi32>
    %mul3A_211 = arith.constant 3 : i32
    %mul3A_212 = vector.broadcast %mul3A_211 : i32 to vector<16xi32>
    %mul3A_213 = arith.muli %mul3A_212, %shift_right_logical3A_210 : vector<16xi32>
    %add3A_214 = arith.addi %gather3A_204, %mul3A_213 : vector<16xi32>
    %add3A_215 = arith.addi %add3A_214, %add3A_55 : vector<16xi32>
    %swap3A_216 = arith.constant 1 : i32
    %swap3A_217 = arith.index_cast %swap3A_216 : i32 to index
    %swap3A_218 = arith.constant 32 : index
    %swap3A_219 = tpu.vector_load %arg6[%swap3A_217, %swap3A_218] {strides = array<i32>} : memref<8x64xi32, #tpu.memory_space<vmem>>, vector<16xi32>,
    tpu.vector_store %arg6[%swap3A_217, %swap3A_218], %add3A_215 {strides = array<i32>} : memref<8x64xi32, #tpu.memory_space<vmem>>, vector<16xi32>,
    %add3A_220 = arith.constant 3 : i32
    %add3A_221 = arith.addi %min3A_162, %add3A_220 : i32
    %broadcast_in_dim3A_222 = vector.broadcast %add3A_221 : i32 to vector<16xi32>
    %gather3A_223 = tpu.vector_load_idx %arg5[%broadcast_in_dim3A_222] : memref<976xi32, #tpu.memory_space<vmem>>[vector<16xi32>], vector<16xi32>,
    %mul3A_224 = arith.constant 68760 : i32
    %mul3A_225 = vector.broadcast %mul3A_224 : i32 to vector<16xi32>
    %mul3A_226 = arith.muli %gather3A_223, %mul3A_225 : vector<16xi32>
    %shift_right_logical3A_227 = arith.constant 22 : i32
    %shift_right_logical3A_228 = vector.broadcast %shift_right_logical3A_227 : i32 to vector<16xi32>
    %shift_right_logical3A_229 = arith.shrui %mul3A_226, %shift_right_logical3A_228 : vector<16xi32>
    %mul3A_230 = arith.constant 3 : i32
    %mul3A_231 = vector.broadcast %mul3A_230 : i32 to vector<16xi32>
    %mul3A_232 = arith.muli %mul3A_231, %shift_right_logical3A_229 : vector<16xi32>
    %add3A_233 = arith.addi %gather3A_223, %mul3A_232 : vector<16xi32>
    %add3A_234 = arith.addi %add3A_233, %add3A_55 : vector<16xi32>
    %swap3A_235 = arith.constant 1 : i32
    %swap3A_236 = arith.index_cast %swap3A_235 : i32 to index
    %swap3A_237 = arith.constant 48 : index
    %swap3A_238 = tpu.vector_load %arg6[%swap3A_236, %swap3A_237] {strides = array<i32>} : memref<8x64xi32, #tpu.memory_space<vmem>>, vector<16xi32>,
    tpu.vector_store %arg6[%swap3A_236, %swap3A_237], %add3A_234 {strides = array<i32>} : memref<8x64xi32, #tpu.memory_space<vmem>>, vector<16xi32>,
    %scan3A_239 = arith.constant 0 : i32
    %scan3A_240 = arith.constant 0 : i32
    %scan3A_241 = arith.constant 16 : i32
    %scan3A_242 = arith.addi %scan3A_240, %scan3A_241 : i32
    %scan3A_243 = arith.constant 1 : i32
    %scan3A_244 = scf.for %scan3A_1209 = %scan3A_240 to %scan3A_242 step %scan3A_243 iter_args(%scan3A_1210 = %scan3A_239) -> (i32)  : i32 {
      %mul3A_1211 = arith.constant 16 : i32
      %mul3A_1212 = arith.muli %scan3A_1209, %mul3A_1211 : i32
      %add3A_1213 = vector.broadcast %mul3A_1212 : i32 to vector<16xi32>
      %add3A_1214 = arith.addi %add3A_1213, %iota3A : vector<16xi32>
      %shift_right_logical3A_1215 = arith.constant 5 : i32
      %shift_right_logical3A_1216 = vector.broadcast %shift_right_logical3A_1215 : i32 to vector<16xi32>
      %shift_right_logical3A_1217 = arith.shrui %add3A_1214, %shift_right_logical3A_1216 : vector<16xi32>
      %shift_right_logical3A_1218 = arith.constant 3 : i32
      %shift_right_logical3A_1219 = vector.broadcast %shift_right_logical3A_1218 : i32 to vector<16xi32>
      %shift_right_logical3A_1220 = arith.shrui %add3A_1214, %shift_right_logical3A_1219 : vector<16xi32>
      %and3A_1221 = arith.constant 3 : i32
      %and3A_1222 = vector.broadcast %and3A_1221 : i32 to vector<16xi32>
      %and3A_1223 = arith.andi %shift_right_logical3A_1220, %and3A_1222 : vector<16xi32>
      %and3A_1224 = arith.constant 7 : i32
      %and3A_1225 = vector.broadcast %and3A_1224 : i32 to vector<16xi32>
      %and3A_1226 = arith.andi %add3A_1214, %and3A_1225 : vector<16xi32>
      %mul3A_1227 = arith.constant 8 : i32
      %mul3A_1228 = vector.broadcast %mul3A_1227 : i32 to vector<16xi32>
      %mul3A_1229 = arith.muli %shift_right_logical3A_1217, %mul3A_1228 : vector<16xi32>
      %add3A_1230 = arith.addi %mul3A_1229, %and3A_1226 : vector<16xi32>
      %broadcast_in_dim3A_1231 = arith.constant 1 : i32
      %broadcast_in_dim3A_1232 = vector.broadcast %broadcast_in_dim3A_1231 : i32 to vector<16xi32>
      %gather3A_1233 = tpu.vector_load_idx %arg6[%broadcast_in_dim3A_1232, %add3A_1230] : memref<8x64xi32, #tpu.memory_space<vmem>>[vector<16xi32>, vector<16xi32>], vector<16xi32>,
      %shift_right_logical3A_1234 = arith.constant 7 : i32
      %shift_right_logical3A_1235 = vector.broadcast %shift_right_logical3A_1234 : i32 to vector<16xi32>
      %shift_right_logical3A_1236 = arith.shrui %add3A_1214, %shift_right_logical3A_1235 : vector<16xi32>
      %and3A_1237 = arith.constant 127 : i32
      %and3A_1238 = vector.broadcast %and3A_1237 : i32 to vector<16xi32>
      %and3A_1239 = arith.andi %add3A_1214, %and3A_1238 : vector<16xi32>
      %add3A_1240 = arith.constant 2 : i32
      %add3A_1241 = vector.broadcast %add3A_1240 : i32 to vector<16xi32>
      %add3A_1242 = arith.addi %add3A_1241, %shift_right_logical3A_1236 : vector<16xi32>
      %mul3A_1243 = arith.constant 4 : i32
      %mul3A_1244 = vector.broadcast %mul3A_1243 : i32 to vector<16xi32>
      %mul3A_1245 = arith.muli %gather3A_1233, %mul3A_1244 : vector<16xi32>
      %add3A_1246 = arith.addi %mul3A_1245, %and3A_1223 : vector<16xi32>
      tpu.vector_store_idx %arg7[%add3A_1242, %and3A_1239], %add3A_1246 : memref<16x128xi32, #tpu.memory_space<vmem>>[vector<16xi32>, vector<16xi32>], vector<16xi32>,
      %scan3A_1247 = arith.constant 0 : i32
      scf.yield %scan3A_1247 : i32
    }
    %scan3A_245 = arith.constant 16 : i32
    %dma_start3A_246 = arith.constant 2 : i32
    %dma_start3A_247 = arith.constant 0 : i32
    %dma_start3A_248 = arith.constant 0 : i32
    %dma_start3A_249 = tpu.memref_slice %arg9[%dma_start3A_247, %dma_start3A_248] : memref<256x128xf32, #tpu.memory_space<vmem>> -> memref<128x128xf32, #tpu.memory_space<vmem>>
    %dma_start3A_250 = arith.constant 0 : i32
    %dma_start3A_251 = tpu.memref_slice %arg7[%dma_start3A_246, %dma_start3A_250] : memref<16x128xi32, #tpu.memory_space<vmem>> -> memref<1x128xi32, #tpu.memory_space<vmem>>
    %dma_start3A_252 = tpu.memref_squeeze %dma_start3A_251 : memref<1x128xi32, #tpu.memory_space<vmem>> -> memref<128xi32, #tpu.memory_space<vmem>>
    %dma_start3A_253 = arith.constant 0 : i32
    %dma_start3A_254 = arith.constant 0 : i32
    %dma_start3A_255 = tpu.memref_slice %arg2[%dma_start3A_253, %dma_start3A_254] : memref<16384x128xf32, #tpu.memory_space<hbm>> -> memref<16384x128xf32, #tpu.memory_space<hbm>>
    tpu.enqueue_indirect_dma source(%dma_start3A_255 : memref<16384x128xf32, #tpu.memory_space<hbm>>) target(%dma_start3A_249 : memref<128x128xf32, #tpu.memory_space<vmem>>) offsets(%dma_start3A_252 : memref<128xi32, #tpu.memory_space<vmem>>) semaphore(%arg12 : memref<!tpu.dma_semaphore, #tpu.memory_space<semaphore_mem>>)
    %dma_start3A_256 = arith.constant 3 : i32
    %dma_start3A_257 = arith.constant 128 : i32
    %dma_start3A_258 = arith.constant 0 : i32
    %dma_start3A_259 = tpu.memref_slice %arg9[%dma_start3A_257, %dma_start3A_258] : memref<256x128xf32, #tpu.memory_space<vmem>> -> memref<128x128xf32, #tpu.memory_space<vmem>>
    %dma_start3A_260 = arith.constant 0 : i32
    %dma_start3A_261 = tpu.memref_slice %arg7[%dma_start3A_256, %dma_start3A_260] : memref<16x128xi32, #tpu.memory_space<vmem>> -> memref<1x128xi32, #tpu.memory_space<vmem>>
    %dma_start3A_262 = tpu.memref_squeeze %dma_start3A_261 : memref<1x128xi32, #tpu.memory_space<vmem>> -> memref<128xi32, #tpu.memory_space<vmem>>
    %dma_start3A_263 = arith.constant 0 : i32
    %dma_start3A_264 = arith.constant 0 : i32
    %dma_start3A_265 = tpu.memref_slice %arg2[%dma_start3A_263, %dma_start3A_264] : memref<16384x128xf32, #tpu.memory_space<hbm>> -> memref<16384x128xf32, #tpu.memory_space<hbm>>
    tpu.enqueue_indirect_dma source(%dma_start3A_265 : memref<16384x128xf32, #tpu.memory_space<hbm>>) target(%dma_start3A_259 : memref<128x128xf32, #tpu.memory_space<vmem>>) offsets(%dma_start3A_262 : memref<128xi32, #tpu.memory_space<vmem>>) semaphore(%arg12 : memref<!tpu.dma_semaphore, #tpu.memory_space<semaphore_mem>>)
    %add3A_266 = arith.constant 8 : i32
    %add3A_267 = arith.addi %select_n3A, %add3A_266 : i32
    %sub3A_268 = arith.constant 4 : i32
    %sub3A_269 = arith.subi %select_n3A_46, %sub3A_268 : i32
    %min3A_270 = arith.minsi %add3A_267, %sub3A_269 : i32
    %add3A_271 = arith.constant 0 : i32
    %add3A_272 = arith.addi %min3A_270, %add3A_271 : i32
    %broadcast_in_dim3A_273 = vector.broadcast %add3A_272 : i32 to vector<16xi32>
    %gather3A_274 = tpu.vector_load_idx %arg5[%broadcast_in_dim3A_273] : memref<976xi32, #tpu.memory_space<vmem>>[vector<16xi32>], vector<16xi32>,
    %mul3A_275 = arith.constant 68760 : i32
    %mul3A_276 = vector.broadcast %mul3A_275 : i32 to vector<16xi32>
    %mul3A_277 = arith.muli %gather3A_274, %mul3A_276 : vector<16xi32>
    %shift_right_logical3A_278 = arith.constant 22 : i32
    %shift_right_logical3A_279 = vector.broadcast %shift_right_logical3A_278 : i32 to vector<16xi32>
    %shift_right_logical3A_280 = arith.shrui %mul3A_277, %shift_right_logical3A_279 : vector<16xi32>
    %mul3A_281 = arith.constant 3 : i32
    %mul3A_282 = vector.broadcast %mul3A_281 : i32 to vector<16xi32>
    %mul3A_283 = arith.muli %mul3A_282, %shift_right_logical3A_280 : vector<16xi32>
    %add3A_284 = arith.addi %gather3A_274, %mul3A_283 : vector<16xi32>
    %add3A_285 = arith.addi %add3A_284, %add3A_55 : vector<16xi32>
    %swap3A_286 = arith.constant 2 : i32
    %swap3A_287 = arith.index_cast %swap3A_286 : i32 to index
    %swap3A_288 = arith.constant 0 : index
    %swap3A_289 = tpu.vector_load %arg6[%swap3A_287, %swap3A_288] {strides = array<i32>} : memref<8x64xi32, #tpu.memory_space<vmem>>, vector<16xi32>,
    tpu.vector_store %arg6[%swap3A_287, %swap3A_288], %add3A_285 {strides = array<i32>} : memref<8x64xi32, #tpu.memory_space<vmem>>, vector<16xi32>,
    %add3A_290 = arith.constant 1 : i32
    %add3A_291 = arith.addi %min3A_270, %add3A_290 : i32
    %broadcast_in_dim3A_292 = vector.broadcast %add3A_291 : i32 to vector<16xi32>
    %gather3A_293 = tpu.vector_load_idx %arg5[%broadcast_in_dim3A_292] : memref<976xi32, #tpu.memory_space<vmem>>[vector<16xi32>], vector<16xi32>,
    %mul3A_294 = arith.constant 68760 : i32
    %mul3A_295 = vector.broadcast %mul3A_294 : i32 to vector<16xi32>
    %mul3A_296 = arith.muli %gather3A_293, %mul3A_295 : vector<16xi32>
    %shift_right_logical3A_297 = arith.constant 22 : i32
    %shift_right_logical3A_298 = vector.broadcast %shift_right_logical3A_297 : i32 to vector<16xi32>
    %shift_right_logical3A_299 = arith.shrui %mul3A_296, %shift_right_logical3A_298 : vector<16xi32>
    %mul3A_300 = arith.constant 3 : i32
    %mul3A_301 = vector.broadcast %mul3A_300 : i32 to vector<16xi32>
    %mul3A_302 = arith.muli %mul3A_301, %shift_right_logical3A_299 : vector<16xi32>
    %add3A_303 = arith.addi %gather3A_293, %mul3A_302 : vector<16xi32>
    %add3A_304 = arith.addi %add3A_303, %add3A_55 : vector<16xi32>
    %swap3A_305 = arith.constant 2 : i32
    %swap3A_306 = arith.index_cast %swap3A_305 : i32 to index
    %swap3A_307 = arith.constant 16 : index
    %swap3A_308 = tpu.vector_load %arg6[%swap3A_306, %swap3A_307] {strides = array<i32>} : memref<8x64xi32, #tpu.memory_space<vmem>>, vector<16xi32>,
    tpu.vector_store %arg6[%swap3A_306, %swap3A_307], %add3A_304 {strides = array<i32>} : memref<8x64xi32, #tpu.memory_space<vmem>>, vector<16xi32>,
    %add3A_309 = arith.constant 2 : i32
    %add3A_310 = arith.addi %min3A_270, %add3A_309 : i32
    %broadcast_in_dim3A_311 = vector.broadcast %add3A_310 : i32 to vector<16xi32>
    %gather3A_312 = tpu.vector_load_idx %arg5[%broadcast_in_dim3A_311] : memref<976xi32, #tpu.memory_space<vmem>>[vector<16xi32>], vector<16xi32>,
    %mul3A_313 = arith.constant 68760 : i32
    %mul3A_314 = vector.broadcast %mul3A_313 : i32 to vector<16xi32>
    %mul3A_315 = arith.muli %gather3A_312, %mul3A_314 : vector<16xi32>
    %shift_right_logical3A_316 = arith.constant 22 : i32
    %shift_right_logical3A_317 = vector.broadcast %shift_right_logical3A_316 : i32 to vector<16xi32>
    %shift_right_logical3A_318 = arith.shrui %mul3A_315, %shift_right_logical3A_317 : vector<16xi32>
    %mul3A_319 = arith.constant 3 : i32
    %mul3A_320 = vector.broadcast %mul3A_319 : i32 to vector<16xi32>
    %mul3A_321 = arith.muli %mul3A_320, %shift_right_logical3A_318 : vector<16xi32>
    %add3A_322 = arith.addi %gather3A_312, %mul3A_321 : vector<16xi32>
    %add3A_323 = arith.addi %add3A_322, %add3A_55 : vector<16xi32>
    %swap3A_324 = arith.constant 2 : i32
    %swap3A_325 = arith.index_cast %swap3A_324 : i32 to index
    %swap3A_326 = arith.constant 32 : index
    %swap3A_327 = tpu.vector_load %arg6[%swap3A_325, %swap3A_326] {strides = array<i32>} : memref<8x64xi32, #tpu.memory_space<vmem>>, vector<16xi32>,
    tpu.vector_store %arg6[%swap3A_325, %swap3A_326], %add3A_323 {strides = array<i32>} : memref<8x64xi32, #tpu.memory_space<vmem>>, vector<16xi32>,
    %add3A_328 = arith.constant 3 : i32
    %add3A_329 = arith.addi %min3A_270, %add3A_328 : i32
    %broadcast_in_dim3A_330 = vector.broadcast %add3A_329 : i32 to vector<16xi32>
    %gather3A_331 = tpu.vector_load_idx %arg5[%broadcast_in_dim3A_330] : memref<976xi32, #tpu.memory_space<vmem>>[vector<16xi32>], vector<16xi32>,
    %mul3A_332 = arith.constant 68760 : i32
    %mul3A_333 = vector.broadcast %mul3A_332 : i32 to vector<16xi32>
    %mul3A_334 = arith.muli %gather3A_331, %mul3A_333 : vector<16xi32>
    %shift_right_logical3A_335 = arith.constant 22 : i32
    %shift_right_logical3A_336 = vector.broadcast %shift_right_logical3A_335 : i32 to vector<16xi32>
    %shift_right_logical3A_337 = arith.shrui %mul3A_334, %shift_right_logical3A_336 : vector<16xi32>
    %mul3A_338 = arith.constant 3 : i32
    %mul3A_339 = vector.broadcast %mul3A_338 : i32 to vector<16xi32>
    %mul3A_340 = arith.muli %mul3A_339, %shift_right_logical3A_337 : vector<16xi32>
    %add3A_341 = arith.addi %gather3A_331, %mul3A_340 : vector<16xi32>
    %add3A_342 = arith.addi %add3A_341, %add3A_55 : vector<16xi32>
    %swap3A_343 = arith.constant 2 : i32
    %swap3A_344 = arith.index_cast %swap3A_343 : i32 to index
    %swap3A_345 = arith.constant 48 : index
    %swap3A_346 = tpu.vector_load %arg6[%swap3A_344, %swap3A_345] {strides = array<i32>} : memref<8x64xi32, #tpu.memory_space<vmem>>, vector<16xi32>,
    tpu.vector_store %arg6[%swap3A_344, %swap3A_345], %add3A_342 {strides = array<i32>} : memref<8x64xi32, #tpu.memory_space<vmem>>, vector<16xi32>,
    %scan3A_347 = arith.constant 0 : i32
    %scan3A_348 = arith.constant 0 : i32
    %scan3A_349 = arith.constant 16 : i32
    %scan3A_350 = arith.addi %scan3A_348, %scan3A_349 : i32
    %scan3A_351 = arith.constant 1 : i32
    %scan3A_352 = scf.for %scan3A_1209 = %scan3A_348 to %scan3A_350 step %scan3A_351 iter_args(%scan3A_1210 = %scan3A_347) -> (i32)  : i32 {
      %mul3A_1211 = arith.constant 16 : i32
      %mul3A_1212 = arith.muli %scan3A_1209, %mul3A_1211 : i32
      %add3A_1213 = vector.broadcast %mul3A_1212 : i32 to vector<16xi32>
      %add3A_1214 = arith.addi %add3A_1213, %iota3A : vector<16xi32>
      %shift_right_logical3A_1215 = arith.constant 5 : i32
      %shift_right_logical3A_1216 = vector.broadcast %shift_right_logical3A_1215 : i32 to vector<16xi32>
      %shift_right_logical3A_1217 = arith.shrui %add3A_1214, %shift_right_logical3A_1216 : vector<16xi32>
      %shift_right_logical3A_1218 = arith.constant 3 : i32
      %shift_right_logical3A_1219 = vector.broadcast %shift_right_logical3A_1218 : i32 to vector<16xi32>
      %shift_right_logical3A_1220 = arith.shrui %add3A_1214, %shift_right_logical3A_1219 : vector<16xi32>
      %and3A_1221 = arith.constant 3 : i32
      %and3A_1222 = vector.broadcast %and3A_1221 : i32 to vector<16xi32>
      %and3A_1223 = arith.andi %shift_right_logical3A_1220, %and3A_1222 : vector<16xi32>
      %and3A_1224 = arith.constant 7 : i32
      %and3A_1225 = vector.broadcast %and3A_1224 : i32 to vector<16xi32>
      %and3A_1226 = arith.andi %add3A_1214, %and3A_1225 : vector<16xi32>
      %mul3A_1227 = arith.constant 8 : i32
      %mul3A_1228 = vector.broadcast %mul3A_1227 : i32 to vector<16xi32>
      %mul3A_1229 = arith.muli %shift_right_logical3A_1217, %mul3A_1228 : vector<16xi32>
      %add3A_1230 = arith.addi %mul3A_1229, %and3A_1226 : vector<16xi32>
      %broadcast_in_dim3A_1231 = arith.constant 2 : i32
      %broadcast_in_dim3A_1232 = vector.broadcast %broadcast_in_dim3A_1231 : i32 to vector<16xi32>
      %gather3A_1233 = tpu.vector_load_idx %arg6[%broadcast_in_dim3A_1232, %add3A_1230] : memref<8x64xi32, #tpu.memory_space<vmem>>[vector<16xi32>, vector<16xi32>], vector<16xi32>,
      %shift_right_logical3A_1234 = arith.constant 7 : i32
      %shift_right_logical3A_1235 = vector.broadcast %shift_right_logical3A_1234 : i32 to vector<16xi32>
      %shift_right_logical3A_1236 = arith.shrui %add3A_1214, %shift_right_logical3A_1235 : vector<16xi32>
      %and3A_1237 = arith.constant 127 : i32
      %and3A_1238 = vector.broadcast %and3A_1237 : i32 to vector<16xi32>
      %and3A_1239 = arith.andi %add3A_1214, %and3A_1238 : vector<16xi32>
      %add3A_1240 = arith.constant 4 : i32
      %add3A_1241 = vector.broadcast %add3A_1240 : i32 to vector<16xi32>
      %add3A_1242 = arith.addi %add3A_1241, %shift_right_logical3A_1236 : vector<16xi32>
      %mul3A_1243 = arith.constant 4 : i32
      %mul3A_1244 = vector.broadcast %mul3A_1243 : i32 to vector<16xi32>
      %mul3A_1245 = arith.muli %gather3A_1233, %mul3A_1244 : vector<16xi32>
      %add3A_1246 = arith.addi %mul3A_1245, %and3A_1223 : vector<16xi32>
      tpu.vector_store_idx %arg7[%add3A_1242, %and3A_1239], %add3A_1246 : memref<16x128xi32, #tpu.memory_space<vmem>>[vector<16xi32>, vector<16xi32>], vector<16xi32>,
      %scan3A_1247 = arith.constant 0 : i32
      scf.yield %scan3A_1247 : i32
    }
    %scan3A_353 = arith.constant 16 : i32
    %dma_start3A_354 = arith.constant 4 : i32
    %dma_start3A_355 = arith.constant 0 : i32
    %dma_start3A_356 = arith.constant 0 : i32
    %dma_start3A_357 = tpu.memref_slice %arg10[%dma_start3A_355, %dma_start3A_356] : memref<256x128xf32, #tpu.memory_space<vmem>> -> memref<128x128xf32, #tpu.memory_space<vmem>>
    %dma_start3A_358 = arith.constant 0 : i32
    %dma_start3A_359 = tpu.memref_slice %arg7[%dma_start3A_354, %dma_start3A_358] : memref<16x128xi32, #tpu.memory_space<vmem>> -> memref<1x128xi32, #tpu.memory_space<vmem>>
    %dma_start3A_360 = tpu.memref_squeeze %dma_start3A_359 : memref<1x128xi32, #tpu.memory_space<vmem>> -> memref<128xi32, #tpu.memory_space<vmem>>
    %dma_start3A_361 = arith.constant 0 : i32
    %dma_start3A_362 = arith.constant 0 : i32
    %dma_start3A_363 = tpu.memref_slice %arg2[%dma_start3A_361, %dma_start3A_362] : memref<16384x128xf32, #tpu.memory_space<hbm>> -> memref<16384x128xf32, #tpu.memory_space<hbm>>
    tpu.enqueue_indirect_dma source(%dma_start3A_363 : memref<16384x128xf32, #tpu.memory_space<hbm>>) target(%dma_start3A_357 : memref<128x128xf32, #tpu.memory_space<vmem>>) offsets(%dma_start3A_360 : memref<128xi32, #tpu.memory_space<vmem>>) semaphore(%arg13 : memref<!tpu.dma_semaphore, #tpu.memory_space<semaphore_mem>>)
    %dma_start3A_364 = arith.constant 5 : i32
    %dma_start3A_365 = arith.constant 128 : i32
    %dma_start3A_366 = arith.constant 0 : i32
    %dma_start3A_367 = tpu.memref_slice %arg10[%dma_start3A_365, %dma_start3A_366] : memref<256x128xf32, #tpu.memory_space<vmem>> -> memref<128x128xf32, #tpu.memory_space<vmem>>
    %dma_start3A_368 = arith.constant 0 : i32
    %dma_start3A_369 = tpu.memref_slice %arg7[%dma_start3A_364, %dma_start3A_368] : memref<16x128xi32, #tpu.memory_space<vmem>> -> memref<1x128xi32, #tpu.memory_space<vmem>>
    %dma_start3A_370 = tpu.memref_squeeze %dma_start3A_369 : memref<1x128xi32, #tpu.memory_space<vmem>> -> memref<128xi32, #tpu.memory_space<vmem>>
    %dma_start3A_371 = arith.constant 0 : i32
    %dma_start3A_372 = arith.constant 0 : i32
    %dma_start3A_373 = tpu.memref_slice %arg2[%dma_start3A_371, %dma_start3A_372] : memref<16384x128xf32, #tpu.memory_space<hbm>> -> memref<16384x128xf32, #tpu.memory_space<hbm>>
    tpu.enqueue_indirect_dma source(%dma_start3A_373 : memref<16384x128xf32, #tpu.memory_space<hbm>>) target(%dma_start3A_367 : memref<128x128xf32, #tpu.memory_space<vmem>>) offsets(%dma_start3A_370 : memref<128xi32, #tpu.memory_space<vmem>>) semaphore(%arg13 : memref<!tpu.dma_semaphore, #tpu.memory_space<semaphore_mem>>)
    %dma_wait3A = arith.constant 0 : i32
    %dma_wait3A_374 = arith.constant 0 : i32
    %dma_wait3A_375 = arith.constant 0 : i32
    %dma_wait3A_376 = tpu.memref_slice %arg8[%dma_wait3A_374, %dma_wait3A_375] : memref<256x128xf32, #tpu.memory_space<vmem>> -> memref<128x128xf32, #tpu.memory_space<vmem>>
    %dma_wait3A_377 = arith.constant 0 : i32
    %dma_wait3A_378 = tpu.memref_slice %arg7[%dma_wait3A, %dma_wait3A_377] : memref<16x128xi32, #tpu.memory_space<vmem>> -> memref<1x128xi32, #tpu.memory_space<vmem>>
    %dma_wait3A_379 = tpu.memref_squeeze %dma_wait3A_378 : memref<1x128xi32, #tpu.memory_space<vmem>> -> memref<128xi32, #tpu.memory_space<vmem>>
    %dma_wait3A_380 = arith.constant 0 : i32
    %dma_wait3A_381 = arith.constant 0 : i32
    %dma_wait3A_382 = tpu.memref_slice %arg2[%dma_wait3A_380, %dma_wait3A_381] : memref<16384x128xf32, #tpu.memory_space<hbm>> -> memref<16384x128xf32, #tpu.memory_space<hbm>>
    tpu.wait_indirect_dma semaphore(%arg11 : memref<!tpu.dma_semaphore, #tpu.memory_space<semaphore_mem>>) src(%dma_wait3A_382 : memref<16384x128xf32, #tpu.memory_space<hbm>>) dst(%dma_wait3A_376 : memref<128x128xf32, #tpu.memory_space<vmem>>)
    %dma_wait3A_383 = arith.constant 1 : i32
    %dma_wait3A_384 = arith.constant 128 : i32
    %dma_wait3A_385 = arith.constant 0 : i32
    %dma_wait3A_386 = tpu.memref_slice %arg8[%dma_wait3A_384, %dma_wait3A_385] : memref<256x128xf32, #tpu.memory_space<vmem>> -> memref<128x128xf32, #tpu.memory_space<vmem>>
    %dma_wait3A_387 = arith.constant 0 : i32
    %dma_wait3A_388 = tpu.memref_slice %arg7[%dma_wait3A_383, %dma_wait3A_387] : memref<16x128xi32, #tpu.memory_space<vmem>> -> memref<1x128xi32, #tpu.memory_space<vmem>>
    %dma_wait3A_389 = tpu.memref_squeeze %dma_wait3A_388 : memref<1x128xi32, #tpu.memory_space<vmem>> -> memref<128xi32, #tpu.memory_space<vmem>>
    %dma_wait3A_390 = arith.constant 0 : i32
    %dma_wait3A_391 = arith.constant 0 : i32
    %dma_wait3A_392 = tpu.memref_slice %arg2[%dma_wait3A_390, %dma_wait3A_391] : memref<16384x128xf32, #tpu.memory_space<hbm>> -> memref<16384x128xf32, #tpu.memory_space<hbm>>
    tpu.wait_indirect_dma semaphore(%arg11 : memref<!tpu.dma_semaphore, #tpu.memory_space<semaphore_mem>>) src(%dma_wait3A_392 : memref<16384x128xf32, #tpu.memory_space<hbm>>) dst(%dma_wait3A_386 : memref<128x128xf32, #tpu.memory_space<vmem>>)
    %add3A_393 = arith.constant 0 : i32
    %add3A_394 = arith.addi %select_n3A, %add3A_393 : i32
    %sub3A_395 = arith.constant 4 : i32
    %sub3A_396 = arith.subi %select_n3A_46, %sub3A_395 : i32
    %min3A_397 = arith.minsi %add3A_394, %sub3A_396 : i32
    %mul3A_398 = arith.constant 2 : i32
    %mul3A_399 = arith.muli %min3A_397, %mul3A_398 : i32
    %mul3A_400 = arith.constant 32 : i32
    %mul3A_401 = arith.muli %mul3A_399, %mul3A_400 : i32
    %dma_start3A_402 = arith.constant 0 : i32
    %dma_start3A_403 = tpu.memref_slice %arg4[%mul3A_401, %dma_start3A_402] : memref<61504x128xf32, #tpu.memory_space<hbm>> -> memref<256x128xf32, #tpu.memory_space<hbm>>
    %dma_start3A_404 = arith.constant 0 : i32
    %dma_start3A_405 = tpu.memref_slice %arg4[%mul3A_401, %dma_start3A_404] : memref<61504x128xf32, #tpu.memory_space<hbm>> -> memref<256x128xf32, #tpu.memory_space<hbm>>
    tpu.enqueue_dma source(%arg8 : memref<256x128xf32, #tpu.memory_space<vmem>>) target(%dma_start3A_405 : memref<256x128xf32, #tpu.memory_space<hbm>>) target_semaphore(%arg14 : memref<!tpu.dma_semaphore, #tpu.memory_space<semaphore_mem>>)
    %dma_wait3A_406 = arith.constant 0 : i32
    %dma_wait3A_407 = tpu.memref_slice %arg4[%mul3A_401, %dma_wait3A_406] : memref<61504x128xf32, #tpu.memory_space<hbm>> -> memref<256x128xf32, #tpu.memory_space<hbm>>
    %dma_wait3A_408 = arith.constant 0 : i32
    %dma_wait3A_409 = tpu.memref_slice %arg4[%mul3A_401, %dma_wait3A_408] : memref<61504x128xf32, #tpu.memory_space<hbm>> -> memref<256x128xf32, #tpu.memory_space<hbm>>
    tpu.wait_dma2 semaphore(%arg14 : memref<!tpu.dma_semaphore, #tpu.memory_space<semaphore_mem>>) src(%arg8 : memref<256x128xf32, #tpu.memory_space<vmem>>) dst(%dma_wait3A_409 : memref<256x128xf32, #tpu.memory_space<hbm>>)
    %add3A_410 = arith.constant 12 : i32
    %add3A_411 = arith.addi %select_n3A, %add3A_410 : i32
    %sub3A_412 = arith.constant 4 : i32
    %sub3A_413 = arith.subi %select_n3A_46, %sub3A_412 : i32
    %min3A_414 = arith.minsi %add3A_411, %sub3A_413 : i32
    %add3A_415 = arith.constant 0 : i32
    %add3A_416 = arith.addi %min3A_414, %add3A_415 : i32
    %broadcast_in_dim3A_417 = vector.broadcast %add3A_416 : i32 to vector<16xi32>
    %gather3A_418 = tpu.vector_load_idx %arg5[%broadcast_in_dim3A_417] : memref<976xi32, #tpu.memory_space<vmem>>[vector<16xi32>], vector<16xi32>,
    %mul3A_419 = arith.constant 68760 : i32
    %mul3A_420 = vector.broadcast %mul3A_419 : i32 to vector<16xi32>
    %mul3A_421 = arith.muli %gather3A_418, %mul3A_420 : vector<16xi32>
    %shift_right_logical3A_422 = arith.constant 22 : i32
    %shift_right_logical3A_423 = vector.broadcast %shift_right_logical3A_422 : i32 to vector<16xi32>
    %shift_right_logical3A_424 = arith.shrui %mul3A_421, %shift_right_logical3A_423 : vector<16xi32>
    %mul3A_425 = arith.constant 3 : i32
    %mul3A_426 = vector.broadcast %mul3A_425 : i32 to vector<16xi32>
    %mul3A_427 = arith.muli %mul3A_426, %shift_right_logical3A_424 : vector<16xi32>
    %add3A_428 = arith.addi %gather3A_418, %mul3A_427 : vector<16xi32>
    %add3A_429 = arith.addi %add3A_428, %add3A_55 : vector<16xi32>
    %swap3A_430 = arith.constant 3 : i32
    %swap3A_431 = arith.index_cast %swap3A_430 : i32 to index
    %swap3A_432 = arith.constant 0 : index
    %swap3A_433 = tpu.vector_load %arg6[%swap3A_431, %swap3A_432] {strides = array<i32>} : memref<8x64xi32, #tpu.memory_space<vmem>>, vector<16xi32>,
    tpu.vector_store %arg6[%swap3A_431, %swap3A_432], %add3A_429 {strides = array<i32>} : memref<8x64xi32, #tpu.memory_space<vmem>>, vector<16xi32>,
    %add3A_434 = arith.constant 1 : i32
    %add3A_435 = arith.addi %min3A_414, %add3A_434 : i32
    %broadcast_in_dim3A_436 = vector.broadcast %add3A_435 : i32 to vector<16xi32>
    %gather3A_437 = tpu.vector_load_idx %arg5[%broadcast_in_dim3A_436] : memref<976xi32, #tpu.memory_space<vmem>>[vector<16xi32>], vector<16xi32>,
    %mul3A_438 = arith.constant 68760 : i32
    %mul3A_439 = vector.broadcast %mul3A_438 : i32 to vector<16xi32>
    %mul3A_440 = arith.muli %gather3A_437, %mul3A_439 : vector<16xi32>
    %shift_right_logical3A_441 = arith.constant 22 : i32
    %shift_right_logical3A_442 = vector.broadcast %shift_right_logical3A_441 : i32 to vector<16xi32>
    %shift_right_logical3A_443 = arith.shrui %mul3A_440, %shift_right_logical3A_442 : vector<16xi32>
    %mul3A_444 = arith.constant 3 : i32
    %mul3A_445 = vector.broadcast %mul3A_444 : i32 to vector<16xi32>
    %mul3A_446 = arith.muli %mul3A_445, %shift_right_logical3A_443 : vector<16xi32>
    %add3A_447 = arith.addi %gather3A_437, %mul3A_446 : vector<16xi32>
    %add3A_448 = arith.addi %add3A_447, %add3A_55 : vector<16xi32>
    %swap3A_449 = arith.constant 3 : i32
    %swap3A_450 = arith.index_cast %swap3A_449 : i32 to index
    %swap3A_451 = arith.constant 16 : index
    %swap3A_452 = tpu.vector_load %arg6[%swap3A_450, %swap3A_451] {strides = array<i32>} : memref<8x64xi32, #tpu.memory_space<vmem>>, vector<16xi32>,
    tpu.vector_store %arg6[%swap3A_450, %swap3A_451], %add3A_448 {strides = array<i32>} : memref<8x64xi32, #tpu.memory_space<vmem>>, vector<16xi32>,
    %add3A_453 = arith.constant 2 : i32
    %add3A_454 = arith.addi %min3A_414, %add3A_453 : i32
    %broadcast_in_dim3A_455 = vector.broadcast %add3A_454 : i32 to vector<16xi32>
    %gather3A_456 = tpu.vector_load_idx %arg5[%broadcast_in_dim3A_455] : memref<976xi32, #tpu.memory_space<vmem>>[vector<16xi32>], vector<16xi32>,
    %mul3A_457 = arith.constant 68760 : i32
    %mul3A_458 = vector.broadcast %mul3A_457 : i32 to vector<16xi32>
    %mul3A_459 = arith.muli %gather3A_456, %mul3A_458 : vector<16xi32>
    %shift_right_logical3A_460 = arith.constant 22 : i32
    %shift_right_logical3A_461 = vector.broadcast %shift_right_logical3A_460 : i32 to vector<16xi32>
    %shift_right_logical3A_462 = arith.shrui %mul3A_459, %shift_right_logical3A_461 : vector<16xi32>
    %mul3A_463 = arith.constant 3 : i32
    %mul3A_464 = vector.broadcast %mul3A_463 : i32 to vector<16xi32>
    %mul3A_465 = arith.muli %mul3A_464, %shift_right_logical3A_462 : vector<16xi32>
    %add3A_466 = arith.addi %gather3A_456, %mul3A_465 : vector<16xi32>
    %add3A_467 = arith.addi %add3A_466, %add3A_55 : vector<16xi32>
    %swap3A_468 = arith.constant 3 : i32
    %swap3A_469 = arith.index_cast %swap3A_468 : i32 to index
    %swap3A_470 = arith.constant 32 : index
    %swap3A_471 = tpu.vector_load %arg6[%swap3A_469, %swap3A_470] {strides = array<i32>} : memref<8x64xi32, #tpu.memory_space<vmem>>, vector<16xi32>,
    tpu.vector_store %arg6[%swap3A_469, %swap3A_470], %add3A_467 {strides = array<i32>} : memref<8x64xi32, #tpu.memory_space<vmem>>, vector<16xi32>,
    %add3A_472 = arith.constant 3 : i32
    %add3A_473 = arith.addi %min3A_414, %add3A_472 : i32
    %broadcast_in_dim3A_474 = vector.broadcast %add3A_473 : i32 to vector<16xi32>
    %gather3A_475 = tpu.vector_load_idx %arg5[%broadcast_in_dim3A_474] : memref<976xi32, #tpu.memory_space<vmem>>[vector<16xi32>], vector<16xi32>,
    %mul3A_476 = arith.constant 68760 : i32
    %mul3A_477 = vector.broadcast %mul3A_476 : i32 to vector<16xi32>
    %mul3A_478 = arith.muli %gather3A_475, %mul3A_477 : vector<16xi32>
    %shift_right_logical3A_479 = arith.constant 22 : i32
    %shift_right_logical3A_480 = vector.broadcast %shift_right_logical3A_479 : i32 to vector<16xi32>
    %shift_right_logical3A_481 = arith.shrui %mul3A_478, %shift_right_logical3A_480 : vector<16xi32>
    %mul3A_482 = arith.constant 3 : i32
    %mul3A_483 = vector.broadcast %mul3A_482 : i32 to vector<16xi32>
    %mul3A_484 = arith.muli %mul3A_483, %shift_right_logical3A_481 : vector<16xi32>
    %add3A_485 = arith.addi %gather3A_475, %mul3A_484 : vector<16xi32>
    %add3A_486 = arith.addi %add3A_485, %add3A_55 : vector<16xi32>
    %swap3A_487 = arith.constant 3 : i32
    %swap3A_488 = arith.index_cast %swap3A_487 : i32 to index
    %swap3A_489 = arith.constant 48 : index
    %swap3A_490 = tpu.vector_load %arg6[%swap3A_488, %swap3A_489] {strides = array<i32>} : memref<8x64xi32, #tpu.memory_space<vmem>>, vector<16xi32>,
    tpu.vector_store %arg6[%swap3A_488, %swap3A_489], %add3A_486 {strides = array<i32>} : memref<8x64xi32, #tpu.memory_space<vmem>>, vector<16xi32>,
    %scan3A_491 = arith.constant 0 : i32
    %scan3A_492 = arith.constant 0 : i32
    %scan3A_493 = arith.constant 16 : i32
    %scan3A_494 = arith.addi %scan3A_492, %scan3A_493 : i32
    %scan3A_495 = arith.constant 1 : i32
    %scan3A_496 = scf.for %scan3A_1209 = %scan3A_492 to %scan3A_494 step %scan3A_495 iter_args(%scan3A_1210 = %scan3A_491) -> (i32)  : i32 {
      %mul3A_1211 = arith.constant 16 : i32
      %mul3A_1212 = arith.muli %scan3A_1209, %mul3A_1211 : i32
      %add3A_1213 = vector.broadcast %mul3A_1212 : i32 to vector<16xi32>
      %add3A_1214 = arith.addi %add3A_1213, %iota3A : vector<16xi32>
      %shift_right_logical3A_1215 = arith.constant 5 : i32
      %shift_right_logical3A_1216 = vector.broadcast %shift_right_logical3A_1215 : i32 to vector<16xi32>
      %shift_right_logical3A_1217 = arith.shrui %add3A_1214, %shift_right_logical3A_1216 : vector<16xi32>
      %shift_right_logical3A_1218 = arith.constant 3 : i32
      %shift_right_logical3A_1219 = vector.broadcast %shift_right_logical3A_1218 : i32 to vector<16xi32>
      %shift_right_logical3A_1220 = arith.shrui %add3A_1214, %shift_right_logical3A_1219 : vector<16xi32>
      %and3A_1221 = arith.constant 3 : i32
      %and3A_1222 = vector.broadcast %and3A_1221 : i32 to vector<16xi32>
      %and3A_1223 = arith.andi %shift_right_logical3A_1220, %and3A_1222 : vector<16xi32>
      %and3A_1224 = arith.constant 7 : i32
      %and3A_1225 = vector.broadcast %and3A_1224 : i32 to vector<16xi32>
      %and3A_1226 = arith.andi %add3A_1214, %and3A_1225 : vector<16xi32>
      %mul3A_1227 = arith.constant 8 : i32
      %mul3A_1228 = vector.broadcast %mul3A_1227 : i32 to vector<16xi32>
      %mul3A_1229 = arith.muli %shift_right_logical3A_1217, %mul3A_1228 : vector<16xi32>
      %add3A_1230 = arith.addi %mul3A_1229, %and3A_1226 : vector<16xi32>
      %broadcast_in_dim3A_1231 = arith.constant 3 : i32
      %broadcast_in_dim3A_1232 = vector.broadcast %broadcast_in_dim3A_1231 : i32 to vector<16xi32>
      %gather3A_1233 = tpu.vector_load_idx %arg6[%broadcast_in_dim3A_1232, %add3A_1230] : memref<8x64xi32, #tpu.memory_space<vmem>>[vector<16xi32>, vector<16xi32>], vector<16xi32>,
      %shift_right_logical3A_1234 = arith.constant 7 : i32
      %shift_right_logical3A_1235 = vector.broadcast %shift_right_logical3A_1234 : i32 to vector<16xi32>
      %shift_right_logical3A_1236 = arith.shrui %add3A_1214, %shift_right_logical3A_1235 : vector<16xi32>
      %and3A_1237 = arith.constant 127 : i32
      %and3A_1238 = vector.broadcast %and3A_1237 : i32 to vector<16xi32>
      %and3A_1239 = arith.andi %add3A_1214, %and3A_1238 : vector<16xi32>
      %add3A_1240 = arith.constant 6 : i32
      %add3A_1241 = vector.broadcast %add3A_1240 : i32 to vector<16xi32>
      %add3A_1242 = arith.addi %add3A_1241, %shift_right_logical3A_1236 : vector<16xi32>
      %mul3A_1243 = arith.constant 4 : i32
      %mul3A_1244 = vector.broadcast %mul3A_1243 : i32 to vector<16xi32>
      %mul3A_1245 = arith.muli %gather3A_1233, %mul3A_1244 : vector<16xi32>
      %add3A_1246 = arith.addi %mul3A_1245, %and3A_1223 : vector<16xi32>
      tpu.vector_store_idx %arg7[%add3A_1242, %and3A_1239], %add3A_1246 : memref<16x128xi32, #tpu.memory_space<vmem>>[vector<16xi32>, vector<16xi32>], vector<16xi32>,
      %scan3A_1247 = arith.constant 0 : i32
      scf.yield %scan3A_1247 : i32
    }
    %scan3A_497 = arith.constant 16 : i32
    %dma_start3A_498 = arith.constant 6 : i32
    %dma_start3A_499 = arith.constant 0 : i32
    %dma_start3A_500 = arith.constant 0 : i32
    %dma_start3A_501 = tpu.memref_slice %arg8[%dma_start3A_499, %dma_start3A_500] : memref<256x128xf32, #tpu.memory_space<vmem>> -> memref<128x128xf32, #tpu.memory_space<vmem>>
    %dma_start3A_502 = arith.constant 0 : i32
    %dma_start3A_503 = tpu.memref_slice %arg7[%dma_start3A_498, %dma_start3A_502] : memref<16x128xi32, #tpu.memory_space<vmem>> -> memref<1x128xi32, #tpu.memory_space<vmem>>
    %dma_start3A_504 = tpu.memref_squeeze %dma_start3A_503 : memref<1x128xi32, #tpu.memory_space<vmem>> -> memref<128xi32, #tpu.memory_space<vmem>>
    %dma_start3A_505 = arith.constant 0 : i32
    %dma_start3A_506 = arith.constant 0 : i32
    %dma_start3A_507 = tpu.memref_slice %arg2[%dma_start3A_505, %dma_start3A_506] : memref<16384x128xf32, #tpu.memory_space<hbm>> -> memref<16384x128xf32, #tpu.memory_space<hbm>>
    tpu.enqueue_indirect_dma source(%dma_start3A_507 : memref<16384x128xf32, #tpu.memory_space<hbm>>) target(%dma_start3A_501 : memref<128x128xf32, #tpu.memory_space<vmem>>) offsets(%dma_start3A_504 : memref<128xi32, #tpu.memory_space<vmem>>) semaphore(%arg11 : memref<!tpu.dma_semaphore, #tpu.memory_space<semaphore_mem>>)
    %dma_start3A_508 = arith.constant 7 : i32
    %dma_start3A_509 = arith.constant 128 : i32
    %dma_start3A_510 = arith.constant 0 : i32
    %dma_start3A_511 = tpu.memref_slice %arg8[%dma_start3A_509, %dma_start3A_510] : memref<256x128xf32, #tpu.memory_space<vmem>> -> memref<128x128xf32, #tpu.memory_space<vmem>>
    %dma_start3A_512 = arith.constant 0 : i32
    %dma_start3A_513 = tpu.memref_slice %arg7[%dma_start3A_508, %dma_start3A_512] : memref<16x128xi32, #tpu.memory_space<vmem>> -> memref<1x128xi32, #tpu.memory_space<vmem>>
    %dma_start3A_514 = tpu.memref_squeeze %dma_start3A_513 : memref<1x128xi32, #tpu.memory_space<vmem>> -> memref<128xi32, #tpu.memory_space<vmem>>
    %dma_start3A_515 = arith.constant 0 : i32
    %dma_start3A_516 = arith.constant 0 : i32
    %dma_start3A_517 = tpu.memref_slice %arg2[%dma_start3A_515, %dma_start3A_516] : memref<16384x128xf32, #tpu.memory_space<hbm>> -> memref<16384x128xf32, #tpu.memory_space<hbm>>
    tpu.enqueue_indirect_dma source(%dma_start3A_517 : memref<16384x128xf32, #tpu.memory_space<hbm>>) target(%dma_start3A_511 : memref<128x128xf32, #tpu.memory_space<vmem>>) offsets(%dma_start3A_514 : memref<128xi32, #tpu.memory_space<vmem>>) semaphore(%arg11 : memref<!tpu.dma_semaphore, #tpu.memory_space<semaphore_mem>>)
    %dma_wait3A_518 = arith.constant 2 : i32
    %dma_wait3A_519 = arith.constant 0 : i32
    %dma_wait3A_520 = arith.constant 0 : i32
    %dma_wait3A_521 = tpu.memref_slice %arg9[%dma_wait3A_519, %dma_wait3A_520] : memref<256x128xf32, #tpu.memory_space<vmem>> -> memref<128x128xf32, #tpu.memory_space<vmem>>
    %dma_wait3A_522 = arith.constant 0 : i32
    %dma_wait3A_523 = tpu.memref_slice %arg7[%dma_wait3A_518, %dma_wait3A_522] : memref<16x128xi32, #tpu.memory_space<vmem>> -> memref<1x128xi32, #tpu.memory_space<vmem>>
    %dma_wait3A_524 = tpu.memref_squeeze %dma_wait3A_523 : memref<1x128xi32, #tpu.memory_space<vmem>> -> memref<128xi32, #tpu.memory_space<vmem>>
    %dma_wait3A_525 = arith.constant 0 : i32
    %dma_wait3A_526 = arith.constant 0 : i32
    %dma_wait3A_527 = tpu.memref_slice %arg2[%dma_wait3A_525, %dma_wait3A_526] : memref<16384x128xf32, #tpu.memory_space<hbm>> -> memref<16384x128xf32, #tpu.memory_space<hbm>>
    tpu.wait_indirect_dma semaphore(%arg12 : memref<!tpu.dma_semaphore, #tpu.memory_space<semaphore_mem>>) src(%dma_wait3A_527 : memref<16384x128xf32, #tpu.memory_space<hbm>>) dst(%dma_wait3A_521 : memref<128x128xf32, #tpu.memory_space<vmem>>)
    %dma_wait3A_528 = arith.constant 3 : i32
    %dma_wait3A_529 = arith.constant 128 : i32
    %dma_wait3A_530 = arith.constant 0 : i32
    %dma_wait3A_531 = tpu.memref_slice %arg9[%dma_wait3A_529, %dma_wait3A_530] : memref<256x128xf32, #tpu.memory_space<vmem>> -> memref<128x128xf32, #tpu.memory_space<vmem>>
    %dma_wait3A_532 = arith.constant 0 : i32
    %dma_wait3A_533 = tpu.memref_slice %arg7[%dma_wait3A_528, %dma_wait3A_532] : memref<16x128xi32, #tpu.memory_space<vmem>> -> memref<1x128xi32, #tpu.memory_space<vmem>>
    %dma_wait3A_534 = tpu.memref_squeeze %dma_wait3A_533 : memref<1x128xi32, #tpu.memory_space<vmem>> -> memref<128xi32, #tpu.memory_space<vmem>>
    %dma_wait3A_535 = arith.constant 0 : i32
    %dma_wait3A_536 = arith.constant 0 : i32
    %dma_wait3A_537 = tpu.memref_slice %arg2[%dma_wait3A_535, %dma_wait3A_536] : memref<16384x128xf32, #tpu.memory_space<hbm>> -> memref<16384x128xf32, #tpu.memory_space<hbm>>
    tpu.wait_indirect_dma semaphore(%arg12 : memref<!tpu.dma_semaphore, #tpu.memory_space<semaphore_mem>>) src(%dma_wait3A_537 : memref<16384x128xf32, #tpu.memory_space<hbm>>) dst(%dma_wait3A_531 : memref<128x128xf32, #tpu.memory_space<vmem>>)
    %add3A_538 = arith.constant 4 : i32
    %add3A_539 = arith.addi %select_n3A, %add3A_538 : i32
    %sub3A_540 = arith.constant 4 : i32
    %sub3A_541 = arith.subi %select_n3A_46, %sub3A_540 : i32
    %min3A_542 = arith.minsi %add3A_539, %sub3A_541 : i32
    %mul3A_543 = arith.constant 2 : i32
    %mul3A_544 = arith.muli %min3A_542, %mul3A_543 : i32
    %mul3A_545 = arith.constant 32 : i32
    %mul3A_546 = arith.muli %mul3A_544, %mul3A_545 : i32
    %dma_start3A_547 = arith.constant 0 : i32
    %dma_start3A_548 = tpu.memref_slice %arg4[%mul3A_546, %dma_start3A_547] : memref<61504x128xf32, #tpu.memory_space<hbm>> -> memref<256x128xf32, #tpu.memory_space<hbm>>
    %dma_start3A_549 = arith.constant 0 : i32
    %dma_start3A_550 = tpu.memref_slice %arg4[%mul3A_546, %dma_start3A_549] : memref<61504x128xf32, #tpu.memory_space<hbm>> -> memref<256x128xf32, #tpu.memory_space<hbm>>
    tpu.enqueue_dma source(%arg9 : memref<256x128xf32, #tpu.memory_space<vmem>>) target(%dma_start3A_550 : memref<256x128xf32, #tpu.memory_space<hbm>>) target_semaphore(%arg15 : memref<!tpu.dma_semaphore, #tpu.memory_space<semaphore_mem>>)
    %dma_wait3A_551 = arith.constant 0 : i32
    %dma_wait3A_552 = tpu.memref_slice %arg4[%mul3A_546, %dma_wait3A_551] : memref<61504x128xf32, #tpu.memory_space<hbm>> -> memref<256x128xf32, #tpu.memory_space<hbm>>
    %dma_wait3A_553 = arith.constant 0 : i32
    %dma_wait3A_554 = tpu.memref_slice %arg4[%mul3A_546, %dma_wait3A_553] : memref<61504x128xf32, #tpu.memory_space<hbm>> -> memref<256x128xf32, #tpu.memory_space<hbm>>
    tpu.wait_dma2 semaphore(%arg15 : memref<!tpu.dma_semaphore, #tpu.memory_space<semaphore_mem>>) src(%arg9 : memref<256x128xf32, #tpu.memory_space<vmem>>) dst(%dma_wait3A_554 : memref<256x128xf32, #tpu.memory_space<hbm>>)
    %add3A_555 = arith.constant 16 : i32
    %add3A_556 = arith.addi %select_n3A, %add3A_555 : i32
    %sub3A_557 = arith.constant 4 : i32
    %sub3A_558 = arith.subi %select_n3A_46, %sub3A_557 : i32
    %min3A_559 = arith.minsi %add3A_556, %sub3A_558 : i32
    %add3A_560 = arith.constant 0 : i32
    %add3A_561 = arith.addi %min3A_559, %add3A_560 : i32
    %broadcast_in_dim3A_562 = vector.broadcast %add3A_561 : i32 to vector<16xi32>
    %gather3A_563 = tpu.vector_load_idx %arg5[%broadcast_in_dim3A_562] : memref<976xi32, #tpu.memory_space<vmem>>[vector<16xi32>], vector<16xi32>,
    %mul3A_564 = arith.constant 68760 : i32
    %mul3A_565 = vector.broadcast %mul3A_564 : i32 to vector<16xi32>
    %mul3A_566 = arith.muli %gather3A_563, %mul3A_565 : vector<16xi32>
    %shift_right_logical3A_567 = arith.constant 22 : i32
    %shift_right_logical3A_568 = vector.broadcast %shift_right_logical3A_567 : i32 to vector<16xi32>
    %shift_right_logical3A_569 = arith.shrui %mul3A_566, %shift_right_logical3A_568 : vector<16xi32>
    %mul3A_570 = arith.constant 3 : i32
    %mul3A_571 = vector.broadcast %mul3A_570 : i32 to vector<16xi32>
    %mul3A_572 = arith.muli %mul3A_571, %shift_right_logical3A_569 : vector<16xi32>
    %add3A_573 = arith.addi %gather3A_563, %mul3A_572 : vector<16xi32>
    %add3A_574 = arith.addi %add3A_573, %add3A_55 : vector<16xi32>
    %swap3A_575 = arith.constant 4 : i32
    %swap3A_576 = arith.index_cast %swap3A_575 : i32 to index
    %swap3A_577 = arith.constant 0 : index
    %swap3A_578 = tpu.vector_load %arg6[%swap3A_576, %swap3A_577] {strides = array<i32>} : memref<8x64xi32, #tpu.memory_space<vmem>>, vector<16xi32>,
    tpu.vector_store %arg6[%swap3A_576, %swap3A_577], %add3A_574 {strides = array<i32>} : memref<8x64xi32, #tpu.memory_space<vmem>>, vector<16xi32>,
    %add3A_579 = arith.constant 1 : i32
    %add3A_580 = arith.addi %min3A_559, %add3A_579 : i32
    %broadcast_in_dim3A_581 = vector.broadcast %add3A_580 : i32 to vector<16xi32>
    %gather3A_582 = tpu.vector_load_idx %arg5[%broadcast_in_dim3A_581] : memref<976xi32, #tpu.memory_space<vmem>>[vector<16xi32>], vector<16xi32>,
    %mul3A_583 = arith.constant 68760 : i32
    %mul3A_584 = vector.broadcast %mul3A_583 : i32 to vector<16xi32>
    %mul3A_585 = arith.muli %gather3A_582, %mul3A_584 : vector<16xi32>
    %shift_right_logical3A_586 = arith.constant 22 : i32
    %shift_right_logical3A_587 = vector.broadcast %shift_right_logical3A_586 : i32 to vector<16xi32>
    %shift_right_logical3A_588 = arith.shrui %mul3A_585, %shift_right_logical3A_587 : vector<16xi32>
    %mul3A_589 = arith.constant 3 : i32
    %mul3A_590 = vector.broadcast %mul3A_589 : i32 to vector<16xi32>
    %mul3A_591 = arith.muli %mul3A_590, %shift_right_logical3A_588 : vector<16xi32>
    %add3A_592 = arith.addi %gather3A_582, %mul3A_591 : vector<16xi32>
    %add3A_593 = arith.addi %add3A_592, %add3A_55 : vector<16xi32>
    %swap3A_594 = arith.constant 4 : i32
    %swap3A_595 = arith.index_cast %swap3A_594 : i32 to index
    %swap3A_596 = arith.constant 16 : index
    %swap3A_597 = tpu.vector_load %arg6[%swap3A_595, %swap3A_596] {strides = array<i32>} : memref<8x64xi32, #tpu.memory_space<vmem>>, vector<16xi32>,
    tpu.vector_store %arg6[%swap3A_595, %swap3A_596], %add3A_593 {strides = array<i32>} : memref<8x64xi32, #tpu.memory_space<vmem>>, vector<16xi32>,
    %add3A_598 = arith.constant 2 : i32
    %add3A_599 = arith.addi %min3A_559, %add3A_598 : i32
    %broadcast_in_dim3A_600 = vector.broadcast %add3A_599 : i32 to vector<16xi32>
    %gather3A_601 = tpu.vector_load_idx %arg5[%broadcast_in_dim3A_600] : memref<976xi32, #tpu.memory_space<vmem>>[vector<16xi32>], vector<16xi32>,
    %mul3A_602 = arith.constant 68760 : i32
    %mul3A_603 = vector.broadcast %mul3A_602 : i32 to vector<16xi32>
    %mul3A_604 = arith.muli %gather3A_601, %mul3A_603 : vector<16xi32>
    %shift_right_logical3A_605 = arith.constant 22 : i32
    %shift_right_logical3A_606 = vector.broadcast %shift_right_logical3A_605 : i32 to vector<16xi32>
    %shift_right_logical3A_607 = arith.shrui %mul3A_604, %shift_right_logical3A_606 : vector<16xi32>
    %mul3A_608 = arith.constant 3 : i32
    %mul3A_609 = vector.broadcast %mul3A_608 : i32 to vector<16xi32>
    %mul3A_610 = arith.muli %mul3A_609, %shift_right_logical3A_607 : vector<16xi32>
    %add3A_611 = arith.addi %gather3A_601, %mul3A_610 : vector<16xi32>
    %add3A_612 = arith.addi %add3A_611, %add3A_55 : vector<16xi32>
    %swap3A_613 = arith.constant 4 : i32
    %swap3A_614 = arith.index_cast %swap3A_613 : i32 to index
    %swap3A_615 = arith.constant 32 : index
    %swap3A_616 = tpu.vector_load %arg6[%swap3A_614, %swap3A_615] {strides = array<i32>} : memref<8x64xi32, #tpu.memory_space<vmem>>, vector<16xi32>,
    tpu.vector_store %arg6[%swap3A_614, %swap3A_615], %add3A_612 {strides = array<i32>} : memref<8x64xi32, #tpu.memory_space<vmem>>, vector<16xi32>,
    %add3A_617 = arith.constant 3 : i32
    %add3A_618 = arith.addi %min3A_559, %add3A_617 : i32
    %broadcast_in_dim3A_619 = vector.broadcast %add3A_618 : i32 to vector<16xi32>
    %gather3A_620 = tpu.vector_load_idx %arg5[%broadcast_in_dim3A_619] : memref<976xi32, #tpu.memory_space<vmem>>[vector<16xi32>], vector<16xi32>,
    %mul3A_621 = arith.constant 68760 : i32
    %mul3A_622 = vector.broadcast %mul3A_621 : i32 to vector<16xi32>
    %mul3A_623 = arith.muli %gather3A_620, %mul3A_622 : vector<16xi32>
    %shift_right_logical3A_624 = arith.constant 22 : i32
    %shift_right_logical3A_625 = vector.broadcast %shift_right_logical3A_624 : i32 to vector<16xi32>
    %shift_right_logical3A_626 = arith.shrui %mul3A_623, %shift_right_logical3A_625 : vector<16xi32>
    %mul3A_627 = arith.constant 3 : i32
    %mul3A_628 = vector.broadcast %mul3A_627 : i32 to vector<16xi32>
    %mul3A_629 = arith.muli %mul3A_628, %shift_right_logical3A_626 : vector<16xi32>
    %add3A_630 = arith.addi %gather3A_620, %mul3A_629 : vector<16xi32>
    %add3A_631 = arith.addi %add3A_630, %add3A_55 : vector<16xi32>
    %swap3A_632 = arith.constant 4 : i32
    %swap3A_633 = arith.index_cast %swap3A_632 : i32 to index
    %swap3A_634 = arith.constant 48 : index
    %swap3A_635 = tpu.vector_load %arg6[%swap3A_633, %swap3A_634] {strides = array<i32>} : memref<8x64xi32, #tpu.memory_space<vmem>>, vector<16xi32>,
    tpu.vector_store %arg6[%swap3A_633, %swap3A_634], %add3A_631 {strides = array<i32>} : memref<8x64xi32, #tpu.memory_space<vmem>>, vector<16xi32>,
    %scan3A_636 = arith.constant 0 : i32
    %scan3A_637 = arith.constant 0 : i32
    %scan3A_638 = arith.constant 16 : i32
    %scan3A_639 = arith.addi %scan3A_637, %scan3A_638 : i32
    %scan3A_640 = arith.constant 1 : i32
    %scan3A_641 = scf.for %scan3A_1209 = %scan3A_637 to %scan3A_639 step %scan3A_640 iter_args(%scan3A_1210 = %scan3A_636) -> (i32)  : i32 {
      %mul3A_1211 = arith.constant 16 : i32
      %mul3A_1212 = arith.muli %scan3A_1209, %mul3A_1211 : i32
      %add3A_1213 = vector.broadcast %mul3A_1212 : i32 to vector<16xi32>
      %add3A_1214 = arith.addi %add3A_1213, %iota3A : vector<16xi32>
      %shift_right_logical3A_1215 = arith.constant 5 : i32
      %shift_right_logical3A_1216 = vector.broadcast %shift_right_logical3A_1215 : i32 to vector<16xi32>
      %shift_right_logical3A_1217 = arith.shrui %add3A_1214, %shift_right_logical3A_1216 : vector<16xi32>
      %shift_right_logical3A_1218 = arith.constant 3 : i32
      %shift_right_logical3A_1219 = vector.broadcast %shift_right_logical3A_1218 : i32 to vector<16xi32>
      %shift_right_logical3A_1220 = arith.shrui %add3A_1214, %shift_right_logical3A_1219 : vector<16xi32>
      %and3A_1221 = arith.constant 3 : i32
      %and3A_1222 = vector.broadcast %and3A_1221 : i32 to vector<16xi32>
      %and3A_1223 = arith.andi %shift_right_logical3A_1220, %and3A_1222 : vector<16xi32>
      %and3A_1224 = arith.constant 7 : i32
      %and3A_1225 = vector.broadcast %and3A_1224 : i32 to vector<16xi32>
      %and3A_1226 = arith.andi %add3A_1214, %and3A_1225 : vector<16xi32>
      %mul3A_1227 = arith.constant 8 : i32
      %mul3A_1228 = vector.broadcast %mul3A_1227 : i32 to vector<16xi32>
      %mul3A_1229 = arith.muli %shift_right_logical3A_1217, %mul3A_1228 : vector<16xi32>
      %add3A_1230 = arith.addi %mul3A_1229, %and3A_1226 : vector<16xi32>
      %broadcast_in_dim3A_1231 = arith.constant 4 : i32
      %broadcast_in_dim3A_1232 = vector.broadcast %broadcast_in_dim3A_1231 : i32 to vector<16xi32>
      %gather3A_1233 = tpu.vector_load_idx %arg6[%broadcast_in_dim3A_1232, %add3A_1230] : memref<8x64xi32, #tpu.memory_space<vmem>>[vector<16xi32>, vector<16xi32>], vector<16xi32>,
      %shift_right_logical3A_1234 = arith.constant 7 : i32
      %shift_right_logical3A_1235 = vector.broadcast %shift_right_logical3A_1234 : i32 to vector<16xi32>
      %shift_right_logical3A_1236 = arith.shrui %add3A_1214, %shift_right_logical3A_1235 : vector<16xi32>
      %and3A_1237 = arith.constant 127 : i32
      %and3A_1238 = vector.broadcast %and3A_1237 : i32 to vector<16xi32>
      %and3A_1239 = arith.andi %add3A_1214, %and3A_1238 : vector<16xi32>
      %add3A_1240 = arith.constant 8 : i32
      %add3A_1241 = vector.broadcast %add3A_1240 : i32 to vector<16xi32>
      %add3A_1242 = arith.addi %add3A_1241, %shift_right_logical3A_1236 : vector<16xi32>
      %mul3A_1243 = arith.constant 4 : i32
      %mul3A_1244 = vector.broadcast %mul3A_1243 : i32 to vector<16xi32>
      %mul3A_1245 = arith.muli %gather3A_1233, %mul3A_1244 : vector<16xi32>
      %add3A_1246 = arith.addi %mul3A_1245, %and3A_1223 : vector<16xi32>
      tpu.vector_store_idx %arg7[%add3A_1242, %and3A_1239], %add3A_1246 : memref<16x128xi32, #tpu.memory_space<vmem>>[vector<16xi32>, vector<16xi32>], vector<16xi32>,
      %scan3A_1247 = arith.constant 0 : i32
      scf.yield %scan3A_1247 : i32
    }
    %scan3A_642 = arith.constant 16 : i32
    %dma_start3A_643 = arith.constant 8 : i32
    %dma_start3A_644 = arith.constant 0 : i32
    %dma_start3A_645 = arith.constant 0 : i32
    %dma_start3A_646 = tpu.memref_slice %arg9[%dma_start3A_644, %dma_start3A_645] : memref<256x128xf32, #tpu.memory_space<vmem>> -> memref<128x128xf32, #tpu.memory_space<vmem>>
    %dma_start3A_647 = arith.constant 0 : i32
    %dma_start3A_648 = tpu.memref_slice %arg7[%dma_start3A_643, %dma_start3A_647] : memref<16x128xi32, #tpu.memory_space<vmem>> -> memref<1x128xi32, #tpu.memory_space<vmem>>
    %dma_start3A_649 = tpu.memref_squeeze %dma_start3A_648 : memref<1x128xi32, #tpu.memory_space<vmem>> -> memref<128xi32, #tpu.memory_space<vmem>>
    %dma_start3A_650 = arith.constant 0 : i32
    %dma_start3A_651 = arith.constant 0 : i32
    %dma_start3A_652 = tpu.memref_slice %arg2[%dma_start3A_650, %dma_start3A_651] : memref<16384x128xf32, #tpu.memory_space<hbm>> -> memref<16384x128xf32, #tpu.memory_space<hbm>>
    tpu.enqueue_indirect_dma source(%dma_start3A_652 : memref<16384x128xf32, #tpu.memory_space<hbm>>) target(%dma_start3A_646 : memref<128x128xf32, #tpu.memory_space<vmem>>) offsets(%dma_start3A_649 : memref<128xi32, #tpu.memory_space<vmem>>) semaphore(%arg12 : memref<!tpu.dma_semaphore, #tpu.memory_space<semaphore_mem>>)
    %dma_start3A_653 = arith.constant 9 : i32
    %dma_start3A_654 = arith.constant 128 : i32
    %dma_start3A_655 = arith.constant 0 : i32
    %dma_start3A_656 = tpu.memref_slice %arg9[%dma_start3A_654, %dma_start3A_655] : memref<256x128xf32, #tpu.memory_space<vmem>> -> memref<128x128xf32, #tpu.memory_space<vmem>>
    %dma_start3A_657 = arith.constant 0 : i32
    %dma_start3A_658 = tpu.memref_slice %arg7[%dma_start3A_653, %dma_start3A_657] : memref<16x128xi32, #tpu.memory_space<vmem>> -> memref<1x128xi32, #tpu.memory_space<vmem>>
    %dma_start3A_659 = tpu.memref_squeeze %dma_start3A_658 : memref<1x128xi32, #tpu.memory_space<vmem>> -> memref<128xi32, #tpu.memory_space<vmem>>
    %dma_start3A_660 = arith.constant 0 : i32
    %dma_start3A_661 = arith.constant 0 : i32
    %dma_start3A_662 = tpu.memref_slice %arg2[%dma_start3A_660, %dma_start3A_661] : memref<16384x128xf32, #tpu.memory_space<hbm>> -> memref<16384x128xf32, #tpu.memory_space<hbm>>
    tpu.enqueue_indirect_dma source(%dma_start3A_662 : memref<16384x128xf32, #tpu.memory_space<hbm>>) target(%dma_start3A_656 : memref<128x128xf32, #tpu.memory_space<vmem>>) offsets(%dma_start3A_659 : memref<128xi32, #tpu.memory_space<vmem>>) semaphore(%arg12 : memref<!tpu.dma_semaphore, #tpu.memory_space<semaphore_mem>>)
    %dma_wait3A_663 = arith.constant 4 : i32
    %dma_wait3A_664 = arith.constant 0 : i32
    %dma_wait3A_665 = arith.constant 0 : i32
    %dma_wait3A_666 = tpu.memref_slice %arg10[%dma_wait3A_664, %dma_wait3A_665] : memref<256x128xf32, #tpu.memory_space<vmem>> -> memref<128x128xf32, #tpu.memory_space<vmem>>
    %dma_wait3A_667 = arith.constant 0 : i32
    %dma_wait3A_668 = tpu.memref_slice %arg7[%dma_wait3A_663, %dma_wait3A_667] : memref<16x128xi32, #tpu.memory_space<vmem>> -> memref<1x128xi32, #tpu.memory_space<vmem>>
    %dma_wait3A_669 = tpu.memref_squeeze %dma_wait3A_668 : memref<1x128xi32, #tpu.memory_space<vmem>> -> memref<128xi32, #tpu.memory_space<vmem>>
    %dma_wait3A_670 = arith.constant 0 : i32
    %dma_wait3A_671 = arith.constant 0 : i32
    %dma_wait3A_672 = tpu.memref_slice %arg2[%dma_wait3A_670, %dma_wait3A_671] : memref<16384x128xf32, #tpu.memory_space<hbm>> -> memref<16384x128xf32, #tpu.memory_space<hbm>>
    tpu.wait_indirect_dma semaphore(%arg13 : memref<!tpu.dma_semaphore, #tpu.memory_space<semaphore_mem>>) src(%dma_wait3A_672 : memref<16384x128xf32, #tpu.memory_space<hbm>>) dst(%dma_wait3A_666 : memref<128x128xf32, #tpu.memory_space<vmem>>)
    %dma_wait3A_673 = arith.constant 5 : i32
    %dma_wait3A_674 = arith.constant 128 : i32
    %dma_wait3A_675 = arith.constant 0 : i32
    %dma_wait3A_676 = tpu.memref_slice %arg10[%dma_wait3A_674, %dma_wait3A_675] : memref<256x128xf32, #tpu.memory_space<vmem>> -> memref<128x128xf32, #tpu.memory_space<vmem>>
    %dma_wait3A_677 = arith.constant 0 : i32
    %dma_wait3A_678 = tpu.memref_slice %arg7[%dma_wait3A_673, %dma_wait3A_677] : memref<16x128xi32, #tpu.memory_space<vmem>> -> memref<1x128xi32, #tpu.memory_space<vmem>>
    %dma_wait3A_679 = tpu.memref_squeeze %dma_wait3A_678 : memref<1x128xi32, #tpu.memory_space<vmem>> -> memref<128xi32, #tpu.memory_space<vmem>>
    %dma_wait3A_680 = arith.constant 0 : i32
    %dma_wait3A_681 = arith.constant 0 : i32
    %dma_wait3A_682 = tpu.memref_slice %arg2[%dma_wait3A_680, %dma_wait3A_681] : memref<16384x128xf32, #tpu.memory_space<hbm>> -> memref<16384x128xf32, #tpu.memory_space<hbm>>
    tpu.wait_indirect_dma semaphore(%arg13 : memref<!tpu.dma_semaphore, #tpu.memory_space<semaphore_mem>>) src(%dma_wait3A_682 : memref<16384x128xf32, #tpu.memory_space<hbm>>) dst(%dma_wait3A_676 : memref<128x128xf32, #tpu.memory_space<vmem>>)
    %add3A_683 = arith.constant 8 : i32
    %add3A_684 = arith.addi %select_n3A, %add3A_683 : i32
    %sub3A_685 = arith.constant 4 : i32
    %sub3A_686 = arith.subi %select_n3A_46, %sub3A_685 : i32
    %min3A_687 = arith.minsi %add3A_684, %sub3A_686 : i32
    %mul3A_688 = arith.constant 2 : i32
    %mul3A_689 = arith.muli %min3A_687, %mul3A_688 : i32
    %mul3A_690 = arith.constant 32 : i32
    %mul3A_691 = arith.muli %mul3A_689, %mul3A_690 : i32
    %dma_start3A_692 = arith.constant 0 : i32
    %dma_start3A_693 = tpu.memref_slice %arg4[%mul3A_691, %dma_start3A_692] : memref<61504x128xf32, #tpu.memory_space<hbm>> -> memref<256x128xf32, #tpu.memory_space<hbm>>
    %dma_start3A_694 = arith.constant 0 : i32
    %dma_start3A_695 = tpu.memref_slice %arg4[%mul3A_691, %dma_start3A_694] : memref<61504x128xf32, #tpu.memory_space<hbm>> -> memref<256x128xf32, #tpu.memory_space<hbm>>
    tpu.enqueue_dma source(%arg10 : memref<256x128xf32, #tpu.memory_space<vmem>>) target(%dma_start3A_695 : memref<256x128xf32, #tpu.memory_space<hbm>>) target_semaphore(%arg16 : memref<!tpu.dma_semaphore, #tpu.memory_space<semaphore_mem>>)
    %dma_wait3A_696 = arith.constant 0 : i32
    %dma_wait3A_697 = tpu.memref_slice %arg4[%mul3A_691, %dma_wait3A_696] : memref<61504x128xf32, #tpu.memory_space<hbm>> -> memref<256x128xf32, #tpu.memory_space<hbm>>
    %dma_wait3A_698 = arith.constant 0 : i32
    %dma_wait3A_699 = tpu.memref_slice %arg4[%mul3A_691, %dma_wait3A_698] : memref<61504x128xf32, #tpu.memory_space<hbm>> -> memref<256x128xf32, #tpu.memory_space<hbm>>
    tpu.wait_dma2 semaphore(%arg16 : memref<!tpu.dma_semaphore, #tpu.memory_space<semaphore_mem>>) src(%arg10 : memref<256x128xf32, #tpu.memory_space<vmem>>) dst(%dma_wait3A_699 : memref<256x128xf32, #tpu.memory_space<hbm>>)
    %add3A_700 = arith.constant 20 : i32
    %add3A_701 = arith.addi %select_n3A, %add3A_700 : i32
    %sub3A_702 = arith.constant 4 : i32
    %sub3A_703 = arith.subi %select_n3A_46, %sub3A_702 : i32
    %min3A_704 = arith.minsi %add3A_701, %sub3A_703 : i32
    %add3A_705 = arith.constant 0 : i32
    %add3A_706 = arith.addi %min3A_704, %add3A_705 : i32
    %broadcast_in_dim3A_707 = vector.broadcast %add3A_706 : i32 to vector<16xi32>
    %gather3A_708 = tpu.vector_load_idx %arg5[%broadcast_in_dim3A_707] : memref<976xi32, #tpu.memory_space<vmem>>[vector<16xi32>], vector<16xi32>,
    %mul3A_709 = arith.constant 68760 : i32
    %mul3A_710 = vector.broadcast %mul3A_709 : i32 to vector<16xi32>
    %mul3A_711 = arith.muli %gather3A_708, %mul3A_710 : vector<16xi32>
    %shift_right_logical3A_712 = arith.constant 22 : i32
    %shift_right_logical3A_713 = vector.broadcast %shift_right_logical3A_712 : i32 to vector<16xi32>
    %shift_right_logical3A_714 = arith.shrui %mul3A_711, %shift_right_logical3A_713 : vector<16xi32>
    %mul3A_715 = arith.constant 3 : i32
    %mul3A_716 = vector.broadcast %mul3A_715 : i32 to vector<16xi32>
    %mul3A_717 = arith.muli %mul3A_716, %shift_right_logical3A_714 : vector<16xi32>
    %add3A_718 = arith.addi %gather3A_708, %mul3A_717 : vector<16xi32>
    %add3A_719 = arith.addi %add3A_718, %add3A_55 : vector<16xi32>
    %swap3A_720 = arith.constant 5 : i32
    %swap3A_721 = arith.index_cast %swap3A_720 : i32 to index
    %swap3A_722 = arith.constant 0 : index
    %swap3A_723 = tpu.vector_load %arg6[%swap3A_721, %swap3A_722] {strides = array<i32>} : memref<8x64xi32, #tpu.memory_space<vmem>>, vector<16xi32>,
    tpu.vector_store %arg6[%swap3A_721, %swap3A_722], %add3A_719 {strides = array<i32>} : memref<8x64xi32, #tpu.memory_space<vmem>>, vector<16xi32>,
    %add3A_724 = arith.constant 1 : i32
    %add3A_725 = arith.addi %min3A_704, %add3A_724 : i32
    %broadcast_in_dim3A_726 = vector.broadcast %add3A_725 : i32 to vector<16xi32>
    %gather3A_727 = tpu.vector_load_idx %arg5[%broadcast_in_dim3A_726] : memref<976xi32, #tpu.memory_space<vmem>>[vector<16xi32>], vector<16xi32>,
    %mul3A_728 = arith.constant 68760 : i32
    %mul3A_729 = vector.broadcast %mul3A_728 : i32 to vector<16xi32>
    %mul3A_730 = arith.muli %gather3A_727, %mul3A_729 : vector<16xi32>
    %shift_right_logical3A_731 = arith.constant 22 : i32
    %shift_right_logical3A_732 = vector.broadcast %shift_right_logical3A_731 : i32 to vector<16xi32>
    %shift_right_logical3A_733 = arith.shrui %mul3A_730, %shift_right_logical3A_732 : vector<16xi32>
    %mul3A_734 = arith.constant 3 : i32
    %mul3A_735 = vector.broadcast %mul3A_734 : i32 to vector<16xi32>
    %mul3A_736 = arith.muli %mul3A_735, %shift_right_logical3A_733 : vector<16xi32>
    %add3A_737 = arith.addi %gather3A_727, %mul3A_736 : vector<16xi32>
    %add3A_738 = arith.addi %add3A_737, %add3A_55 : vector<16xi32>
    %swap3A_739 = arith.constant 5 : i32
    %swap3A_740 = arith.index_cast %swap3A_739 : i32 to index
    %swap3A_741 = arith.constant 16 : index
    %swap3A_742 = tpu.vector_load %arg6[%swap3A_740, %swap3A_741] {strides = array<i32>} : memref<8x64xi32, #tpu.memory_space<vmem>>, vector<16xi32>,
    tpu.vector_store %arg6[%swap3A_740, %swap3A_741], %add3A_738 {strides = array<i32>} : memref<8x64xi32, #tpu.memory_space<vmem>>, vector<16xi32>,
    %add3A_743 = arith.constant 2 : i32
    %add3A_744 = arith.addi %min3A_704, %add3A_743 : i32
    %broadcast_in_dim3A_745 = vector.broadcast %add3A_744 : i32 to vector<16xi32>
    %gather3A_746 = tpu.vector_load_idx %arg5[%broadcast_in_dim3A_745] : memref<976xi32, #tpu.memory_space<vmem>>[vector<16xi32>], vector<16xi32>,
    %mul3A_747 = arith.constant 68760 : i32
    %mul3A_748 = vector.broadcast %mul3A_747 : i32 to vector<16xi32>
    %mul3A_749 = arith.muli %gather3A_746, %mul3A_748 : vector<16xi32>
    %shift_right_logical3A_750 = arith.constant 22 : i32
    %shift_right_logical3A_751 = vector.broadcast %shift_right_logical3A_750 : i32 to vector<16xi32>
    %shift_right_logical3A_752 = arith.shrui %mul3A_749, %shift_right_logical3A_751 : vector<16xi32>
    %mul3A_753 = arith.constant 3 : i32
    %mul3A_754 = vector.broadcast %mul3A_753 : i32 to vector<16xi32>
    %mul3A_755 = arith.muli %mul3A_754, %shift_right_logical3A_752 : vector<16xi32>
    %add3A_756 = arith.addi %gather3A_746, %mul3A_755 : vector<16xi32>
    %add3A_757 = arith.addi %add3A_756, %add3A_55 : vector<16xi32>
    %swap3A_758 = arith.constant 5 : i32
    %swap3A_759 = arith.index_cast %swap3A_758 : i32 to index
    %swap3A_760 = arith.constant 32 : index
    %swap3A_761 = tpu.vector_load %arg6[%swap3A_759, %swap3A_760] {strides = array<i32>} : memref<8x64xi32, #tpu.memory_space<vmem>>, vector<16xi32>,
    tpu.vector_store %arg6[%swap3A_759, %swap3A_760], %add3A_757 {strides = array<i32>} : memref<8x64xi32, #tpu.memory_space<vmem>>, vector<16xi32>,
    %add3A_762 = arith.constant 3 : i32
    %add3A_763 = arith.addi %min3A_704, %add3A_762 : i32
    %broadcast_in_dim3A_764 = vector.broadcast %add3A_763 : i32 to vector<16xi32>
    %gather3A_765 = tpu.vector_load_idx %arg5[%broadcast_in_dim3A_764] : memref<976xi32, #tpu.memory_space<vmem>>[vector<16xi32>], vector<16xi32>,
    %mul3A_766 = arith.constant 68760 : i32
    %mul3A_767 = vector.broadcast %mul3A_766 : i32 to vector<16xi32>
    %mul3A_768 = arith.muli %gather3A_765, %mul3A_767 : vector<16xi32>
    %shift_right_logical3A_769 = arith.constant 22 : i32
    %shift_right_logical3A_770 = vector.broadcast %shift_right_logical3A_769 : i32 to vector<16xi32>
    %shift_right_logical3A_771 = arith.shrui %mul3A_768, %shift_right_logical3A_770 : vector<16xi32>
    %mul3A_772 = arith.constant 3 : i32
    %mul3A_773 = vector.broadcast %mul3A_772 : i32 to vector<16xi32>
    %mul3A_774 = arith.muli %mul3A_773, %shift_right_logical3A_771 : vector<16xi32>
    %add3A_775 = arith.addi %gather3A_765, %mul3A_774 : vector<16xi32>
    %add3A_776 = arith.addi %add3A_775, %add3A_55 : vector<16xi32>
    %swap3A_777 = arith.constant 5 : i32
    %swap3A_778 = arith.index_cast %swap3A_777 : i32 to index
    %swap3A_779 = arith.constant 48 : index
    %swap3A_780 = tpu.vector_load %arg6[%swap3A_778, %swap3A_779] {strides = array<i32>} : memref<8x64xi32, #tpu.memory_space<vmem>>, vector<16xi32>,
    tpu.vector_store %arg6[%swap3A_778, %swap3A_779], %add3A_776 {strides = array<i32>} : memref<8x64xi32, #tpu.memory_space<vmem>>, vector<16xi32>,
    %scan3A_781 = arith.constant 0 : i32
    %scan3A_782 = arith.constant 0 : i32
    %scan3A_783 = arith.constant 16 : i32
    %scan3A_784 = arith.addi %scan3A_782, %scan3A_783 : i32
    %scan3A_785 = arith.constant 1 : i32
    %scan3A_786 = scf.for %scan3A_1209 = %scan3A_782 to %scan3A_784 step %scan3A_785 iter_args(%scan3A_1210 = %scan3A_781) -> (i32)  : i32 {
      %mul3A_1211 = arith.constant 16 : i32
      %mul3A_1212 = arith.muli %scan3A_1209, %mul3A_1211 : i32
      %add3A_1213 = vector.broadcast %mul3A_1212 : i32 to vector<16xi32>
      %add3A_1214 = arith.addi %add3A_1213, %iota3A : vector<16xi32>
      %shift_right_logical3A_1215 = arith.constant 5 : i32
      %shift_right_logical3A_1216 = vector.broadcast %shift_right_logical3A_1215 : i32 to vector<16xi32>
      %shift_right_logical3A_1217 = arith.shrui %add3A_1214, %shift_right_logical3A_1216 : vector<16xi32>
      %shift_right_logical3A_1218 = arith.constant 3 : i32
      %shift_right_logical3A_1219 = vector.broadcast %shift_right_logical3A_1218 : i32 to vector<16xi32>
      %shift_right_logical3A_1220 = arith.shrui %add3A_1214, %shift_right_logical3A_1219 : vector<16xi32>
      %and3A_1221 = arith.constant 3 : i32
      %and3A_1222 = vector.broadcast %and3A_1221 : i32 to vector<16xi32>
      %and3A_1223 = arith.andi %shift_right_logical3A_1220, %and3A_1222 : vector<16xi32>
      %and3A_1224 = arith.constant 7 : i32
      %and3A_1225 = vector.broadcast %and3A_1224 : i32 to vector<16xi32>
      %and3A_1226 = arith.andi %add3A_1214, %and3A_1225 : vector<16xi32>
      %mul3A_1227 = arith.constant 8 : i32
      %mul3A_1228 = vector.broadcast %mul3A_1227 : i32 to vector<16xi32>
      %mul3A_1229 = arith.muli %shift_right_logical3A_1217, %mul3A_1228 : vector<16xi32>
      %add3A_1230 = arith.addi %mul3A_1229, %and3A_1226 : vector<16xi32>
      %broadcast_in_dim3A_1231 = arith.constant 5 : i32
      %broadcast_in_dim3A_1232 = vector.broadcast %broadcast_in_dim3A_1231 : i32 to vector<16xi32>
      %gather3A_1233 = tpu.vector_load_idx %arg6[%broadcast_in_dim3A_1232, %add3A_1230] : memref<8x64xi32, #tpu.memory_space<vmem>>[vector<16xi32>, vector<16xi32>], vector<16xi32>,
      %shift_right_logical3A_1234 = arith.constant 7 : i32
      %shift_right_logical3A_1235 = vector.broadcast %shift_right_logical3A_1234 : i32 to vector<16xi32>
      %shift_right_logical3A_1236 = arith.shrui %add3A_1214, %shift_right_logical3A_1235 : vector<16xi32>
      %and3A_1237 = arith.constant 127 : i32
      %and3A_1238 = vector.broadcast %and3A_1237 : i32 to vector<16xi32>
      %and3A_1239 = arith.andi %add3A_1214, %and3A_1238 : vector<16xi32>
      %add3A_1240 = arith.constant 10 : i32
      %add3A_1241 = vector.broadcast %add3A_1240 : i32 to vector<16xi32>
      %add3A_1242 = arith.addi %add3A_1241, %shift_right_logical3A_1236 : vector<16xi32>
      %mul3A_1243 = arith.constant 4 : i32
      %mul3A_1244 = vector.broadcast %mul3A_1243 : i32 to vector<16xi32>
      %mul3A_1245 = arith.muli %gather3A_1233, %mul3A_1244 : vector<16xi32>
      %add3A_1246 = arith.addi %mul3A_1245, %and3A_1223 : vector<16xi32>
      tpu.vector_store_idx %arg7[%add3A_1242, %and3A_1239], %add3A_1246 : memref<16x128xi32, #tpu.memory_space<vmem>>[vector<16xi32>, vector<16xi32>], vector<16xi32>,
      %scan3A_1247 = arith.constant 0 : i32
      scf.yield %scan3A_1247 : i32
    }
    %scan3A_787 = arith.constant 16 : i32
    %dma_start3A_788 = arith.constant 10 : i32
    %dma_start3A_789 = arith.constant 0 : i32
    %dma_start3A_790 = arith.constant 0 : i32
    %dma_start3A_791 = tpu.memref_slice %arg10[%dma_start3A_789, %dma_start3A_790] : memref<256x128xf32, #tpu.memory_space<vmem>> -> memref<128x128xf32, #tpu.memory_space<vmem>>
    %dma_start3A_792 = arith.constant 0 : i32
    %dma_start3A_793 = tpu.memref_slice %arg7[%dma_start3A_788, %dma_start3A_792] : memref<16x128xi32, #tpu.memory_space<vmem>> -> memref<1x128xi32, #tpu.memory_space<vmem>>
    %dma_start3A_794 = tpu.memref_squeeze %dma_start3A_793 : memref<1x128xi32, #tpu.memory_space<vmem>> -> memref<128xi32, #tpu.memory_space<vmem>>
    %dma_start3A_795 = arith.constant 0 : i32
    %dma_start3A_796 = arith.constant 0 : i32
    %dma_start3A_797 = tpu.memref_slice %arg2[%dma_start3A_795, %dma_start3A_796] : memref<16384x128xf32, #tpu.memory_space<hbm>> -> memref<16384x128xf32, #tpu.memory_space<hbm>>
    tpu.enqueue_indirect_dma source(%dma_start3A_797 : memref<16384x128xf32, #tpu.memory_space<hbm>>) target(%dma_start3A_791 : memref<128x128xf32, #tpu.memory_space<vmem>>) offsets(%dma_start3A_794 : memref<128xi32, #tpu.memory_space<vmem>>) semaphore(%arg13 : memref<!tpu.dma_semaphore, #tpu.memory_space<semaphore_mem>>)
    %dma_start3A_798 = arith.constant 11 : i32
    %dma_start3A_799 = arith.constant 128 : i32
    %dma_start3A_800 = arith.constant 0 : i32
    %dma_start3A_801 = tpu.memref_slice %arg10[%dma_start3A_799, %dma_start3A_800] : memref<256x128xf32, #tpu.memory_space<vmem>> -> memref<128x128xf32, #tpu.memory_space<vmem>>
    %dma_start3A_802 = arith.constant 0 : i32
    %dma_start3A_803 = tpu.memref_slice %arg7[%dma_start3A_798, %dma_start3A_802] : memref<16x128xi32, #tpu.memory_space<vmem>> -> memref<1x128xi32, #tpu.memory_space<vmem>>
    %dma_start3A_804 = tpu.memref_squeeze %dma_start3A_803 : memref<1x128xi32, #tpu.memory_space<vmem>> -> memref<128xi32, #tpu.memory_space<vmem>>
    %dma_start3A_805 = arith.constant 0 : i32
    %dma_start3A_806 = arith.constant 0 : i32
    %dma_start3A_807 = tpu.memref_slice %arg2[%dma_start3A_805, %dma_start3A_806] : memref<16384x128xf32, #tpu.memory_space<hbm>> -> memref<16384x128xf32, #tpu.memory_space<hbm>>
    tpu.enqueue_indirect_dma source(%dma_start3A_807 : memref<16384x128xf32, #tpu.memory_space<hbm>>) target(%dma_start3A_801 : memref<128x128xf32, #tpu.memory_space<vmem>>) offsets(%dma_start3A_804 : memref<128xi32, #tpu.memory_space<vmem>>) semaphore(%arg13 : memref<!tpu.dma_semaphore, #tpu.memory_space<semaphore_mem>>)
    %dma_wait3A_808 = arith.constant 6 : i32
    %dma_wait3A_809 = arith.constant 0 : i32
    %dma_wait3A_810 = arith.constant 0 : i32
    %dma_wait3A_811 = tpu.memref_slice %arg8[%dma_wait3A_809, %dma_wait3A_810] : memref<256x128xf32, #tpu.memory_space<vmem>> -> memref<128x128xf32, #tpu.memory_space<vmem>>
    %dma_wait3A_812 = arith.constant 0 : i32
    %dma_wait3A_813 = tpu.memref_slice %arg7[%dma_wait3A_808, %dma_wait3A_812] : memref<16x128xi32, #tpu.memory_space<vmem>> -> memref<1x128xi32, #tpu.memory_space<vmem>>
    %dma_wait3A_814 = tpu.memref_squeeze %dma_wait3A_813 : memref<1x128xi32, #tpu.memory_space<vmem>> -> memref<128xi32, #tpu.memory_space<vmem>>
    %dma_wait3A_815 = arith.constant 0 : i32
    %dma_wait3A_816 = arith.constant 0 : i32
    %dma_wait3A_817 = tpu.memref_slice %arg2[%dma_wait3A_815, %dma_wait3A_816] : memref<16384x128xf32, #tpu.memory_space<hbm>> -> memref<16384x128xf32, #tpu.memory_space<hbm>>
    tpu.wait_indirect_dma semaphore(%arg11 : memref<!tpu.dma_semaphore, #tpu.memory_space<semaphore_mem>>) src(%dma_wait3A_817 : memref<16384x128xf32, #tpu.memory_space<hbm>>) dst(%dma_wait3A_811 : memref<128x128xf32, #tpu.memory_space<vmem>>)
    %dma_wait3A_818 = arith.constant 7 : i32
    %dma_wait3A_819 = arith.constant 128 : i32
    %dma_wait3A_820 = arith.constant 0 : i32
    %dma_wait3A_821 = tpu.memref_slice %arg8[%dma_wait3A_819, %dma_wait3A_820] : memref<256x128xf32, #tpu.memory_space<vmem>> -> memref<128x128xf32, #tpu.memory_space<vmem>>
    %dma_wait3A_822 = arith.constant 0 : i32
    %dma_wait3A_823 = tpu.memref_slice %arg7[%dma_wait3A_818, %dma_wait3A_822] : memref<16x128xi32, #tpu.memory_space<vmem>> -> memref<1x128xi32, #tpu.memory_space<vmem>>
    %dma_wait3A_824 = tpu.memref_squeeze %dma_wait3A_823 : memref<1x128xi32, #tpu.memory_space<vmem>> -> memref<128xi32, #tpu.memory_space<vmem>>
    %dma_wait3A_825 = arith.constant 0 : i32
    %dma_wait3A_826 = arith.constant 0 : i32
    %dma_wait3A_827 = tpu.memref_slice %arg2[%dma_wait3A_825, %dma_wait3A_826] : memref<16384x128xf32, #tpu.memory_space<hbm>> -> memref<16384x128xf32, #tpu.memory_space<hbm>>
    tpu.wait_indirect_dma semaphore(%arg11 : memref<!tpu.dma_semaphore, #tpu.memory_space<semaphore_mem>>) src(%dma_wait3A_827 : memref<16384x128xf32, #tpu.memory_space<hbm>>) dst(%dma_wait3A_821 : memref<128x128xf32, #tpu.memory_space<vmem>>)
    %add3A_828 = arith.constant 12 : i32
    %add3A_829 = arith.addi %select_n3A, %add3A_828 : i32
    %sub3A_830 = arith.constant 4 : i32
    %sub3A_831 = arith.subi %select_n3A_46, %sub3A_830 : i32
    %min3A_832 = arith.minsi %add3A_829, %sub3A_831 : i32
    %mul3A_833 = arith.constant 2 : i32
    %mul3A_834 = arith.muli %min3A_832, %mul3A_833 : i32
    %mul3A_835 = arith.constant 32 : i32
    %mul3A_836 = arith.muli %mul3A_834, %mul3A_835 : i32
    %dma_start3A_837 = arith.constant 0 : i32
    %dma_start3A_838 = tpu.memref_slice %arg4[%mul3A_836, %dma_start3A_837] : memref<61504x128xf32, #tpu.memory_space<hbm>> -> memref<256x128xf32, #tpu.memory_space<hbm>>
    %dma_start3A_839 = arith.constant 0 : i32
    %dma_start3A_840 = tpu.memref_slice %arg4[%mul3A_836, %dma_start3A_839] : memref<61504x128xf32, #tpu.memory_space<hbm>> -> memref<256x128xf32, #tpu.memory_space<hbm>>
    tpu.enqueue_dma source(%arg8 : memref<256x128xf32, #tpu.memory_space<vmem>>) target(%dma_start3A_840 : memref<256x128xf32, #tpu.memory_space<hbm>>) target_semaphore(%arg14 : memref<!tpu.dma_semaphore, #tpu.memory_space<semaphore_mem>>)
    %dma_wait3A_841 = arith.constant 0 : i32
    %dma_wait3A_842 = tpu.memref_slice %arg4[%mul3A_836, %dma_wait3A_841] : memref<61504x128xf32, #tpu.memory_space<hbm>> -> memref<256x128xf32, #tpu.memory_space<hbm>>
    %dma_wait3A_843 = arith.constant 0 : i32
    %dma_wait3A_844 = tpu.memref_slice %arg4[%mul3A_836, %dma_wait3A_843] : memref<61504x128xf32, #tpu.memory_space<hbm>> -> memref<256x128xf32, #tpu.memory_space<hbm>>
    tpu.wait_dma2 semaphore(%arg14 : memref<!tpu.dma_semaphore, #tpu.memory_space<semaphore_mem>>) src(%arg8 : memref<256x128xf32, #tpu.memory_space<vmem>>) dst(%dma_wait3A_844 : memref<256x128xf32, #tpu.memory_space<hbm>>)
    %add3A_845 = arith.constant 24 : i32
    %add3A_846 = arith.addi %select_n3A, %add3A_845 : i32
    %sub3A_847 = arith.constant 4 : i32
    %sub3A_848 = arith.subi %select_n3A_46, %sub3A_847 : i32
    %min3A_849 = arith.minsi %add3A_846, %sub3A_848 : i32
    %add3A_850 = arith.constant 0 : i32
    %add3A_851 = arith.addi %min3A_849, %add3A_850 : i32
    %broadcast_in_dim3A_852 = vector.broadcast %add3A_851 : i32 to vector<16xi32>
    %gather3A_853 = tpu.vector_load_idx %arg5[%broadcast_in_dim3A_852] : memref<976xi32, #tpu.memory_space<vmem>>[vector<16xi32>], vector<16xi32>,
    %mul3A_854 = arith.constant 68760 : i32
    %mul3A_855 = vector.broadcast %mul3A_854 : i32 to vector<16xi32>
    %mul3A_856 = arith.muli %gather3A_853, %mul3A_855 : vector<16xi32>
    %shift_right_logical3A_857 = arith.constant 22 : i32
    %shift_right_logical3A_858 = vector.broadcast %shift_right_logical3A_857 : i32 to vector<16xi32>
    %shift_right_logical3A_859 = arith.shrui %mul3A_856, %shift_right_logical3A_858 : vector<16xi32>
    %mul3A_860 = arith.constant 3 : i32
    %mul3A_861 = vector.broadcast %mul3A_860 : i32 to vector<16xi32>
    %mul3A_862 = arith.muli %mul3A_861, %shift_right_logical3A_859 : vector<16xi32>
    %add3A_863 = arith.addi %gather3A_853, %mul3A_862 : vector<16xi32>
    %add3A_864 = arith.addi %add3A_863, %add3A_55 : vector<16xi32>
    %swap3A_865 = arith.constant 6 : i32
    %swap3A_866 = arith.index_cast %swap3A_865 : i32 to index
    %swap3A_867 = arith.constant 0 : index
    %swap3A_868 = tpu.vector_load %arg6[%swap3A_866, %swap3A_867] {strides = array<i32>} : memref<8x64xi32, #tpu.memory_space<vmem>>, vector<16xi32>,
    tpu.vector_store %arg6[%swap3A_866, %swap3A_867], %add3A_864 {strides = array<i32>} : memref<8x64xi32, #tpu.memory_space<vmem>>, vector<16xi32>,
    %add3A_869 = arith.constant 1 : i32
    %add3A_870 = arith.addi %min3A_849, %add3A_869 : i32
    %broadcast_in_dim3A_871 = vector.broadcast %add3A_870 : i32 to vector<16xi32>
    %gather3A_872 = tpu.vector_load_idx %arg5[%broadcast_in_dim3A_871] : memref<976xi32, #tpu.memory_space<vmem>>[vector<16xi32>], vector<16xi32>,
    %mul3A_873 = arith.constant 68760 : i32
    %mul3A_874 = vector.broadcast %mul3A_873 : i32 to vector<16xi32>
    %mul3A_875 = arith.muli %gather3A_872, %mul3A_874 : vector<16xi32>
    %shift_right_logical3A_876 = arith.constant 22 : i32
    %shift_right_logical3A_877 = vector.broadcast %shift_right_logical3A_876 : i32 to vector<16xi32>
    %shift_right_logical3A_878 = arith.shrui %mul3A_875, %shift_right_logical3A_877 : vector<16xi32>
    %mul3A_879 = arith.constant 3 : i32
    %mul3A_880 = vector.broadcast %mul3A_879 : i32 to vector<16xi32>
    %mul3A_881 = arith.muli %mul3A_880, %shift_right_logical3A_878 : vector<16xi32>
    %add3A_882 = arith.addi %gather3A_872, %mul3A_881 : vector<16xi32>
    %add3A_883 = arith.addi %add3A_882, %add3A_55 : vector<16xi32>
    %swap3A_884 = arith.constant 6 : i32
    %swap3A_885 = arith.index_cast %swap3A_884 : i32 to index
    %swap3A_886 = arith.constant 16 : index
    %swap3A_887 = tpu.vector_load %arg6[%swap3A_885, %swap3A_886] {strides = array<i32>} : memref<8x64xi32, #tpu.memory_space<vmem>>, vector<16xi32>,
    tpu.vector_store %arg6[%swap3A_885, %swap3A_886], %add3A_883 {strides = array<i32>} : memref<8x64xi32, #tpu.memory_space<vmem>>, vector<16xi32>,
    %add3A_888 = arith.constant 2 : i32
    %add3A_889 = arith.addi %min3A_849, %add3A_888 : i32
    %broadcast_in_dim3A_890 = vector.broadcast %add3A_889 : i32 to vector<16xi32>
    %gather3A_891 = tpu.vector_load_idx %arg5[%broadcast_in_dim3A_890] : memref<976xi32, #tpu.memory_space<vmem>>[vector<16xi32>], vector<16xi32>,
    %mul3A_892 = arith.constant 68760 : i32
    %mul3A_893 = vector.broadcast %mul3A_892 : i32 to vector<16xi32>
    %mul3A_894 = arith.muli %gather3A_891, %mul3A_893 : vector<16xi32>
    %shift_right_logical3A_895 = arith.constant 22 : i32
    %shift_right_logical3A_896 = vector.broadcast %shift_right_logical3A_895 : i32 to vector<16xi32>
    %shift_right_logical3A_897 = arith.shrui %mul3A_894, %shift_right_logical3A_896 : vector<16xi32>
    %mul3A_898 = arith.constant 3 : i32
    %mul3A_899 = vector.broadcast %mul3A_898 : i32 to vector<16xi32>
    %mul3A_900 = arith.muli %mul3A_899, %shift_right_logical3A_897 : vector<16xi32>
    %add3A_901 = arith.addi %gather3A_891, %mul3A_900 : vector<16xi32>
    %add3A_902 = arith.addi %add3A_901, %add3A_55 : vector<16xi32>
    %swap3A_903 = arith.constant 6 : i32
    %swap3A_904 = arith.index_cast %swap3A_903 : i32 to index
    %swap3A_905 = arith.constant 32 : index
    %swap3A_906 = tpu.vector_load %arg6[%swap3A_904, %swap3A_905] {strides = array<i32>} : memref<8x64xi32, #tpu.memory_space<vmem>>, vector<16xi32>,
    tpu.vector_store %arg6[%swap3A_904, %swap3A_905], %add3A_902 {strides = array<i32>} : memref<8x64xi32, #tpu.memory_space<vmem>>, vector<16xi32>,
    %add3A_907 = arith.constant 3 : i32
    %add3A_908 = arith.addi %min3A_849, %add3A_907 : i32
    %broadcast_in_dim3A_909 = vector.broadcast %add3A_908 : i32 to vector<16xi32>
    %gather3A_910 = tpu.vector_load_idx %arg5[%broadcast_in_dim3A_909] : memref<976xi32, #tpu.memory_space<vmem>>[vector<16xi32>], vector<16xi32>,
    %mul3A_911 = arith.constant 68760 : i32
    %mul3A_912 = vector.broadcast %mul3A_911 : i32 to vector<16xi32>
    %mul3A_913 = arith.muli %gather3A_910, %mul3A_912 : vector<16xi32>
    %shift_right_logical3A_914 = arith.constant 22 : i32
    %shift_right_logical3A_915 = vector.broadcast %shift_right_logical3A_914 : i32 to vector<16xi32>
    %shift_right_logical3A_916 = arith.shrui %mul3A_913, %shift_right_logical3A_915 : vector<16xi32>
    %mul3A_917 = arith.constant 3 : i32
    %mul3A_918 = vector.broadcast %mul3A_917 : i32 to vector<16xi32>
    %mul3A_919 = arith.muli %mul3A_918, %shift_right_logical3A_916 : vector<16xi32>
    %add3A_920 = arith.addi %gather3A_910, %mul3A_919 : vector<16xi32>
    %add3A_921 = arith.addi %add3A_920, %add3A_55 : vector<16xi32>
    %swap3A_922 = arith.constant 6 : i32
    %swap3A_923 = arith.index_cast %swap3A_922 : i32 to index
    %swap3A_924 = arith.constant 48 : index
    %swap3A_925 = tpu.vector_load %arg6[%swap3A_923, %swap3A_924] {strides = array<i32>} : memref<8x64xi32, #tpu.memory_space<vmem>>, vector<16xi32>,
    tpu.vector_store %arg6[%swap3A_923, %swap3A_924], %add3A_921 {strides = array<i32>} : memref<8x64xi32, #tpu.memory_space<vmem>>, vector<16xi32>,
    %scan3A_926 = arith.constant 0 : i32
    %scan3A_927 = arith.constant 0 : i32
    %scan3A_928 = arith.constant 16 : i32
    %scan3A_929 = arith.addi %scan3A_927, %scan3A_928 : i32
    %scan3A_930 = arith.constant 1 : i32
    %scan3A_931 = scf.for %scan3A_1209 = %scan3A_927 to %scan3A_929 step %scan3A_930 iter_args(%scan3A_1210 = %scan3A_926) -> (i32)  : i32 {
      %mul3A_1211 = arith.constant 16 : i32
      %mul3A_1212 = arith.muli %scan3A_1209, %mul3A_1211 : i32
      %add3A_1213 = vector.broadcast %mul3A_1212 : i32 to vector<16xi32>
      %add3A_1214 = arith.addi %add3A_1213, %iota3A : vector<16xi32>
      %shift_right_logical3A_1215 = arith.constant 5 : i32
      %shift_right_logical3A_1216 = vector.broadcast %shift_right_logical3A_1215 : i32 to vector<16xi32>
      %shift_right_logical3A_1217 = arith.shrui %add3A_1214, %shift_right_logical3A_1216 : vector<16xi32>
      %shift_right_logical3A_1218 = arith.constant 3 : i32
      %shift_right_logical3A_1219 = vector.broadcast %shift_right_logical3A_1218 : i32 to vector<16xi32>
      %shift_right_logical3A_1220 = arith.shrui %add3A_1214, %shift_right_logical3A_1219 : vector<16xi32>
      %and3A_1221 = arith.constant 3 : i32
      %and3A_1222 = vector.broadcast %and3A_1221 : i32 to vector<16xi32>
      %and3A_1223 = arith.andi %shift_right_logical3A_1220, %and3A_1222 : vector<16xi32>
      %and3A_1224 = arith.constant 7 : i32
      %and3A_1225 = vector.broadcast %and3A_1224 : i32 to vector<16xi32>
      %and3A_1226 = arith.andi %add3A_1214, %and3A_1225 : vector<16xi32>
      %mul3A_1227 = arith.constant 8 : i32
      %mul3A_1228 = vector.broadcast %mul3A_1227 : i32 to vector<16xi32>
      %mul3A_1229 = arith.muli %shift_right_logical3A_1217, %mul3A_1228 : vector<16xi32>
      %add3A_1230 = arith.addi %mul3A_1229, %and3A_1226 : vector<16xi32>
      %broadcast_in_dim3A_1231 = arith.constant 6 : i32
      %broadcast_in_dim3A_1232 = vector.broadcast %broadcast_in_dim3A_1231 : i32 to vector<16xi32>
      %gather3A_1233 = tpu.vector_load_idx %arg6[%broadcast_in_dim3A_1232, %add3A_1230] : memref<8x64xi32, #tpu.memory_space<vmem>>[vector<16xi32>, vector<16xi32>], vector<16xi32>,
      %shift_right_logical3A_1234 = arith.constant 7 : i32
      %shift_right_logical3A_1235 = vector.broadcast %shift_right_logical3A_1234 : i32 to vector<16xi32>
      %shift_right_logical3A_1236 = arith.shrui %add3A_1214, %shift_right_logical3A_1235 : vector<16xi32>
      %and3A_1237 = arith.constant 127 : i32
      %and3A_1238 = vector.broadcast %and3A_1237 : i32 to vector<16xi32>
      %and3A_1239 = arith.andi %add3A_1214, %and3A_1238 : vector<16xi32>
      %add3A_1240 = arith.constant 12 : i32
      %add3A_1241 = vector.broadcast %add3A_1240 : i32 to vector<16xi32>
      %add3A_1242 = arith.addi %add3A_1241, %shift_right_logical3A_1236 : vector<16xi32>
      %mul3A_1243 = arith.constant 4 : i32
      %mul3A_1244 = vector.broadcast %mul3A_1243 : i32 to vector<16xi32>
      %mul3A_1245 = arith.muli %gather3A_1233, %mul3A_1244 : vector<16xi32>
      %add3A_1246 = arith.addi %mul3A_1245, %and3A_1223 : vector<16xi32>
      tpu.vector_store_idx %arg7[%add3A_1242, %and3A_1239], %add3A_1246 : memref<16x128xi32, #tpu.memory_space<vmem>>[vector<16xi32>, vector<16xi32>], vector<16xi32>,
      %scan3A_1247 = arith.constant 0 : i32
      scf.yield %scan3A_1247 : i32
    }
    %scan3A_932 = arith.constant 16 : i32
    %dma_start3A_933 = arith.constant 12 : i32
    %dma_start3A_934 = arith.constant 0 : i32
    %dma_start3A_935 = arith.constant 0 : i32
    %dma_start3A_936 = tpu.memref_slice %arg8[%dma_start3A_934, %dma_start3A_935] : memref<256x128xf32, #tpu.memory_space<vmem>> -> memref<128x128xf32, #tpu.memory_space<vmem>>
    %dma_start3A_937 = arith.constant 0 : i32
    %dma_start3A_938 = tpu.memref_slice %arg7[%dma_start3A_933, %dma_start3A_937] : memref<16x128xi32, #tpu.memory_space<vmem>> -> memref<1x128xi32, #tpu.memory_space<vmem>>
    %dma_start3A_939 = tpu.memref_squeeze %dma_start3A_938 : memref<1x128xi32, #tpu.memory_space<vmem>> -> memref<128xi32, #tpu.memory_space<vmem>>
    %dma_start3A_940 = arith.constant 0 : i32
    %dma_start3A_941 = arith.constant 0 : i32
    %dma_start3A_942 = tpu.memref_slice %arg2[%dma_start3A_940, %dma_start3A_941] : memref<16384x128xf32, #tpu.memory_space<hbm>> -> memref<16384x128xf32, #tpu.memory_space<hbm>>
    tpu.enqueue_indirect_dma source(%dma_start3A_942 : memref<16384x128xf32, #tpu.memory_space<hbm>>) target(%dma_start3A_936 : memref<128x128xf32, #tpu.memory_space<vmem>>) offsets(%dma_start3A_939 : memref<128xi32, #tpu.memory_space<vmem>>) semaphore(%arg11 : memref<!tpu.dma_semaphore, #tpu.memory_space<semaphore_mem>>)
    %dma_start3A_943 = arith.constant 13 : i32
    %dma_start3A_944 = arith.constant 128 : i32
    %dma_start3A_945 = arith.constant 0 : i32
    %dma_start3A_946 = tpu.memref_slice %arg8[%dma_start3A_944, %dma_start3A_945] : memref<256x128xf32, #tpu.memory_space<vmem>> -> memref<128x128xf32, #tpu.memory_space<vmem>>
    %dma_start3A_947 = arith.constant 0 : i32
    %dma_start3A_948 = tpu.memref_slice %arg7[%dma_start3A_943, %dma_start3A_947] : memref<16x128xi32, #tpu.memory_space<vmem>> -> memref<1x128xi32, #tpu.memory_space<vmem>>
    %dma_start3A_949 = tpu.memref_squeeze %dma_start3A_948 : memref<1x128xi32, #tpu.memory_space<vmem>> -> memref<128xi32, #tpu.memory_space<vmem>>
    %dma_start3A_950 = arith.constant 0 : i32
    %dma_start3A_951 = arith.constant 0 : i32
    %dma_start3A_952 = tpu.memref_slice %arg2[%dma_start3A_950, %dma_start3A_951] : memref<16384x128xf32, #tpu.memory_space<hbm>> -> memref<16384x128xf32, #tpu.memory_space<hbm>>
    tpu.enqueue_indirect_dma source(%dma_start3A_952 : memref<16384x128xf32, #tpu.memory_space<hbm>>) target(%dma_start3A_946 : memref<128x128xf32, #tpu.memory_space<vmem>>) offsets(%dma_start3A_949 : memref<128xi32, #tpu.memory_space<vmem>>) semaphore(%arg11 : memref<!tpu.dma_semaphore, #tpu.memory_space<semaphore_mem>>)
    %dma_wait3A_953 = arith.constant 8 : i32
    %dma_wait3A_954 = arith.constant 0 : i32
    %dma_wait3A_955 = arith.constant 0 : i32
    %dma_wait3A_956 = tpu.memref_slice %arg9[%dma_wait3A_954, %dma_wait3A_955] : memref<256x128xf32, #tpu.memory_space<vmem>> -> memref<128x128xf32, #tpu.memory_space<vmem>>
    %dma_wait3A_957 = arith.constant 0 : i32
    %dma_wait3A_958 = tpu.memref_slice %arg7[%dma_wait3A_953, %dma_wait3A_957] : memref<16x128xi32, #tpu.memory_space<vmem>> -> memref<1x128xi32, #tpu.memory_space<vmem>>
    %dma_wait3A_959 = tpu.memref_squeeze %dma_wait3A_958 : memref<1x128xi32, #tpu.memory_space<vmem>> -> memref<128xi32, #tpu.memory_space<vmem>>
    %dma_wait3A_960 = arith.constant 0 : i32
    %dma_wait3A_961 = arith.constant 0 : i32
    %dma_wait3A_962 = tpu.memref_slice %arg2[%dma_wait3A_960, %dma_wait3A_961] : memref<16384x128xf32, #tpu.memory_space<hbm>> -> memref<16384x128xf32, #tpu.memory_space<hbm>>
    tpu.wait_indirect_dma semaphore(%arg12 : memref<!tpu.dma_semaphore, #tpu.memory_space<semaphore_mem>>) src(%dma_wait3A_962 : memref<16384x128xf32, #tpu.memory_space<hbm>>) dst(%dma_wait3A_956 : memref<128x128xf32, #tpu.memory_space<vmem>>)
    %dma_wait3A_963 = arith.constant 9 : i32
    %dma_wait3A_964 = arith.constant 128 : i32
    %dma_wait3A_965 = arith.constant 0 : i32
    %dma_wait3A_966 = tpu.memref_slice %arg9[%dma_wait3A_964, %dma_wait3A_965] : memref<256x128xf32, #tpu.memory_space<vmem>> -> memref<128x128xf32, #tpu.memory_space<vmem>>
    %dma_wait3A_967 = arith.constant 0 : i32
    %dma_wait3A_968 = tpu.memref_slice %arg7[%dma_wait3A_963, %dma_wait3A_967] : memref<16x128xi32, #tpu.memory_space<vmem>> -> memref<1x128xi32, #tpu.memory_space<vmem>>
    %dma_wait3A_969 = tpu.memref_squeeze %dma_wait3A_968 : memref<1x128xi32, #tpu.memory_space<vmem>> -> memref<128xi32, #tpu.memory_space<vmem>>
    %dma_wait3A_970 = arith.constant 0 : i32
    %dma_wait3A_971 = arith.constant 0 : i32
    %dma_wait3A_972 = tpu.memref_slice %arg2[%dma_wait3A_970, %dma_wait3A_971] : memref<16384x128xf32, #tpu.memory_space<hbm>> -> memref<16384x128xf32, #tpu.memory_space<hbm>>
    tpu.wait_indirect_dma semaphore(%arg12 : memref<!tpu.dma_semaphore, #tpu.memory_space<semaphore_mem>>) src(%dma_wait3A_972 : memref<16384x128xf32, #tpu.memory_space<hbm>>) dst(%dma_wait3A_966 : memref<128x128xf32, #tpu.memory_space<vmem>>)
    %add3A_973 = arith.constant 16 : i32
    %add3A_974 = arith.addi %select_n3A, %add3A_973 : i32
    %sub3A_975 = arith.constant 4 : i32
    %sub3A_976 = arith.subi %select_n3A_46, %sub3A_975 : i32
    %min3A_977 = arith.minsi %add3A_974, %sub3A_976 : i32
    %mul3A_978 = arith.constant 2 : i32
    %mul3A_979 = arith.muli %min3A_977, %mul3A_978 : i32
    %mul3A_980 = arith.constant 32 : i32
    %mul3A_981 = arith.muli %mul3A_979, %mul3A_980 : i32
    %dma_start3A_982 = arith.constant 0 : i32
    %dma_start3A_983 = tpu.memref_slice %arg4[%mul3A_981, %dma_start3A_982] : memref<61504x128xf32, #tpu.memory_space<hbm>> -> memref<256x128xf32, #tpu.memory_space<hbm>>
    %dma_start3A_984 = arith.constant 0 : i32
    %dma_start3A_985 = tpu.memref_slice %arg4[%mul3A_981, %dma_start3A_984] : memref<61504x128xf32, #tpu.memory_space<hbm>> -> memref<256x128xf32, #tpu.memory_space<hbm>>
    tpu.enqueue_dma source(%arg9 : memref<256x128xf32, #tpu.memory_space<vmem>>) target(%dma_start3A_985 : memref<256x128xf32, #tpu.memory_space<hbm>>) target_semaphore(%arg15 : memref<!tpu.dma_semaphore, #tpu.memory_space<semaphore_mem>>)
    %dma_wait3A_986 = arith.constant 0 : i32
    %dma_wait3A_987 = tpu.memref_slice %arg4[%mul3A_981, %dma_wait3A_986] : memref<61504x128xf32, #tpu.memory_space<hbm>> -> memref<256x128xf32, #tpu.memory_space<hbm>>
    %dma_wait3A_988 = arith.constant 0 : i32
    %dma_wait3A_989 = tpu.memref_slice %arg4[%mul3A_981, %dma_wait3A_988] : memref<61504x128xf32, #tpu.memory_space<hbm>> -> memref<256x128xf32, #tpu.memory_space<hbm>>
    tpu.wait_dma2 semaphore(%arg15 : memref<!tpu.dma_semaphore, #tpu.memory_space<semaphore_mem>>) src(%arg9 : memref<256x128xf32, #tpu.memory_space<vmem>>) dst(%dma_wait3A_989 : memref<256x128xf32, #tpu.memory_space<hbm>>)
    %add3A_990 = arith.constant 28 : i32
    %add3A_991 = arith.addi %select_n3A, %add3A_990 : i32
    %sub3A_992 = arith.constant 4 : i32
    %sub3A_993 = arith.subi %select_n3A_46, %sub3A_992 : i32
    %min3A_994 = arith.minsi %add3A_991, %sub3A_993 : i32
    %add3A_995 = arith.constant 0 : i32
    %add3A_996 = arith.addi %min3A_994, %add3A_995 : i32
    %broadcast_in_dim3A_997 = vector.broadcast %add3A_996 : i32 to vector<16xi32>
    %gather3A_998 = tpu.vector_load_idx %arg5[%broadcast_in_dim3A_997] : memref<976xi32, #tpu.memory_space<vmem>>[vector<16xi32>], vector<16xi32>,
    %mul3A_999 = arith.constant 68760 : i32
    %mul3A_1000 = vector.broadcast %mul3A_999 : i32 to vector<16xi32>
    %mul3A_1001 = arith.muli %gather3A_998, %mul3A_1000 : vector<16xi32>
    %shift_right_logical3A_1002 = arith.constant 22 : i32
    %shift_right_logical3A_1003 = vector.broadcast %shift_right_logical3A_1002 : i32 to vector<16xi32>
    %shift_right_logical3A_1004 = arith.shrui %mul3A_1001, %shift_right_logical3A_1003 : vector<16xi32>
    %mul3A_1005 = arith.constant 3 : i32
    %mul3A_1006 = vector.broadcast %mul3A_1005 : i32 to vector<16xi32>
    %mul3A_1007 = arith.muli %mul3A_1006, %shift_right_logical3A_1004 : vector<16xi32>
    %add3A_1008 = arith.addi %gather3A_998, %mul3A_1007 : vector<16xi32>
    %add3A_1009 = arith.addi %add3A_1008, %add3A_55 : vector<16xi32>
    %swap3A_1010 = arith.constant 7 : i32
    %swap3A_1011 = arith.index_cast %swap3A_1010 : i32 to index
    %swap3A_1012 = arith.constant 0 : index
    %swap3A_1013 = tpu.vector_load %arg6[%swap3A_1011, %swap3A_1012] {strides = array<i32>} : memref<8x64xi32, #tpu.memory_space<vmem>>, vector<16xi32>,
    tpu.vector_store %arg6[%swap3A_1011, %swap3A_1012], %add3A_1009 {strides = array<i32>} : memref<8x64xi32, #tpu.memory_space<vmem>>, vector<16xi32>,
    %add3A_1014 = arith.constant 1 : i32
    %add3A_1015 = arith.addi %min3A_994, %add3A_1014 : i32
    %broadcast_in_dim3A_1016 = vector.broadcast %add3A_1015 : i32 to vector<16xi32>
    %gather3A_1017 = tpu.vector_load_idx %arg5[%broadcast_in_dim3A_1016] : memref<976xi32, #tpu.memory_space<vmem>>[vector<16xi32>], vector<16xi32>,
    %mul3A_1018 = arith.constant 68760 : i32
    %mul3A_1019 = vector.broadcast %mul3A_1018 : i32 to vector<16xi32>
    %mul3A_1020 = arith.muli %gather3A_1017, %mul3A_1019 : vector<16xi32>
    %shift_right_logical3A_1021 = arith.constant 22 : i32
    %shift_right_logical3A_1022 = vector.broadcast %shift_right_logical3A_1021 : i32 to vector<16xi32>
    %shift_right_logical3A_1023 = arith.shrui %mul3A_1020, %shift_right_logical3A_1022 : vector<16xi32>
    %mul3A_1024 = arith.constant 3 : i32
    %mul3A_1025 = vector.broadcast %mul3A_1024 : i32 to vector<16xi32>
    %mul3A_1026 = arith.muli %mul3A_1025, %shift_right_logical3A_1023 : vector<16xi32>
    %add3A_1027 = arith.addi %gather3A_1017, %mul3A_1026 : vector<16xi32>
    %add3A_1028 = arith.addi %add3A_1027, %add3A_55 : vector<16xi32>
    %swap3A_1029 = arith.constant 7 : i32
    %swap3A_1030 = arith.index_cast %swap3A_1029 : i32 to index
    %swap3A_1031 = arith.constant 16 : index
    %swap3A_1032 = tpu.vector_load %arg6[%swap3A_1030, %swap3A_1031] {strides = array<i32>} : memref<8x64xi32, #tpu.memory_space<vmem>>, vector<16xi32>,
    tpu.vector_store %arg6[%swap3A_1030, %swap3A_1031], %add3A_1028 {strides = array<i32>} : memref<8x64xi32, #tpu.memory_space<vmem>>, vector<16xi32>,
    %add3A_1033 = arith.constant 2 : i32
    %add3A_1034 = arith.addi %min3A_994, %add3A_1033 : i32
    %broadcast_in_dim3A_1035 = vector.broadcast %add3A_1034 : i32 to vector<16xi32>
    %gather3A_1036 = tpu.vector_load_idx %arg5[%broadcast_in_dim3A_1035] : memref<976xi32, #tpu.memory_space<vmem>>[vector<16xi32>], vector<16xi32>,
    %mul3A_1037 = arith.constant 68760 : i32
    %mul3A_1038 = vector.broadcast %mul3A_1037 : i32 to vector<16xi32>
    %mul3A_1039 = arith.muli %gather3A_1036, %mul3A_1038 : vector<16xi32>
    %shift_right_logical3A_1040 = arith.constant 22 : i32
    %shift_right_logical3A_1041 = vector.broadcast %shift_right_logical3A_1040 : i32 to vector<16xi32>
    %shift_right_logical3A_1042 = arith.shrui %mul3A_1039, %shift_right_logical3A_1041 : vector<16xi32>
    %mul3A_1043 = arith.constant 3 : i32
    %mul3A_1044 = vector.broadcast %mul3A_1043 : i32 to vector<16xi32>
    %mul3A_1045 = arith.muli %mul3A_1044, %shift_right_logical3A_1042 : vector<16xi32>
    %add3A_1046 = arith.addi %gather3A_1036, %mul3A_1045 : vector<16xi32>
    %add3A_1047 = arith.addi %add3A_1046, %add3A_55 : vector<16xi32>
    %swap3A_1048 = arith.constant 7 : i32
    %swap3A_1049 = arith.index_cast %swap3A_1048 : i32 to index
    %swap3A_1050 = arith.constant 32 : index
    %swap3A_1051 = tpu.vector_load %arg6[%swap3A_1049, %swap3A_1050] {strides = array<i32>} : memref<8x64xi32, #tpu.memory_space<vmem>>, vector<16xi32>,
    tpu.vector_store %arg6[%swap3A_1049, %swap3A_1050], %add3A_1047 {strides = array<i32>} : memref<8x64xi32, #tpu.memory_space<vmem>>, vector<16xi32>,
    %add3A_1052 = arith.constant 3 : i32
    %add3A_1053 = arith.addi %min3A_994, %add3A_1052 : i32
    %broadcast_in_dim3A_1054 = vector.broadcast %add3A_1053 : i32 to vector<16xi32>
    %gather3A_1055 = tpu.vector_load_idx %arg5[%broadcast_in_dim3A_1054] : memref<976xi32, #tpu.memory_space<vmem>>[vector<16xi32>], vector<16xi32>,
    %mul3A_1056 = arith.constant 68760 : i32
    %mul3A_1057 = vector.broadcast %mul3A_1056 : i32 to vector<16xi32>
    %mul3A_1058 = arith.muli %gather3A_1055, %mul3A_1057 : vector<16xi32>
    %shift_right_logical3A_1059 = arith.constant 22 : i32
    %shift_right_logical3A_1060 = vector.broadcast %shift_right_logical3A_1059 : i32 to vector<16xi32>
    %shift_right_logical3A_1061 = arith.shrui %mul3A_1058, %shift_right_logical3A_1060 : vector<16xi32>
    %mul3A_1062 = arith.constant 3 : i32
    %mul3A_1063 = vector.broadcast %mul3A_1062 : i32 to vector<16xi32>
    %mul3A_1064 = arith.muli %mul3A_1063, %shift_right_logical3A_1061 : vector<16xi32>
    %add3A_1065 = arith.addi %gather3A_1055, %mul3A_1064 : vector<16xi32>
    %add3A_1066 = arith.addi %add3A_1065, %add3A_55 : vector<16xi32>
    %swap3A_1067 = arith.constant 7 : i32
    %swap3A_1068 = arith.index_cast %swap3A_1067 : i32 to index
    %swap3A_1069 = arith.constant 48 : index
    %swap3A_1070 = tpu.vector_load %arg6[%swap3A_1068, %swap3A_1069] {strides = array<i32>} : memref<8x64xi32, #tpu.memory_space<vmem>>, vector<16xi32>,
    tpu.vector_store %arg6[%swap3A_1068, %swap3A_1069], %add3A_1066 {strides = array<i32>} : memref<8x64xi32, #tpu.memory_space<vmem>>, vector<16xi32>,
    %scan3A_1071 = arith.constant 0 : i32
    %scan3A_1072 = arith.constant 0 : i32
    %scan3A_1073 = arith.constant 16 : i32
    %scan3A_1074 = arith.addi %scan3A_1072, %scan3A_1073 : i32
    %scan3A_1075 = arith.constant 1 : i32
    %scan3A_1076 = scf.for %scan3A_1209 = %scan3A_1072 to %scan3A_1074 step %scan3A_1075 iter_args(%scan3A_1210 = %scan3A_1071) -> (i32)  : i32 {
      %mul3A_1211 = arith.constant 16 : i32
      %mul3A_1212 = arith.muli %scan3A_1209, %mul3A_1211 : i32
      %add3A_1213 = vector.broadcast %mul3A_1212 : i32 to vector<16xi32>
      %add3A_1214 = arith.addi %add3A_1213, %iota3A : vector<16xi32>
      %shift_right_logical3A_1215 = arith.constant 5 : i32
      %shift_right_logical3A_1216 = vector.broadcast %shift_right_logical3A_1215 : i32 to vector<16xi32>
      %shift_right_logical3A_1217 = arith.shrui %add3A_1214, %shift_right_logical3A_1216 : vector<16xi32>
      %shift_right_logical3A_1218 = arith.constant 3 : i32
      %shift_right_logical3A_1219 = vector.broadcast %shift_right_logical3A_1218 : i32 to vector<16xi32>
      %shift_right_logical3A_1220 = arith.shrui %add3A_1214, %shift_right_logical3A_1219 : vector<16xi32>
      %and3A_1221 = arith.constant 3 : i32
      %and3A_1222 = vector.broadcast %and3A_1221 : i32 to vector<16xi32>
      %and3A_1223 = arith.andi %shift_right_logical3A_1220, %and3A_1222 : vector<16xi32>
      %and3A_1224 = arith.constant 7 : i32
      %and3A_1225 = vector.broadcast %and3A_1224 : i32 to vector<16xi32>
      %and3A_1226 = arith.andi %add3A_1214, %and3A_1225 : vector<16xi32>
      %mul3A_1227 = arith.constant 8 : i32
      %mul3A_1228 = vector.broadcast %mul3A_1227 : i32 to vector<16xi32>
      %mul3A_1229 = arith.muli %shift_right_logical3A_1217, %mul3A_1228 : vector<16xi32>
      %add3A_1230 = arith.addi %mul3A_1229, %and3A_1226 : vector<16xi32>
      %broadcast_in_dim3A_1231 = arith.constant 7 : i32
      %broadcast_in_dim3A_1232 = vector.broadcast %broadcast_in_dim3A_1231 : i32 to vector<16xi32>
      %gather3A_1233 = tpu.vector_load_idx %arg6[%broadcast_in_dim3A_1232, %add3A_1230] : memref<8x64xi32, #tpu.memory_space<vmem>>[vector<16xi32>, vector<16xi32>], vector<16xi32>,
      %shift_right_logical3A_1234 = arith.constant 7 : i32
      %shift_right_logical3A_1235 = vector.broadcast %shift_right_logical3A_1234 : i32 to vector<16xi32>
      %shift_right_logical3A_1236 = arith.shrui %add3A_1214, %shift_right_logical3A_1235 : vector<16xi32>
      %and3A_1237 = arith.constant 127 : i32
      %and3A_1238 = vector.broadcast %and3A_1237 : i32 to vector<16xi32>
      %and3A_1239 = arith.andi %add3A_1214, %and3A_1238 : vector<16xi32>
      %add3A_1240 = arith.constant 14 : i32
      %add3A_1241 = vector.broadcast %add3A_1240 : i32 to vector<16xi32>
      %add3A_1242 = arith.addi %add3A_1241, %shift_right_logical3A_1236 : vector<16xi32>
      %mul3A_1243 = arith.constant 4 : i32
      %mul3A_1244 = vector.broadcast %mul3A_1243 : i32 to vector<16xi32>
      %mul3A_1245 = arith.muli %gather3A_1233, %mul3A_1244 : vector<16xi32>
      %add3A_1246 = arith.addi %mul3A_1245, %and3A_1223 : vector<16xi32>
      tpu.vector_store_idx %arg7[%add3A_1242, %and3A_1239], %add3A_1246 : memref<16x128xi32, #tpu.memory_space<vmem>>[vector<16xi32>, vector<16xi32>], vector<16xi32>,
      %scan3A_1247 = arith.constant 0 : i32
      scf.yield %scan3A_1247 : i32
    }
    %scan3A_1077 = arith.constant 16 : i32
    %dma_start3A_1078 = arith.constant 14 : i32
    %dma_start3A_1079 = arith.constant 0 : i32
    %dma_start3A_1080 = arith.constant 0 : i32
    %dma_start3A_1081 = tpu.memref_slice %arg9[%dma_start3A_1079, %dma_start3A_1080] : memref<256x128xf32, #tpu.memory_space<vmem>> -> memref<128x128xf32, #tpu.memory_space<vmem>>
    %dma_start3A_1082 = arith.constant 0 : i32
    %dma_start3A_1083 = tpu.memref_slice %arg7[%dma_start3A_1078, %dma_start3A_1082] : memref<16x128xi32, #tpu.memory_space<vmem>> -> memref<1x128xi32, #tpu.memory_space<vmem>>
    %dma_start3A_1084 = tpu.memref_squeeze %dma_start3A_1083 : memref<1x128xi32, #tpu.memory_space<vmem>> -> memref<128xi32, #tpu.memory_space<vmem>>
    %dma_start3A_1085 = arith.constant 0 : i32
    %dma_start3A_1086 = arith.constant 0 : i32
    %dma_start3A_1087 = tpu.memref_slice %arg2[%dma_start3A_1085, %dma_start3A_1086] : memref<16384x128xf32, #tpu.memory_space<hbm>> -> memref<16384x128xf32, #tpu.memory_space<hbm>>
    tpu.enqueue_indirect_dma source(%dma_start3A_1087 : memref<16384x128xf32, #tpu.memory_space<hbm>>) target(%dma_start3A_1081 : memref<128x128xf32, #tpu.memory_space<vmem>>) offsets(%dma_start3A_1084 : memref<128xi32, #tpu.memory_space<vmem>>) semaphore(%arg12 : memref<!tpu.dma_semaphore, #tpu.memory_space<semaphore_mem>>)
    %dma_start3A_1088 = arith.constant 15 : i32
    %dma_start3A_1089 = arith.constant 128 : i32
    %dma_start3A_1090 = arith.constant 0 : i32
    %dma_start3A_1091 = tpu.memref_slice %arg9[%dma_start3A_1089, %dma_start3A_1090] : memref<256x128xf32, #tpu.memory_space<vmem>> -> memref<128x128xf32, #tpu.memory_space<vmem>>
    %dma_start3A_1092 = arith.constant 0 : i32
    %dma_start3A_1093 = tpu.memref_slice %arg7[%dma_start3A_1088, %dma_start3A_1092] : memref<16x128xi32, #tpu.memory_space<vmem>> -> memref<1x128xi32, #tpu.memory_space<vmem>>
    %dma_start3A_1094 = tpu.memref_squeeze %dma_start3A_1093 : memref<1x128xi32, #tpu.memory_space<vmem>> -> memref<128xi32, #tpu.memory_space<vmem>>
    %dma_start3A_1095 = arith.constant 0 : i32
    %dma_start3A_1096 = arith.constant 0 : i32
    %dma_start3A_1097 = tpu.memref_slice %arg2[%dma_start3A_1095, %dma_start3A_1096] : memref<16384x128xf32, #tpu.memory_space<hbm>> -> memref<16384x128xf32, #tpu.memory_space<hbm>>
    tpu.enqueue_indirect_dma source(%dma_start3A_1097 : memref<16384x128xf32, #tpu.memory_space<hbm>>) target(%dma_start3A_1091 : memref<128x128xf32, #tpu.memory_space<vmem>>) offsets(%dma_start3A_1094 : memref<128xi32, #tpu.memory_space<vmem>>) semaphore(%arg12 : memref<!tpu.dma_semaphore, #tpu.memory_space<semaphore_mem>>)
    %dma_wait3A_1098 = arith.constant 10 : i32
    %dma_wait3A_1099 = arith.constant 0 : i32
    %dma_wait3A_1100 = arith.constant 0 : i32
    %dma_wait3A_1101 = tpu.memref_slice %arg10[%dma_wait3A_1099, %dma_wait3A_1100] : memref<256x128xf32, #tpu.memory_space<vmem>> -> memref<128x128xf32, #tpu.memory_space<vmem>>
    %dma_wait3A_1102 = arith.constant 0 : i32
    %dma_wait3A_1103 = tpu.memref_slice %arg7[%dma_wait3A_1098, %dma_wait3A_1102] : memref<16x128xi32, #tpu.memory_space<vmem>> -> memref<1x128xi32, #tpu.memory_space<vmem>>
    %dma_wait3A_1104 = tpu.memref_squeeze %dma_wait3A_1103 : memref<1x128xi32, #tpu.memory_space<vmem>> -> memref<128xi32, #tpu.memory_space<vmem>>
    %dma_wait3A_1105 = arith.constant 0 : i32
    %dma_wait3A_1106 = arith.constant 0 : i32
    %dma_wait3A_1107 = tpu.memref_slice %arg2[%dma_wait3A_1105, %dma_wait3A_1106] : memref<16384x128xf32, #tpu.memory_space<hbm>> -> memref<16384x128xf32, #tpu.memory_space<hbm>>
    tpu.wait_indirect_dma semaphore(%arg13 : memref<!tpu.dma_semaphore, #tpu.memory_space<semaphore_mem>>) src(%dma_wait3A_1107 : memref<16384x128xf32, #tpu.memory_space<hbm>>) dst(%dma_wait3A_1101 : memref<128x128xf32, #tpu.memory_space<vmem>>)
    %dma_wait3A_1108 = arith.constant 11 : i32
    %dma_wait3A_1109 = arith.constant 128 : i32
    %dma_wait3A_1110 = arith.constant 0 : i32
    %dma_wait3A_1111 = tpu.memref_slice %arg10[%dma_wait3A_1109, %dma_wait3A_1110] : memref<256x128xf32, #tpu.memory_space<vmem>> -> memref<128x128xf32, #tpu.memory_space<vmem>>
    %dma_wait3A_1112 = arith.constant 0 : i32
    %dma_wait3A_1113 = tpu.memref_slice %arg7[%dma_wait3A_1108, %dma_wait3A_1112] : memref<16x128xi32, #tpu.memory_space<vmem>> -> memref<1x128xi32, #tpu.memory_space<vmem>>
    %dma_wait3A_1114 = tpu.memref_squeeze %dma_wait3A_1113 : memref<1x128xi32, #tpu.memory_space<vmem>> -> memref<128xi32, #tpu.memory_space<vmem>>
    %dma_wait3A_1115 = arith.constant 0 : i32
    %dma_wait3A_1116 = arith.constant 0 : i32
    %dma_wait3A_1117 = tpu.memref_slice %arg2[%dma_wait3A_1115, %dma_wait3A_1116] : memref<16384x128xf32, #tpu.memory_space<hbm>> -> memref<16384x128xf32, #tpu.memory_space<hbm>>
    tpu.wait_indirect_dma semaphore(%arg13 : memref<!tpu.dma_semaphore, #tpu.memory_space<semaphore_mem>>) src(%dma_wait3A_1117 : memref<16384x128xf32, #tpu.memory_space<hbm>>) dst(%dma_wait3A_1111 : memref<128x128xf32, #tpu.memory_space<vmem>>)
    %add3A_1118 = arith.constant 20 : i32
    %add3A_1119 = arith.addi %select_n3A, %add3A_1118 : i32
    %sub3A_1120 = arith.constant 4 : i32
    %sub3A_1121 = arith.subi %select_n3A_46, %sub3A_1120 : i32
    %min3A_1122 = arith.minsi %add3A_1119, %sub3A_1121 : i32
    %mul3A_1123 = arith.constant 2 : i32
    %mul3A_1124 = arith.muli %min3A_1122, %mul3A_1123 : i32
    %mul3A_1125 = arith.constant 32 : i32
    %mul3A_1126 = arith.muli %mul3A_1124, %mul3A_1125 : i32
    %dma_start3A_1127 = arith.constant 0 : i32
    %dma_start3A_1128 = tpu.memref_slice %arg4[%mul3A_1126, %dma_start3A_1127] : memref<61504x128xf32, #tpu.memory_space<hbm>> -> memref<256x128xf32, #tpu.memory_space<hbm>>
    %dma_start3A_1129 = arith.constant 0 : i32
    %dma_start3A_1130 = tpu.memref_slice %arg4[%mul3A_1126, %dma_start3A_1129] : memref<61504x128xf32, #tpu.memory_space<hbm>> -> memref<256x128xf32, #tpu.memory_space<hbm>>
    tpu.enqueue_dma source(%arg10 : memref<256x128xf32, #tpu.memory_space<vmem>>) target(%dma_start3A_1130 : memref<256x128xf32, #tpu.memory_space<hbm>>) target_semaphore(%arg16 : memref<!tpu.dma_semaphore, #tpu.memory_space<semaphore_mem>>)
    %dma_wait3A_1131 = arith.constant 12 : i32
    %dma_wait3A_1132 = arith.constant 0 : i32
    %dma_wait3A_1133 = arith.constant 0 : i32
    %dma_wait3A_1134 = tpu.memref_slice %arg8[%dma_wait3A_1132, %dma_wait3A_1133] : memref<256x128xf32, #tpu.memory_space<vmem>> -> memref<128x128xf32, #tpu.memory_space<vmem>>
    %dma_wait3A_1135 = arith.constant 0 : i32
    %dma_wait3A_1136 = tpu.memref_slice %arg7[%dma_wait3A_1131, %dma_wait3A_1135] : memref<16x128xi32, #tpu.memory_space<vmem>> -> memref<1x128xi32, #tpu.memory_space<vmem>>
    %dma_wait3A_1137 = tpu.memref_squeeze %dma_wait3A_1136 : memref<1x128xi32, #tpu.memory_space<vmem>> -> memref<128xi32, #tpu.memory_space<vmem>>
    %dma_wait3A_1138 = arith.constant 0 : i32
    %dma_wait3A_1139 = arith.constant 0 : i32
    %dma_wait3A_1140 = tpu.memref_slice %arg2[%dma_wait3A_1138, %dma_wait3A_1139] : memref<16384x128xf32, #tpu.memory_space<hbm>> -> memref<16384x128xf32, #tpu.memory_space<hbm>>
    tpu.wait_indirect_dma semaphore(%arg11 : memref<!tpu.dma_semaphore, #tpu.memory_space<semaphore_mem>>) src(%dma_wait3A_1140 : memref<16384x128xf32, #tpu.memory_space<hbm>>) dst(%dma_wait3A_1134 : memref<128x128xf32, #tpu.memory_space<vmem>>)
    %dma_wait3A_1141 = arith.constant 13 : i32
    %dma_wait3A_1142 = arith.constant 128 : i32
    %dma_wait3A_1143 = arith.constant 0 : i32
    %dma_wait3A_1144 = tpu.memref_slice %arg8[%dma_wait3A_1142, %dma_wait3A_1143] : memref<256x128xf32, #tpu.memory_space<vmem>> -> memref<128x128xf32, #tpu.memory_space<vmem>>
    %dma_wait3A_1145 = arith.constant 0 : i32
    %dma_wait3A_1146 = tpu.memref_slice %arg7[%dma_wait3A_1141, %dma_wait3A_1145] : memref<16x128xi32, #tpu.memory_space<vmem>> -> memref<1x128xi32, #tpu.memory_space<vmem>>
    %dma_wait3A_1147 = tpu.memref_squeeze %dma_wait3A_1146 : memref<1x128xi32, #tpu.memory_space<vmem>> -> memref<128xi32, #tpu.memory_space<vmem>>
    %dma_wait3A_1148 = arith.constant 0 : i32
    %dma_wait3A_1149 = arith.constant 0 : i32
    %dma_wait3A_1150 = tpu.memref_slice %arg2[%dma_wait3A_1148, %dma_wait3A_1149] : memref<16384x128xf32, #tpu.memory_space<hbm>> -> memref<16384x128xf32, #tpu.memory_space<hbm>>
    tpu.wait_indirect_dma semaphore(%arg11 : memref<!tpu.dma_semaphore, #tpu.memory_space<semaphore_mem>>) src(%dma_wait3A_1150 : memref<16384x128xf32, #tpu.memory_space<hbm>>) dst(%dma_wait3A_1144 : memref<128x128xf32, #tpu.memory_space<vmem>>)
    %add3A_1151 = arith.constant 24 : i32
    %add3A_1152 = arith.addi %select_n3A, %add3A_1151 : i32
    %sub3A_1153 = arith.constant 4 : i32
    %sub3A_1154 = arith.subi %select_n3A_46, %sub3A_1153 : i32
    %min3A_1155 = arith.minsi %add3A_1152, %sub3A_1154 : i32
    %mul3A_1156 = arith.constant 2 : i32
    %mul3A_1157 = arith.muli %min3A_1155, %mul3A_1156 : i32
    %mul3A_1158 = arith.constant 32 : i32
    %mul3A_1159 = arith.muli %mul3A_1157, %mul3A_1158 : i32
    %dma_start3A_1160 = arith.constant 0 : i32
    %dma_start3A_1161 = tpu.memref_slice %arg4[%mul3A_1159, %dma_start3A_1160] : memref<61504x128xf32, #tpu.memory_space<hbm>> -> memref<256x128xf32, #tpu.memory_space<hbm>>
    %dma_start3A_1162 = arith.constant 0 : i32
    %dma_start3A_1163 = tpu.memref_slice %arg4[%mul3A_1159, %dma_start3A_1162] : memref<61504x128xf32, #tpu.memory_space<hbm>> -> memref<256x128xf32, #tpu.memory_space<hbm>>
    tpu.enqueue_dma source(%arg8 : memref<256x128xf32, #tpu.memory_space<vmem>>) target(%dma_start3A_1163 : memref<256x128xf32, #tpu.memory_space<hbm>>) target_semaphore(%arg14 : memref<!tpu.dma_semaphore, #tpu.memory_space<semaphore_mem>>)
    %dma_wait3A_1164 = arith.constant 14 : i32
    %dma_wait3A_1165 = arith.constant 0 : i32
    %dma_wait3A_1166 = arith.constant 0 : i32
    %dma_wait3A_1167 = tpu.memref_slice %arg9[%dma_wait3A_1165, %dma_wait3A_1166] : memref<256x128xf32, #tpu.memory_space<vmem>> -> memref<128x128xf32, #tpu.memory_space<vmem>>
    %dma_wait3A_1168 = arith.constant 0 : i32
    %dma_wait3A_1169 = tpu.memref_slice %arg7[%dma_wait3A_1164, %dma_wait3A_1168] : memref<16x128xi32, #tpu.memory_space<vmem>> -> memref<1x128xi32, #tpu.memory_space<vmem>>
    %dma_wait3A_1170 = tpu.memref_squeeze %dma_wait3A_1169 : memref<1x128xi32, #tpu.memory_space<vmem>> -> memref<128xi32, #tpu.memory_space<vmem>>
    %dma_wait3A_1171 = arith.constant 0 : i32
    %dma_wait3A_1172 = arith.constant 0 : i32
    %dma_wait3A_1173 = tpu.memref_slice %arg2[%dma_wait3A_1171, %dma_wait3A_1172] : memref<16384x128xf32, #tpu.memory_space<hbm>> -> memref<16384x128xf32, #tpu.memory_space<hbm>>
    tpu.wait_indirect_dma semaphore(%arg12 : memref<!tpu.dma_semaphore, #tpu.memory_space<semaphore_mem>>) src(%dma_wait3A_1173 : memref<16384x128xf32, #tpu.memory_space<hbm>>) dst(%dma_wait3A_1167 : memref<128x128xf32, #tpu.memory_space<vmem>>)
    %dma_wait3A_1174 = arith.constant 15 : i32
    %dma_wait3A_1175 = arith.constant 128 : i32
    %dma_wait3A_1176 = arith.constant 0 : i32
    %dma_wait3A_1177 = tpu.memref_slice %arg9[%dma_wait3A_1175, %dma_wait3A_1176] : memref<256x128xf32, #tpu.memory_space<vmem>> -> memref<128x128xf32, #tpu.memory_space<vmem>>
    %dma_wait3A_1178 = arith.constant 0 : i32
    %dma_wait3A_1179 = tpu.memref_slice %arg7[%dma_wait3A_1174, %dma_wait3A_1178] : memref<16x128xi32, #tpu.memory_space<vmem>> -> memref<1x128xi32, #tpu.memory_space<vmem>>
    %dma_wait3A_1180 = tpu.memref_squeeze %dma_wait3A_1179 : memref<1x128xi32, #tpu.memory_space<vmem>> -> memref<128xi32, #tpu.memory_space<vmem>>
    %dma_wait3A_1181 = arith.constant 0 : i32
    %dma_wait3A_1182 = arith.constant 0 : i32
    %dma_wait3A_1183 = tpu.memref_slice %arg2[%dma_wait3A_1181, %dma_wait3A_1182] : memref<16384x128xf32, #tpu.memory_space<hbm>> -> memref<16384x128xf32, #tpu.memory_space<hbm>>
    tpu.wait_indirect_dma semaphore(%arg12 : memref<!tpu.dma_semaphore, #tpu.memory_space<semaphore_mem>>) src(%dma_wait3A_1183 : memref<16384x128xf32, #tpu.memory_space<hbm>>) dst(%dma_wait3A_1177 : memref<128x128xf32, #tpu.memory_space<vmem>>)
    %add3A_1184 = arith.constant 28 : i32
    %add3A_1185 = arith.addi %select_n3A, %add3A_1184 : i32
    %sub3A_1186 = arith.constant 4 : i32
    %sub3A_1187 = arith.subi %select_n3A_46, %sub3A_1186 : i32
    %min3A_1188 = arith.minsi %add3A_1185, %sub3A_1187 : i32
    %mul3A_1189 = arith.constant 2 : i32
    %mul3A_1190 = arith.muli %min3A_1188, %mul3A_1189 : i32
    %mul3A_1191 = arith.constant 32 : i32
    %mul3A_1192 = arith.muli %mul3A_1190, %mul3A_1191 : i32
    %dma_start3A_1193 = arith.constant 0 : i32
    %dma_start3A_1194 = tpu.memref_slice %arg4[%mul3A_1192, %dma_start3A_1193] : memref<61504x128xf32, #tpu.memory_space<hbm>> -> memref<256x128xf32, #tpu.memory_space<hbm>>
    %dma_start3A_1195 = arith.constant 0 : i32
    %dma_start3A_1196 = tpu.memref_slice %arg4[%mul3A_1192, %dma_start3A_1195] : memref<61504x128xf32, #tpu.memory_space<hbm>> -> memref<256x128xf32, #tpu.memory_space<hbm>>
    tpu.enqueue_dma source(%arg9 : memref<256x128xf32, #tpu.memory_space<vmem>>) target(%dma_start3A_1196 : memref<256x128xf32, #tpu.memory_space<hbm>>) target_semaphore(%arg15 : memref<!tpu.dma_semaphore, #tpu.memory_space<semaphore_mem>>)
    %dma_wait3A_1197 = arith.constant 0 : i32
    %dma_wait3A_1198 = tpu.memref_slice %arg4[%mul3A_1159, %dma_wait3A_1197] : memref<61504x128xf32, #tpu.memory_space<hbm>> -> memref<256x128xf32, #tpu.memory_space<hbm>>
    %dma_wait3A_1199 = arith.constant 0 : i32
    %dma_wait3A_1200 = tpu.memref_slice %arg4[%mul3A_1159, %dma_wait3A_1199] : memref<61504x128xf32, #tpu.memory_space<hbm>> -> memref<256x128xf32, #tpu.memory_space<hbm>>
    tpu.wait_dma2 semaphore(%arg14 : memref<!tpu.dma_semaphore, #tpu.memory_space<semaphore_mem>>) src(%arg8 : memref<256x128xf32, #tpu.memory_space<vmem>>) dst(%dma_wait3A_1200 : memref<256x128xf32, #tpu.memory_space<hbm>>)
    %dma_wait3A_1201 = arith.constant 0 : i32
    %dma_wait3A_1202 = tpu.memref_slice %arg4[%mul3A_1192, %dma_wait3A_1201] : memref<61504x128xf32, #tpu.memory_space<hbm>> -> memref<256x128xf32, #tpu.memory_space<hbm>>
    %dma_wait3A_1203 = arith.constant 0 : i32
    %dma_wait3A_1204 = tpu.memref_slice %arg4[%mul3A_1192, %dma_wait3A_1203] : memref<61504x128xf32, #tpu.memory_space<hbm>> -> memref<256x128xf32, #tpu.memory_space<hbm>>
    tpu.wait_dma2 semaphore(%arg15 : memref<!tpu.dma_semaphore, #tpu.memory_space<semaphore_mem>>) src(%arg9 : memref<256x128xf32, #tpu.memory_space<vmem>>) dst(%dma_wait3A_1204 : memref<256x128xf32, #tpu.memory_space<hbm>>)
    %dma_wait3A_1205 = arith.constant 0 : i32
    %dma_wait3A_1206 = tpu.memref_slice %arg4[%mul3A_1126, %dma_wait3A_1205] : memref<61504x128xf32, #tpu.memory_space<hbm>> -> memref<256x128xf32, #tpu.memory_space<hbm>>
    %dma_wait3A_1207 = arith.constant 0 : i32
    %dma_wait3A_1208 = tpu.memref_slice %arg4[%mul3A_1126, %dma_wait3A_1207] : memref<61504x128xf32, #tpu.memory_space<hbm>> -> memref<256x128xf32, #tpu.memory_space<hbm>>
    tpu.wait_dma2 semaphore(%arg16 : memref<!tpu.dma_semaphore, #tpu.memory_space<semaphore_mem>>) src(%arg10 : memref<256x128xf32, #tpu.memory_space<vmem>>) dst(%dma_wait3A_1208 : memref<256x128xf32, #tpu.memory_space<hbm>>)
    return
  }
}

</mosaic_0001>

<sc_bundles>
// kernel: kernel.4.cloned.1.call-start
scs
__scs_entry_jumppad:
0x0: {  	(pc) =	sbr.rel $0x88, $3  }
0x1: {  	(tag) =	ssettag $0x0;
	lr =	simm.s32 $0x1  }
0x2: {  	[smem:$0x3F9F] =	sst lr;
	_ =	strace $0xD0000000  }
0x3: {  	_ = 	snop  }
0x4: {  	_ = 	snop  }
0x5: {  	_ = 	snop  }
0x6: {  	_ = 	snop  }
0x7: {  	_ = 	snop  }
__scs_overlays_trampoline_lowered:
0x8: {  	[smem:$0x3FAE] =	sst s0  }
0x9: {  	[smem:$0x3FAF] =	sst s1  }
0xa: {  	[smem:$0x3FB0] =	sst s2  }
0xb: {  	[smem:$0x3FB1] =	sst s3  }
0xc: {  	[smem:$0x3FB2] =	sst s4  }
0xd: {  	[smem:$0x3FB3] =	sst s5  }
0xe: {  	[smem:$0x3FB4] =	sst s6  }
0xf: {  	[smem:$0x3FB5] =	sst s7  }
0x10: {  	[smem:$0x3FB6] =	sst s8  }
0x11: {  	[smem:$0x3FB7] =	sst s9;
	s0 =	simm.s32 @!p0 $0x0  }
0x12: {  	s1 =	sld [smem:$0x3F9D];
	s0 =	simm.s32 @p0 $0x1  }
0x13: {  	[smem:$0x3FB8] =	sst s0;
	s0 =	simm.s32 @!p1 $0x0  }
0x14: {  	s2 =	sld [smem:$0x3F9C];
	s0 =	simm.s32 @p1 $0x1  }
0x15: {  	[smem:$0x3FB9] =	sst s0;
	s0 =	simm.s32 @!p2 $0x0  }
0x16: {  	s3 =	sld [smem:$0x3FDB];
	s0 =	simm.s32 @p2 $0x1  }
0x17: {  	s4 =	simm.s32 $0x1BF5;
	[smem:$0x3FBB] =	sst s0  }
0x18: {  	s0 =	sld [smem:$0x3F9E];
	_ =	swait.ge [sflag:s4], $0x0  }
0x19: {  	s7 =	sld [smem:$0x3F9F]  }
0x1a: {  	s8 =	sadd.s32 $0xFFFFE003, lr  }
0x1b: {  	s9 =	sadd.s32 $0xFFFFFEF7, lr;
	s5 =	simm.s32 $0xFFFFFFFF;
	p2 =	slt.u32 s8, $0xFFFFF086  }
0x1c: {  	p1 =	slt.u32 s9, $0xF7A;
	s5 =	simm.s32 @!p2 $0x0  }
0x1d: {  	s5 =	simm.s32 @p1 $0x1;
	p0 =	seq.s32 s7, s2  }
0x1e: {  	s7 =	smul.u32 @!p0 $0xF7A, s2;
	p2 =	seq.s32 @!p0 s5, $0x0  }
0x1f: {  	s9 =	smul.u32 $0xF7A, s1;
	s8 =	simm.s32 @!p0 $0x1BF5;
	p2 =	por !p2, p0  }
0x20: {  	[sflag:s8] =	ssyncset.s32 @!p0 $0xFFFFF086;
	s6 =	sadd.s32 @!p0 s3, s7;
	s7 =	simm.s32 @!p0 $0x108  }
0x21: {  	s3 =	sadd.s32 s3, s9;
	s6 =	sadd.s32 @!p0 $0x88, s6;
	s7 =	simm.s32 @p2 $0x1082  }
0x22: {  	[simem:s7], [sflag:s8] =	dma.local @!p0 [hbm:s6], $0xF7A  }
0x23: {  	s9 =	sor.u32 $0xD0000000, s2;
	s6 =	simm.s32 $0x108;
	_ =	swait.ge @!p0 [sflag:s8], $0x0  }
0x24: {  	s3 =	sadd.s32 $0x88, s3;
	s6 =	simm.s32 @!p1 $0x1082;
	[sflag:s4] =	ssyncset.s32 $0xFFFFF086  }
0x25: {  	[simem:s6], [sflag:s4] =	dma.local [hbm:s3], $0xF7A  }
0x26: {  	[smem:$0x3F9F] =	sst s1;
	(tag) =	ssettag s2;
	_ =	strace s9  }
0x27: {  	s1 =	sld [smem:$0x3FAF]  }
0x28: {  	s2 =	sld [smem:$0x3FB0]  }
0x29: {  	s4 =	sld [smem:$0x3FB2]  }
0x2a: {  	p0 =	seq.s32 s5, $0x0;
	s5 =	sld [smem:$0x3FB3]  }
0x2b: {  	s6 =	sld [smem:$0x3FB4]  }
0x2c: {  	s7 =	sld [smem:$0x3FB5]  }
0x2d: {  	s3 =	simm.s32 $0x108;
	s8 =	sld [smem:$0x3FB6]  }
0x2e: {  	s3 =	simm.s32 @!p0 $0x1082;
	s9 =	sld [smem:$0x3FB7]  }
0x2f: {  	lr =	sadd.s32 s0, s3;
	s0 =	sld [smem:$0x3FAE]  }
0x30: {  	s3 =	sld [smem:$0x3FB1]  }
0x31: {  	[smem:$0x3FBA] =	sst s10  }
0x32: {  	s10 =	sld [smem:$0x3FB8];
	_ =	sdelay $0x3  }
0x33: {  	p0 =	seq.s32 s10, $0x1;
	s10 =	sld [smem:$0x3FBA];
	_ =	sdelay $0x3  }
0x34: {  	[smem:$0x3FBA] =	sst s10  }
0x35: {  	s10 =	sld [smem:$0x3FB9];
	_ =	sdelay $0x3  }
0x36: {  	p1 =	seq.s32 s10, $0x1;
	s10 =	sld [smem:$0x3FBA];
	_ =	sdelay $0x3  }
0x37: {  	[smem:$0x3FBA] =	sst s10  }
0x38: {  	s10 =	sld [smem:$0x3FBB]  }
0x39: {  	_ = 	snop;
	(pc) =	sbr.ind lr, $3  }
0x3a: {  	_ = 	snop  }
0x3b: {  	_ = 	snop  }
0x3c: {  	p2 =	seq.s32 s10, $0x1;
	s10 =	sld [smem:$0x3FBA]  }
0x3d: {  	_ =	shalt  }
0x3e: {  	_ =	shalt  }
0x3f: {  	_ =	shalt  }
0x40: {  	_ =	shalt  }
0x41: {  	_ =	shalt  }
0x42: {  	_ =	shalt  }
0x43: {  	_ =	shalt  }
0x44: {  	_ =	shalt  }
0x45: {  	_ =	shalt  }
0x46: {  	_ =	shalt  }
0x47: {  	_ =	shalt  }
0x48: {  	_ =	shalt  }
0x49: {  	_ =	shalt  }
0x4a: {  	_ =	shalt  }
0x4b: {  	_ =	shalt  }
0x4c: {  	_ =	shalt  }
0x4d: {  	_ =	shalt  }
0x4e: {  	_ =	shalt  }
0x4f: {  	_ =	shalt  }
0x50: {  	_ =	shalt  }
0x51: {  	_ =	shalt  }
0x52: {  	_ =	shalt  }
0x53: {  	_ =	shalt  }
0x54: {  	_ =	shalt  }
0x55: {  	_ =	shalt  }
0x56: {  	_ =	shalt  }
0x57: {  	_ =	shalt  }
0x58: {  	_ =	shalt  }
0x59: {  	_ =	shalt  }
0x5a: {  	_ =	shalt  }
0x5b: {  	_ =	shalt  }
0x5c: {  	_ =	shalt  }
0x5d: {  	_ =	shalt  }
0x5e: {  	_ =	shalt  }
0x5f: {  	_ =	shalt  }
0x60: {  	_ =	shalt  }
0x61: {  	_ =	shalt  }
0x62: {  	_ =	shalt  }
0x63: {  	_ =	shalt  }
0x64: {  	_ =	shalt  }
0x65: {  	_ =	shalt  }
0x66: {  	_ =	shalt  }
0x67: {  	_ =	shalt  }
0x68: {  	_ =	shalt  }
0x69: {  	_ =	shalt  }
0x6a: {  	_ =	shalt  }
0x6b: {  	_ =	shalt  }
0x6c: {  	_ =	shalt  }
0x6d: {  	_ =	shalt  }
0x6e: {  	_ =	shalt  }
0x6f: {  	_ =	shalt  }
0x70: {  	_ =	shalt  }
0x71: {  	_ =	shalt  }
0x72: {  	_ =	shalt  }
0x73: {  	_ =	shalt  }
0x74: {  	_ =	shalt  }
0x75: {  	_ =	shalt  }
0x76: {  	_ =	shalt  }
0x77: {  	_ =	shalt  }
0x78: {  	_ =	shalt  }
0x79: {  	_ =	shalt  }
0x7a: {  	_ =	shalt  }
0x7b: {  	_ =	shalt  }
0x7c: {  	_ =	shalt  }
0x7d: {  	_ =	shalt  }
0x7e: {  	_ =	shalt  }
0x7f: {  	_ =	shalt  }
0x80: {  	_ =	shalt  }
0x81: {  	_ =	shalt  }
0x82: {  	_ =	shalt  }
0x83: {  	_ =	shalt  }
0x84: {  	_ =	shalt  }
0x85: {  	_ =	shalt  }
0x86: {  	_ =	shalt  }
0x87: {  	_ =	shalt  }
.Lfunc_end0:
.L_simem_size_0:
called_computation_lowered:
.L_overlay_start_0:
0x88: {  	s2 =	sld [smem:$0x3FD9]  }
0x89: {  	s3 =	sld [smem:$0x3FFE];
	_ =	sdelay $0x1  }
0x8a: {  	s1 =	srdreg.scid  }
0x8b: {  	s0 =	sand.u32 $0x1, s1  }
0x8c: {  	s17 =	sshll.u32 s0, $0xA;
	s2 =	sadd.s32 s3, s2  }
0x8d: {  	s2 =	sadd.s32 s2, s17  }
0x8e: {  	[smem:$0x3FC6] =	sst s2  }
0x8f: {  	_ = 	snop  }
0x90: {  	s2 =	sld [smem:$0x3FD0];
	(tm) =	ssettm $0x1  }
0x91: {  	s18 =	sld [smem:$0x3FFB];
	_ =	sdelay $0x3  }
0x92: {  	_ =	strace s18  }
0x93: {  	s3 =	sld [smem:$0x3FFC];
	_ =	sdelay $0x3  }
0x94: {  	_ =	strace s3  }
0x95: {  	s3 =	sld [smem:$0x3FFD];
	_ =	sdelay $0x3  }
0x96: {  	_ =	strace s3  }
0x97: {  	_ =	strace $0x8FFFFFFF  }
0x98: {  	s19 =	sld [smem:$0x3FDB];
	_ =	sdelay $0x1  }
0x99: {  	s4 =	simm.s32 $_scs_section_size  }
0x9a: {  	s5 =	simm.s32 $_size__tile_overlayer_lowered;
	s6 =	simm.s32 $_tile_overlayer_lowered  }
0x9b: {  	s22 =	simm.s32 $0x1BFF;
	s21 =	sshll.u32 s6, $0x1;
	s3 =	sadd.s32 s4, s19  }
0x9c: {  	s7 =	simm.s32 $0x0;
	s20 =	sshll.u32 s5, $0x1;
	s5 =	sadd.s32 s21, s3  }
0x9d: {  	[timem:s7], [sflag:s22] =	dma.local [hbm:s5], s20  }
0x9e: {  	_ =	swait.ge [sflag:s22], s20  }
0x9f: {  	s4 =	ssub.s32 $0x0, s20;
	[sflag:s22] =	ssyncset.done $0x0  }
0xa0: {  	[sflag:s22] =	ssyncadd.s32 s4;
	_ =	sdelay $0x1  }
0xa1: {  	s23 =	simm.s32 $0x1B8B  }
0xa2: {  	_ =	swait.ge [sflag:s23], $0x1  }
0xa3: {  	[sflag:s23] =	ssyncset.done $0x0  }
0xa4: {  	s25 =	simm.s32 $0x1B8E;
	s24 =	sld [smem:$0x3FFE];
	[sflag:s23] =	ssyncadd.s32 $0xFFFFFFFF  }
0xa5: {  	s26 =	simm.s32 $execute0_lowered;
	[smem:$0x3FD2] =	sst s25  }
0xa6: {  	s5 =	sshll.u32 s26, $0x1;
	_ =	strace $0x80000046;
	[dreg:$0x1] =	wrdreg $0xFFFFFFFF  }
0xa7: {  	s28 =	simm.s32 $_size_execute0_lowered;
	s3 =	sadd.s32 s3, s5;
	[dreg:$0x0] =	wrdreg $0x0  }
0xa8: {  	s5 =	sshll.u32 s28, $0x1;
	[dreg:$0x2] =	wrdreg s3  }
0xa9: {  	[dreg:$0x3] =	wrdreg s5  }
0xaa: {  	[dreg:$0x4] =	wrdreg $0xC0  }
0xab: {  	_ =	task [dreg:s7], $0x5FFFF  }
0xac: {  	[dreg:$0x1] =	wrdreg $0xFFFFFFFF  }
0xad: {  	[dreg:$0x0] =	wrdreg $0x60  }
0xae: {  	[dreg:$0x2] =	wrdreg s2  }
0xaf: {  	[dreg:$0x3] =	wrdreg s24  }
0xb0: {  	[dreg:$0x4] =	wrdreg $0x9  }
0xb1: {  	_ =	task.clear_ibuf [dreg:s7], $0x5FFFF;
	_ =	strace $0x90000046  }
0xb2: {  	s29 =	simm.s32 $0x9;
	_ =	strace $0x80000048  }
0xb3: {  	_ =	swait.ge [sflag:s29], $0x1  }
0xb4: {  	[sflag:s29] =	ssyncadd.s32 $0xFFFFFFFF  }
0xb5: {  	_ =	strace $0x90000048  }
0xb6: {  	_ =	sfence  }
0xb7: {  	s30 =	sld [smem:$0x0];
	_ =	sdelay $0x2  }
0xb8: {  	s31 =	sshll.u32 s1, $0xD;
	s1 =	sshrl.u32 s1, $0x2  }
0xb9: {  	s3 =	sand.u32 $0x4000, s31;
	s1 =	sadd.s32 s1, s30  }
0xba: {  	s0 =	sor.u32 s3, s0;
	s1 =	sshll.u32 s1, $0x11  }
0xbb: {  	s0 =	sor.u32 s1, s0  }
0xbc: {  	s0 =	sadd.s32 $0x8F2B, s0  }
0xbd: {  	[sflag:s0] =	ssyncadd.remote.s32 $0x1  }
0xbe: {  	_ =	sfence.sel $0xFFFF  }
0xbf: {  	[dreg:$0x0] =	wrdreg $0xFFFFFFFF;
	(pc) =	sbr.abs _section_cstart, $3  }
0xc0: {  	[dreg:$0x1] =	wrdreg $0xFFFFFFFF  }
0xc1: {  	_ =	task.clear_ibuf [dreg:s7], $0x2FFFF;
	_ =	strace $0x9FFFFFFF  }
0xc2: {  	(tm) =	ssettm $0x7FFFFFFF  }
0xc3: {  	_ =	shalt  }
tec
execute0_lowered:
.L_overlay_start_1:
0x0: {  	(tag) =	ssettag $0x1  }
0x1: {  	s1 =	srdreg.scid;
	s4 =	rddreg [dreg:$0x0]  }
0x2: {  	s0 =	stileid.u32;
	s6 =	rddreg [dreg:$0x1]  }
0x3: {  	s2 =	simm.s32 $0x0;
	s7 =	simm.s32 $0x1;
	s13 =	simm.s32 $0x400  }
0x4: {  	s14 =	simm.s32 $0x1000;
	s15 =	simm.s32 $0x4000;
	s16 =	simm.s32 $0x8000  }
0x5: {  	s17 =	simm.s32 $0x10;
	s18 =	simm.s32 $0x200;
	s19 =	simm.s32 $0x3  }
0x6: {  	s20 =	simm.s32 $0x2;
	s21 =	simm.s32 $0xC000;
	s22 =	simm.s32 $0x4  }
0x7: {  	s3 =	sand.u32 $0x1, s1;
	s28 =	sshll.u32 s0, $0x1;
	s1 =	rddreg [dreg:$0x2]  }
0x8: {  	s23 =	simm.s32 $0x0;
	[smem:$0x7FF] =	sst s2;
	s5 =	sor.u32 s3, s28  }
0x9: {  	s8 =	sshll.u32 s0, $0x2;
	p1 =	seq.s32 s3, $0x1;
	p0 =	seq.s32 s5, $0x0  }
0xa: {  	_ =	strace $0x80000047;
	s9 =	sshll.u32 s3, $0x10;
	p0 =	por !p0, !p1  }
0xb: {  	s8 =	sand.u32 $0x30, s8;
	s5 =	sshll.u32 s5, $0x1;
	p0 =	por !p0, !p0  }
0xc: {  	s29 =	ssub.s32 $0x2, s3;
	s5 =	sand.u32 $0xE, s5;
	s7 =	simm.s32 @!p0 $0x0  }
0xd: {  	s31 =	sshrl.u32 s29, $0x1;
	s5 =	sor.u32 s8, s5;
	s7 =	ssub.s32 s0, s7  }
0xe: {  	s12 =	ssub.s32 s29, s31;
	s11 =	sadd.s32 s5, s6;
	s7 =	sshll.u32 s7, $0x11  }
0xf: {  	v0 =	vlaneseq.u32;
	s12 =	smax.u32 s12, $0x1;
	s6 =	sadd.s32 $0xA00, s11;
	s7 =	sor.u32 s9, s7  }
0x10: {  	v37 =	vmul.u32 $0x10, v0;
	s8 =	sadd.s32 $0x10A00, s11;
	s10 =	sadd.s32 $0x20A00, s11;
	s30 =	sshrl.u32 s7, $0x3  }
0x11: {  	s11 =	sadd.s32 $0x30A00, s11;
	s3 =	sadd.s32 s4, s30;
	s4 =	simm.s32 $0x1  }
0x12: {  	[tilespmem:$0x1FFF0] =	vst v37;
	s5 =	sadd.s32 $0x80, s3;
	s7 =	sadd.s32 $0x100, s3;
	s9 =	sadd.s32 $0x180, s3  }
.LBB2_1:
0x13: {  	[tilespmem:s2], [sflag:$0x1] =	stream.strided.gather [hbm4b:s3+s13], $0x4000, s14, s13, $0x38;
	[tilespmem:$0x10000] =	vst v63  }
0x14: {  	_ = 	snop  }
0x15: {  	[tilespmem:s15], [sflag:$0x2] =	stream.strided.gather [hbm4b:s5+s13], $0x4000, s14, s13, $0x38;
	[tilespmem:$0x10000] =	vst v63  }
0x16: {  	s24 =	simm.s32 $0x20;
	_ =	swait.ge [sflag:s4], $0x4000  }
0x17: {  	v1 =	vmov s24;
	[sflag:s4] =	ssyncset.done $0x0  }
0x18: {  	s25 =	simm.s32 $0x0;
	s24 =	simm.s32 $0x2000;
	v1 =	vshll.u32 v1, $0x4;
	[sflag:s4] =	ssyncadd.s32 $0xFFFFC000  }
0x19: {  	s26 =	simm.s32 $0x10;
	v2 =	vmov s25;
	v4 =	vor.u32 v37, v1;
	v5 =	vld [tilespmem:s24+$0xFFFFE020]  }
0x1a: {  	v2 =	vshll.u32 v2, $0x4;
	v1 =	vmov s26  }
0x1b: {  	v3 =	vor.u32 v37, v2;
	v1 =	vshll.u32 v1, $0x4;
	v6 =	vld [tilespmem:s24+$0xFFFFE000]  }
0x1c: {  	v2 =	vor.u32 v37, v1;
	v1 =	vld [tilespmem:s24+$0xFFFFE010]  }
0x1d: {  	s26 =	simm.s32 $0x30  }
0x1e: {  	v7 =	vmov s26;
	[tilespmem:v4+s16+$0x0] =	vst.idx.msk $0xffff, v5  }
0x1f: {  	v8 =	vor.u32 $0x1, v4;
	v5 =	vshll.u32 v7, $0x4;
	v7 =	vld [tilespmem:s24+$0xFFFFE420]  }
0x20: {  	v9 =	vld [tilespmem:s24+$0xFFFFE030];
	[tilespmem:v3+s16+$0x0] =	vst.idx.msk $0xffff, v6;
	v5 =	vor.u32 v37, v5  }
0x21: {  	v6 =	vor.u32 $0x1, v3;
	[tilespmem:v2+s16+$0x0] =	vst.idx.msk $0xffff, v1;
	v10 =	vld [tilespmem:s24+$0xFFFFE400]  }
0x22: {  	v1 =	vor.u32 $0x1, v2;
	v11 =	vld [tilespmem:s24+$0xFFFFE410];
	_ =	sdelay $0x1  }
0x23: {  	[tilespmem:v8+s16+$0x0] =	vst.idx.msk $0xffff, v7  }
0x24: {  	[tilespmem:v5+s16+$0x0] =	vst.idx.msk $0xffff, v9;
	v8 =	vor.u32 $0x2, v4;
	v7 =	vld [tilespmem:s24+$0xFFFFE820]  }
0x25: {  	v9 =	vor.u32 $0x1, v5;
	[tilespmem:v6+s16+$0x0] =	vst.idx.msk $0xffff, v10;
	v12 =	vld [tilespmem:s24+$0xFFFFE430]  }
0x26: {  	v6 =	vor.u32 $0x2, v3;
	[tilespmem:v1+s16+$0x0] =	vst.idx.msk $0xffff, v11;
	v10 =	vld [tilespmem:s24+$0xFFFFE800]  }
0x27: {  	v1 =	vor.u32 $0x2, v2;
	v11 =	vld [tilespmem:s24+$0xFFFFE810];
	_ =	sdelay $0x1  }
0x28: {  	[tilespmem:v8+s16+$0x0] =	vst.idx.msk $0xffff, v7  }
0x29: {  	[tilespmem:v9+s16+$0x0] =	vst.idx.msk $0xffff, v12;
	v8 =	vor.u32 $0x3, v4;
	v7 =	vld [tilespmem:s24+$0xFFFFEC20]  }
0x2a: {  	v9 =	vor.u32 $0x2, v5;
	[tilespmem:v6+s16+$0x0] =	vst.idx.msk $0xffff, v10;
	v12 =	vld [tilespmem:s24+$0xFFFFE830]  }
0x2b: {  	v6 =	vor.u32 $0x3, v3;
	[tilespmem:v1+s16+$0x0] =	vst.idx.msk $0xffff, v11;
	v10 =	vld [tilespmem:s24+$0xFFFFEC00]  }
0x2c: {  	v1 =	vor.u32 $0x3, v2;
	v11 =	vld [tilespmem:s24+$0xFFFFEC10];
	_ =	sdelay $0x1  }
0x2d: {  	[tilespmem:v8+s16+$0x0] =	vst.idx.msk $0xffff, v7  }
0x2e: {  	[tilespmem:v9+s16+$0x0] =	vst.idx.msk $0xffff, v12;
	v8 =	vor.u32 $0x4, v4;
	v7 =	vld [tilespmem:s24+$0xFFFFF020]  }
0x2f: {  	v9 =	vor.u32 $0x3, v5;
	[tilespmem:v6+s16+$0x0] =	vst.idx.msk $0xffff, v10;
	v12 =	vld [tilespmem:s24+$0xFFFFEC30]  }
0x30: {  	v6 =	vor.u32 $0x4, v3;
	[tilespmem:v1+s16+$0x0] =	vst.idx.msk $0xffff, v11;
	v10 =	vld [tilespmem:s24+$0xFFFFF000]  }
0x31: {  	v1 =	vor.u32 $0x4, v2;
	v11 =	vld [tilespmem:s24+$0xFFFFF010];
	_ =	sdelay $0x1  }
0x32: {  	[tilespmem:v8+s16+$0x0] =	vst.idx.msk $0xffff, v7  }
0x33: {  	[tilespmem:v9+s16+$0x0] =	vst.idx.msk $0xffff, v12;
	v8 =	vor.u32 $0x5, v4;
	v7 =	vld [tilespmem:s24+$0xFFFFF420]  }
0x34: {  	v9 =	vor.u32 $0x4, v5;
	[tilespmem:v6+s16+$0x0] =	vst.idx.msk $0xffff, v10;
	v12 =	vld [tilespmem:s24+$0xFFFFF030]  }
0x35: {  	v6 =	vor.u32 $0x5, v3;
	[tilespmem:v1+s16+$0x0] =	vst.idx.msk $0xffff, v11;
	v10 =	vld [tilespmem:s24+$0xFFFFF400]  }
0x36: {  	v1 =	vor.u32 $0x5, v2;
	v11 =	vld [tilespmem:s24+$0xFFFFF410];
	_ =	sdelay $0x1  }
0x37: {  	[tilespmem:v8+s16+$0x0] =	vst.idx.msk $0xffff, v7  }
0x38: {  	[tilespmem:v9+s16+$0x0] =	vst.idx.msk $0xffff, v12;
	v8 =	vor.u32 $0x6, v4;
	v7 =	vld [tilespmem:s24+$0xFFFFF820]  }
0x39: {  	v9 =	vor.u32 $0x5, v5;
	[tilespmem:v6+s16+$0x0] =	vst.idx.msk $0xffff, v10;
	v12 =	vld [tilespmem:s24+$0xFFFFF430]  }
0x3a: {  	v6 =	vor.u32 $0x6, v3;
	[tilespmem:v1+s16+$0x0] =	vst.idx.msk $0xffff, v11;
	v10 =	vld [tilespmem:s24+$0xFFFFF800]  }
0x3b: {  	v1 =	vor.u32 $0x6, v2;
	v11 =	vld [tilespmem:s24+$0xFFFFF810];
	_ =	sdelay $0x1  }
0x3c: {  	[tilespmem:v8+s16+$0x0] =	vst.idx.msk $0xffff, v7  }
0x3d: {  	[tilespmem:v9+s16+$0x0] =	vst.idx.msk $0xffff, v12;
	v8 =	vor.u32 $0x7, v4;
	v7 =	vld [tilespmem:s24+$0xFFFFFC20]  }
0x3e: {  	v9 =	vor.u32 $0x6, v5;
	[tilespmem:v6+s16+$0x0] =	vst.idx.msk $0xffff, v10;
	v12 =	vld [tilespmem:s24+$0xFFFFF830]  }
0x3f: {  	v6 =	vor.u32 $0x7, v3;
	[tilespmem:v1+s16+$0x0] =	vst.idx.msk $0xffff, v11;
	v10 =	vld [tilespmem:s24+$0xFFFFFC00]  }
0x40: {  	v1 =	vor.u32 $0x7, v2;
	v11 =	vld [tilespmem:s24+$0xFFFFFC10];
	_ =	sdelay $0x1  }
0x41: {  	[tilespmem:v8+s16+$0x0] =	vst.idx.msk $0xffff, v7  }
0x42: {  	[tilespmem:v9+s16+$0x0] =	vst.idx.msk $0xffff, v12;
	v8 =	vor.u32 $0x8, v4;
	v7 =	vld [tilespmem:s24+$0x20]  }
0x43: {  	v9 =	vor.u32 $0x7, v5;
	[tilespmem:v6+s16+$0x0] =	vst.idx.msk $0xffff, v10;
	v12 =	vld [tilespmem:s24+$0xFFFFFC30]  }
0x44: {  	v6 =	vor.u32 $0x8, v3;
	[tilespmem:v1+s16+$0x0] =	vst.idx.msk $0xffff, v11;
	v10 =	vld [tilespmem:s24+$0x0]  }
0x45: {  	v1 =	vor.u32 $0x8, v2;
	v11 =	vld [tilespmem:s24+$0x10];
	_ =	sdelay $0x1  }
0x46: {  	[tilespmem:v8+s16+$0x0] =	vst.idx.msk $0xffff, v7  }
0x47: {  	[tilespmem:v9+s16+$0x0] =	vst.idx.msk $0xffff, v12;
	v8 =	vor.u32 $0x9, v4;
	v7 =	vld [tilespmem:s24+$0x420]  }
0x48: {  	v9 =	vor.u32 $0x8, v5;
	[tilespmem:v6+s16+$0x0] =	vst.idx.msk $0xffff, v10;
	v12 =	vld [tilespmem:s24+$0x30]  }
0x49: {  	v6 =	vor.u32 $0x9, v3;
	[tilespmem:v1+s16+$0x0] =	vst.idx.msk $0xffff, v11;
	v10 =	vld [tilespmem:s24+$0x400]  }
0x4a: {  	v1 =	vor.u32 $0x9, v2;
	v11 =	vld [tilespmem:s24+$0x410];
	_ =	sdelay $0x1  }
0x4b: {  	[tilespmem:v8+s16+$0x0] =	vst.idx.msk $0xffff, v7  }
0x4c: {  	s29 =	simm.s32 $0x60;
	[tilespmem:v9+s16+$0x0] =	vst.idx.msk $0xffff, v12;
	v8 =	vor.u32 $0xA, v4;
	v7 =	vld [tilespmem:s24+$0x820]  }
0x4d: {  	s30 =	simm.s32 $0x40;
	v12 =	vor.u32 $0x9, v5;
	[tilespmem:v6+s16+$0x0] =	vst.idx.msk $0xffff, v10;
	v9 =	vmov s29;
	v13 =	vld [tilespmem:s24+$0x430]  }
0x4e: {  	s25 =	simm.s32 $0x2040;
	v6 =	vor.u32 $0xA, v3;
	[tilespmem:v1+s16+$0x0] =	vst.idx.msk $0xffff, v11;
	v1 =	vmov s30;
	v10 =	vld [tilespmem:s24+$0x800];
	v9 =	vshll.u32 v9, $0x4  }
0x4f: {  	v16 =	vld [tilespmem:s25+$0xFFFFE020];
	v15 =	vshll.u32 v1, $0x4;
	v1 =	vor.u32 v37, v9  }
0x50: {  	s31 =	simm.s32 $0x50;
	v11 =	vor.u32 $0xA, v2;
	v14 =	vld [tilespmem:s24+$0x810]  }
0x51: {  	s28 =	simm.s32 $0x70;
	v17 =	vmov s31;
	v18 =	vld [tilespmem:s25+$0xFFFFE000];
	v9 =	vor.u32 v37, v15;
	[tilespmem:v8+s16+$0x0] =	vst.idx.msk $0xffff, v7  }
0x52: {  	v7 =	vmov s28;
	v8 =	vshll.u32 v17, $0x4;
	[tilespmem:v12+s16+$0x0] =	vst.idx.msk $0xffff, v13;
	v13 =	vor.u32 $0xB, v4;
	v12 =	vld [tilespmem:s24+$0xC20]  }
0x53: {  	[tilespmem:v6+s16+$0x0] =	vst.idx.msk $0xffff, v10;
	v6 =	vld [tilespmem:s25+$0xFFFFE010];
	v7 =	vshll.u32 v7, $0x4;
	v20 =	vor.u32 v37, v8  }
0x54: {  	[tilespmem:v1+s16+$0x0] =	vst.idx.msk $0xffff, v16;
	v21 =	vor.u32 v37, v7;
	v7 =	vld [tilespmem:s25+$0xFFFFE030]  }
0x55: {  	[tilespmem:v11+s16+$0x0] =	vst.idx.msk $0xffff, v14;
	v14 =	vor.u32 $0x1, v1;
	v11 =	vld [tilespmem:s25+$0xFFFFE420]  }
0x56: {  	v8 =	vor.u32 $0xA, v5;
	v10 =	vld [tilespmem:s24+$0x830];
	[tilespmem:v9+s16+$0x0] =	vst.idx.msk $0xffff, v18  }
0x57: {  	v15 =	vor.u32 $0x1, v9;
	v16 =	vld [tilespmem:s25+$0xFFFFE400];
	[tilespmem:v13+s16+$0x0] =	vst.idx.msk $0xffff, v12  }
0x58: {  	[tilespmem:v20+s16+$0x0] =	vst.idx.msk $0xffff, v6;
	v12 =	vor.u32 $0xC, v4;
	v6 =	vld [tilespmem:s24+$0x1020]  }
0x59: {  	v13 =	vor.u32 $0x1, v20;
	v17 =	vld [tilespmem:s25+$0xFFFFE410];
	[tilespmem:v21+s16+$0x0] =	vst.idx.msk $0xffff, v7  }
0x5a: {  	v7 =	vor.u32 $0x1, v21;
	[tilespmem:v14+s16+$0x0] =	vst.idx.msk $0xffff, v11;
	v18 =	vld [tilespmem:s25+$0xFFFFE430]  }
0x5b: {  	[tilespmem:v8+s16+$0x0] =	vst.idx.msk $0xffff, v10;
	v14 =	vor.u32 $0x2, v1;
	v11 =	vld [tilespmem:s25+$0xFFFFE820]  }
0x5c: {  	v8 =	vor.u32 $0xB, v3;
	v10 =	vld [tilespmem:s24+$0xC00];
	[tilespmem:v15+s16+$0x0] =	vst.idx.msk $0xffff, v16  }
0x5d: {  	v15 =	vor.u32 $0x2, v9;
	v16 =	vld [tilespmem:s25+$0xFFFFE800];
	[tilespmem:v12+s16+$0x0] =	vst.idx.msk $0xffff, v6  }
0x5e: {  	[tilespmem:v13+s16+$0x0] =	vst.idx.msk $0xffff, v17;
	v12 =	vor.u32 $0xD, v4;
	v6 =	vld [tilespmem:s24+$0x1420]  }
0x5f: {  	v13 =	vor.u32 $0x2, v20;
	v17 =	vld [tilespmem:s25+$0xFFFFE810];
	[tilespmem:v7+s16+$0x0] =	vst.idx.msk $0xffff, v18  }
0x60: {  	v7 =	vor.u32 $0x2, v21;
	[tilespmem:v14+s16+$0x0] =	vst.idx.msk $0xffff, v11;
	v18 =	vld [tilespmem:s25+$0xFFFFE830]  }
0x61: {  	[tilespmem:v8+s16+$0x0] =	vst.idx.msk $0xffff, v10;
	v14 =	vor.u32 $0x3, v1;
	v11 =	vld [tilespmem:s25+$0xFFFFEC20]  }
0x62: {  	v8 =	vor.u32 $0xB, v2;
	v10 =	vld [tilespmem:s24+$0xC10];
	[tilespmem:v15+s16+$0x0] =	vst.idx.msk $0xffff, v16  }
0x63: {  	v15 =	vor.u32 $0x3, v9;
	v16 =	vld [tilespmem:s25+$0xFFFFEC00];
	[tilespmem:v12+s16+$0x0] =	vst.idx.msk $0xffff, v6  }
0x64: {  	[tilespmem:v13+s16+$0x0] =	vst.idx.msk $0xffff, v17;
	v12 =	vor.u32 $0xE, v4;
	v6 =	vld [tilespmem:s24+$0x1820]  }
0x65: {  	v13 =	vor.u32 $0x3, v20;
	v17 =	vld [tilespmem:s25+$0xFFFFEC10];
	[tilespmem:v7+s16+$0x0] =	vst.idx.msk $0xffff, v18  }
0x66: {  	v7 =	vor.u32 $0x3, v21;
	[tilespmem:v14+s16+$0x0] =	vst.idx.msk $0xffff, v11;
	v18 =	vld [tilespmem:s25+$0xFFFFEC30]  }
0x67: {  	[tilespmem:v8+s16+$0x0] =	vst.idx.msk $0xffff, v10;
	v14 =	vor.u32 $0x4, v1;
	v11 =	vld [tilespmem:s25+$0xFFFFF020]  }
0x68: {  	v8 =	vor.u32 $0xB, v5;
	v10 =	vld [tilespmem:s24+$0xC30];
	[tilespmem:v15+s16+$0x0] =	vst.idx.msk $0xffff, v16  }
0x69: {  	v15 =	vor.u32 $0x4, v9;
	v16 =	vld [tilespmem:s25+$0xFFFFF000];
	[tilespmem:v12+s16+$0x0] =	vst.idx.msk $0xffff, v6  }
0x6a: {  	v4 =	vor.u32 $0xF, v4;
	[tilespmem:v13+s16+$0x0] =	vst.idx.msk $0xffff, v17;
	v6 =	vld [tilespmem:s24+$0x1C20]  }
0x6b: {  	v12 =	vor.u32 $0x4, v20;
	v13 =	vld [tilespmem:s25+$0xFFFFF010];
	[tilespmem:v7+s16+$0x0] =	vst.idx.msk $0xffff, v18  }
0x6c: {  	v7 =	vor.u32 $0x4, v21;
	[tilespmem:v14+s16+$0x0] =	vst.idx.msk $0xffff, v11;
	v17 =	vld [tilespmem:s25+$0xFFFFF030]  }
0x6d: {  	[tilespmem:v8+s16+$0x0] =	vst.idx.msk $0xffff, v10;
	v14 =	vor.u32 $0x5, v1;
	v11 =	vld [tilespmem:s25+$0xFFFFF420]  }
0x6e: {  	v8 =	vor.u32 $0xC, v3;
	v10 =	vld [tilespmem:s24+$0x1000];
	[tilespmem:v15+s16+$0x0] =	vst.idx.msk $0xffff, v16  }
0x6f: {  	v15 =	vor.u32 $0x5, v9;
	v16 =	vld [tilespmem:s25+$0xFFFFF400];
	[tilespmem:v4+s16+$0x0] =	vst.idx.msk $0xffff, v6  }
0x70: {  	v4 =	vor.u32 $0xC, v2;
	[tilespmem:v12+s16+$0x0] =	vst.idx.msk $0xffff, v13;
	v6 =	vld [tilespmem:s24+$0x1010]  }
0x71: {  	v12 =	vor.u32 $0x5, v20;
	v13 =	vld [tilespmem:s25+$0xFFFFF410];
	[tilespmem:v7+s16+$0x0] =	vst.idx.msk $0xffff, v17  }
0x72: {  	v7 =	vor.u32 $0x5, v21;
	[tilespmem:v14+s16+$0x0] =	vst.idx.msk $0xffff, v11;
	v17 =	vld [tilespmem:s25+$0xFFFFF430]  }
0x73: {  	[tilespmem:v8+s16+$0x0] =	vst.idx.msk $0xffff, v10;
	v14 =	vor.u32 $0x6, v1;
	v11 =	vld [tilespmem:s25+$0xFFFFF820]  }
0x74: {  	v8 =	vor.u32 $0xC, v5;
	v10 =	vld [tilespmem:s24+$0x1030];
	[tilespmem:v15+s16+$0x0] =	vst.idx.msk $0xffff, v16  }
0x75: {  	v15 =	vor.u32 $0x6, v9;
	v16 =	vld [tilespmem:s25+$0xFFFFF800];
	[tilespmem:v4+s16+$0x0] =	vst.idx.msk $0xffff, v6  }
0x76: {  	v4 =	vor.u32 $0xD, v3;
	v6 =	vld [tilespmem:s24+$0x1400];
	[tilespmem:v12+s16+$0x0] =	vst.idx.msk $0xffff, v13  }
0x77: {  	v12 =	vor.u32 $0x6, v20;
	v13 =	vld [tilespmem:s25+$0xFFFFF810];
	[tilespmem:v7+s16+$0x0] =	vst.idx.msk $0xffff, v17  }
0x78: {  	v7 =	vor.u32 $0x6, v21;
	[tilespmem:v14+s16+$0x0] =	vst.idx.msk $0xffff, v11;
	v17 =	vld [tilespmem:s25+$0xFFFFF830]  }
0x79: {  	[tilespmem:v8+s16+$0x0] =	vst.idx.msk $0xffff, v10;
	v14 =	vor.u32 $0x7, v1;
	v11 =	vld [tilespmem:s25+$0xFFFFFC20]  }
0x7a: {  	v8 =	vor.u32 $0xD, v2;
	v10 =	vld [tilespmem:s24+$0x1410];
	[tilespmem:v15+s16+$0x0] =	vst.idx.msk $0xffff, v16  }
0x7b: {  	v15 =	vor.u32 $0x7, v9;
	v16 =	vld [tilespmem:s25+$0xFFFFFC00];
	[tilespmem:v4+s16+$0x0] =	vst.idx.msk $0xffff, v6  }
0x7c: {  	v4 =	vor.u32 $0xD, v5;
	v6 =	vld [tilespmem:s24+$0x1430];
	[tilespmem:v12+s16+$0x0] =	vst.idx.msk $0xffff, v13  }
0x7d: {  	v12 =	vor.u32 $0x7, v20;
	v13 =	vld [tilespmem:s25+$0xFFFFFC10];
	[tilespmem:v7+s16+$0x0] =	vst.idx.msk $0xffff, v17  }
0x7e: {  	v7 =	vor.u32 $0x7, v21;
	[tilespmem:v14+s16+$0x0] =	vst.idx.msk $0xffff, v11;
	v17 =	vld [tilespmem:s25+$0xFFFFFC30]  }
0x7f: {  	[tilespmem:v8+s16+$0x0] =	vst.idx.msk $0xffff, v10;
	v14 =	vor.u32 $0x8, v1;
	v11 =	vld [tilespmem:s25+$0x20]  }
0x80: {  	v8 =	vor.u32 $0xE, v3;
	v10 =	vld [tilespmem:s24+$0x1800];
	[tilespmem:v15+s16+$0x0] =	vst.idx.msk $0xffff, v16  }
0x81: {  	v15 =	vor.u32 $0x8, v9;
	v16 =	vld [tilespmem:s25+$0x0];
	[tilespmem:v4+s16+$0x0] =	vst.idx.msk $0xffff, v6  }
0x82: {  	v6 =	vor.u32 $0xE, v2;
	[tilespmem:v12+s16+$0x0] =	vst.idx.msk $0xffff, v13;
	v12 =	vld [tilespmem:s24+$0x1810]  }
0x83: {  	v35 =	vor.u32 $0xF, v3;
	v24 =	vor.u32 $0x8, v20;
	v25 =	vld [tilespmem:s25+$0x10];
	[tilespmem:v7+s16+$0x0] =	vst.idx.msk $0xffff, v17  }
0x84: {  	v36 =	vor.u32 $0xF, v2;
	v26 =	vor.u32 $0xE, v5;
	v39 =	vor.u32 $0xF, v5;
	[tilespmem:v14+s16+$0x0] =	vst.idx.msk $0xffff, v11;
	v11 =	vld [tilespmem:s24+$0x1830]  }
0x85: {  	v31 =	vor.u32 $0x9, v9;
	v19 =	vor.u32 $0xA, v9;
	v28 =	vor.u32 $0x8, v21;
	[tilespmem:v8+s16+$0x0] =	vst.idx.msk $0xffff, v10;
	v30 =	vld [tilespmem:s25+$0x30]  }
0x86: {  	v33 =	vor.u32 $0x9, v1;
	v38 =	vor.u32 $0xE, v9;
	v23 =	vor.u32 $0x9, v20;
	[tilespmem:v15+s16+$0x0] =	vst.idx.msk $0xffff, v16;
	v32 =	vld [tilespmem:s25+$0x420]  }
0x87: {  	v22 =	vor.u32 $0x9, v21;
	v18 =	vor.u32 $0xA, v20;
	v10 =	vor.u32 $0xC, v9;
	v34 =	vld [tilespmem:s25+$0x400];
	[tilespmem:v6+s16+$0x0] =	vst.idx.msk $0xffff, v12  }
0x88: {  	v8 =	vor.u32 $0xD, v20;
	v27 =	vld [tilespmem:s24+$0x1C00];
	v13 =	vor.u32 $0xB, v9;
	v17 =	vor.u32 $0xA, v21;
	[tilespmem:v24+s16+$0x0] =	vst.idx.msk $0xffff, v25  }
0x89: {  	v16 =	vor.u32 $0xB, v20;
	v14 =	vor.u32 $0xB, v21;
	v7 =	vor.u32 $0xD, v9;
	[tilespmem:v26+s16+$0x0] =	vst.idx.msk $0xffff, v11;
	v26 =	vld [tilespmem:s24+$0x1C10]  }
0x8a: {  	v15 =	vor.u32 $0xC, v21;
	v12 =	vor.u32 $0xC, v20;
	v6 =	vor.u32 $0xE, v20;
	v29 =	vld [tilespmem:s25+$0x410];
	[tilespmem:v28+s16+$0x0] =	vst.idx.msk $0xffff, v30  }
0x8b: {  	v20 =	vor.u32 $0xF, v20;
	v11 =	vor.u32 $0xD, v21;
	v24 =	vor.u32 $0xF, v9;
	[tilespmem:v33+s16+$0x0] =	vst.idx.msk $0xffff, v32;
	v28 =	vld [tilespmem:s25+$0x430]  }
0x8c: {  	s26 =	simm.s32 $0x4;
	s28 =	simm.s32 $0xB0;
	v9 =	vor.u32 $0xE, v21;
	v21 =	vor.u32 $0xF, v21;
	[tilespmem:v31+s16+$0x0] =	vst.idx.msk $0xffff, v34;
	v30 =	vor.u32 $0xA, v1;
	v25 =	vld [tilespmem:s25+$0x820]  }
.LBB2_2:
0x8d: {  	_ =	sdelay $0x3  }
0x8e: {  	[tilespmem:$0x1FFB0] =	vst v38;
	v0 =	vmov v24  }
0x8f: {  	[tilespmem:$0x1FFD0] =	vst v0  }
0x90: {  	v32 =	vld [tilespmem:s25+$0x800];
	[tilespmem:v35+s16+$0x0] =	vst.idx.msk $0xffff, v27  }
0x91: {  	s29 =	sadd.s32 $0xFFFFFFE0, s28;
	[tilespmem:v23+s16+$0x0] =	vst.idx.msk $0xffff, v29  }
0x92: {  	s30 =	sadd.s32 $0xFFFFFFF0, s28;
	s31 =	sadd.s32 $0xFFFFFFD0, s28;
	v24 =	vmov s29;
	v0 =	vmov v20;
	v23 =	vld [tilespmem:s24+$0x1C30];
	[tilespmem:v22+s16+$0x0] =	vst.idx.msk $0xffff, v28  }
0x93: {  	v24 =	vshll.u32 v24, $0x4;
	v27 =	vmov s30;
	s24 =	smov.u32 s25;
	v29 =	vmov s31;
	[tilespmem:$0x1FFC0] =	vst v0  }
0x94: {  	s25 =	sadd.s32 $0x40, s25;
	v35 =	vor.u32 v37, v24;
	v27 =	vshll.u32 v27, $0x4;
	v33 =	vld [tilespmem:s24+$0x810];
	v22 =	vshll.u32 v29, $0x4;
	[tilespmem:v36+s16+$0x0] =	vst.idx.msk $0xffff, v26  }
0x95: {  	v24 =	vld [tilespmem:s25+$0xFFFFE020];
	[tilespmem:v30+s16+$0x0] =	vst.idx.msk $0xffff, v25;
	v38 =	vor.u32 v37, v27;
	v44 =	vor.u32 v37, v22  }
0x96: {  	v26 =	vld [tilespmem:s25+$0xFFFFE000];
	[tilespmem:v19+s16+$0x0] =	vst.idx.msk $0xffff, v32;
	v0 =	vor.u32 $0x9, v44  }
0x97: {  	v31 =	vmov s28;
	v20 =	vld [tilespmem:s25+$0xFFFFE010];
	[tilespmem:$0x1FFE0] =	vst v0  }
0x98: {  	v31 =	vshll.u32 v31, $0x4;
	v19 =	vld [tilespmem:s24+$0xC20];
	v22 =	vor.u32 $0xB, v1;
	[tilespmem:v39+s16+$0x0] =	vst.idx.msk $0xffff, v23  }
0x99: {  	v45 =	vor.u32 v37, v31;
	v25 =	vmov v21;
	v21 =	vld [tilespmem:s25+$0xFFFFE030];
	[tilespmem:v18+s16+$0x0] =	vst.idx.msk $0xffff, v33  }
0x9a: {  	v18 =	vld [tilespmem:s24+$0x830];
	[tilespmem:v38+s16+$0x0] =	vst.idx.msk $0xffff, v24  }
0x9b: {  	v54 =	vor.u32 $0x1, v38;
	[tilespmem:v44+s16+$0x0] =	vst.idx.msk $0xffff, v26;
	v24 =	vld [tilespmem:s25+$0xFFFFE420]  }
0x9c: {  	v41 =	vor.u32 $0x1, v44;
	[tilespmem:v35+s16+$0x0] =	vst.idx.msk $0xffff, v20;
	v55 =	vld [tilespmem:s25+$0xFFFFE400]  }
0x9d: {  	v36 =	vor.u32 $0x1, v35;
	[tilespmem:v22+s16+$0x0] =	vst.idx.msk $0xffff, v19;
	v57 =	vld [tilespmem:s25+$0xFFFFE410]  }
0x9e: {  	v56 =	vor.u32 $0xC, v1;
	v20 =	vld [tilespmem:s24+$0x1020];
	[tilespmem:v45+s16+$0x0] =	vst.idx.msk $0xffff, v21  }
0x9f: {  	v46 =	vor.u32 $0x1, v45;
	v21 =	vld [tilespmem:s25+$0xFFFFE430];
	[tilespmem:v17+s16+$0x0] =	vst.idx.msk $0xffff, v18  }
0xa0: {  	[tilespmem:v54+s16+$0x0] =	vst.idx.msk $0xffff, v24;
	v24 =	vld [tilespmem:s24+$0xC00]  }
0xa1: {  	v63 =	vor.u32 $0xD, v1;
	[tilespmem:v41+s16+$0x0] =	vst.idx.msk $0xffff, v55;
	v55 =	vor.u32 $0x2, v38;
	v54 =	vld [tilespmem:s25+$0xFFFFE820]  }
0xa2: {  	v48 =	vor.u32 $0x2, v35;
	v49 =	vor.u32 $0x2, v45;
	v47 =	vor.u32 $0x2, v44;
	[tilespmem:v36+s16+$0x0] =	vst.idx.msk $0xffff, v57;
	v58 =	vld [tilespmem:s25+$0xFFFFE800]  }
0xa3: {  	v50 =	vor.u32 $0x3, v44;
	v53 =	vor.u32 $0x4, v44;
	v40 =	vor.u32 $0x5, v44;
	[tilespmem:v56+s16+$0x0] =	vst.idx.msk $0xffff, v20;
	v2 =	vld [tilespmem:s25+$0xFFFFE810]  }
0xa4: {  	v34 =	vor.u32 $0x6, v44;
	v30 =	vor.u32 $0x7, v44;
	v28 =	vor.u32 $0x8, v44;
	v62 =	vld [tilespmem:s24+$0x1420];
	[tilespmem:v46+s16+$0x0] =	vst.idx.msk $0xffff, v21  }
0xa5: {  	v59 =	vor.u32 $0xB, v44;
	v0 =	vor.u32 $0xD, v44;
	v19 =	vor.u32 $0xA, v44;
	v4 =	vld [tilespmem:s25+$0xFFFFE830];
	[tilespmem:v13+s16+$0x0] =	vst.idx.msk $0xffff, v24  }
0xa6: {  	v41 =	vor.u32 $0xE, v44;
	v56 =	vor.u32 $0xC, v44;
	v24 =	vor.u32 $0xF, v44;
	v44 =	vld [tilespmem:s24+$0xC10];
	[tilespmem:v55+s16+$0x0] =	vst.idx.msk $0xffff, v54  }
0xa7: {  	[tilespmem:v47+s16+$0x0] =	vst.idx.msk $0xffff, v58;
	v58 =	vor.u32 $0x3, v38;
	v47 =	vld [tilespmem:s25+$0xFFFFEC20]  }
0xa8: {  	v13 =	vmov v59;
	[tilespmem:v48+s16+$0x0] =	vst.idx.msk $0xffff, v2;
	v59 =	vld [tilespmem:s25+$0xFFFFEC00]  }
0xa9: {  	v51 =	vor.u32 $0x3, v35;
	[tilespmem:v63+s16+$0x0] =	vst.idx.msk $0xffff, v62;
	v63 =	vld [tilespmem:s25+$0xFFFFEC10]  }
0xaa: {  	v62 =	vor.u32 $0xE, v1;
	v2 =	vld [tilespmem:s24+$0x1820];
	[tilespmem:v49+s16+$0x0] =	vst.idx.msk $0xffff, v4  }
0xab: {  	v52 =	vor.u32 $0x3, v45;
	v43 =	vor.u32 $0x4, v35;
	v42 =	vor.u32 $0x4, v45;
	[tilespmem:v16+s16+$0x0] =	vst.idx.msk $0xffff, v44;
	v4 =	vld [tilespmem:s25+$0xFFFFEC30]  }
0xac: {  	v32 =	vor.u32 $0x6, v35;
	v31 =	vor.u32 $0x7, v35;
	v29 =	vor.u32 $0x7, v45;
	v54 =	vld [tilespmem:s24+$0xC30];
	[tilespmem:v58+s16+$0x0] =	vst.idx.msk $0xffff, v47  }
0xad: {  	v60 =	vor.u32 $0xB, v35;
	v61 =	vor.u32 $0xB, v45;
	[tilespmem:v50+s16+$0x0] =	vst.idx.msk $0xffff, v59;
	v59 =	vor.u32 $0x4, v38;
	v58 =	vld [tilespmem:s25+$0xFFFFF020]  }
0xae: {  	v3 =	vor.u32 $0xD, v35;
	v5 =	vor.u32 $0xD, v45;
	v37 =	vor.u32 $0x5, v35;
	v16 =	vmovc v60;
	[tilespmem:v51+s16+$0x0] =	vst.idx.msk $0xffff, v63;
	v60 =	vld [tilespmem:s25+$0xFFFFF000]  }
0xaf: {  	v27 =	vor.u32 $0x8, v35;
	v39 =	vor.u32 $0x5, v45;
	v23 =	vor.u32 $0x9, v35;
	[tilespmem:v62+s16+$0x0] =	vst.idx.msk $0xffff, v2;
	v63 =	vld [tilespmem:s25+$0xFFFFF010]  }
0xb0: {  	v33 =	vor.u32 $0x6, v45;
	v26 =	vor.u32 $0x8, v45;
	v62 =	vor.u32 $0xF, v1;
	v2 =	vld [tilespmem:s24+$0x1C20];
	[tilespmem:v52+s16+$0x0] =	vst.idx.msk $0xffff, v4  }
0xb1: {  	v22 =	vor.u32 $0x9, v45;
	v18 =	vor.u32 $0xA, v35;
	v17 =	vor.u32 $0xA, v45;
	v4 =	vld [tilespmem:s25+$0xFFFFF030];
	[tilespmem:v14+s16+$0x0] =	vst.idx.msk $0xffff, v54  }
0xb2: {  	v57 =	vor.u32 $0xC, v35;
	v36 =	vor.u32 $0xE, v35;
	v20 =	vor.u32 $0xF, v35;
	v54 =	vld [tilespmem:s24+$0x1000];
	[tilespmem:v59+s16+$0x0] =	vst.idx.msk $0xffff, v58  }
0xb3: {  	v35 =	vor.u32 $0xE, v45;
	v46 =	vor.u32 $0xC, v45;
	v21 =	vor.u32 $0xF, v45;
	[tilespmem:v53+s16+$0x0] =	vst.idx.msk $0xffff, v60;
	v45 =	vld [tilespmem:s25+$0xFFFFF420]  }
0xb4: {  	[tilespmem:v43+s16+$0x0] =	vst.idx.msk $0xffff, v63;
	v49 =	vld [tilespmem:s25+$0xFFFFF400]  }
0xb5: {  	[tilespmem:v62+s16+$0x0] =	vst.idx.msk $0xffff, v2;
	v2 =	vld [tilespmem:s24+$0x1010]  }
0xb6: {  	v1 =	vmov v38;
	v38 =	vld [tilespmem:s25+$0xFFFFF410]  }
0xb7: {  	v55 =	vor.u32 $0x5, v1;
	[tilespmem:v42+s16+$0x0] =	vst.idx.msk $0xffff, v4  }
0xb8: {  	[tilespmem:v10+s16+$0x0] =	vst.idx.msk $0xffff, v54;
	v4 =	vld [tilespmem:s25+$0xFFFFF430]  }
0xb9: {  	v42 =	vld [tilespmem:s24+$0x1030];
	[tilespmem:v40+s16+$0x0] =	vst.idx.msk $0xffff, v49  }
0xba: {  	[tilespmem:v12+s16+$0x0] =	vst.idx.msk $0xffff, v2;
	v44 =	vld [tilespmem:s25+$0xFFFFF800]  }
0xbb: {  	[tilespmem:v37+s16+$0x0] =	vst.idx.msk $0xffff, v38;
	v2 =	vld [tilespmem:s24+$0x1400]  }
0xbc: {  	[tilespmem:v55+s16+$0x0] =	vst.idx.msk $0xffff, v45;
	v37 =	vld [tilespmem:s25+$0xFFFFF810]  }
0xbd: {  	v58 =	vor.u32 $0x6, v1;
	v10 =	vmov v56;
	v56 =	vld [tilespmem:s25+$0xFFFFF820];
	[tilespmem:v39+s16+$0x0] =	vst.idx.msk $0xffff, v4  }
0xbe: {  	v4 =	vld [tilespmem:s25+$0xFFFFF830];
	[tilespmem:v15+s16+$0x0] =	vst.idx.msk $0xffff, v42  }
0xbf: {  	v38 =	vld [tilespmem:s24+$0x1410];
	[tilespmem:v34+s16+$0x0] =	vst.idx.msk $0xffff, v44  }
0xc0: {  	v14 =	vmov v61;
	v61 =	vld [tilespmem:s25+$0xFFFFFC00];
	[tilespmem:v7+s16+$0x0] =	vst.idx.msk $0xffff, v2  }
0xc1: {  	v7 =	vmov v0;
	[tilespmem:v32+s16+$0x0] =	vst.idx.msk $0xffff, v37;
	v0 =	vld [tilespmem:s24+$0x1430]  }
0xc2: {  	[tilespmem:v58+s16+$0x0] =	vst.idx.msk $0xffff, v56;
	v2 =	vld [tilespmem:s25+$0xFFFFFC10]  }
0xc3: {  	v60 =	vor.u32 $0x7, v1;
	v59 =	vld [tilespmem:s25+$0xFFFFFC20]  }
0xc4: {  	v37 =	vld [tilespmem:$0x1FFF0];
	[tilespmem:v8+s16+$0x0] =	vst.idx.msk $0xffff, v38  }
0xc5: {  	v8 =	vmov v3;
	v3 =	vld [tilespmem:s24+$0x1800];
	[tilespmem:v33+s16+$0x0] =	vst.idx.msk $0xffff, v4  }
0xc6: {  	v4 =	vld [tilespmem:s25+$0xFFFFFC30];
	[tilespmem:v11+s16+$0x0] =	vst.idx.msk $0xffff, v0  }
0xc7: {  	v11 =	vmov v5;
	v5 =	vld [tilespmem:$0x1FFB0];
	[tilespmem:v31+s16+$0x0] =	vst.idx.msk $0xffff, v2  }
0xc8: {  	[tilespmem:v60+s16+$0x0] =	vst.idx.msk $0xffff, v59;
	v0 =	vld [tilespmem:s24+$0x1810]  }
0xc9: {  	v62 =	vor.u32 $0x8, v1;
	[tilespmem:v30+s16+$0x0] =	vst.idx.msk $0xffff, v61;
	v30 =	vld [tilespmem:s25+$0x20]  }
0xca: {  	v63 =	vld [tilespmem:s25+$0x0]  }
0xcb: {  	v2 =	vld [tilespmem:s25+$0x10];
	[tilespmem:v29+s16+$0x0] =	vst.idx.msk $0xffff, v4  }
0xcc: {  	v4 =	vld [tilespmem:s25+$0x30]  }
0xcd: {  	[tilespmem:v6+s16+$0x0] =	vst.idx.msk $0xffff, v0;
	v6 =	vmov v36;
	v36 =	vld [tilespmem:$0x1FFC0]  }
0xce: {  	[tilespmem:v62+s16+$0x0] =	vst.idx.msk $0xffff, v30;
	v0 =	vld [tilespmem:$0x1FFE0]  }
0xcf: {  	[tilespmem:v5+s16+$0x0] =	vst.idx.msk $0xffff, v3;
	v3 =	vld [tilespmem:s24+$0x1830]  }
0xd0: {  	v5 =	vld [tilespmem:s25+$0x420];
	[tilespmem:v27+s16+$0x0] =	vst.idx.msk $0xffff, v2  }
0xd1: {  	s26 =	sadd.s32 $0x4, s26;
	v30 =	vor.u32 $0x9, v1;
	[tilespmem:v28+s16+$0x0] =	vst.idx.msk $0xffff, v63;
	v29 =	vld [tilespmem:s25+$0x410]  }
0xd2: {  	p0 =	slt.u32 s26, $0x3C;
	v31 =	vld [tilespmem:s25+$0x400]  }
.Ltmp0:
0xd3: {  	v27 =	vld [tilespmem:s24+$0x1C00];
	(pc) =	sbr.rel @p0 .LBB2_2-.Ltmp0, $4  }
0xd4: {  	[tilespmem:v26+s16+$0x0] =	vst.idx.msk $0xffff, v4;
	v26 =	vld [tilespmem:s24+$0x1C10]  }
0xd5: {  	v28 =	vld [tilespmem:s25+$0x430];
	[tilespmem:v9+s16+$0x0] =	vst.idx.msk $0xffff, v3  }
0xd6: {  	v9 =	vmov v35;
	v35 =	vld [tilespmem:$0x1FFD0];
	[tilespmem:v30+s16+$0x0] =	vst.idx.msk $0xffff, v5  }
0xd7: {  	s28 =	sadd.s32 $0x40, s28;
	v12 =	vmovc v57;
	v39 =	vmovc v25;
	v15 =	vmov v46;
	v38 =	vmov v41;
	v30 =	vor.u32 $0xA, v1;
	v25 =	vld [tilespmem:s25+$0x820];
	[tilespmem:v0+s16+$0x0] =	vst.idx.msk $0xffff, v31  }
0xd8: {  	_ =	sdelay $0x3  }
0xd9: {  	[tilespmem:v23+s16+$0x0] =	vst.idx.msk $0xffff, v29;
	v0 =	vld [tilespmem:s25+$0x800]  }
0xda: {  	v2 =	vld [tilespmem:s25+$0x810];
	[tilespmem:v22+s16+$0x0] =	vst.idx.msk $0xffff, v28  }
0xdb: {  	v3 =	vld [tilespmem:s25+$0x830];
	_ =	sdelay $0x1  }
0xdc: {  	[tilespmem:v30+s16+$0x0] =	vst.idx.msk $0xffff, v25  }
0xdd: {  	v4 =	vor.u32 $0xB, v1;
	[tilespmem:v19+s16+$0x0] =	vst.idx.msk $0xffff, v0;
	v0 =	vld [tilespmem:s25+$0xC20]  }
0xde: {  	[tilespmem:v18+s16+$0x0] =	vst.idx.msk $0xffff, v2;
	v2 =	vld [tilespmem:s25+$0xC00]  }
0xdf: {  	[tilespmem:v17+s16+$0x0] =	vst.idx.msk $0xffff, v3;
	v3 =	vld [tilespmem:s25+$0xC10]  }
0xe0: {  	v5 =	vld [tilespmem:s25+$0xC30];
	_ =	sdelay $0x1  }
0xe1: {  	[tilespmem:v4+s16+$0x0] =	vst.idx.msk $0xffff, v0  }
0xe2: {  	v4 =	vor.u32 $0xC, v1;
	v0 =	vld [tilespmem:s25+$0x1020];
	[tilespmem:v13+s16+$0x0] =	vst.idx.msk $0xffff, v2  }
0xe3: {  	v2 =	vld [tilespmem:s25+$0x1000];
	[tilespmem:v16+s16+$0x0] =	vst.idx.msk $0xffff, v3  }
0xe4: {  	[tilespmem:v14+s16+$0x0] =	vst.idx.msk $0xffff, v5;
	v3 =	vld [tilespmem:s25+$0x1010]  }
0xe5: {  	v5 =	vld [tilespmem:s25+$0x1030];
	_ =	sdelay $0x1  }
0xe6: {  	[tilespmem:v4+s16+$0x0] =	vst.idx.msk $0xffff, v0  }
0xe7: {  	v4 =	vor.u32 $0xD, v1;
	v0 =	vld [tilespmem:s25+$0x1420];
	[tilespmem:v10+s16+$0x0] =	vst.idx.msk $0xffff, v2  }
0xe8: {  	v2 =	vld [tilespmem:s25+$0x1400];
	[tilespmem:v12+s16+$0x0] =	vst.idx.msk $0xffff, v3  }
0xe9: {  	[tilespmem:v15+s16+$0x0] =	vst.idx.msk $0xffff, v5;
	v3 =	vld [tilespmem:s25+$0x1410]  }
0xea: {  	v5 =	vld [tilespmem:s25+$0x1430];
	_ =	sdelay $0x1  }
0xeb: {  	[tilespmem:v4+s16+$0x0] =	vst.idx.msk $0xffff, v0  }
0xec: {  	v4 =	vor.u32 $0xE, v1;
	v0 =	vld [tilespmem:s25+$0x1820];
	[tilespmem:v7+s16+$0x0] =	vst.idx.msk $0xffff, v2  }
0xed: {  	v2 =	vld [tilespmem:s25+$0x1800];
	[tilespmem:v8+s16+$0x0] =	vst.idx.msk $0xffff, v3  }
0xee: {  	[tilespmem:v11+s16+$0x0] =	vst.idx.msk $0xffff, v5;
	v3 =	vld [tilespmem:s25+$0x1810]  }
0xef: {  	v5 =	vld [tilespmem:s25+$0x1830]  }
0xf0: {  	[tilespmem:v36+s16+$0x0] =	vst.idx.msk $0xffff, v26  }
0xf1: {  	v7 =	vld [tilespmem:s24+$0x1C30];
	[tilespmem:v4+s16+$0x0] =	vst.idx.msk $0xffff, v0  }
0xf2: {  	v1 =	vor.u32 $0xF, v1;
	v0 =	vld [tilespmem:s25+$0x1C20];
	[tilespmem:v38+s16+$0x0] =	vst.idx.msk $0xffff, v2  }
0xf3: {  	v2 =	vld [tilespmem:s25+$0x1C00];
	[tilespmem:v6+s16+$0x0] =	vst.idx.msk $0xffff, v3  }
0xf4: {  	[tilespmem:v9+s16+$0x0] =	vst.idx.msk $0xffff, v5;
	v3 =	vld [tilespmem:s25+$0x1C10]  }
0xf5: {  	[tilespmem:v35+s16+$0x0] =	vst.idx.msk $0xffff, v27;
	v4 =	vld [tilespmem:s25+$0x1C30]  }
0xf6: {  	[tilespmem:v39+s16+$0x0] =	vst.idx.msk $0xffff, v7  }
0xf7: {  	[tilespmem:v1+s16+$0x0] =	vst.idx.msk $0xffff, v0  }
0xf8: {  	[tilespmem:v24+s16+$0x0] =	vst.idx.msk $0xffff, v2  }
0xf9: {  	[tilespmem:v20+s16+$0x0] =	vst.idx.msk $0xffff, v3  }
0xfa: {  	[tilespmem:v21+s16+$0x0] =	vst.idx.msk $0xffff, v4  }
0xfb: {  	[hbm4b:s6+s17] =	stream.strided.scatter [tilespmem:s16], [sflag:$0x3], $0x4000, s18, s17, $0x38;
	[tilespmem:$0x10000] =	vst v63  }
0xfc: {  	_ =	swait.ge [sflag:s19], $0x4000  }
0xfd: {  	[sflag:s19] =	ssyncset.done $0x0  }
0xfe: {  	[sflag:s19] =	ssyncadd.s32 $0xFFFFC000  }
0xff: {  	[tilespmem:s2], [sflag:$0x1] =	stream.strided.gather [hbm4b:s7+s13], $0x4000, s14, s13, $0x38;
	[tilespmem:$0x10000] =	vst v63  }
0x100: {  	s30 =	simm.s32 $0x20;
	_ =	swait.ge [sflag:s20], $0x4000  }
0x101: {  	v0 =	vmov s30;
	[sflag:s20] =	ssyncset.done $0x0  }
0x102: {  	s31 =	simm.s32 $0x0;
	s24 =	simm.s32 $0x6000;
	v0 =	vshll.u32 v0, $0x4;
	[sflag:s20] =	ssyncadd.s32 $0xFFFFC000  }
0x103: {  	s26 =	simm.s32 $0x10;
	v1 =	vmov s31;
	v4 =	vor.u32 v37, v0;
	v5 =	vld [tilespmem:s24+$0xFFFFE020]  }
0x104: {  	v1 =	vshll.u32 v1, $0x4;
	v0 =	vmov s26  }
0x105: {  	v3 =	vor.u32 v37, v1;
	v0 =	vshll.u32 v0, $0x4;
	v6 =	vld [tilespmem:s24+$0xFFFFE000]  }
0x106: {  	v2 =	vor.u32 v37, v0;
	v0 =	vld [tilespmem:s24+$0xFFFFE010]  }
0x107: {  	s26 =	simm.s32 $0x30  }
0x108: {  	v1 =	vmov s26;
	[tilespmem:v4+s21+$0x0] =	vst.idx.msk $0xffff, v5  }
0x109: {  	v8 =	vor.u32 $0x1, v4;
	v1 =	vshll.u32 v1, $0x4;
	v7 =	vld [tilespmem:s24+$0xFFFFE420]  }
0x10a: {  	v5 =	vor.u32 v37, v1;
	v1 =	vld [tilespmem:s24+$0xFFFFE030];
	[tilespmem:v3+s21+$0x0] =	vst.idx.msk $0xffff, v6  }
0x10b: {  	v6 =	vor.u32 $0x1, v3;
	[tilespmem:v2+s21+$0x0] =	vst.idx.msk $0xffff, v0;
	v9 =	vld [tilespmem:s24+$0xFFFFE400]  }
0x10c: {  	v0 =	vor.u32 $0x1, v2;
	v10 =	vld [tilespmem:s24+$0xFFFFE410];
	_ =	sdelay $0x1  }
0x10d: {  	[tilespmem:v8+s21+$0x0] =	vst.idx.msk $0xffff, v7  }
0x10e: {  	[tilespmem:v5+s21+$0x0] =	vst.idx.msk $0xffff, v1;
	v7 =	vor.u32 $0x2, v4;
	v1 =	vld [tilespmem:s24+$0xFFFFE820]  }
0x10f: {  	v8 =	vor.u32 $0x1, v5;
	v11 =	vld [tilespmem:s24+$0xFFFFE430];
	[tilespmem:v6+s21+$0x0] =	vst.idx.msk $0xffff, v9  }
0x110: {  	v6 =	vor.u32 $0x2, v3;
	[tilespmem:v0+s21+$0x0] =	vst.idx.msk $0xffff, v10;
	v9 =	vld [tilespmem:s24+$0xFFFFE800]  }
0x111: {  	v0 =	vor.u32 $0x2, v2;
	v10 =	vld [tilespmem:s24+$0xFFFFE810];
	_ =	sdelay $0x1  }
0x112: {  	[tilespmem:v7+s21+$0x0] =	vst.idx.msk $0xffff, v1  }
0x113: {  	[tilespmem:v8+s21+$0x0] =	vst.idx.msk $0xffff, v11;
	v7 =	vor.u32 $0x3, v4;
	v1 =	vld [tilespmem:s24+$0xFFFFEC20]  }
0x114: {  	v8 =	vor.u32 $0x2, v5;
	v11 =	vld [tilespmem:s24+$0xFFFFE830];
	[tilespmem:v6+s21+$0x0] =	vst.idx.msk $0xffff, v9  }
0x115: {  	v6 =	vor.u32 $0x3, v3;
	[tilespmem:v0+s21+$0x0] =	vst.idx.msk $0xffff, v10;
	v9 =	vld [tilespmem:s24+$0xFFFFEC00]  }
0x116: {  	v0 =	vor.u32 $0x3, v2;
	v10 =	vld [tilespmem:s24+$0xFFFFEC10];
	_ =	sdelay $0x1  }
0x117: {  	[tilespmem:v7+s21+$0x0] =	vst.idx.msk $0xffff, v1  }
0x118: {  	[tilespmem:v8+s21+$0x0] =	vst.idx.msk $0xffff, v11;
	v7 =	vor.u32 $0x4, v4;
	v1 =	vld [tilespmem:s24+$0xFFFFF020]  }
0x119: {  	v8 =	vor.u32 $0x3, v5;
	v11 =	vld [tilespmem:s24+$0xFFFFEC30];
	[tilespmem:v6+s21+$0x0] =	vst.idx.msk $0xffff, v9  }
0x11a: {  	v6 =	vor.u32 $0x4, v3;
	[tilespmem:v0+s21+$0x0] =	vst.idx.msk $0xffff, v10;
	v9 =	vld [tilespmem:s24+$0xFFFFF000]  }
0x11b: {  	v0 =	vor.u32 $0x4, v2;
	v10 =	vld [tilespmem:s24+$0xFFFFF010];
	_ =	sdelay $0x1  }
0x11c: {  	[tilespmem:v7+s21+$0x0] =	vst.idx.msk $0xffff, v1  }
0x11d: {  	[tilespmem:v8+s21+$0x0] =	vst.idx.msk $0xffff, v11;
	v7 =	vor.u32 $0x5, v4;
	v1 =	vld [tilespmem:s24+$0xFFFFF420]  }
0x11e: {  	v8 =	vor.u32 $0x4, v5;
	v11 =	vld [tilespmem:s24+$0xFFFFF030];
	[tilespmem:v6+s21+$0x0] =	vst.idx.msk $0xffff, v9  }
0x11f: {  	v6 =	vor.u32 $0x5, v3;
	[tilespmem:v0+s21+$0x0] =	vst.idx.msk $0xffff, v10;
	v9 =	vld [tilespmem:s24+$0xFFFFF400]  }
0x120: {  	v0 =	vor.u32 $0x5, v2;
	v10 =	vld [tilespmem:s24+$0xFFFFF410];
	_ =	sdelay $0x1  }
0x121: {  	[tilespmem:v7+s21+$0x0] =	vst.idx.msk $0xffff, v1  }
0x122: {  	[tilespmem:v8+s21+$0x0] =	vst.idx.msk $0xffff, v11;
	v7 =	vor.u32 $0x6, v4;
	v1 =	vld [tilespmem:s24+$0xFFFFF820]  }
0x123: {  	v8 =	vor.u32 $0x5, v5;
	v11 =	vld [tilespmem:s24+$0xFFFFF430];
	[tilespmem:v6+s21+$0x0] =	vst.idx.msk $0xffff, v9  }
0x124: {  	v6 =	vor.u32 $0x6, v3;
	[tilespmem:v0+s21+$0x0] =	vst.idx.msk $0xffff, v10;
	v9 =	vld [tilespmem:s24+$0xFFFFF800]  }
0x125: {  	v0 =	vor.u32 $0x6, v2;
	v10 =	vld [tilespmem:s24+$0xFFFFF810];
	_ =	sdelay $0x1  }
0x126: {  	[tilespmem:v7+s21+$0x0] =	vst.idx.msk $0xffff, v1  }
0x127: {  	[tilespmem:v8+s21+$0x0] =	vst.idx.msk $0xffff, v11;
	v7 =	vor.u32 $0x7, v4;
	v1 =	vld [tilespmem:s24+$0xFFFFFC20]  }
0x128: {  	v8 =	vor.u32 $0x6, v5;
	v11 =	vld [tilespmem:s24+$0xFFFFF830];
	[tilespmem:v6+s21+$0x0] =	vst.idx.msk $0xffff, v9  }
0x129: {  	v6 =	vor.u32 $0x7, v3;
	[tilespmem:v0+s21+$0x0] =	vst.idx.msk $0xffff, v10;
	v9 =	vld [tilespmem:s24+$0xFFFFFC00]  }
0x12a: {  	v0 =	vor.u32 $0x7, v2;
	v10 =	vld [tilespmem:s24+$0xFFFFFC10];
	_ =	sdelay $0x1  }
0x12b: {  	[tilespmem:v7+s21+$0x0] =	vst.idx.msk $0xffff, v1  }
0x12c: {  	[tilespmem:v8+s21+$0x0] =	vst.idx.msk $0xffff, v11;
	v7 =	vor.u32 $0x8, v4;
	v1 =	vld [tilespmem:s24+$0x20]  }
0x12d: {  	v8 =	vor.u32 $0x7, v5;
	v11 =	vld [tilespmem:s24+$0xFFFFFC30];
	[tilespmem:v6+s21+$0x0] =	vst.idx.msk $0xffff, v9  }
0x12e: {  	v6 =	vor.u32 $0x8, v3;
	[tilespmem:v0+s21+$0x0] =	vst.idx.msk $0xffff, v10;
	v9 =	vld [tilespmem:s24+$0x0]  }
0x12f: {  	v0 =	vor.u32 $0x8, v2;
	v10 =	vld [tilespmem:s24+$0x10];
	_ =	sdelay $0x1  }
0x130: {  	[tilespmem:v7+s21+$0x0] =	vst.idx.msk $0xffff, v1  }
0x131: {  	[tilespmem:v8+s21+$0x0] =	vst.idx.msk $0xffff, v11;
	v7 =	vor.u32 $0x9, v4;
	v1 =	vld [tilespmem:s24+$0x420]  }
0x132: {  	v8 =	vor.u32 $0x8, v5;
	v11 =	vld [tilespmem:s24+$0x30];
	[tilespmem:v6+s21+$0x0] =	vst.idx.msk $0xffff, v9  }
0x133: {  	v6 =	vor.u32 $0x9, v3;
	[tilespmem:v0+s21+$0x0] =	vst.idx.msk $0xffff, v10;
	v9 =	vld [tilespmem:s24+$0x400]  }
0x134: {  	v0 =	vor.u32 $0x9, v2;
	v10 =	vld [tilespmem:s24+$0x410];
	_ =	sdelay $0x1  }
0x135: {  	[tilespmem:v7+s21+$0x0] =	vst.idx.msk $0xffff, v1  }
0x136: {  	[tilespmem:v8+s21+$0x0] =	vst.idx.msk $0xffff, v11;
	v8 =	vor.u32 $0xA, v4;
	v7 =	vld [tilespmem:s24+$0x820]  }
0x137: {  	s29 =	simm.s32 $0x60;
	v11 =	vor.u32 $0x9, v5;
	v12 =	vld [tilespmem:s24+$0x430];
	[tilespmem:v6+s21+$0x0] =	vst.idx.msk $0xffff, v9  }
0x138: {  	s30 =	simm.s32 $0x40;
	v6 =	vor.u32 $0xA, v3;
	v1 =	vmov s29;
	[tilespmem:v0+s21+$0x0] =	vst.idx.msk $0xffff, v10;
	v13 =	vld [tilespmem:s24+$0x800]  }
0x139: {  	s25 =	simm.s32 $0x6040;
	v0 =	vor.u32 $0xA, v2;
	v9 =	vmov s30;
	v1 =	vshll.u32 v1, $0x4;
	v10 =	vld [tilespmem:s24+$0x810]  }
0x13a: {  	s31 =	simm.s32 $0x50;
	v14 =	vld [tilespmem:s25+$0xFFFFE020];
	v9 =	vshll.u32 v9, $0x4;
	v1 =	vor.u32 v37, v1  }
0x13b: {  	v15 =	vmov s31;
	v16 =	vld [tilespmem:s25+$0xFFFFE000];
	v9 =	vor.u32 v37, v9;
	[tilespmem:v8+s21+$0x0] =	vst.idx.msk $0xffff, v7  }
0x13c: {  	s28 =	simm.s32 $0x70;
	[tilespmem:v11+s21+$0x0] =	vst.idx.msk $0xffff, v12;
	v12 =	vor.u32 $0xB, v4;
	v8 =	vshll.u32 v15, $0x4;
	v11 =	vld [tilespmem:s24+$0xC20]  }
0x13d: {  	v7 =	vmov s28;
	[tilespmem:v6+s21+$0x0] =	vst.idx.msk $0xffff, v13;
	v6 =	vld [tilespmem:s25+$0xFFFFE010];
	v20 =	vor.u32 v37, v8  }
0x13e: {  	[tilespmem:v0+s21+$0x0] =	vst.idx.msk $0xffff, v10;
	v0 =	vor.u32 $0xA, v5;
	v7 =	vshll.u32 v7, $0x4;
	v8 =	vld [tilespmem:s24+$0x830]  }
0x13f: {  	[tilespmem:v1+s21+$0x0] =	vst.idx.msk $0xffff, v14;
	v21 =	vor.u32 v37, v7;
	v7 =	vld [tilespmem:s25+$0xFFFFE030]  }
0x140: {  	v13 =	vor.u32 $0x1, v1;
	[tilespmem:v9+s21+$0x0] =	vst.idx.msk $0xffff, v16;
	v10 =	vld [tilespmem:s25+$0xFFFFE420]  }
0x141: {  	v14 =	vor.u32 $0x1, v9;
	v15 =	vld [tilespmem:s25+$0xFFFFE400];
	[tilespmem:v12+s21+$0x0] =	vst.idx.msk $0xffff, v11  }
0x142: {  	[tilespmem:v20+s21+$0x0] =	vst.idx.msk $0xffff, v6;
	v11 =	vor.u32 $0xC, v4;
	v6 =	vld [tilespmem:s24+$0x1020]  }
0x143: {  	v12 =	vor.u32 $0x1, v20;
	[tilespmem:v0+s21+$0x0] =	vst.idx.msk $0xffff, v8;
	v16 =	vld [tilespmem:s25+$0xFFFFE410]  }
0x144: {  	v0 =	vor.u32 $0xB, v3;
	v8 =	vld [tilespmem:s24+$0xC00];
	[tilespmem:v21+s21+$0x0] =	vst.idx.msk $0xffff, v7  }
0x145: {  	v7 =	vor.u32 $0x1, v21;
	[tilespmem:v13+s21+$0x0] =	vst.idx.msk $0xffff, v10;
	v17 =	vld [tilespmem:s25+$0xFFFFE430]  }
0x146: {  	[tilespmem:v14+s21+$0x0] =	vst.idx.msk $0xffff, v15;
	v13 =	vor.u32 $0x2, v1;
	v10 =	vld [tilespmem:s25+$0xFFFFE820]  }
0x147: {  	v14 =	vor.u32 $0x2, v9;
	v15 =	vld [tilespmem:s25+$0xFFFFE800];
	[tilespmem:v11+s21+$0x0] =	vst.idx.msk $0xffff, v6  }
0x148: {  	[tilespmem:v12+s21+$0x0] =	vst.idx.msk $0xffff, v16;
	v11 =	vor.u32 $0xD, v4;
	v6 =	vld [tilespmem:s24+$0x1420]  }
0x149: {  	[tilespmem:v0+s21+$0x0] =	vst.idx.msk $0xffff, v8;
	v12 =	vor.u32 $0x2, v20;
	v16 =	vld [tilespmem:s25+$0xFFFFE810]  }
0x14a: {  	v0 =	vor.u32 $0xB, v2;
	v8 =	vld [tilespmem:s24+$0xC10];
	[tilespmem:v7+s21+$0x0] =	vst.idx.msk $0xffff, v17  }
0x14b: {  	v7 =	vor.u32 $0x2, v21;
	[tilespmem:v13+s21+$0x0] =	vst.idx.msk $0xffff, v10;
	v17 =	vld [tilespmem:s25+$0xFFFFE830]  }
0x14c: {  	[tilespmem:v14+s21+$0x0] =	vst.idx.msk $0xffff, v15;
	v13 =	vor.u32 $0x3, v1;
	v10 =	vld [tilespmem:s25+$0xFFFFEC20]  }
0x14d: {  	v14 =	vor.u32 $0x3, v9;
	v15 =	vld [tilespmem:s25+$0xFFFFEC00];
	[tilespmem:v11+s21+$0x0] =	vst.idx.msk $0xffff, v6  }
0x14e: {  	[tilespmem:v12+s21+$0x0] =	vst.idx.msk $0xffff, v16;
	v11 =	vor.u32 $0xE, v4;
	v6 =	vld [tilespmem:s24+$0x1820]  }
0x14f: {  	[tilespmem:v0+s21+$0x0] =	vst.idx.msk $0xffff, v8;
	v12 =	vor.u32 $0x3, v20;
	v16 =	vld [tilespmem:s25+$0xFFFFEC10]  }
0x150: {  	v0 =	vor.u32 $0xB, v5;
	v8 =	vld [tilespmem:s24+$0xC30];
	[tilespmem:v7+s21+$0x0] =	vst.idx.msk $0xffff, v17  }
0x151: {  	v7 =	vor.u32 $0x3, v21;
	[tilespmem:v13+s21+$0x0] =	vst.idx.msk $0xffff, v10;
	v17 =	vld [tilespmem:s25+$0xFFFFEC30]  }
0x152: {  	[tilespmem:v14+s21+$0x0] =	vst.idx.msk $0xffff, v15;
	v13 =	vor.u32 $0x4, v1;
	v10 =	vld [tilespmem:s25+$0xFFFFF020]  }
0x153: {  	v14 =	vor.u32 $0x4, v9;
	v15 =	vld [tilespmem:s25+$0xFFFFF000];
	[tilespmem:v11+s21+$0x0] =	vst.idx.msk $0xffff, v6  }
0x154: {  	v4 =	vor.u32 $0xF, v4;
	[tilespmem:v12+s21+$0x0] =	vst.idx.msk $0xffff, v16;
	v6 =	vld [tilespmem:s24+$0x1C20]  }
0x155: {  	[tilespmem:v0+s21+$0x0] =	vst.idx.msk $0xffff, v8;
	v11 =	vor.u32 $0x4, v20;
	v12 =	vld [tilespmem:s25+$0xFFFFF010]  }
0x156: {  	v0 =	vor.u32 $0xC, v3;
	v8 =	vld [tilespmem:s24+$0x1000];
	[tilespmem:v7+s21+$0x0] =	vst.idx.msk $0xffff, v17  }
0x157: {  	v7 =	vor.u32 $0x4, v21;
	[tilespmem:v13+s21+$0x0] =	vst.idx.msk $0xffff, v10;
	v16 =	vld [tilespmem:s25+$0xFFFFF030]  }
0x158: {  	[tilespmem:v14+s21+$0x0] =	vst.idx.msk $0xffff, v15;
	v13 =	vor.u32 $0x5, v1;
	v10 =	vld [tilespmem:s25+$0xFFFFF420]  }
0x159: {  	v14 =	vor.u32 $0x5, v9;
	v15 =	vld [tilespmem:s25+$0xFFFFF400];
	[tilespmem:v4+s21+$0x0] =	vst.idx.msk $0xffff, v6  }
0x15a: {  	v4 =	vor.u32 $0xC, v2;
	[tilespmem:v11+s21+$0x0] =	vst.idx.msk $0xffff, v12;
	v6 =	vld [tilespmem:s24+$0x1010]  }
0x15b: {  	[tilespmem:v0+s21+$0x0] =	vst.idx.msk $0xffff, v8;
	v11 =	vor.u32 $0x5, v20;
	v12 =	vld [tilespmem:s25+$0xFFFFF410]  }
0x15c: {  	v0 =	vor.u32 $0xC, v5;
	v8 =	vld [tilespmem:s24+$0x1030];
	[tilespmem:v7+s21+$0x0] =	vst.idx.msk $0xffff, v16  }
0x15d: {  	v7 =	vor.u32 $0x5, v21;
	[tilespmem:v13+s21+$0x0] =	vst.idx.msk $0xffff, v10;
	v16 =	vld [tilespmem:s25+$0xFFFFF430]  }
0x15e: {  	[tilespmem:v14+s21+$0x0] =	vst.idx.msk $0xffff, v15;
	v13 =	vor.u32 $0x6, v1;
	v10 =	vld [tilespmem:s25+$0xFFFFF820]  }
0x15f: {  	v14 =	vor.u32 $0x6, v9;
	v15 =	vld [tilespmem:s25+$0xFFFFF800];
	[tilespmem:v4+s21+$0x0] =	vst.idx.msk $0xffff, v6  }
0x160: {  	v4 =	vor.u32 $0xD, v3;
	v6 =	vld [tilespmem:s24+$0x1400];
	[tilespmem:v11+s21+$0x0] =	vst.idx.msk $0xffff, v12  }
0x161: {  	[tilespmem:v0+s21+$0x0] =	vst.idx.msk $0xffff, v8;
	v11 =	vor.u32 $0x6, v20;
	v12 =	vld [tilespmem:s25+$0xFFFFF810]  }
0x162: {  	v0 =	vor.u32 $0xD, v2;
	v8 =	vld [tilespmem:s24+$0x1410];
	[tilespmem:v7+s21+$0x0] =	vst.idx.msk $0xffff, v16  }
0x163: {  	v7 =	vor.u32 $0x6, v21;
	[tilespmem:v13+s21+$0x0] =	vst.idx.msk $0xffff, v10;
	v16 =	vld [tilespmem:s25+$0xFFFFF830]  }
0x164: {  	[tilespmem:v14+s21+$0x0] =	vst.idx.msk $0xffff, v15;
	v13 =	vor.u32 $0x7, v1;
	v10 =	vld [tilespmem:s25+$0xFFFFFC20]  }
0x165: {  	v14 =	vor.u32 $0x7, v9;
	v15 =	vld [tilespmem:s25+$0xFFFFFC00];
	[tilespmem:v4+s21+$0x0] =	vst.idx.msk $0xffff, v6  }
0x166: {  	v4 =	vor.u32 $0xD, v5;
	v6 =	vld [tilespmem:s24+$0x1430];
	[tilespmem:v11+s21+$0x0] =	vst.idx.msk $0xffff, v12  }
0x167: {  	[tilespmem:v0+s21+$0x0] =	vst.idx.msk $0xffff, v8;
	v11 =	vor.u32 $0x7, v20;
	v12 =	vld [tilespmem:s25+$0xFFFFFC10]  }
0x168: {  	v0 =	vor.u32 $0xE, v3;
	v8 =	vld [tilespmem:s24+$0x1800];
	[tilespmem:v7+s21+$0x0] =	vst.idx.msk $0xffff, v16  }
0x169: {  	v7 =	vor.u32 $0x7, v21;
	[tilespmem:v13+s21+$0x0] =	vst.idx.msk $0xffff, v10;
	v16 =	vld [tilespmem:s25+$0xFFFFFC30]  }
0x16a: {  	[tilespmem:v14+s21+$0x0] =	vst.idx.msk $0xffff, v15;
	v13 =	vor.u32 $0x8, v1;
	v10 =	vld [tilespmem:s25+$0x20]  }
0x16b: {  	v14 =	vor.u32 $0x8, v9;
	v15 =	vld [tilespmem:s25+$0x0];
	[tilespmem:v4+s21+$0x0] =	vst.idx.msk $0xffff, v6  }
0x16c: {  	v25 =	vor.u32 $0xE, v5;
	v30 =	vld [tilespmem:s24+$0x1830];
	[tilespmem:v11+s21+$0x0] =	vst.idx.msk $0xffff, v12  }
0x16d: {  	v35 =	vor.u32 $0xF, v3;
	[tilespmem:v0+s21+$0x0] =	vst.idx.msk $0xffff, v8;
	v12 =	vor.u32 $0x8, v20;
	v24 =	vld [tilespmem:s25+$0x10]  }
0x16e: {  	v36 =	vor.u32 $0xF, v2;
	v34 =	vor.u32 $0xF, v5;
	v6 =	vor.u32 $0xE, v2;
	v11 =	vld [tilespmem:s24+$0x1810];
	[tilespmem:v7+s21+$0x0] =	vst.idx.msk $0xffff, v16  }
0x16f: {  	v19 =	vor.u32 $0xA, v9;
	v32 =	vor.u32 $0x9, v1;
	v26 =	vor.u32 $0x8, v21;
	[tilespmem:v13+s21+$0x0] =	vst.idx.msk $0xffff, v10;
	v28 =	vld [tilespmem:s25+$0x30]  }
0x170: {  	v38 =	vor.u32 $0xE, v9;
	v23 =	vor.u32 $0x9, v20;
	v18 =	vor.u32 $0xA, v20;
	[tilespmem:v14+s21+$0x0] =	vst.idx.msk $0xffff, v15;
	v31 =	vld [tilespmem:s25+$0x420]  }
0x171: {  	v22 =	vor.u32 $0x9, v21;
	v17 =	vor.u32 $0xA, v21;
	v0 =	vor.u32 $0x9, v9;
	v33 =	vld [tilespmem:s25+$0x400];
	[tilespmem:v25+s21+$0x0] =	vst.idx.msk $0xffff, v30  }
0x172: {  	v8 =	vor.u32 $0xD, v20;
	v27 =	vld [tilespmem:s24+$0x1C00];
	v13 =	vor.u32 $0xB, v9;
	v16 =	vor.u32 $0xB, v20;
	[tilespmem:v12+s21+$0x0] =	vst.idx.msk $0xffff, v24  }
0x173: {  	v14 =	vor.u32 $0xB, v21;
	v10 =	vor.u32 $0xC, v9;
	v7 =	vor.u32 $0xD, v9;
	[tilespmem:v6+s21+$0x0] =	vst.idx.msk $0xffff, v11;
	v29 =	vld [tilespmem:s25+$0x410]  }
0x174: {  	v15 =	vor.u32 $0xC, v21;
	v30 =	vor.u32 $0xA, v1;
	v6 =	vor.u32 $0xE, v20;
	[tilespmem:v26+s21+$0x0] =	vst.idx.msk $0xffff, v28;
	v26 =	vld [tilespmem:s24+$0x1C10]  }
0x175: {  	v11 =	vor.u32 $0xD, v21;
	v12 =	vor.u32 $0xC, v20;
	v24 =	vor.u32 $0xF, v9;
	[tilespmem:v32+s21+$0x0] =	vst.idx.msk $0xffff, v31;
	v28 =	vld [tilespmem:s25+$0x430]  }
0x176: {  	s26 =	simm.s32 $0x4;
	s28 =	simm.s32 $0xB0;
	v20 =	vor.u32 $0xF, v20;
	v9 =	vor.u32 $0xE, v21;
	v21 =	vor.u32 $0xF, v21;
	[tilespmem:v0+s21+$0x0] =	vst.idx.msk $0xffff, v33;
	v25 =	vld [tilespmem:s25+$0x820]  }
.LBB2_4:
0x177: {  	_ =	sdelay $0x3  }
0x178: {  	[tilespmem:$0x1FF70] =	vst v38;
	v2 =	vmov v24  }
0x179: {  	[tilespmem:$0x1FF90] =	vst v2  }
0x17a: {  	v31 =	vld [tilespmem:s25+$0x800];
	[tilespmem:v35+s21+$0x0] =	vst.idx.msk $0xffff, v27  }
0x17b: {  	s29 =	sadd.s32 $0xFFFFFFE0, s28;
	[tilespmem:v23+s21+$0x0] =	vst.idx.msk $0xffff, v29  }
0x17c: {  	s30 =	sadd.s32 $0xFFFFFFF0, s28;
	s31 =	sadd.s32 $0xFFFFFFD0, s28;
	v24 =	vmov s29;
	v2 =	vmov v20;
	v23 =	vld [tilespmem:s24+$0x1C30];
	[tilespmem:v22+s21+$0x0] =	vst.idx.msk $0xffff, v28  }
0x17d: {  	v24 =	vshll.u32 v24, $0x4;
	v27 =	vmov s30;
	s24 =	smov.u32 s25;
	v29 =	vmov s31;
	[tilespmem:$0x1FF80] =	vst v2  }
0x17e: {  	s25 =	sadd.s32 $0x40, s25;
	v35 =	vor.u32 v37, v24;
	v27 =	vshll.u32 v27, $0x4;
	v32 =	vld [tilespmem:s24+$0x810];
	v22 =	vshll.u32 v29, $0x4;
	[tilespmem:v36+s21+$0x0] =	vst.idx.msk $0xffff, v26  }
0x17f: {  	v24 =	vld [tilespmem:s25+$0xFFFFE020];
	[tilespmem:v30+s21+$0x0] =	vst.idx.msk $0xffff, v25;
	v38 =	vor.u32 v37, v27;
	v44 =	vor.u32 v37, v22  }
0x180: {  	v0 =	vmov s28;
	v26 =	vld [tilespmem:s25+$0xFFFFE000];
	[tilespmem:v19+s21+$0x0] =	vst.idx.msk $0xffff, v31;
	v2 =	vor.u32 $0x9, v44  }
0x181: {  	v0 =	vshll.u32 v0, $0x4;
	v20 =	vld [tilespmem:s25+$0xFFFFE010];
	[tilespmem:$0x1FFA0] =	vst v2  }
0x182: {  	v55 =	vor.u32 $0xC, v1;
	v0 =	vor.u32 v37, v0;
	v19 =	vld [tilespmem:s24+$0xC20];
	v22 =	vor.u32 $0xB, v1;
	[tilespmem:v34+s21+$0x0] =	vst.idx.msk $0xffff, v23  }
0x183: {  	v62 =	vor.u32 $0xD, v1;
	v36 =	vor.u32 $0x1, v35;
	v45 =	vor.u32 $0x1, v0;
	v25 =	vmovc v21;
	v21 =	vld [tilespmem:s25+$0xFFFFE030];
	[tilespmem:v18+s21+$0x0] =	vst.idx.msk $0xffff, v32  }
0x184: {  	v47 =	vor.u32 $0x2, v35;
	v48 =	vor.u32 $0x2, v0;
	v50 =	vor.u32 $0x3, v35;
	v18 =	vld [tilespmem:s24+$0x830];
	[tilespmem:v38+s21+$0x0] =	vst.idx.msk $0xffff, v24  }
0x185: {  	v51 =	vor.u32 $0x3, v0;
	v43 =	vor.u32 $0x4, v35;
	v53 =	vor.u32 $0x1, v38;
	[tilespmem:v44+s21+$0x0] =	vst.idx.msk $0xffff, v26;
	v24 =	vld [tilespmem:s25+$0xFFFFE420]  }
0x186: {  	v42 =	vor.u32 $0x4, v0;
	v39 =	vor.u32 $0x5, v0;
	v41 =	vor.u32 $0x1, v44;
	[tilespmem:v35+s21+$0x0] =	vst.idx.msk $0xffff, v20;
	v54 =	vld [tilespmem:s25+$0xFFFFE400]  }
0x187: {  	v33 =	vor.u32 $0x6, v0;
	v31 =	vor.u32 $0x7, v35;
	v29 =	vor.u32 $0x7, v0;
	[tilespmem:v22+s21+$0x0] =	vst.idx.msk $0xffff, v19;
	v56 =	vld [tilespmem:s25+$0xFFFFE410]  }
0x188: {  	v59 =	vor.u32 $0xB, v35;
	v60 =	vor.u32 $0xB, v0;
	v3 =	vor.u32 $0xD, v35;
	v20 =	vld [tilespmem:s24+$0x1020];
	[tilespmem:v0+s21+$0x0] =	vst.idx.msk $0xffff, v21  }
0x189: {  	v5 =	vor.u32 $0xD, v0;
	v37 =	vor.u32 $0x5, v35;
	v27 =	vor.u32 $0x8, v35;
	v21 =	vld [tilespmem:s25+$0xFFFFE430];
	[tilespmem:v17+s21+$0x0] =	vst.idx.msk $0xffff, v18  }
0x18a: {  	v46 =	vor.u32 $0x2, v44;
	v49 =	vor.u32 $0x3, v44;
	v52 =	vor.u32 $0x4, v44;
	[tilespmem:v53+s21+$0x0] =	vst.idx.msk $0xffff, v24;
	v24 =	vld [tilespmem:s24+$0xC00]  }
0x18b: {  	v40 =	vor.u32 $0x5, v44;
	v30 =	vor.u32 $0x7, v44;
	[tilespmem:v41+s21+$0x0] =	vst.idx.msk $0xffff, v54;
	v54 =	vor.u32 $0x2, v38;
	v53 =	vld [tilespmem:s25+$0xFFFFE820]  }
0x18c: {  	v28 =	vor.u32 $0x8, v44;
	v58 =	vor.u32 $0xB, v44;
	v63 =	vor.u32 $0xD, v44;
	[tilespmem:v36+s21+$0x0] =	vst.idx.msk $0xffff, v56;
	v57 =	vld [tilespmem:s25+$0xFFFFE800]  }
0x18d: {  	v34 =	vor.u32 $0x6, v44;
	v23 =	vor.u32 $0x9, v35;
	v32 =	vor.u32 $0x6, v35;
	[tilespmem:v55+s21+$0x0] =	vst.idx.msk $0xffff, v20;
	v2 =	vld [tilespmem:s25+$0xFFFFE810]  }
0x18e: {  	v26 =	vor.u32 $0x8, v0;
	v19 =	vor.u32 $0xA, v44;
	v22 =	vor.u32 $0x9, v0;
	v61 =	vld [tilespmem:s24+$0x1420];
	[tilespmem:v45+s21+$0x0] =	vst.idx.msk $0xffff, v21  }
0x18f: {  	v18 =	vor.u32 $0xA, v35;
	v17 =	vor.u32 $0xA, v0;
	v56 =	vor.u32 $0xC, v35;
	v4 =	vld [tilespmem:s25+$0xFFFFE830];
	[tilespmem:v13+s21+$0x0] =	vst.idx.msk $0xffff, v24  }
0x190: {  	v41 =	vor.u32 $0xE, v44;
	v55 =	vor.u32 $0xC, v44;
	v24 =	vor.u32 $0xF, v44;
	v44 =	vld [tilespmem:s24+$0xC10];
	[tilespmem:v54+s21+$0x0] =	vst.idx.msk $0xffff, v53  }
0x191: {  	v36 =	vor.u32 $0xE, v35;
	v20 =	vor.u32 $0xF, v35;
	v13 =	vmovc v58;
	v58 =	vor.u32 $0x3, v38;
	[tilespmem:v46+s21+$0x0] =	vst.idx.msk $0xffff, v57;
	v57 =	vld [tilespmem:s25+$0xFFFFEC20]  }
0x192: {  	v35 =	vor.u32 $0xE, v0;
	v45 =	vor.u32 $0xC, v0;
	v21 =	vor.u32 $0xF, v0;
	[tilespmem:v47+s21+$0x0] =	vst.idx.msk $0xffff, v2;
	v0 =	vld [tilespmem:s25+$0xFFFFEC00]  }
0x193: {  	[tilespmem:v62+s21+$0x0] =	vst.idx.msk $0xffff, v61;
	v62 =	vld [tilespmem:s25+$0xFFFFEC10]  }
0x194: {  	v61 =	vor.u32 $0xE, v1;
	v2 =	vld [tilespmem:s24+$0x1820];
	[tilespmem:v48+s21+$0x0] =	vst.idx.msk $0xffff, v4  }
0x195: {  	[tilespmem:v16+s21+$0x0] =	vst.idx.msk $0xffff, v44;
	v4 =	vld [tilespmem:s25+$0xFFFFEC30]  }
0x196: {  	[tilespmem:v58+s21+$0x0] =	vst.idx.msk $0xffff, v57;
	v57 =	vld [tilespmem:s24+$0xC30]  }
0x197: {  	[tilespmem:v49+s21+$0x0] =	vst.idx.msk $0xffff, v0;
	v58 =	vor.u32 $0x4, v38;
	v0 =	vld [tilespmem:s25+$0xFFFFF020]  }
0x198: {  	v16 =	vmov v59;
	[tilespmem:v50+s21+$0x0] =	vst.idx.msk $0xffff, v62;
	v59 =	vld [tilespmem:s25+$0xFFFFF000]  }
0x199: {  	[tilespmem:v61+s21+$0x0] =	vst.idx.msk $0xffff, v2;
	v62 =	vld [tilespmem:s25+$0xFFFFF010]  }
0x19a: {  	v61 =	vor.u32 $0xF, v1;
	v2 =	vld [tilespmem:s24+$0x1C20];
	[tilespmem:v51+s21+$0x0] =	vst.idx.msk $0xffff, v4  }
0x19b: {  	v4 =	vld [tilespmem:s25+$0xFFFFF030];
	[tilespmem:v14+s21+$0x0] =	vst.idx.msk $0xffff, v57  }
0x19c: {  	v1 =	vmov v38;
	[tilespmem:v58+s21+$0x0] =	vst.idx.msk $0xffff, v0;
	v0 =	vld [tilespmem:s24+$0x1000]  }
0x19d: {  	v54 =	vor.u32 $0x5, v1;
	[tilespmem:v52+s21+$0x0] =	vst.idx.msk $0xffff, v59;
	v53 =	vld [tilespmem:s25+$0xFFFFF420]  }
0x19e: {  	[tilespmem:v43+s21+$0x0] =	vst.idx.msk $0xffff, v62;
	v48 =	vld [tilespmem:s25+$0xFFFFF400]  }
0x19f: {  	[tilespmem:v61+s21+$0x0] =	vst.idx.msk $0xffff, v2;
	v2 =	vld [tilespmem:s24+$0x1010]  }
0x1a0: {  	v38 =	vld [tilespmem:s25+$0xFFFFF410];
	[tilespmem:v42+s21+$0x0] =	vst.idx.msk $0xffff, v4  }
0x1a1: {  	v4 =	vld [tilespmem:s25+$0xFFFFF430];
	[tilespmem:v10+s21+$0x0] =	vst.idx.msk $0xffff, v0  }
0x1a2: {  	v0 =	vld [tilespmem:s24+$0x1030];
	[tilespmem:v54+s21+$0x0] =	vst.idx.msk $0xffff, v53  }
0x1a3: {  	v58 =	vor.u32 $0x6, v1;
	[tilespmem:v40+s21+$0x0] =	vst.idx.msk $0xffff, v48;
	v57 =	vld [tilespmem:s25+$0xFFFFF820]  }
0x1a4: {  	[tilespmem:v12+s21+$0x0] =	vst.idx.msk $0xffff, v2;
	v59 =	vld [tilespmem:s25+$0xFFFFF800]  }
0x1a5: {  	[tilespmem:v37+s21+$0x0] =	vst.idx.msk $0xffff, v38;
	v2 =	vld [tilespmem:s24+$0x1400]  }
0x1a6: {  	v37 =	vld [tilespmem:s25+$0xFFFFF810];
	[tilespmem:v39+s21+$0x0] =	vst.idx.msk $0xffff, v4  }
0x1a7: {  	v4 =	vld [tilespmem:s25+$0xFFFFF830];
	[tilespmem:v15+s21+$0x0] =	vst.idx.msk $0xffff, v0  }
0x1a8: {  	v0 =	vld [tilespmem:s24+$0x1410];
	[tilespmem:v58+s21+$0x0] =	vst.idx.msk $0xffff, v57  }
0x1a9: {  	[tilespmem:v34+s21+$0x0] =	vst.idx.msk $0xffff, v59;
	v34 =	vmov v25;
	v25 =	vld [tilespmem:$0x1FF70]  }
0x1aa: {  	v14 =	vmov v60;
	v61 =	vor.u32 $0x7, v1;
	v60 =	vld [tilespmem:s25+$0xFFFFFC20]  }
0x1ab: {  	v62 =	vld [tilespmem:s25+$0xFFFFFC00];
	[tilespmem:v7+s21+$0x0] =	vst.idx.msk $0xffff, v2  }
0x1ac: {  	v2 =	vld [tilespmem:s24+$0x1430];
	[tilespmem:v33+s21+$0x0] =	vst.idx.msk $0xffff, v4  }
0x1ad: {  	[tilespmem:v32+s21+$0x0] =	vst.idx.msk $0xffff, v37;
	v4 =	vld [tilespmem:s25+$0xFFFFFC30]  }
0x1ae: {  	v32 =	vld [tilespmem:s25+$0xFFFFFC10];
	[tilespmem:v8+s21+$0x0] =	vst.idx.msk $0xffff, v0  }
0x1af: {  	[tilespmem:v61+s21+$0x0] =	vst.idx.msk $0xffff, v60  }
0x1b0: {  	v0 =	vld [tilespmem:s24+$0x1800];
	[tilespmem:v30+s21+$0x0] =	vst.idx.msk $0xffff, v62  }
0x1b1: {  	[tilespmem:v11+s21+$0x0] =	vst.idx.msk $0xffff, v2  }
0x1b2: {  	v8 =	vmov v3;
	v30 =	vor.u32 $0x8, v1;
	v3 =	vld [tilespmem:s25+$0x20];
	[tilespmem:v29+s21+$0x0] =	vst.idx.msk $0xffff, v4  }
0x1b3: {  	v4 =	vld [tilespmem:s25+$0x30]  }
0x1b4: {  	v7 =	vmov v63;
	v63 =	vld [tilespmem:s25+$0x0]  }
0x1b5: {  	[tilespmem:v25+s21+$0x0] =	vst.idx.msk $0xffff, v0;
	v0 =	vld [tilespmem:s24+$0x1830]  }
0x1b6: {  	v37 =	vld [tilespmem:$0x1FFF0];
	[tilespmem:v31+s21+$0x0] =	vst.idx.msk $0xffff, v32  }
0x1b7: {  	v2 =	vld [tilespmem:s24+$0x1810];
	[tilespmem:v30+s21+$0x0] =	vst.idx.msk $0xffff, v3  }
0x1b8: {  	v11 =	vmov v5;
	v5 =	vld [tilespmem:s25+$0x10];
	[tilespmem:v26+s21+$0x0] =	vst.idx.msk $0xffff, v4  }
0x1b9: {  	[tilespmem:v28+s21+$0x0] =	vst.idx.msk $0xffff, v63;
	v28 =	vld [tilespmem:s25+$0x430]  }
0x1ba: {  	[tilespmem:v9+s21+$0x0] =	vst.idx.msk $0xffff, v0;
	v0 =	vld [tilespmem:$0x1FFA0]  }
0x1bb: {  	v3 =	vld [tilespmem:s25+$0x420]  }
0x1bc: {  	s26 =	sadd.s32 $0x4, s26;
	v30 =	vor.u32 $0x9, v1;
	v31 =	vld [tilespmem:s25+$0x400]  }
0x1bd: {  	p0 =	slt.u32 s26, $0x3C;
	[tilespmem:v6+s21+$0x0] =	vst.idx.msk $0xffff, v2;
	v6 =	vmov v36;
	v36 =	vld [tilespmem:$0x1FF80]  }
.Ltmp1:
0x1be: {  	[tilespmem:v27+s21+$0x0] =	vst.idx.msk $0xffff, v5;
	v27 =	vld [tilespmem:s24+$0x1C00];
	(pc) =	sbr.rel @p0 .LBB2_4-.Ltmp1, $4  }
0x1bf: {  	v29 =	vld [tilespmem:s25+$0x410]  }
0x1c0: {  	v26 =	vld [tilespmem:s24+$0x1C10]  }
0x1c1: {  	v9 =	vmov v35;
	v35 =	vld [tilespmem:$0x1FF90];
	[tilespmem:v30+s21+$0x0] =	vst.idx.msk $0xffff, v3  }
0x1c2: {  	s28 =	sadd.s32 $0x40, s28;
	v10 =	vmovc v55;
	v12 =	vmovc v56;
	v38 =	vmov v41;
	v15 =	vmov v45;
	v30 =	vor.u32 $0xA, v1;
	v25 =	vld [tilespmem:s25+$0x820];
	[tilespmem:v0+s21+$0x0] =	vst.idx.msk $0xffff, v31  }
0x1c3: {  	_ =	sdelay $0x3  }
0x1c4: {  	v0 =	vld [tilespmem:s25+$0x800];
	[tilespmem:v22+s21+$0x0] =	vst.idx.msk $0xffff, v28  }
0x1c5: {  	[tilespmem:v23+s21+$0x0] =	vst.idx.msk $0xffff, v29;
	v3 =	vld [tilespmem:s25+$0x830]  }
0x1c6: {  	v2 =	vld [tilespmem:s25+$0x810];
	_ =	sdelay $0x1  }
0x1c7: {  	[tilespmem:v30+s21+$0x0] =	vst.idx.msk $0xffff, v25  }
0x1c8: {  	[tilespmem:v19+s21+$0x0] =	vst.idx.msk $0xffff, v0  }
0x1c9: {  	v4 =	vor.u32 $0xB, v1;
	v0 =	vld [tilespmem:s25+$0xC20];
	[tilespmem:v17+s21+$0x0] =	vst.idx.msk $0xffff, v3  }
0x1ca: {  	[tilespmem:v18+s21+$0x0] =	vst.idx.msk $0xffff, v2;
	v2 =	vld [tilespmem:s25+$0xC00]  }
0x1cb: {  	v5 =	vld [tilespmem:s25+$0xC30]  }
0x1cc: {  	v3 =	vld [tilespmem:s25+$0xC10];
	_ =	sdelay $0x1  }
0x1cd: {  	[tilespmem:v4+s21+$0x0] =	vst.idx.msk $0xffff, v0  }
0x1ce: {  	v4 =	vor.u32 $0xC, v1;
	v0 =	vld [tilespmem:s25+$0x1020];
	[tilespmem:v13+s21+$0x0] =	vst.idx.msk $0xffff, v2  }
0x1cf: {  	[tilespmem:v14+s21+$0x0] =	vst.idx.msk $0xffff, v5;
	v2 =	vld [tilespmem:s25+$0x1000]  }
0x1d0: {  	[tilespmem:v16+s21+$0x0] =	vst.idx.msk $0xffff, v3;
	v5 =	vld [tilespmem:s25+$0x1030]  }
0x1d1: {  	v3 =	vld [tilespmem:s25+$0x1010];
	_ =	sdelay $0x1  }
0x1d2: {  	[tilespmem:v4+s21+$0x0] =	vst.idx.msk $0xffff, v0  }
0x1d3: {  	v4 =	vor.u32 $0xD, v1;
	v0 =	vld [tilespmem:s25+$0x1420];
	[tilespmem:v10+s21+$0x0] =	vst.idx.msk $0xffff, v2  }
0x1d4: {  	[tilespmem:v15+s21+$0x0] =	vst.idx.msk $0xffff, v5;
	v2 =	vld [tilespmem:s25+$0x1400]  }
0x1d5: {  	[tilespmem:v12+s21+$0x0] =	vst.idx.msk $0xffff, v3;
	v5 =	vld [tilespmem:s25+$0x1430]  }
0x1d6: {  	v3 =	vld [tilespmem:s25+$0x1410];
	_ =	sdelay $0x1  }
0x1d7: {  	[tilespmem:v4+s21+$0x0] =	vst.idx.msk $0xffff, v0  }
0x1d8: {  	v4 =	vor.u32 $0xE, v1;
	v0 =	vld [tilespmem:s25+$0x1820];
	[tilespmem:v7+s21+$0x0] =	vst.idx.msk $0xffff, v2  }
0x1d9: {  	[tilespmem:v11+s21+$0x0] =	vst.idx.msk $0xffff, v5;
	v2 =	vld [tilespmem:s25+$0x1800]  }
0x1da: {  	[tilespmem:v8+s21+$0x0] =	vst.idx.msk $0xffff, v3;
	v5 =	vld [tilespmem:s25+$0x1830]  }
0x1db: {  	v3 =	vld [tilespmem:s25+$0x1810]  }
0x1dc: {  	[tilespmem:v36+s21+$0x0] =	vst.idx.msk $0xffff, v26  }
0x1dd: {  	v7 =	vld [tilespmem:s24+$0x1C30];
	[tilespmem:v4+s21+$0x0] =	vst.idx.msk $0xffff, v0  }
0x1de: {  	v1 =	vor.u32 $0xF, v1;
	v0 =	vld [tilespmem:s25+$0x1C20];
	[tilespmem:v38+s21+$0x0] =	vst.idx.msk $0xffff, v2  }
0x1df: {  	[tilespmem:v9+s21+$0x0] =	vst.idx.msk $0xffff, v5;
	v2 =	vld [tilespmem:s25+$0x1C00]  }
0x1e0: {  	[tilespmem:v6+s21+$0x0] =	vst.idx.msk $0xffff, v3;
	v4 =	vld [tilespmem:s25+$0x1C30]  }
0x1e1: {  	[tilespmem:v35+s21+$0x0] =	vst.idx.msk $0xffff, v27;
	v3 =	vld [tilespmem:s25+$0x1C10]  }
0x1e2: {  	[tilespmem:v34+s21+$0x0] =	vst.idx.msk $0xffff, v7  }
0x1e3: {  	[tilespmem:v1+s21+$0x0] =	vst.idx.msk $0xffff, v0  }
0x1e4: {  	[tilespmem:v24+s21+$0x0] =	vst.idx.msk $0xffff, v2  }
0x1e5: {  	[tilespmem:v21+s21+$0x0] =	vst.idx.msk $0xffff, v4  }
0x1e6: {  	[tilespmem:v20+s21+$0x0] =	vst.idx.msk $0xffff, v3  }
0x1e7: {  	[hbm4b:s8+s17] =	stream.strided.scatter [tilespmem:s21], [sflag:$0x4], $0x4000, s18, s17, $0x38;
	[tilespmem:$0x10000] =	vst v63  }
0x1e8: {  	_ =	swait.ge [sflag:s22], $0x4000  }
0x1e9: {  	[sflag:s22] =	ssyncset.done $0x0  }
0x1ea: {  	[sflag:s22] =	ssyncadd.s32 $0xFFFFC000  }
0x1eb: {  	[tilespmem:s15], [sflag:$0x2] =	stream.strided.gather [hbm4b:s9+s13], $0x4000, s14, s13, $0x38;
	[tilespmem:$0x10000] =	vst v63  }
0x1ec: {  	s30 =	simm.s32 $0x20;
	_ =	swait.ge [sflag:s4], $0x4000  }
0x1ed: {  	v0 =	vmov s30;
	[sflag:s4] =	ssyncset.done $0x0  }
0x1ee: {  	s31 =	simm.s32 $0x0;
	s24 =	simm.s32 $0x2000;
	v0 =	vshll.u32 v0, $0x4;
	[sflag:s4] =	ssyncadd.s32 $0xFFFFC000  }
0x1ef: {  	s26 =	simm.s32 $0x10;
	v1 =	vmov s31;
	v4 =	vor.u32 v37, v0;
	v5 =	vld [tilespmem:s24+$0xFFFFE020]  }
0x1f0: {  	v1 =	vshll.u32 v1, $0x4;
	v0 =	vmov s26  }
0x1f1: {  	v0 =	vshll.u32 v0, $0x4;
	v3 =	vor.u32 v37, v1;
	v6 =	vld [tilespmem:s24+$0xFFFFE000]  }
0x1f2: {  	v2 =	vor.u32 v37, v0;
	v0 =	vld [tilespmem:s24+$0xFFFFE010]  }
0x1f3: {  	s26 =	simm.s32 $0x30  }
0x1f4: {  	v1 =	vmov s26;
	[tilespmem:v4+s16+$0x0] =	vst.idx.msk $0xffff, v5  }
0x1f5: {  	v8 =	vor.u32 $0x1, v4;
	v1 =	vshll.u32 v1, $0x4;
	v7 =	vld [tilespmem:s24+$0xFFFFE420]  }
0x1f6: {  	v5 =	vor.u32 v37, v1;
	v1 =	vld [tilespmem:s24+$0xFFFFE030];
	[tilespmem:v3+s16+$0x0] =	vst.idx.msk $0xffff, v6  }
0x1f7: {  	v6 =	vor.u32 $0x1, v3;
	[tilespmem:v2+s16+$0x0] =	vst.idx.msk $0xffff, v0;
	v9 =	vld [tilespmem:s24+$0xFFFFE400]  }
0x1f8: {  	v0 =	vor.u32 $0x1, v2;
	v10 =	vld [tilespmem:s24+$0xFFFFE410];
	_ =	sdelay $0x1  }
0x1f9: {  	[tilespmem:v8+s16+$0x0] =	vst.idx.msk $0xffff, v7  }
0x1fa: {  	[tilespmem:v5+s16+$0x0] =	vst.idx.msk $0xffff, v1;
	v7 =	vor.u32 $0x2, v4;
	v1 =	vld [tilespmem:s24+$0xFFFFE820]  }
0x1fb: {  	v8 =	vor.u32 $0x1, v5;
	v11 =	vld [tilespmem:s24+$0xFFFFE430];
	[tilespmem:v6+s16+$0x0] =	vst.idx.msk $0xffff, v9  }
0x1fc: {  	v6 =	vor.u32 $0x2, v3;
	[tilespmem:v0+s16+$0x0] =	vst.idx.msk $0xffff, v10;
	v9 =	vld [tilespmem:s24+$0xFFFFE800]  }
0x1fd: {  	v0 =	vor.u32 $0x2, v2;
	v10 =	vld [tilespmem:s24+$0xFFFFE810];
	_ =	sdelay $0x1  }
0x1fe: {  	[tilespmem:v7+s16+$0x0] =	vst.idx.msk $0xffff, v1  }
0x1ff: {  	[tilespmem:v8+s16+$0x0] =	vst.idx.msk $0xffff, v11;
	v7 =	vor.u32 $0x3, v4;
	v1 =	vld [tilespmem:s24+$0xFFFFEC20]  }
0x200: {  	v8 =	vor.u32 $0x2, v5;
	v11 =	vld [tilespmem:s24+$0xFFFFE830];
	[tilespmem:v6+s16+$0x0] =	vst.idx.msk $0xffff, v9  }
0x201: {  	v6 =	vor.u32 $0x3, v3;
	[tilespmem:v0+s16+$0x0] =	vst.idx.msk $0xffff, v10;
	v9 =	vld [tilespmem:s24+$0xFFFFEC00]  }
0x202: {  	v0 =	vor.u32 $0x3, v2;
	v10 =	vld [tilespmem:s24+$0xFFFFEC10];
	_ =	sdelay $0x1  }
0x203: {  	[tilespmem:v7+s16+$0x0] =	vst.idx.msk $0xffff, v1  }
0x204: {  	[tilespmem:v8+s16+$0x0] =	vst.idx.msk $0xffff, v11;
	v7 =	vor.u32 $0x4, v4;
	v1 =	vld [tilespmem:s24+$0xFFFFF020]  }
0x205: {  	v8 =	vor.u32 $0x3, v5;
	v11 =	vld [tilespmem:s24+$0xFFFFEC30];
	[tilespmem:v6+s16+$0x0] =	vst.idx.msk $0xffff, v9  }
0x206: {  	v6 =	vor.u32 $0x4, v3;
	[tilespmem:v0+s16+$0x0] =	vst.idx.msk $0xffff, v10;
	v9 =	vld [tilespmem:s24+$0xFFFFF000]  }
0x207: {  	v0 =	vor.u32 $0x4, v2;
	v10 =	vld [tilespmem:s24+$0xFFFFF010];
	_ =	sdelay $0x1  }
0x208: {  	[tilespmem:v7+s16+$0x0] =	vst.idx.msk $0xffff, v1  }
0x209: {  	[tilespmem:v8+s16+$0x0] =	vst.idx.msk $0xffff, v11;
	v7 =	vor.u32 $0x5, v4;
	v1 =	vld [tilespmem:s24+$0xFFFFF420]  }
0x20a: {  	v8 =	vor.u32 $0x4, v5;
	v11 =	vld [tilespmem:s24+$0xFFFFF030];
	[tilespmem:v6+s16+$0x0] =	vst.idx.msk $0xffff, v9  }
0x20b: {  	v6 =	vor.u32 $0x5, v3;
	[tilespmem:v0+s16+$0x0] =	vst.idx.msk $0xffff, v10;
	v9 =	vld [tilespmem:s24+$0xFFFFF400]  }
0x20c: {  	v0 =	vor.u32 $0x5, v2;
	v10 =	vld [tilespmem:s24+$0xFFFFF410];
	_ =	sdelay $0x1  }
0x20d: {  	[tilespmem:v7+s16+$0x0] =	vst.idx.msk $0xffff, v1  }
0x20e: {  	[tilespmem:v8+s16+$0x0] =	vst.idx.msk $0xffff, v11;
	v7 =	vor.u32 $0x6, v4;
	v1 =	vld [tilespmem:s24+$0xFFFFF820]  }
0x20f: {  	v8 =	vor.u32 $0x5, v5;
	v11 =	vld [tilespmem:s24+$0xFFFFF430];
	[tilespmem:v6+s16+$0x0] =	vst.idx.msk $0xffff, v9  }
0x210: {  	v6 =	vor.u32 $0x6, v3;
	[tilespmem:v0+s16+$0x0] =	vst.idx.msk $0xffff, v10;
	v9 =	vld [tilespmem:s24+$0xFFFFF800]  }
0x211: {  	v0 =	vor.u32 $0x6, v2;
	v10 =	vld [tilespmem:s24+$0xFFFFF810];
	_ =	sdelay $0x1  }
0x212: {  	[tilespmem:v7+s16+$0x0] =	vst.idx.msk $0xffff, v1  }
0x213: {  	[tilespmem:v8+s16+$0x0] =	vst.idx.msk $0xffff, v11;
	v7 =	vor.u32 $0x7, v4;
	v1 =	vld [tilespmem:s24+$0xFFFFFC20]  }
0x214: {  	v8 =	vor.u32 $0x6, v5;
	v11 =	vld [tilespmem:s24+$0xFFFFF830];
	[tilespmem:v6+s16+$0x0] =	vst.idx.msk $0xffff, v9  }
0x215: {  	v6 =	vor.u32 $0x7, v3;
	[tilespmem:v0+s16+$0x0] =	vst.idx.msk $0xffff, v10;
	v9 =	vld [tilespmem:s24+$0xFFFFFC00]  }
0x216: {  	v0 =	vor.u32 $0x7, v2;
	v10 =	vld [tilespmem:s24+$0xFFFFFC10];
	_ =	sdelay $0x1  }
0x217: {  	[tilespmem:v7+s16+$0x0] =	vst.idx.msk $0xffff, v1  }
0x218: {  	[tilespmem:v8+s16+$0x0] =	vst.idx.msk $0xffff, v11;
	v7 =	vor.u32 $0x8, v4;
	v1 =	vld [tilespmem:s24+$0x20]  }
0x219: {  	v8 =	vor.u32 $0x7, v5;
	v11 =	vld [tilespmem:s24+$0xFFFFFC30];
	[tilespmem:v6+s16+$0x0] =	vst.idx.msk $0xffff, v9  }
0x21a: {  	v6 =	vor.u32 $0x8, v3;
	[tilespmem:v0+s16+$0x0] =	vst.idx.msk $0xffff, v10;
	v9 =	vld [tilespmem:s24+$0x0]  }
0x21b: {  	v0 =	vor.u32 $0x8, v2;
	v10 =	vld [tilespmem:s24+$0x10];
	_ =	sdelay $0x1  }
0x21c: {  	[tilespmem:v7+s16+$0x0] =	vst.idx.msk $0xffff, v1  }
0x21d: {  	[tilespmem:v8+s16+$0x0] =	vst.idx.msk $0xffff, v11;
	v7 =	vor.u32 $0x9, v4;
	v1 =	vld [tilespmem:s24+$0x420]  }
0x21e: {  	v8 =	vor.u32 $0x8, v5;
	v11 =	vld [tilespmem:s24+$0x30];
	[tilespmem:v6+s16+$0x0] =	vst.idx.msk $0xffff, v9  }
0x21f: {  	v6 =	vor.u32 $0x9, v3;
	[tilespmem:v0+s16+$0x0] =	vst.idx.msk $0xffff, v10;
	v9 =	vld [tilespmem:s24+$0x400]  }
0x220: {  	v0 =	vor.u32 $0x9, v2;
	v10 =	vld [tilespmem:s24+$0x410];
	_ =	sdelay $0x1  }
0x221: {  	[tilespmem:v7+s16+$0x0] =	vst.idx.msk $0xffff, v1  }
0x222: {  	[tilespmem:v8+s16+$0x0] =	vst.idx.msk $0xffff, v11;
	v8 =	vor.u32 $0xA, v4;
	v7 =	vld [tilespmem:s24+$0x820]  }
0x223: {  	s29 =	simm.s32 $0x60;
	v11 =	vor.u32 $0x9, v5;
	v12 =	vld [tilespmem:s24+$0x430];
	[tilespmem:v6+s16+$0x0] =	vst.idx.msk $0xffff, v9  }
0x224: {  	s30 =	simm.s32 $0x40;
	v6 =	vor.u32 $0xA, v3;
	v1 =	vmov s29;
	[tilespmem:v0+s16+$0x0] =	vst.idx.msk $0xffff, v10;
	v13 =	vld [tilespmem:s24+$0x800]  }
0x225: {  	s25 =	simm.s32 $0x2040;
	v0 =	vor.u32 $0xA, v2;
	v9 =	vmov s30;
	v1 =	vshll.u32 v1, $0x4;
	v10 =	vld [tilespmem:s24+$0x810]  }
0x226: {  	s31 =	simm.s32 $0x50;
	v14 =	vld [tilespmem:s25+$0xFFFFE020];
	v9 =	vshll.u32 v9, $0x4;
	v1 =	vor.u32 v37, v1  }
0x227: {  	v15 =	vmov s31;
	v16 =	vld [tilespmem:s25+$0xFFFFE000];
	v9 =	vor.u32 v37, v9;
	[tilespmem:v8+s16+$0x0] =	vst.idx.msk $0xffff, v7  }
0x228: {  	s28 =	simm.s32 $0x70;
	[tilespmem:v11+s16+$0x0] =	vst.idx.msk $0xffff, v12;
	v12 =	vor.u32 $0xB, v4;
	v8 =	vshll.u32 v15, $0x4;
	v11 =	vld [tilespmem:s24+$0xC20]  }
0x229: {  	v7 =	vmov s28;
	[tilespmem:v6+s16+$0x0] =	vst.idx.msk $0xffff, v13;
	v6 =	vld [tilespmem:s25+$0xFFFFE010];
	v20 =	vor.u32 v37, v8  }
0x22a: {  	[tilespmem:v0+s16+$0x0] =	vst.idx.msk $0xffff, v10;
	v0 =	vor.u32 $0xA, v5;
	v7 =	vshll.u32 v7, $0x4;
	v8 =	vld [tilespmem:s24+$0x830]  }
0x22b: {  	[tilespmem:v1+s16+$0x0] =	vst.idx.msk $0xffff, v14;
	v21 =	vor.u32 v37, v7;
	v7 =	vld [tilespmem:s25+$0xFFFFE030]  }
0x22c: {  	v13 =	vor.u32 $0x1, v1;
	[tilespmem:v9+s16+$0x0] =	vst.idx.msk $0xffff, v16;
	v10 =	vld [tilespmem:s25+$0xFFFFE420]  }
0x22d: {  	v14 =	vor.u32 $0x1, v9;
	v15 =	vld [tilespmem:s25+$0xFFFFE400];
	[tilespmem:v12+s16+$0x0] =	vst.idx.msk $0xffff, v11  }
0x22e: {  	[tilespmem:v20+s16+$0x0] =	vst.idx.msk $0xffff, v6;
	v11 =	vor.u32 $0xC, v4;
	v6 =	vld [tilespmem:s24+$0x1020]  }
0x22f: {  	v12 =	vor.u32 $0x1, v20;
	[tilespmem:v0+s16+$0x0] =	vst.idx.msk $0xffff, v8;
	v16 =	vld [tilespmem:s25+$0xFFFFE410]  }
0x230: {  	v0 =	vor.u32 $0xB, v3;
	v8 =	vld [tilespmem:s24+$0xC00];
	[tilespmem:v21+s16+$0x0] =	vst.idx.msk $0xffff, v7  }
0x231: {  	v7 =	vor.u32 $0x1, v21;
	[tilespmem:v13+s16+$0x0] =	vst.idx.msk $0xffff, v10;
	v17 =	vld [tilespmem:s25+$0xFFFFE430]  }
0x232: {  	[tilespmem:v14+s16+$0x0] =	vst.idx.msk $0xffff, v15;
	v13 =	vor.u32 $0x2, v1;
	v10 =	vld [tilespmem:s25+$0xFFFFE820]  }
0x233: {  	v14 =	vor.u32 $0x2, v9;
	v15 =	vld [tilespmem:s25+$0xFFFFE800];
	[tilespmem:v11+s16+$0x0] =	vst.idx.msk $0xffff, v6  }
0x234: {  	[tilespmem:v12+s16+$0x0] =	vst.idx.msk $0xffff, v16;
	v11 =	vor.u32 $0xD, v4;
	v6 =	vld [tilespmem:s24+$0x1420]  }
0x235: {  	[tilespmem:v0+s16+$0x0] =	vst.idx.msk $0xffff, v8;
	v12 =	vor.u32 $0x2, v20;
	v16 =	vld [tilespmem:s25+$0xFFFFE810]  }
0x236: {  	v0 =	vor.u32 $0xB, v2;
	v8 =	vld [tilespmem:s24+$0xC10];
	[tilespmem:v7+s16+$0x0] =	vst.idx.msk $0xffff, v17  }
0x237: {  	v7 =	vor.u32 $0x2, v21;
	[tilespmem:v13+s16+$0x0] =	vst.idx.msk $0xffff, v10;
	v17 =	vld [tilespmem:s25+$0xFFFFE830]  }
0x238: {  	[tilespmem:v14+s16+$0x0] =	vst.idx.msk $0xffff, v15;
	v13 =	vor.u32 $0x3, v1;
	v10 =	vld [tilespmem:s25+$0xFFFFEC20]  }
0x239: {  	v14 =	vor.u32 $0x3, v9;
	v15 =	vld [tilespmem:s25+$0xFFFFEC00];
	[tilespmem:v11+s16+$0x0] =	vst.idx.msk $0xffff, v6  }
0x23a: {  	[tilespmem:v12+s16+$0x0] =	vst.idx.msk $0xffff, v16;
	v11 =	vor.u32 $0xE, v4;
	v6 =	vld [tilespmem:s24+$0x1820]  }
0x23b: {  	[tilespmem:v0+s16+$0x0] =	vst.idx.msk $0xffff, v8;
	v12 =	vor.u32 $0x3, v20;
	v16 =	vld [tilespmem:s25+$0xFFFFEC10]  }
0x23c: {  	v0 =	vor.u32 $0xB, v5;
	v8 =	vld [tilespmem:s24+$0xC30];
	[tilespmem:v7+s16+$0x0] =	vst.idx.msk $0xffff, v17  }
0x23d: {  	v7 =	vor.u32 $0x3, v21;
	[tilespmem:v13+s16+$0x0] =	vst.idx.msk $0xffff, v10;
	v17 =	vld [tilespmem:s25+$0xFFFFEC30]  }
0x23e: {  	[tilespmem:v14+s16+$0x0] =	vst.idx.msk $0xffff, v15;
	v13 =	vor.u32 $0x4, v1;
	v10 =	vld [tilespmem:s25+$0xFFFFF020]  }
0x23f: {  	v14 =	vor.u32 $0x4, v9;
	v15 =	vld [tilespmem:s25+$0xFFFFF000];
	[tilespmem:v11+s16+$0x0] =	vst.idx.msk $0xffff, v6  }
0x240: {  	v4 =	vor.u32 $0xF, v4;
	[tilespmem:v12+s16+$0x0] =	vst.idx.msk $0xffff, v16;
	v6 =	vld [tilespmem:s24+$0x1C20]  }
0x241: {  	[tilespmem:v0+s16+$0x0] =	vst.idx.msk $0xffff, v8;
	v11 =	vor.u32 $0x4, v20;
	v12 =	vld [tilespmem:s25+$0xFFFFF010]  }
0x242: {  	v0 =	vor.u32 $0xC, v3;
	v8 =	vld [tilespmem:s24+$0x1000];
	[tilespmem:v7+s16+$0x0] =	vst.idx.msk $0xffff, v17  }
0x243: {  	v7 =	vor.u32 $0x4, v21;
	[tilespmem:v13+s16+$0x0] =	vst.idx.msk $0xffff, v10;
	v16 =	vld [tilespmem:s25+$0xFFFFF030]  }
0x244: {  	[tilespmem:v14+s16+$0x0] =	vst.idx.msk $0xffff, v15;
	v13 =	vor.u32 $0x5, v1;
	v10 =	vld [tilespmem:s25+$0xFFFFF420]  }
0x245: {  	v14 =	vor.u32 $0x5, v9;
	v15 =	vld [tilespmem:s25+$0xFFFFF400];
	[tilespmem:v4+s16+$0x0] =	vst.idx.msk $0xffff, v6  }
0x246: {  	v4 =	vor.u32 $0xC, v2;
	[tilespmem:v11+s16+$0x0] =	vst.idx.msk $0xffff, v12;
	v6 =	vld [tilespmem:s24+$0x1010]  }
0x247: {  	[tilespmem:v0+s16+$0x0] =	vst.idx.msk $0xffff, v8;
	v11 =	vor.u32 $0x5, v20;
	v12 =	vld [tilespmem:s25+$0xFFFFF410]  }
0x248: {  	v0 =	vor.u32 $0xC, v5;
	v8 =	vld [tilespmem:s24+$0x1030];
	[tilespmem:v7+s16+$0x0] =	vst.idx.msk $0xffff, v16  }
0x249: {  	v7 =	vor.u32 $0x5, v21;
	[tilespmem:v13+s16+$0x0] =	vst.idx.msk $0xffff, v10;
	v16 =	vld [tilespmem:s25+$0xFFFFF430]  }
0x24a: {  	[tilespmem:v14+s16+$0x0] =	vst.idx.msk $0xffff, v15;
	v13 =	vor.u32 $0x6, v1;
	v10 =	vld [tilespmem:s25+$0xFFFFF820]  }
0x24b: {  	v14 =	vor.u32 $0x6, v9;
	v15 =	vld [tilespmem:s25+$0xFFFFF800];
	[tilespmem:v4+s16+$0x0] =	vst.idx.msk $0xffff, v6  }
0x24c: {  	v4 =	vor.u32 $0xD, v3;
	v6 =	vld [tilespmem:s24+$0x1400];
	[tilespmem:v11+s16+$0x0] =	vst.idx.msk $0xffff, v12  }
0x24d: {  	[tilespmem:v0+s16+$0x0] =	vst.idx.msk $0xffff, v8;
	v11 =	vor.u32 $0x6, v20;
	v12 =	vld [tilespmem:s25+$0xFFFFF810]  }
0x24e: {  	v0 =	vor.u32 $0xD, v2;
	v8 =	vld [tilespmem:s24+$0x1410];
	[tilespmem:v7+s16+$0x0] =	vst.idx.msk $0xffff, v16  }
0x24f: {  	v7 =	vor.u32 $0x6, v21;
	[tilespmem:v13+s16+$0x0] =	vst.idx.msk $0xffff, v10;
	v16 =	vld [tilespmem:s25+$0xFFFFF830]  }
0x250: {  	[tilespmem:v14+s16+$0x0] =	vst.idx.msk $0xffff, v15;
	v13 =	vor.u32 $0x7, v1;
	v10 =	vld [tilespmem:s25+$0xFFFFFC20]  }
0x251: {  	v14 =	vor.u32 $0x7, v9;
	v15 =	vld [tilespmem:s25+$0xFFFFFC00];
	[tilespmem:v4+s16+$0x0] =	vst.idx.msk $0xffff, v6  }
0x252: {  	v4 =	vor.u32 $0xD, v5;
	v6 =	vld [tilespmem:s24+$0x1430];
	[tilespmem:v11+s16+$0x0] =	vst.idx.msk $0xffff, v12  }
0x253: {  	[tilespmem:v0+s16+$0x0] =	vst.idx.msk $0xffff, v8;
	v11 =	vor.u32 $0x7, v20;
	v12 =	vld [tilespmem:s25+$0xFFFFFC10]  }
0x254: {  	v0 =	vor.u32 $0xE, v3;
	v8 =	vld [tilespmem:s24+$0x1800];
	[tilespmem:v7+s16+$0x0] =	vst.idx.msk $0xffff, v16  }
0x255: {  	v7 =	vor.u32 $0x7, v21;
	[tilespmem:v13+s16+$0x0] =	vst.idx.msk $0xffff, v10;
	v16 =	vld [tilespmem:s25+$0xFFFFFC30]  }
0x256: {  	[tilespmem:v14+s16+$0x0] =	vst.idx.msk $0xffff, v15;
	v13 =	vor.u32 $0x8, v1;
	v10 =	vld [tilespmem:s25+$0x20]  }
0x257: {  	v14 =	vor.u32 $0x8, v9;
	v15 =	vld [tilespmem:s25+$0x0];
	[tilespmem:v4+s16+$0x0] =	vst.idx.msk $0xffff, v6  }
0x258: {  	v25 =	vor.u32 $0xE, v5;
	v30 =	vld [tilespmem:s24+$0x1830];
	[tilespmem:v11+s16+$0x0] =	vst.idx.msk $0xffff, v12  }
0x259: {  	v35 =	vor.u32 $0xF, v3;
	[tilespmem:v0+s16+$0x0] =	vst.idx.msk $0xffff, v8;
	v12 =	vor.u32 $0x8, v20;
	v24 =	vld [tilespmem:s25+$0x10]  }
0x25a: {  	v36 =	vor.u32 $0xF, v2;
	v34 =	vor.u32 $0xF, v5;
	v6 =	vor.u32 $0xE, v2;
	v11 =	vld [tilespmem:s24+$0x1810];
	[tilespmem:v7+s16+$0x0] =	vst.idx.msk $0xffff, v16  }
0x25b: {  	v19 =	vor.u32 $0xA, v9;
	v32 =	vor.u32 $0x9, v1;
	v26 =	vor.u32 $0x8, v21;
	[tilespmem:v13+s16+$0x0] =	vst.idx.msk $0xffff, v10;
	v28 =	vld [tilespmem:s25+$0x30]  }
0x25c: {  	v38 =	vor.u32 $0xE, v9;
	v23 =	vor.u32 $0x9, v20;
	v18 =	vor.u32 $0xA, v20;
	[tilespmem:v14+s16+$0x0] =	vst.idx.msk $0xffff, v15;
	v31 =	vld [tilespmem:s25+$0x420]  }
0x25d: {  	v22 =	vor.u32 $0x9, v21;
	v17 =	vor.u32 $0xA, v21;
	v0 =	vor.u32 $0x9, v9;
	v33 =	vld [tilespmem:s25+$0x400];
	[tilespmem:v25+s16+$0x0] =	vst.idx.msk $0xffff, v30  }
0x25e: {  	v8 =	vor.u32 $0xD, v20;
	v27 =	vld [tilespmem:s24+$0x1C00];
	v13 =	vor.u32 $0xB, v9;
	v16 =	vor.u32 $0xB, v20;
	[tilespmem:v12+s16+$0x0] =	vst.idx.msk $0xffff, v24  }
0x25f: {  	v14 =	vor.u32 $0xB, v21;
	v10 =	vor.u32 $0xC, v9;
	v7 =	vor.u32 $0xD, v9;
	[tilespmem:v6+s16+$0x0] =	vst.idx.msk $0xffff, v11;
	v29 =	vld [tilespmem:s25+$0x410]  }
0x260: {  	v15 =	vor.u32 $0xC, v21;
	v30 =	vor.u32 $0xA, v1;
	v6 =	vor.u32 $0xE, v20;
	[tilespmem:v26+s16+$0x0] =	vst.idx.msk $0xffff, v28;
	v26 =	vld [tilespmem:s24+$0x1C10]  }
0x261: {  	v11 =	vor.u32 $0xD, v21;
	v12 =	vor.u32 $0xC, v20;
	v24 =	vor.u32 $0xF, v9;
	[tilespmem:v32+s16+$0x0] =	vst.idx.msk $0xffff, v31;
	v28 =	vld [tilespmem:s25+$0x430]  }
0x262: {  	s26 =	simm.s32 $0x4;
	s28 =	simm.s32 $0xB0;
	v20 =	vor.u32 $0xF, v20;
	v9 =	vor.u32 $0xE, v21;
	v21 =	vor.u32 $0xF, v21;
	[tilespmem:v0+s16+$0x0] =	vst.idx.msk $0xffff, v33;
	v25 =	vld [tilespmem:s25+$0x820]  }
.LBB2_6:
0x263: {  	_ =	sdelay $0x3  }
0x264: {  	[tilespmem:$0x1FF30] =	vst v38;
	v2 =	vmov v24  }
0x265: {  	[tilespmem:$0x1FF50] =	vst v2  }
0x266: {  	v31 =	vld [tilespmem:s25+$0x800];
	[tilespmem:v35+s16+$0x0] =	vst.idx.msk $0xffff, v27  }
0x267: {  	s29 =	sadd.s32 $0xFFFFFFE0, s28;
	[tilespmem:v23+s16+$0x0] =	vst.idx.msk $0xffff, v29  }
0x268: {  	s30 =	sadd.s32 $0xFFFFFFF0, s28;
	s31 =	sadd.s32 $0xFFFFFFD0, s28;
	v24 =	vmov s29;
	v2 =	vmov v20;
	v23 =	vld [tilespmem:s24+$0x1C30];
	[tilespmem:v22+s16+$0x0] =	vst.idx.msk $0xffff, v28  }
0x269: {  	v24 =	vshll.u32 v24, $0x4;
	v27 =	vmov s30;
	s24 =	smov.u32 s25;
	v29 =	vmov s31;
	[tilespmem:$0x1FF40] =	vst v2  }
0x26a: {  	s25 =	sadd.s32 $0x40, s25;
	v35 =	vor.u32 v37, v24;
	v27 =	vshll.u32 v27, $0x4;
	v32 =	vld [tilespmem:s24+$0x810];
	v22 =	vshll.u32 v29, $0x4;
	[tilespmem:v36+s16+$0x0] =	vst.idx.msk $0xffff, v26  }
0x26b: {  	v24 =	vld [tilespmem:s25+$0xFFFFE020];
	[tilespmem:v30+s16+$0x0] =	vst.idx.msk $0xffff, v25;
	v38 =	vor.u32 v37, v27;
	v44 =	vor.u32 v37, v22  }
0x26c: {  	v0 =	vmov s28;
	v26 =	vld [tilespmem:s25+$0xFFFFE000];
	[tilespmem:v19+s16+$0x0] =	vst.idx.msk $0xffff, v31;
	v2 =	vor.u32 $0x9, v44  }
0x26d: {  	v0 =	vshll.u32 v0, $0x4;
	v20 =	vld [tilespmem:s25+$0xFFFFE010];
	[tilespmem:$0x1FF60] =	vst v2  }
0x26e: {  	v55 =	vor.u32 $0xC, v1;
	v0 =	vor.u32 v37, v0;
	v19 =	vld [tilespmem:s24+$0xC20];
	v22 =	vor.u32 $0xB, v1;
	[tilespmem:v34+s16+$0x0] =	vst.idx.msk $0xffff, v23  }
0x26f: {  	v62 =	vor.u32 $0xD, v1;
	v36 =	vor.u32 $0x1, v35;
	v45 =	vor.u32 $0x1, v0;
	v25 =	vmovc v21;
	v21 =	vld [tilespmem:s25+$0xFFFFE030];
	[tilespmem:v18+s16+$0x0] =	vst.idx.msk $0xffff, v32  }
0x270: {  	v47 =	vor.u32 $0x2, v35;
	v48 =	vor.u32 $0x2, v0;
	v50 =	vor.u32 $0x3, v35;
	v18 =	vld [tilespmem:s24+$0x830];
	[tilespmem:v38+s16+$0x0] =	vst.idx.msk $0xffff, v24  }
0x271: {  	v51 =	vor.u32 $0x3, v0;
	v43 =	vor.u32 $0x4, v35;
	v53 =	vor.u32 $0x1, v38;
	[tilespmem:v44+s16+$0x0] =	vst.idx.msk $0xffff, v26;
	v24 =	vld [tilespmem:s25+$0xFFFFE420]  }
0x272: {  	v42 =	vor.u32 $0x4, v0;
	v39 =	vor.u32 $0x5, v0;
	v41 =	vor.u32 $0x1, v44;
	[tilespmem:v35+s16+$0x0] =	vst.idx.msk $0xffff, v20;
	v54 =	vld [tilespmem:s25+$0xFFFFE400]  }
0x273: {  	v33 =	vor.u32 $0x6, v0;
	v31 =	vor.u32 $0x7, v35;
	v29 =	vor.u32 $0x7, v0;
	[tilespmem:v22+s16+$0x0] =	vst.idx.msk $0xffff, v19;
	v56 =	vld [tilespmem:s25+$0xFFFFE410]  }
0x274: {  	v59 =	vor.u32 $0xB, v35;
	v60 =	vor.u32 $0xB, v0;
	v3 =	vor.u32 $0xD, v35;
	v20 =	vld [tilespmem:s24+$0x1020];
	[tilespmem:v0+s16+$0x0] =	vst.idx.msk $0xffff, v21  }
0x275: {  	v5 =	vor.u32 $0xD, v0;
	v37 =	vor.u32 $0x5, v35;
	v27 =	vor.u32 $0x8, v35;
	v21 =	vld [tilespmem:s25+$0xFFFFE430];
	[tilespmem:v17+s16+$0x0] =	vst.idx.msk $0xffff, v18  }
0x276: {  	v46 =	vor.u32 $0x2, v44;
	v49 =	vor.u32 $0x3, v44;
	v52 =	vor.u32 $0x4, v44;
	[tilespmem:v53+s16+$0x0] =	vst.idx.msk $0xffff, v24;
	v24 =	vld [tilespmem:s24+$0xC00]  }
0x277: {  	v40 =	vor.u32 $0x5, v44;
	v30 =	vor.u32 $0x7, v44;
	[tilespmem:v41+s16+$0x0] =	vst.idx.msk $0xffff, v54;
	v54 =	vor.u32 $0x2, v38;
	v53 =	vld [tilespmem:s25+$0xFFFFE820]  }
0x278: {  	v28 =	vor.u32 $0x8, v44;
	v58 =	vor.u32 $0xB, v44;
	v63 =	vor.u32 $0xD, v44;
	[tilespmem:v36+s16+$0x0] =	vst.idx.msk $0xffff, v56;
	v57 =	vld [tilespmem:s25+$0xFFFFE800]  }
0x279: {  	v34 =	vor.u32 $0x6, v44;
	v23 =	vor.u32 $0x9, v35;
	v32 =	vor.u32 $0x6, v35;
	[tilespmem:v55+s16+$0x0] =	vst.idx.msk $0xffff, v20;
	v2 =	vld [tilespmem:s25+$0xFFFFE810]  }
0x27a: {  	v26 =	vor.u32 $0x8, v0;
	v19 =	vor.u32 $0xA, v44;
	v22 =	vor.u32 $0x9, v0;
	v61 =	vld [tilespmem:s24+$0x1420];
	[tilespmem:v45+s16+$0x0] =	vst.idx.msk $0xffff, v21  }
0x27b: {  	v18 =	vor.u32 $0xA, v35;
	v17 =	vor.u32 $0xA, v0;
	v56 =	vor.u32 $0xC, v35;
	v4 =	vld [tilespmem:s25+$0xFFFFE830];
	[tilespmem:v13+s16+$0x0] =	vst.idx.msk $0xffff, v24  }
0x27c: {  	v41 =	vor.u32 $0xE, v44;
	v55 =	vor.u32 $0xC, v44;
	v24 =	vor.u32 $0xF, v44;
	v44 =	vld [tilespmem:s24+$0xC10];
	[tilespmem:v54+s16+$0x0] =	vst.idx.msk $0xffff, v53  }
0x27d: {  	v36 =	vor.u32 $0xE, v35;
	v20 =	vor.u32 $0xF, v35;
	v13 =	vmovc v58;
	v58 =	vor.u32 $0x3, v38;
	[tilespmem:v46+s16+$0x0] =	vst.idx.msk $0xffff, v57;
	v57 =	vld [tilespmem:s25+$0xFFFFEC20]  }
0x27e: {  	v35 =	vor.u32 $0xE, v0;
	v45 =	vor.u32 $0xC, v0;
	v21 =	vor.u32 $0xF, v0;
	[tilespmem:v47+s16+$0x0] =	vst.idx.msk $0xffff, v2;
	v0 =	vld [tilespmem:s25+$0xFFFFEC00]  }
0x27f: {  	[tilespmem:v62+s16+$0x0] =	vst.idx.msk $0xffff, v61;
	v62 =	vld [tilespmem:s25+$0xFFFFEC10]  }
0x280: {  	v61 =	vor.u32 $0xE, v1;
	v2 =	vld [tilespmem:s24+$0x1820];
	[tilespmem:v48+s16+$0x0] =	vst.idx.msk $0xffff, v4  }
0x281: {  	[tilespmem:v16+s16+$0x0] =	vst.idx.msk $0xffff, v44;
	v4 =	vld [tilespmem:s25+$0xFFFFEC30]  }
0x282: {  	[tilespmem:v58+s16+$0x0] =	vst.idx.msk $0xffff, v57;
	v57 =	vld [tilespmem:s24+$0xC30]  }
0x283: {  	[tilespmem:v49+s16+$0x0] =	vst.idx.msk $0xffff, v0;
	v58 =	vor.u32 $0x4, v38;
	v0 =	vld [tilespmem:s25+$0xFFFFF020]  }
0x284: {  	v16 =	vmov v59;
	[tilespmem:v50+s16+$0x0] =	vst.idx.msk $0xffff, v62;
	v59 =	vld [tilespmem:s25+$0xFFFFF000]  }
0x285: {  	[tilespmem:v61+s16+$0x0] =	vst.idx.msk $0xffff, v2;
	v62 =	vld [tilespmem:s25+$0xFFFFF010]  }
0x286: {  	v61 =	vor.u32 $0xF, v1;
	v2 =	vld [tilespmem:s24+$0x1C20];
	[tilespmem:v51+s16+$0x0] =	vst.idx.msk $0xffff, v4  }
0x287: {  	v4 =	vld [tilespmem:s25+$0xFFFFF030];
	[tilespmem:v14+s16+$0x0] =	vst.idx.msk $0xffff, v57  }
0x288: {  	v1 =	vmov v38;
	[tilespmem:v58+s16+$0x0] =	vst.idx.msk $0xffff, v0;
	v0 =	vld [tilespmem:s24+$0x1000]  }
0x289: {  	v54 =	vor.u32 $0x5, v1;
	[tilespmem:v52+s16+$0x0] =	vst.idx.msk $0xffff, v59;
	v53 =	vld [tilespmem:s25+$0xFFFFF420]  }
0x28a: {  	[tilespmem:v43+s16+$0x0] =	vst.idx.msk $0xffff, v62;
	v48 =	vld [tilespmem:s25+$0xFFFFF400]  }
0x28b: {  	[tilespmem:v61+s16+$0x0] =	vst.idx.msk $0xffff, v2;
	v2 =	vld [tilespmem:s24+$0x1010]  }
0x28c: {  	v38 =	vld [tilespmem:s25+$0xFFFFF410];
	[tilespmem:v42+s16+$0x0] =	vst.idx.msk $0xffff, v4  }
0x28d: {  	v4 =	vld [tilespmem:s25+$0xFFFFF430];
	[tilespmem:v10+s16+$0x0] =	vst.idx.msk $0xffff, v0  }
0x28e: {  	v0 =	vld [tilespmem:s24+$0x1030];
	[tilespmem:v54+s16+$0x0] =	vst.idx.msk $0xffff, v53  }
0x28f: {  	v58 =	vor.u32 $0x6, v1;
	[tilespmem:v40+s16+$0x0] =	vst.idx.msk $0xffff, v48;
	v57 =	vld [tilespmem:s25+$0xFFFFF820]  }
0x290: {  	[tilespmem:v12+s16+$0x0] =	vst.idx.msk $0xffff, v2;
	v59 =	vld [tilespmem:s25+$0xFFFFF800]  }
0x291: {  	[tilespmem:v37+s16+$0x0] =	vst.idx.msk $0xffff, v38;
	v2 =	vld [tilespmem:s24+$0x1400]  }
0x292: {  	v37 =	vld [tilespmem:s25+$0xFFFFF810];
	[tilespmem:v39+s16+$0x0] =	vst.idx.msk $0xffff, v4  }
0x293: {  	v4 =	vld [tilespmem:s25+$0xFFFFF830];
	[tilespmem:v15+s16+$0x0] =	vst.idx.msk $0xffff, v0  }
0x294: {  	v0 =	vld [tilespmem:s24+$0x1410];
	[tilespmem:v58+s16+$0x0] =	vst.idx.msk $0xffff, v57  }
0x295: {  	[tilespmem:v34+s16+$0x0] =	vst.idx.msk $0xffff, v59;
	v34 =	vmov v25;
	v25 =	vld [tilespmem:$0x1FF30]  }
0x296: {  	v14 =	vmov v60;
	v61 =	vor.u32 $0x7, v1;
	v60 =	vld [tilespmem:s25+$0xFFFFFC20]  }
0x297: {  	v62 =	vld [tilespmem:s25+$0xFFFFFC00];
	[tilespmem:v7+s16+$0x0] =	vst.idx.msk $0xffff, v2  }
0x298: {  	v2 =	vld [tilespmem:s24+$0x1430];
	[tilespmem:v33+s16+$0x0] =	vst.idx.msk $0xffff, v4  }
0x299: {  	[tilespmem:v32+s16+$0x0] =	vst.idx.msk $0xffff, v37;
	v4 =	vld [tilespmem:s25+$0xFFFFFC30]  }
0x29a: {  	v32 =	vld [tilespmem:s25+$0xFFFFFC10];
	[tilespmem:v8+s16+$0x0] =	vst.idx.msk $0xffff, v0  }
0x29b: {  	[tilespmem:v61+s16+$0x0] =	vst.idx.msk $0xffff, v60  }
0x29c: {  	v0 =	vld [tilespmem:s24+$0x1800];
	[tilespmem:v30+s16+$0x0] =	vst.idx.msk $0xffff, v62  }
0x29d: {  	[tilespmem:v11+s16+$0x0] =	vst.idx.msk $0xffff, v2  }
0x29e: {  	v8 =	vmov v3;
	v30 =	vor.u32 $0x8, v1;
	v3 =	vld [tilespmem:s25+$0x20];
	[tilespmem:v29+s16+$0x0] =	vst.idx.msk $0xffff, v4  }
0x29f: {  	v4 =	vld [tilespmem:s25+$0x30]  }
0x2a0: {  	v7 =	vmov v63;
	v63 =	vld [tilespmem:s25+$0x0]  }
0x2a1: {  	[tilespmem:v25+s16+$0x0] =	vst.idx.msk $0xffff, v0;
	v0 =	vld [tilespmem:s24+$0x1830]  }
0x2a2: {  	v37 =	vld [tilespmem:$0x1FFF0];
	[tilespmem:v31+s16+$0x0] =	vst.idx.msk $0xffff, v32  }
0x2a3: {  	v2 =	vld [tilespmem:s24+$0x1810];
	[tilespmem:v30+s16+$0x0] =	vst.idx.msk $0xffff, v3  }
0x2a4: {  	v11 =	vmov v5;
	v5 =	vld [tilespmem:s25+$0x10];
	[tilespmem:v26+s16+$0x0] =	vst.idx.msk $0xffff, v4  }
0x2a5: {  	[tilespmem:v28+s16+$0x0] =	vst.idx.msk $0xffff, v63;
	v28 =	vld [tilespmem:s25+$0x430]  }
0x2a6: {  	[tilespmem:v9+s16+$0x0] =	vst.idx.msk $0xffff, v0;
	v0 =	vld [tilespmem:$0x1FF60]  }
0x2a7: {  	v3 =	vld [tilespmem:s25+$0x420]  }
0x2a8: {  	s26 =	sadd.s32 $0x4, s26;
	v30 =	vor.u32 $0x9, v1;
	v31 =	vld [tilespmem:s25+$0x400]  }
0x2a9: {  	p0 =	slt.u32 s26, $0x3C;
	[tilespmem:v6+s16+$0x0] =	vst.idx.msk $0xffff, v2;
	v6 =	vmov v36;
	v36 =	vld [tilespmem:$0x1FF40]  }
.Ltmp2:
0x2aa: {  	[tilespmem:v27+s16+$0x0] =	vst.idx.msk $0xffff, v5;
	v27 =	vld [tilespmem:s24+$0x1C00];
	(pc) =	sbr.rel @p0 .LBB2_6-.Ltmp2, $4  }
0x2ab: {  	v29 =	vld [tilespmem:s25+$0x410]  }
0x2ac: {  	v26 =	vld [tilespmem:s24+$0x1C10]  }
0x2ad: {  	v9 =	vmov v35;
	v35 =	vld [tilespmem:$0x1FF50];
	[tilespmem:v30+s16+$0x0] =	vst.idx.msk $0xffff, v3  }
0x2ae: {  	s28 =	sadd.s32 $0x40, s28;
	v10 =	vmovc v55;
	v12 =	vmovc v56;
	v38 =	vmov v41;
	v15 =	vmov v45;
	v30 =	vor.u32 $0xA, v1;
	v25 =	vld [tilespmem:s25+$0x820];
	[tilespmem:v0+s16+$0x0] =	vst.idx.msk $0xffff, v31  }
0x2af: {  	_ =	sdelay $0x3  }
0x2b0: {  	v0 =	vld [tilespmem:s25+$0x800];
	[tilespmem:v22+s16+$0x0] =	vst.idx.msk $0xffff, v28  }
0x2b1: {  	[tilespmem:v23+s16+$0x0] =	vst.idx.msk $0xffff, v29;
	v3 =	vld [tilespmem:s25+$0x830]  }
0x2b2: {  	v2 =	vld [tilespmem:s25+$0x810];
	_ =	sdelay $0x1  }
0x2b3: {  	[tilespmem:v30+s16+$0x0] =	vst.idx.msk $0xffff, v25  }
0x2b4: {  	[tilespmem:v19+s16+$0x0] =	vst.idx.msk $0xffff, v0  }
0x2b5: {  	v4 =	vor.u32 $0xB, v1;
	v0 =	vld [tilespmem:s25+$0xC20];
	[tilespmem:v17+s16+$0x0] =	vst.idx.msk $0xffff, v3  }
0x2b6: {  	[tilespmem:v18+s16+$0x0] =	vst.idx.msk $0xffff, v2;
	v2 =	vld [tilespmem:s25+$0xC00]  }
0x2b7: {  	v5 =	vld [tilespmem:s25+$0xC30]  }
0x2b8: {  	v3 =	vld [tilespmem:s25+$0xC10];
	_ =	sdelay $0x1  }
0x2b9: {  	[tilespmem:v4+s16+$0x0] =	vst.idx.msk $0xffff, v0  }
0x2ba: {  	v4 =	vor.u32 $0xC, v1;
	v0 =	vld [tilespmem:s25+$0x1020];
	[tilespmem:v13+s16+$0x0] =	vst.idx.msk $0xffff, v2  }
0x2bb: {  	[tilespmem:v14+s16+$0x0] =	vst.idx.msk $0xffff, v5;
	v2 =	vld [tilespmem:s25+$0x1000]  }
0x2bc: {  	[tilespmem:v16+s16+$0x0] =	vst.idx.msk $0xffff, v3;
	v5 =	vld [tilespmem:s25+$0x1030]  }
0x2bd: {  	v3 =	vld [tilespmem:s25+$0x1010];
	_ =	sdelay $0x1  }
0x2be: {  	[tilespmem:v4+s16+$0x0] =	vst.idx.msk $0xffff, v0  }
0x2bf: {  	v4 =	vor.u32 $0xD, v1;
	v0 =	vld [tilespmem:s25+$0x1420];
	[tilespmem:v10+s16+$0x0] =	vst.idx.msk $0xffff, v2  }
0x2c0: {  	[tilespmem:v15+s16+$0x0] =	vst.idx.msk $0xffff, v5;
	v2 =	vld [tilespmem:s25+$0x1400]  }
0x2c1: {  	[tilespmem:v12+s16+$0x0] =	vst.idx.msk $0xffff, v3;
	v5 =	vld [tilespmem:s25+$0x1430]  }
0x2c2: {  	v3 =	vld [tilespmem:s25+$0x1410];
	_ =	sdelay $0x1  }
0x2c3: {  	[tilespmem:v4+s16+$0x0] =	vst.idx.msk $0xffff, v0  }
0x2c4: {  	v4 =	vor.u32 $0xE, v1;
	v0 =	vld [tilespmem:s25+$0x1820];
	[tilespmem:v7+s16+$0x0] =	vst.idx.msk $0xffff, v2  }
0x2c5: {  	[tilespmem:v11+s16+$0x0] =	vst.idx.msk $0xffff, v5;
	v2 =	vld [tilespmem:s25+$0x1800]  }
0x2c6: {  	[tilespmem:v8+s16+$0x0] =	vst.idx.msk $0xffff, v3;
	v5 =	vld [tilespmem:s25+$0x1830]  }
0x2c7: {  	v3 =	vld [tilespmem:s25+$0x1810]  }
0x2c8: {  	[tilespmem:v36+s16+$0x0] =	vst.idx.msk $0xffff, v26  }
0x2c9: {  	v7 =	vld [tilespmem:s24+$0x1C30];
	[tilespmem:v4+s16+$0x0] =	vst.idx.msk $0xffff, v0  }
0x2ca: {  	v1 =	vor.u32 $0xF, v1;
	v0 =	vld [tilespmem:s25+$0x1C20];
	[tilespmem:v38+s16+$0x0] =	vst.idx.msk $0xffff, v2  }
0x2cb: {  	[tilespmem:v9+s16+$0x0] =	vst.idx.msk $0xffff, v5;
	v2 =	vld [tilespmem:s25+$0x1C00]  }
0x2cc: {  	[tilespmem:v6+s16+$0x0] =	vst.idx.msk $0xffff, v3;
	v4 =	vld [tilespmem:s25+$0x1C30]  }
0x2cd: {  	[tilespmem:v35+s16+$0x0] =	vst.idx.msk $0xffff, v27;
	v3 =	vld [tilespmem:s25+$0x1C10]  }
0x2ce: {  	[tilespmem:v34+s16+$0x0] =	vst.idx.msk $0xffff, v7  }
0x2cf: {  	[tilespmem:v1+s16+$0x0] =	vst.idx.msk $0xffff, v0  }
0x2d0: {  	[tilespmem:v24+s16+$0x0] =	vst.idx.msk $0xffff, v2  }
0x2d1: {  	[tilespmem:v21+s16+$0x0] =	vst.idx.msk $0xffff, v4  }
0x2d2: {  	[tilespmem:v20+s16+$0x0] =	vst.idx.msk $0xffff, v3  }
0x2d3: {  	[hbm4b:s10+s17] =	stream.strided.scatter [tilespmem:s16], [sflag:$0x3], $0x4000, s18, s17, $0x38;
	[tilespmem:$0x10000] =	vst v63  }
0x2d4: {  	s30 =	simm.s32 $0x20;
	_ =	swait.ge [sflag:s20], $0x4000  }
0x2d5: {  	v0 =	vmov s30;
	[sflag:s20] =	ssyncset.done $0x0  }
0x2d6: {  	s31 =	simm.s32 $0x0;
	s24 =	simm.s32 $0x6000;
	v0 =	vshll.u32 v0, $0x4;
	[sflag:s20] =	ssyncadd.s32 $0xFFFFC000  }
0x2d7: {  	s26 =	simm.s32 $0x10;
	v1 =	vmov s31;
	v4 =	vor.u32 v37, v0;
	v5 =	vld [tilespmem:s24+$0xFFFFE020]  }
0x2d8: {  	v1 =	vshll.u32 v1, $0x4;
	v0 =	vmov s26  }
0x2d9: {  	v0 =	vshll.u32 v0, $0x4;
	v3 =	vor.u32 v37, v1;
	v6 =	vld [tilespmem:s24+$0xFFFFE000]  }
0x2da: {  	v2 =	vor.u32 v37, v0;
	v0 =	vld [tilespmem:s24+$0xFFFFE010]  }
0x2db: {  	s26 =	simm.s32 $0x30  }
0x2dc: {  	v1 =	vmov s26;
	[tilespmem:v4+s21+$0x0] =	vst.idx.msk $0xffff, v5  }
0x2dd: {  	v8 =	vor.u32 $0x1, v4;
	v1 =	vshll.u32 v1, $0x4;
	v7 =	vld [tilespmem:s24+$0xFFFFE420]  }
0x2de: {  	v5 =	vor.u32 v37, v1;
	v1 =	vld [tilespmem:s24+$0xFFFFE030];
	[tilespmem:v3+s21+$0x0] =	vst.idx.msk $0xffff, v6  }
0x2df: {  	v6 =	vor.u32 $0x1, v3;
	[tilespmem:v2+s21+$0x0] =	vst.idx.msk $0xffff, v0;
	v9 =	vld [tilespmem:s24+$0xFFFFE400]  }
0x2e0: {  	v0 =	vor.u32 $0x1, v2;
	v10 =	vld [tilespmem:s24+$0xFFFFE410];
	_ =	sdelay $0x1  }
0x2e1: {  	[tilespmem:v8+s21+$0x0] =	vst.idx.msk $0xffff, v7  }
0x2e2: {  	[tilespmem:v5+s21+$0x0] =	vst.idx.msk $0xffff, v1;
	v7 =	vor.u32 $0x2, v4;
	v1 =	vld [tilespmem:s24+$0xFFFFE820]  }
0x2e3: {  	v8 =	vor.u32 $0x1, v5;
	v11 =	vld [tilespmem:s24+$0xFFFFE430];
	[tilespmem:v6+s21+$0x0] =	vst.idx.msk $0xffff, v9  }
0x2e4: {  	v6 =	vor.u32 $0x2, v3;
	[tilespmem:v0+s21+$0x0] =	vst.idx.msk $0xffff, v10;
	v9 =	vld [tilespmem:s24+$0xFFFFE800]  }
0x2e5: {  	v0 =	vor.u32 $0x2, v2;
	v10 =	vld [tilespmem:s24+$0xFFFFE810];
	_ =	sdelay $0x1  }
0x2e6: {  	[tilespmem:v7+s21+$0x0] =	vst.idx.msk $0xffff, v1  }
0x2e7: {  	[tilespmem:v8+s21+$0x0] =	vst.idx.msk $0xffff, v11;
	v7 =	vor.u32 $0x3, v4;
	v1 =	vld [tilespmem:s24+$0xFFFFEC20]  }
0x2e8: {  	v8 =	vor.u32 $0x2, v5;
	v11 =	vld [tilespmem:s24+$0xFFFFE830];
	[tilespmem:v6+s21+$0x0] =	vst.idx.msk $0xffff, v9  }
0x2e9: {  	v6 =	vor.u32 $0x3, v3;
	[tilespmem:v0+s21+$0x0] =	vst.idx.msk $0xffff, v10;
	v9 =	vld [tilespmem:s24+$0xFFFFEC00]  }
0x2ea: {  	v0 =	vor.u32 $0x3, v2;
	v10 =	vld [tilespmem:s24+$0xFFFFEC10];
	_ =	sdelay $0x1  }
0x2eb: {  	[tilespmem:v7+s21+$0x0] =	vst.idx.msk $0xffff, v1  }
0x2ec: {  	[tilespmem:v8+s21+$0x0] =	vst.idx.msk $0xffff, v11;
	v7 =	vor.u32 $0x4, v4;
	v1 =	vld [tilespmem:s24+$0xFFFFF020]  }
0x2ed: {  	v8 =	vor.u32 $0x3, v5;
	v11 =	vld [tilespmem:s24+$0xFFFFEC30];
	[tilespmem:v6+s21+$0x0] =	vst.idx.msk $0xffff, v9  }
0x2ee: {  	v6 =	vor.u32 $0x4, v3;
	[tilespmem:v0+s21+$0x0] =	vst.idx.msk $0xffff, v10;
	v9 =	vld [tilespmem:s24+$0xFFFFF000]  }
0x2ef: {  	v0 =	vor.u32 $0x4, v2;
	v10 =	vld [tilespmem:s24+$0xFFFFF010];
	_ =	sdelay $0x1  }
0x2f0: {  	[tilespmem:v7+s21+$0x0] =	vst.idx.msk $0xffff, v1  }
0x2f1: {  	[tilespmem:v8+s21+$0x0] =	vst.idx.msk $0xffff, v11;
	v7 =	vor.u32 $0x5, v4;
	v1 =	vld [tilespmem:s24+$0xFFFFF420]  }
0x2f2: {  	v8 =	vor.u32 $0x4, v5;
	v11 =	vld [tilespmem:s24+$0xFFFFF030];
	[tilespmem:v6+s21+$0x0] =	vst.idx.msk $0xffff, v9  }
0x2f3: {  	v6 =	vor.u32 $0x5, v3;
	[tilespmem:v0+s21+$0x0] =	vst.idx.msk $0xffff, v10;
	v9 =	vld [tilespmem:s24+$0xFFFFF400]  }
0x2f4: {  	v0 =	vor.u32 $0x5, v2;
	v10 =	vld [tilespmem:s24+$0xFFFFF410];
	_ =	sdelay $0x1  }
0x2f5: {  	[tilespmem:v7+s21+$0x0] =	vst.idx.msk $0xffff, v1  }
0x2f6: {  	[tilespmem:v8+s21+$0x0] =	vst.idx.msk $0xffff, v11;
	v7 =	vor.u32 $0x6, v4;
	v1 =	vld [tilespmem:s24+$0xFFFFF820]  }
0x2f7: {  	v8 =	vor.u32 $0x5, v5;
	v11 =	vld [tilespmem:s24+$0xFFFFF430];
	[tilespmem:v6+s21+$0x0] =	vst.idx.msk $0xffff, v9  }
0x2f8: {  	v6 =	vor.u32 $0x6, v3;
	[tilespmem:v0+s21+$0x0] =	vst.idx.msk $0xffff, v10;
	v9 =	vld [tilespmem:s24+$0xFFFFF800]  }
0x2f9: {  	v0 =	vor.u32 $0x6, v2;
	v10 =	vld [tilespmem:s24+$0xFFFFF810];
	_ =	sdelay $0x1  }
0x2fa: {  	[tilespmem:v7+s21+$0x0] =	vst.idx.msk $0xffff, v1  }
0x2fb: {  	[tilespmem:v8+s21+$0x0] =	vst.idx.msk $0xffff, v11;
	v7 =	vor.u32 $0x7, v4;
	v1 =	vld [tilespmem:s24+$0xFFFFFC20]  }
0x2fc: {  	v8 =	vor.u32 $0x6, v5;
	v11 =	vld [tilespmem:s24+$0xFFFFF830];
	[tilespmem:v6+s21+$0x0] =	vst.idx.msk $0xffff, v9  }
0x2fd: {  	v6 =	vor.u32 $0x7, v3;
	[tilespmem:v0+s21+$0x0] =	vst.idx.msk $0xffff, v10;
	v9 =	vld [tilespmem:s24+$0xFFFFFC00]  }
0x2fe: {  	v0 =	vor.u32 $0x7, v2;
	v10 =	vld [tilespmem:s24+$0xFFFFFC10];
	_ =	sdelay $0x1  }
0x2ff: {  	[tilespmem:v7+s21+$0x0] =	vst.idx.msk $0xffff, v1  }
0x300: {  	[tilespmem:v8+s21+$0x0] =	vst.idx.msk $0xffff, v11;
	v7 =	vor.u32 $0x8, v4;
	v1 =	vld [tilespmem:s24+$0x20]  }
0x301: {  	v8 =	vor.u32 $0x7, v5;
	v11 =	vld [tilespmem:s24+$0xFFFFFC30];
	[tilespmem:v6+s21+$0x0] =	vst.idx.msk $0xffff, v9  }
0x302: {  	v6 =	vor.u32 $0x8, v3;
	[tilespmem:v0+s21+$0x0] =	vst.idx.msk $0xffff, v10;
	v9 =	vld [tilespmem:s24+$0x0]  }
0x303: {  	v0 =	vor.u32 $0x8, v2;
	v10 =	vld [tilespmem:s24+$0x10];
	_ =	sdelay $0x1  }
0x304: {  	[tilespmem:v7+s21+$0x0] =	vst.idx.msk $0xffff, v1  }
0x305: {  	[tilespmem:v8+s21+$0x0] =	vst.idx.msk $0xffff, v11;
	v7 =	vor.u32 $0x9, v4;
	v1 =	vld [tilespmem:s24+$0x420]  }
0x306: {  	v8 =	vor.u32 $0x8, v5;
	v11 =	vld [tilespmem:s24+$0x30];
	[tilespmem:v6+s21+$0x0] =	vst.idx.msk $0xffff, v9  }
0x307: {  	v6 =	vor.u32 $0x9, v3;
	[tilespmem:v0+s21+$0x0] =	vst.idx.msk $0xffff, v10;
	v9 =	vld [tilespmem:s24+$0x400]  }
0x308: {  	v0 =	vor.u32 $0x9, v2;
	v10 =	vld [tilespmem:s24+$0x410];
	_ =	sdelay $0x1  }
0x309: {  	[tilespmem:v7+s21+$0x0] =	vst.idx.msk $0xffff, v1  }
0x30a: {  	[tilespmem:v8+s21+$0x0] =	vst.idx.msk $0xffff, v11;
	v8 =	vor.u32 $0xA, v4;
	v7 =	vld [tilespmem:s24+$0x820]  }
0x30b: {  	s29 =	simm.s32 $0x60;
	v11 =	vor.u32 $0x9, v5;
	v12 =	vld [tilespmem:s24+$0x430];
	[tilespmem:v6+s21+$0x0] =	vst.idx.msk $0xffff, v9  }
0x30c: {  	s30 =	simm.s32 $0x40;
	v6 =	vor.u32 $0xA, v3;
	v1 =	vmov s29;
	[tilespmem:v0+s21+$0x0] =	vst.idx.msk $0xffff, v10;
	v13 =	vld [tilespmem:s24+$0x800]  }
0x30d: {  	s25 =	simm.s32 $0x6040;
	v0 =	vor.u32 $0xA, v2;
	v9 =	vmov s30;
	v1 =	vshll.u32 v1, $0x4;
	v10 =	vld [tilespmem:s24+$0x810]  }
0x30e: {  	s31 =	simm.s32 $0x50;
	v14 =	vld [tilespmem:s25+$0xFFFFE020];
	v9 =	vshll.u32 v9, $0x4;
	v1 =	vor.u32 v37, v1  }
0x30f: {  	v15 =	vmov s31;
	v16 =	vld [tilespmem:s25+$0xFFFFE000];
	v9 =	vor.u32 v37, v9;
	[tilespmem:v8+s21+$0x0] =	vst.idx.msk $0xffff, v7  }
0x310: {  	s28 =	simm.s32 $0x70;
	[tilespmem:v11+s21+$0x0] =	vst.idx.msk $0xffff, v12;
	v12 =	vor.u32 $0xB, v4;
	v8 =	vshll.u32 v15, $0x4;
	v11 =	vld [tilespmem:s24+$0xC20]  }
0x311: {  	v7 =	vmov s28;
	[tilespmem:v6+s21+$0x0] =	vst.idx.msk $0xffff, v13;
	v6 =	vld [tilespmem:s25+$0xFFFFE010];
	v20 =	vor.u32 v37, v8  }
0x312: {  	[tilespmem:v0+s21+$0x0] =	vst.idx.msk $0xffff, v10;
	v0 =	vor.u32 $0xA, v5;
	v7 =	vshll.u32 v7, $0x4;
	v8 =	vld [tilespmem:s24+$0x830]  }
0x313: {  	[tilespmem:v1+s21+$0x0] =	vst.idx.msk $0xffff, v14;
	v21 =	vor.u32 v37, v7;
	v7 =	vld [tilespmem:s25+$0xFFFFE030]  }
0x314: {  	v13 =	vor.u32 $0x1, v1;
	[tilespmem:v9+s21+$0x0] =	vst.idx.msk $0xffff, v16;
	v10 =	vld [tilespmem:s25+$0xFFFFE420]  }
0x315: {  	v14 =	vor.u32 $0x1, v9;
	v15 =	vld [tilespmem:s25+$0xFFFFE400];
	[tilespmem:v12+s21+$0x0] =	vst.idx.msk $0xffff, v11  }
0x316: {  	[tilespmem:v20+s21+$0x0] =	vst.idx.msk $0xffff, v6;
	v11 =	vor.u32 $0xC, v4;
	v6 =	vld [tilespmem:s24+$0x1020]  }
0x317: {  	v12 =	vor.u32 $0x1, v20;
	[tilespmem:v0+s21+$0x0] =	vst.idx.msk $0xffff, v8;
	v16 =	vld [tilespmem:s25+$0xFFFFE410]  }
0x318: {  	v0 =	vor.u32 $0xB, v3;
	v8 =	vld [tilespmem:s24+$0xC00];
	[tilespmem:v21+s21+$0x0] =	vst.idx.msk $0xffff, v7  }
0x319: {  	v7 =	vor.u32 $0x1, v21;
	[tilespmem:v13+s21+$0x0] =	vst.idx.msk $0xffff, v10;
	v17 =	vld [tilespmem:s25+$0xFFFFE430]  }
0x31a: {  	[tilespmem:v14+s21+$0x0] =	vst.idx.msk $0xffff, v15;
	v13 =	vor.u32 $0x2, v1;
	v10 =	vld [tilespmem:s25+$0xFFFFE820]  }
0x31b: {  	v14 =	vor.u32 $0x2, v9;
	v15 =	vld [tilespmem:s25+$0xFFFFE800];
	[tilespmem:v11+s21+$0x0] =	vst.idx.msk $0xffff, v6  }
0x31c: {  	[tilespmem:v12+s21+$0x0] =	vst.idx.msk $0xffff, v16;
	v11 =	vor.u32 $0xD, v4;
	v6 =	vld [tilespmem:s24+$0x1420]  }
0x31d: {  	[tilespmem:v0+s21+$0x0] =	vst.idx.msk $0xffff, v8;
	v12 =	vor.u32 $0x2, v20;
	v16 =	vld [tilespmem:s25+$0xFFFFE810]  }
0x31e: {  	v0 =	vor.u32 $0xB, v2;
	v8 =	vld [tilespmem:s24+$0xC10];
	[tilespmem:v7+s21+$0x0] =	vst.idx.msk $0xffff, v17  }
0x31f: {  	v7 =	vor.u32 $0x2, v21;
	[tilespmem:v13+s21+$0x0] =	vst.idx.msk $0xffff, v10;
	v17 =	vld [tilespmem:s25+$0xFFFFE830]  }
0x320: {  	[tilespmem:v14+s21+$0x0] =	vst.idx.msk $0xffff, v15;
	v13 =	vor.u32 $0x3, v1;
	v10 =	vld [tilespmem:s25+$0xFFFFEC20]  }
0x321: {  	v14 =	vor.u32 $0x3, v9;
	v15 =	vld [tilespmem:s25+$0xFFFFEC00];
	[tilespmem:v11+s21+$0x0] =	vst.idx.msk $0xffff, v6  }
0x322: {  	[tilespmem:v12+s21+$0x0] =	vst.idx.msk $0xffff, v16;
	v11 =	vor.u32 $0xE, v4;
	v6 =	vld [tilespmem:s24+$0x1820]  }
0x323: {  	[tilespmem:v0+s21+$0x0] =	vst.idx.msk $0xffff, v8;
	v12 =	vor.u32 $0x3, v20;
	v16 =	vld [tilespmem:s25+$0xFFFFEC10]  }
0x324: {  	v0 =	vor.u32 $0xB, v5;
	v8 =	vld [tilespmem:s24+$0xC30];
	[tilespmem:v7+s21+$0x0] =	vst.idx.msk $0xffff, v17  }
0x325: {  	v7 =	vor.u32 $0x3, v21;
	[tilespmem:v13+s21+$0x0] =	vst.idx.msk $0xffff, v10;
	v17 =	vld [tilespmem:s25+$0xFFFFEC30]  }
0x326: {  	[tilespmem:v14+s21+$0x0] =	vst.idx.msk $0xffff, v15;
	v13 =	vor.u32 $0x4, v1;
	v10 =	vld [tilespmem:s25+$0xFFFFF020]  }
0x327: {  	v14 =	vor.u32 $0x4, v9;
	v15 =	vld [tilespmem:s25+$0xFFFFF000];
	[tilespmem:v11+s21+$0x0] =	vst.idx.msk $0xffff, v6  }
0x328: {  	v4 =	vor.u32 $0xF, v4;
	[tilespmem:v12+s21+$0x0] =	vst.idx.msk $0xffff, v16;
	v6 =	vld [tilespmem:s24+$0x1C20]  }
0x329: {  	[tilespmem:v0+s21+$0x0] =	vst.idx.msk $0xffff, v8;
	v11 =	vor.u32 $0x4, v20;
	v12 =	vld [tilespmem:s25+$0xFFFFF010]  }
0x32a: {  	v0 =	vor.u32 $0xC, v3;
	v8 =	vld [tilespmem:s24+$0x1000];
	[tilespmem:v7+s21+$0x0] =	vst.idx.msk $0xffff, v17  }
0x32b: {  	v7 =	vor.u32 $0x4, v21;
	[tilespmem:v13+s21+$0x0] =	vst.idx.msk $0xffff, v10;
	v16 =	vld [tilespmem:s25+$0xFFFFF030]  }
0x32c: {  	[tilespmem:v14+s21+$0x0] =	vst.idx.msk $0xffff, v15;
	v13 =	vor.u32 $0x5, v1;
	v10 =	vld [tilespmem:s25+$0xFFFFF420]  }
0x32d: {  	v14 =	vor.u32 $0x5, v9;
	v15 =	vld [tilespmem:s25+$0xFFFFF400];
	[tilespmem:v4+s21+$0x0] =	vst.idx.msk $0xffff, v6  }
0x32e: {  	v4 =	vor.u32 $0xC, v2;
	[tilespmem:v11+s21+$0x0] =	vst.idx.msk $0xffff, v12;
	v6 =	vld [tilespmem:s24+$0x1010]  }
0x32f: {  	[tilespmem:v0+s21+$0x0] =	vst.idx.msk $0xffff, v8;
	v11 =	vor.u32 $0x5, v20;
	v12 =	vld [tilespmem:s25+$0xFFFFF410]  }
0x330: {  	v0 =	vor.u32 $0xC, v5;
	v8 =	vld [tilespmem:s24+$0x1030];
	[tilespmem:v7+s21+$0x0] =	vst.idx.msk $0xffff, v16  }
0x331: {  	v7 =	vor.u32 $0x5, v21;
	[tilespmem:v13+s21+$0x0] =	vst.idx.msk $0xffff, v10;
	v16 =	vld [tilespmem:s25+$0xFFFFF430]  }
0x332: {  	[tilespmem:v14+s21+$0x0] =	vst.idx.msk $0xffff, v15;
	v13 =	vor.u32 $0x6, v1;
	v10 =	vld [tilespmem:s25+$0xFFFFF820]  }
0x333: {  	v14 =	vor.u32 $0x6, v9;
	v15 =	vld [tilespmem:s25+$0xFFFFF800];
	[tilespmem:v4+s21+$0x0] =	vst.idx.msk $0xffff, v6  }
0x334: {  	v4 =	vor.u32 $0xD, v3;
	v6 =	vld [tilespmem:s24+$0x1400];
	[tilespmem:v11+s21+$0x0] =	vst.idx.msk $0xffff, v12  }
0x335: {  	[tilespmem:v0+s21+$0x0] =	vst.idx.msk $0xffff, v8;
	v11 =	vor.u32 $0x6, v20;
	v12 =	vld [tilespmem:s25+$0xFFFFF810]  }
0x336: {  	v0 =	vor.u32 $0xD, v2;
	v8 =	vld [tilespmem:s24+$0x1410];
	[tilespmem:v7+s21+$0x0] =	vst.idx.msk $0xffff, v16  }
0x337: {  	v7 =	vor.u32 $0x6, v21;
	[tilespmem:v13+s21+$0x0] =	vst.idx.msk $0xffff, v10;
	v16 =	vld [tilespmem:s25+$0xFFFFF830]  }
0x338: {  	[tilespmem:v14+s21+$0x0] =	vst.idx.msk $0xffff, v15;
	v13 =	vor.u32 $0x7, v1;
	v10 =	vld [tilespmem:s25+$0xFFFFFC20]  }
0x339: {  	v14 =	vor.u32 $0x7, v9;
	v15 =	vld [tilespmem:s25+$0xFFFFFC00];
	[tilespmem:v4+s21+$0x0] =	vst.idx.msk $0xffff, v6  }
0x33a: {  	v4 =	vor.u32 $0xD, v5;
	v6 =	vld [tilespmem:s24+$0x1430];
	[tilespmem:v11+s21+$0x0] =	vst.idx.msk $0xffff, v12  }
0x33b: {  	[tilespmem:v0+s21+$0x0] =	vst.idx.msk $0xffff, v8;
	v11 =	vor.u32 $0x7, v20;
	v12 =	vld [tilespmem:s25+$0xFFFFFC10]  }
0x33c: {  	v0 =	vor.u32 $0xE, v3;
	v8 =	vld [tilespmem:s24+$0x1800];
	[tilespmem:v7+s21+$0x0] =	vst.idx.msk $0xffff, v16  }
0x33d: {  	v7 =	vor.u32 $0x7, v21;
	[tilespmem:v13+s21+$0x0] =	vst.idx.msk $0xffff, v10;
	v16 =	vld [tilespmem:s25+$0xFFFFFC30]  }
0x33e: {  	[tilespmem:v14+s21+$0x0] =	vst.idx.msk $0xffff, v15;
	v13 =	vor.u32 $0x8, v1;
	v10 =	vld [tilespmem:s25+$0x20]  }
0x33f: {  	v14 =	vor.u32 $0x8, v9;
	v15 =	vld [tilespmem:s25+$0x0];
	[tilespmem:v4+s21+$0x0] =	vst.idx.msk $0xffff, v6  }
0x340: {  	v25 =	vor.u32 $0xE, v5;
	v30 =	vld [tilespmem:s24+$0x1830];
	[tilespmem:v11+s21+$0x0] =	vst.idx.msk $0xffff, v12  }
0x341: {  	v35 =	vor.u32 $0xF, v3;
	[tilespmem:v0+s21+$0x0] =	vst.idx.msk $0xffff, v8;
	v12 =	vor.u32 $0x8, v20;
	v24 =	vld [tilespmem:s25+$0x10]  }
0x342: {  	v36 =	vor.u32 $0xF, v2;
	v34 =	vor.u32 $0xF, v5;
	v6 =	vor.u32 $0xE, v2;
	v11 =	vld [tilespmem:s24+$0x1810];
	[tilespmem:v7+s21+$0x0] =	vst.idx.msk $0xffff, v16  }
0x343: {  	v19 =	vor.u32 $0xA, v9;
	v32 =	vor.u32 $0x9, v1;
	v26 =	vor.u32 $0x8, v21;
	[tilespmem:v13+s21+$0x0] =	vst.idx.msk $0xffff, v10;
	v28 =	vld [tilespmem:s25+$0x30]  }
0x344: {  	v38 =	vor.u32 $0xE, v9;
	v23 =	vor.u32 $0x9, v20;
	v18 =	vor.u32 $0xA, v20;
	[tilespmem:v14+s21+$0x0] =	vst.idx.msk $0xffff, v15;
	v31 =	vld [tilespmem:s25+$0x420]  }
0x345: {  	v22 =	vor.u32 $0x9, v21;
	v17 =	vor.u32 $0xA, v21;
	v0 =	vor.u32 $0x9, v9;
	v33 =	vld [tilespmem:s25+$0x400];
	[tilespmem:v25+s21+$0x0] =	vst.idx.msk $0xffff, v30  }
0x346: {  	v8 =	vor.u32 $0xD, v20;
	v27 =	vld [tilespmem:s24+$0x1C00];
	v13 =	vor.u32 $0xB, v9;
	v16 =	vor.u32 $0xB, v20;
	[tilespmem:v12+s21+$0x0] =	vst.idx.msk $0xffff, v24  }
0x347: {  	v14 =	vor.u32 $0xB, v21;
	v10 =	vor.u32 $0xC, v9;
	v7 =	vor.u32 $0xD, v9;
	[tilespmem:v6+s21+$0x0] =	vst.idx.msk $0xffff, v11;
	v29 =	vld [tilespmem:s25+$0x410]  }
0x348: {  	v15 =	vor.u32 $0xC, v21;
	v30 =	vor.u32 $0xA, v1;
	v6 =	vor.u32 $0xE, v20;
	[tilespmem:v26+s21+$0x0] =	vst.idx.msk $0xffff, v28;
	v26 =	vld [tilespmem:s24+$0x1C10]  }
0x349: {  	v11 =	vor.u32 $0xD, v21;
	v12 =	vor.u32 $0xC, v20;
	v24 =	vor.u32 $0xF, v9;
	[tilespmem:v32+s21+$0x0] =	vst.idx.msk $0xffff, v31;
	v28 =	vld [tilespmem:s25+$0x430]  }
0x34a: {  	s26 =	simm.s32 $0x4;
	s28 =	simm.s32 $0xB0;
	v20 =	vor.u32 $0xF, v20;
	v9 =	vor.u32 $0xE, v21;
	v21 =	vor.u32 $0xF, v21;
	[tilespmem:v0+s21+$0x0] =	vst.idx.msk $0xffff, v33;
	v25 =	vld [tilespmem:s25+$0x820]  }
.LBB2_8:
0x34b: {  	_ =	sdelay $0x3  }
0x34c: {  	[tilespmem:$0x1FEF0] =	vst v38;
	v2 =	vmov v24  }
0x34d: {  	[tilespmem:$0x1FF10] =	vst v2  }
0x34e: {  	v31 =	vld [tilespmem:s25+$0x800];
	[tilespmem:v35+s21+$0x0] =	vst.idx.msk $0xffff, v27  }
0x34f: {  	s29 =	sadd.s32 $0xFFFFFFE0, s28;
	[tilespmem:v23+s21+$0x0] =	vst.idx.msk $0xffff, v29  }
0x350: {  	s30 =	sadd.s32 $0xFFFFFFF0, s28;
	s31 =	sadd.s32 $0xFFFFFFD0, s28;
	v24 =	vmov s29;
	v2 =	vmov v20;
	v23 =	vld [tilespmem:s24+$0x1C30];
	[tilespmem:v22+s21+$0x0] =	vst.idx.msk $0xffff, v28  }
0x351: {  	v24 =	vshll.u32 v24, $0x4;
	v27 =	vmov s30;
	s24 =	smov.u32 s25;
	v29 =	vmov s31;
	[tilespmem:$0x1FF00] =	vst v2  }
0x352: {  	s25 =	sadd.s32 $0x40, s25;
	v35 =	vor.u32 v37, v24;
	v27 =	vshll.u32 v27, $0x4;
	v32 =	vld [tilespmem:s24+$0x810];
	v22 =	vshll.u32 v29, $0x4;
	[tilespmem:v36+s21+$0x0] =	vst.idx.msk $0xffff, v26  }
0x353: {  	v24 =	vld [tilespmem:s25+$0xFFFFE020];
	[tilespmem:v30+s21+$0x0] =	vst.idx.msk $0xffff, v25;
	v38 =	vor.u32 v37, v27;
	v44 =	vor.u32 v37, v22  }
0x354: {  	v0 =	vmov s28;
	v26 =	vld [tilespmem:s25+$0xFFFFE000];
	[tilespmem:v19+s21+$0x0] =	vst.idx.msk $0xffff, v31;
	v2 =	vor.u32 $0x9, v44  }
0x355: {  	v0 =	vshll.u32 v0, $0x4;
	v20 =	vld [tilespmem:s25+$0xFFFFE010];
	[tilespmem:$0x1FF20] =	vst v2  }
0x356: {  	v55 =	vor.u32 $0xC, v1;
	v0 =	vor.u32 v37, v0;
	v19 =	vld [tilespmem:s24+$0xC20];
	v22 =	vor.u32 $0xB, v1;
	[tilespmem:v34+s21+$0x0] =	vst.idx.msk $0xffff, v23  }
0x357: {  	v62 =	vor.u32 $0xD, v1;
	v36 =	vor.u32 $0x1, v35;
	v45 =	vor.u32 $0x1, v0;
	v25 =	vmovc v21;
	v21 =	vld [tilespmem:s25+$0xFFFFE030];
	[tilespmem:v18+s21+$0x0] =	vst.idx.msk $0xffff, v32  }
0x358: {  	v47 =	vor.u32 $0x2, v35;
	v48 =	vor.u32 $0x2, v0;
	v50 =	vor.u32 $0x3, v35;
	v18 =	vld [tilespmem:s24+$0x830];
	[tilespmem:v38+s21+$0x0] =	vst.idx.msk $0xffff, v24  }
0x359: {  	v51 =	vor.u32 $0x3, v0;
	v43 =	vor.u32 $0x4, v35;
	v53 =	vor.u32 $0x1, v38;
	[tilespmem:v44+s21+$0x0] =	vst.idx.msk $0xffff, v26;
	v24 =	vld [tilespmem:s25+$0xFFFFE420]  }
0x35a: {  	v42 =	vor.u32 $0x4, v0;
	v39 =	vor.u32 $0x5, v0;
	v41 =	vor.u32 $0x1, v44;
	[tilespmem:v35+s21+$0x0] =	vst.idx.msk $0xffff, v20;
	v54 =	vld [tilespmem:s25+$0xFFFFE400]  }
0x35b: {  	v33 =	vor.u32 $0x6, v0;
	v31 =	vor.u32 $0x7, v35;
	v29 =	vor.u32 $0x7, v0;
	[tilespmem:v22+s21+$0x0] =	vst.idx.msk $0xffff, v19;
	v56 =	vld [tilespmem:s25+$0xFFFFE410]  }
0x35c: {  	v59 =	vor.u32 $0xB, v35;
	v60 =	vor.u32 $0xB, v0;
	v3 =	vor.u32 $0xD, v35;
	v20 =	vld [tilespmem:s24+$0x1020];
	[tilespmem:v0+s21+$0x0] =	vst.idx.msk $0xffff, v21  }
0x35d: {  	v5 =	vor.u32 $0xD, v0;
	v37 =	vor.u32 $0x5, v35;
	v27 =	vor.u32 $0x8, v35;
	v21 =	vld [tilespmem:s25+$0xFFFFE430];
	[tilespmem:v17+s21+$0x0] =	vst.idx.msk $0xffff, v18  }
0x35e: {  	v46 =	vor.u32 $0x2, v44;
	v49 =	vor.u32 $0x3, v44;
	v52 =	vor.u32 $0x4, v44;
	[tilespmem:v53+s21+$0x0] =	vst.idx.msk $0xffff, v24;
	v24 =	vld [tilespmem:s24+$0xC00]  }
0x35f: {  	v40 =	vor.u32 $0x5, v44;
	v30 =	vor.u32 $0x7, v44;
	[tilespmem:v41+s21+$0x0] =	vst.idx.msk $0xffff, v54;
	v54 =	vor.u32 $0x2, v38;
	v53 =	vld [tilespmem:s25+$0xFFFFE820]  }
0x360: {  	v28 =	vor.u32 $0x8, v44;
	v58 =	vor.u32 $0xB, v44;
	v63 =	vor.u32 $0xD, v44;
	[tilespmem:v36+s21+$0x0] =	vst.idx.msk $0xffff, v56;
	v57 =	vld [tilespmem:s25+$0xFFFFE800]  }
0x361: {  	v34 =	vor.u32 $0x6, v44;
	v23 =	vor.u32 $0x9, v35;
	v32 =	vor.u32 $0x6, v35;
	[tilespmem:v55+s21+$0x0] =	vst.idx.msk $0xffff, v20;
	v2 =	vld [tilespmem:s25+$0xFFFFE810]  }
0x362: {  	v26 =	vor.u32 $0x8, v0;
	v19 =	vor.u32 $0xA, v44;
	v22 =	vor.u32 $0x9, v0;
	v61 =	vld [tilespmem:s24+$0x1420];
	[tilespmem:v45+s21+$0x0] =	vst.idx.msk $0xffff, v21  }
0x363: {  	v18 =	vor.u32 $0xA, v35;
	v17 =	vor.u32 $0xA, v0;
	v56 =	vor.u32 $0xC, v35;
	v4 =	vld [tilespmem:s25+$0xFFFFE830];
	[tilespmem:v13+s21+$0x0] =	vst.idx.msk $0xffff, v24  }
0x364: {  	v41 =	vor.u32 $0xE, v44;
	v55 =	vor.u32 $0xC, v44;
	v24 =	vor.u32 $0xF, v44;
	v44 =	vld [tilespmem:s24+$0xC10];
	[tilespmem:v54+s21+$0x0] =	vst.idx.msk $0xffff, v53  }
0x365: {  	v36 =	vor.u32 $0xE, v35;
	v20 =	vor.u32 $0xF, v35;
	v13 =	vmovc v58;
	v58 =	vor.u32 $0x3, v38;
	[tilespmem:v46+s21+$0x0] =	vst.idx.msk $0xffff, v57;
	v57 =	vld [tilespmem:s25+$0xFFFFEC20]  }
0x366: {  	v35 =	vor.u32 $0xE, v0;
	v45 =	vor.u32 $0xC, v0;
	v21 =	vor.u32 $0xF, v0;
	[tilespmem:v47+s21+$0x0] =	vst.idx.msk $0xffff, v2;
	v0 =	vld [tilespmem:s25+$0xFFFFEC00]  }
0x367: {  	[tilespmem:v62+s21+$0x0] =	vst.idx.msk $0xffff, v61;
	v62 =	vld [tilespmem:s25+$0xFFFFEC10]  }
0x368: {  	v61 =	vor.u32 $0xE, v1;
	v2 =	vld [tilespmem:s24+$0x1820];
	[tilespmem:v48+s21+$0x0] =	vst.idx.msk $0xffff, v4  }
0x369: {  	[tilespmem:v16+s21+$0x0] =	vst.idx.msk $0xffff, v44;
	v4 =	vld [tilespmem:s25+$0xFFFFEC30]  }
0x36a: {  	[tilespmem:v58+s21+$0x0] =	vst.idx.msk $0xffff, v57;
	v57 =	vld [tilespmem:s24+$0xC30]  }
0x36b: {  	[tilespmem:v49+s21+$0x0] =	vst.idx.msk $0xffff, v0;
	v58 =	vor.u32 $0x4, v38;
	v0 =	vld [tilespmem:s25+$0xFFFFF020]  }
0x36c: {  	v16 =	vmov v59;
	[tilespmem:v50+s21+$0x0] =	vst.idx.msk $0xffff, v62;
	v59 =	vld [tilespmem:s25+$0xFFFFF000]  }
0x36d: {  	[tilespmem:v61+s21+$0x0] =	vst.idx.msk $0xffff, v2;
	v62 =	vld [tilespmem:s25+$0xFFFFF010]  }
0x36e: {  	v61 =	vor.u32 $0xF, v1;
	v2 =	vld [tilespmem:s24+$0x1C20];
	[tilespmem:v51+s21+$0x0] =	vst.idx.msk $0xffff, v4  }
0x36f: {  	v4 =	vld [tilespmem:s25+$0xFFFFF030];
	[tilespmem:v14+s21+$0x0] =	vst.idx.msk $0xffff, v57  }
0x370: {  	v1 =	vmov v38;
	[tilespmem:v58+s21+$0x0] =	vst.idx.msk $0xffff, v0;
	v0 =	vld [tilespmem:s24+$0x1000]  }
0x371: {  	v54 =	vor.u32 $0x5, v1;
	[tilespmem:v52+s21+$0x0] =	vst.idx.msk $0xffff, v59;
	v53 =	vld [tilespmem:s25+$0xFFFFF420]  }
0x372: {  	[tilespmem:v43+s21+$0x0] =	vst.idx.msk $0xffff, v62;
	v48 =	vld [tilespmem:s25+$0xFFFFF400]  }
0x373: {  	[tilespmem:v61+s21+$0x0] =	vst.idx.msk $0xffff, v2;
	v2 =	vld [tilespmem:s24+$0x1010]  }
0x374: {  	v38 =	vld [tilespmem:s25+$0xFFFFF410];
	[tilespmem:v42+s21+$0x0] =	vst.idx.msk $0xffff, v4  }
0x375: {  	v4 =	vld [tilespmem:s25+$0xFFFFF430];
	[tilespmem:v10+s21+$0x0] =	vst.idx.msk $0xffff, v0  }
0x376: {  	v0 =	vld [tilespmem:s24+$0x1030];
	[tilespmem:v54+s21+$0x0] =	vst.idx.msk $0xffff, v53  }
0x377: {  	v58 =	vor.u32 $0x6, v1;
	[tilespmem:v40+s21+$0x0] =	vst.idx.msk $0xffff, v48;
	v57 =	vld [tilespmem:s25+$0xFFFFF820]  }
0x378: {  	[tilespmem:v12+s21+$0x0] =	vst.idx.msk $0xffff, v2;
	v59 =	vld [tilespmem:s25+$0xFFFFF800]  }
0x379: {  	[tilespmem:v37+s21+$0x0] =	vst.idx.msk $0xffff, v38;
	v2 =	vld [tilespmem:s24+$0x1400]  }
0x37a: {  	v37 =	vld [tilespmem:s25+$0xFFFFF810];
	[tilespmem:v39+s21+$0x0] =	vst.idx.msk $0xffff, v4  }
0x37b: {  	v4 =	vld [tilespmem:s25+$0xFFFFF830];
	[tilespmem:v15+s21+$0x0] =	vst.idx.msk $0xffff, v0  }
0x37c: {  	v0 =	vld [tilespmem:s24+$0x1410];
	[tilespmem:v58+s21+$0x0] =	vst.idx.msk $0xffff, v57  }
0x37d: {  	[tilespmem:v34+s21+$0x0] =	vst.idx.msk $0xffff, v59;
	v34 =	vmov v25;
	v25 =	vld [tilespmem:$0x1FEF0]  }
0x37e: {  	v14 =	vmov v60;
	v61 =	vor.u32 $0x7, v1;
	v60 =	vld [tilespmem:s25+$0xFFFFFC20]  }
0x37f: {  	v62 =	vld [tilespmem:s25+$0xFFFFFC00];
	[tilespmem:v7+s21+$0x0] =	vst.idx.msk $0xffff, v2  }
0x380: {  	v2 =	vld [tilespmem:s24+$0x1430];
	[tilespmem:v33+s21+$0x0] =	vst.idx.msk $0xffff, v4  }
0x381: {  	[tilespmem:v32+s21+$0x0] =	vst.idx.msk $0xffff, v37;
	v4 =	vld [tilespmem:s25+$0xFFFFFC30]  }
0x382: {  	v32 =	vld [tilespmem:s25+$0xFFFFFC10];
	[tilespmem:v8+s21+$0x0] =	vst.idx.msk $0xffff, v0  }
0x383: {  	[tilespmem:v61+s21+$0x0] =	vst.idx.msk $0xffff, v60  }
0x384: {  	v0 =	vld [tilespmem:s24+$0x1800];
	[tilespmem:v30+s21+$0x0] =	vst.idx.msk $0xffff, v62  }
0x385: {  	[tilespmem:v11+s21+$0x0] =	vst.idx.msk $0xffff, v2  }
0x386: {  	v8 =	vmov v3;
	v30 =	vor.u32 $0x8, v1;
	v3 =	vld [tilespmem:s25+$0x20];
	[tilespmem:v29+s21+$0x0] =	vst.idx.msk $0xffff, v4  }
0x387: {  	v4 =	vld [tilespmem:s25+$0x30]  }
0x388: {  	v7 =	vmov v63;
	v63 =	vld [tilespmem:s25+$0x0]  }
0x389: {  	[tilespmem:v25+s21+$0x0] =	vst.idx.msk $0xffff, v0;
	v0 =	vld [tilespmem:s24+$0x1830]  }
0x38a: {  	v37 =	vld [tilespmem:$0x1FFF0];
	[tilespmem:v31+s21+$0x0] =	vst.idx.msk $0xffff, v32  }
0x38b: {  	v2 =	vld [tilespmem:s24+$0x1810];
	[tilespmem:v30+s21+$0x0] =	vst.idx.msk $0xffff, v3  }
0x38c: {  	v11 =	vmov v5;
	v5 =	vld [tilespmem:s25+$0x10];
	[tilespmem:v26+s21+$0x0] =	vst.idx.msk $0xffff, v4  }
0x38d: {  	[tilespmem:v28+s21+$0x0] =	vst.idx.msk $0xffff, v63;
	v28 =	vld [tilespmem:s25+$0x430]  }
0x38e: {  	[tilespmem:v9+s21+$0x0] =	vst.idx.msk $0xffff, v0;
	v0 =	vld [tilespmem:$0x1FF20]  }
0x38f: {  	v3 =	vld [tilespmem:s25+$0x420]  }
0x390: {  	s26 =	sadd.s32 $0x4, s26;
	v30 =	vor.u32 $0x9, v1;
	v31 =	vld [tilespmem:s25+$0x400]  }
0x391: {  	p0 =	slt.u32 s26, $0x3C;
	[tilespmem:v6+s21+$0x0] =	vst.idx.msk $0xffff, v2;
	v6 =	vmov v36;
	v36 =	vld [tilespmem:$0x1FF00]  }
.Ltmp3:
0x392: {  	[tilespmem:v27+s21+$0x0] =	vst.idx.msk $0xffff, v5;
	v27 =	vld [tilespmem:s24+$0x1C00];
	(pc) =	sbr.rel @p0 .LBB2_8-.Ltmp3, $4  }
0x393: {  	v29 =	vld [tilespmem:s25+$0x410]  }
0x394: {  	v26 =	vld [tilespmem:s24+$0x1C10]  }
0x395: {  	v9 =	vmov v35;
	v35 =	vld [tilespmem:$0x1FF10];
	[tilespmem:v30+s21+$0x0] =	vst.idx.msk $0xffff, v3  }
0x396: {  	s28 =	sadd.s32 $0x40, s28;
	v10 =	vmovc v55;
	v12 =	vmovc v56;
	v38 =	vmov v41;
	v15 =	vmov v45;
	v30 =	vor.u32 $0xA, v1;
	v25 =	vld [tilespmem:s25+$0x820];
	[tilespmem:v0+s21+$0x0] =	vst.idx.msk $0xffff, v31  }
0x397: {  	_ =	sdelay $0x3  }
0x398: {  	v0 =	vld [tilespmem:s25+$0x800];
	[tilespmem:v22+s21+$0x0] =	vst.idx.msk $0xffff, v28  }
0x399: {  	[tilespmem:v23+s21+$0x0] =	vst.idx.msk $0xffff, v29;
	v3 =	vld [tilespmem:s25+$0x830]  }
0x39a: {  	v2 =	vld [tilespmem:s25+$0x810];
	_ =	sdelay $0x1  }
0x39b: {  	[tilespmem:v30+s21+$0x0] =	vst.idx.msk $0xffff, v25  }
0x39c: {  	v4 =	vor.u32 $0xB, v1;
	[tilespmem:v19+s21+$0x0] =	vst.idx.msk $0xffff, v0;
	v55 =	vld [tilespmem:s25+$0xC20]  }
0x39d: {  	v56 =	vld [tilespmem:s25+$0xC00];
	[tilespmem:v17+s21+$0x0] =	vst.idx.msk $0xffff, v3  }
0x39e: {  	[tilespmem:v18+s21+$0x0] =	vst.idx.msk $0xffff, v2;
	v5 =	vld [tilespmem:s25+$0xC30]  }
0x39f: {  	v57 =	vld [tilespmem:s25+$0xC10];
	_ =	sdelay $0x1  }
0x3a0: {  	[tilespmem:v4+s21+$0x0] =	vst.idx.msk $0xffff, v55  }
0x3a1: {  	v58 =	vor.u32 $0xC, v1;
	v0 =	vld [tilespmem:s25+$0x1020];
	[tilespmem:v13+s21+$0x0] =	vst.idx.msk $0xffff, v56  }
0x3a2: {  	v2 =	vld [tilespmem:s25+$0x1000];
	[tilespmem:v14+s21+$0x0] =	vst.idx.msk $0xffff, v5  }
0x3a3: {  	[tilespmem:v16+s21+$0x0] =	vst.idx.msk $0xffff, v57;
	v5 =	vld [tilespmem:s25+$0x1030]  }
0x3a4: {  	v3 =	vld [tilespmem:s25+$0x1010];
	_ =	sdelay $0x1  }
0x3a5: {  	[tilespmem:v58+s21+$0x0] =	vst.idx.msk $0xffff, v0  }
0x3a6: {  	v59 =	vor.u32 $0xD, v1;
	v0 =	vld [tilespmem:s25+$0x1420];
	[tilespmem:v10+s21+$0x0] =	vst.idx.msk $0xffff, v2  }
0x3a7: {  	v2 =	vld [tilespmem:s25+$0x1400];
	[tilespmem:v15+s21+$0x0] =	vst.idx.msk $0xffff, v5  }
0x3a8: {  	[tilespmem:v12+s21+$0x0] =	vst.idx.msk $0xffff, v3;
	v5 =	vld [tilespmem:s25+$0x1430]  }
0x3a9: {  	v3 =	vld [tilespmem:s25+$0x1410];
	_ =	sdelay $0x1  }
0x3aa: {  	[tilespmem:v59+s21+$0x0] =	vst.idx.msk $0xffff, v0  }
0x3ab: {  	v60 =	vor.u32 $0xE, v1;
	v0 =	vld [tilespmem:s25+$0x1820];
	[tilespmem:v7+s21+$0x0] =	vst.idx.msk $0xffff, v2  }
0x3ac: {  	v2 =	vld [tilespmem:s25+$0x1800];
	[tilespmem:v11+s21+$0x0] =	vst.idx.msk $0xffff, v5  }
0x3ad: {  	[tilespmem:v8+s21+$0x0] =	vst.idx.msk $0xffff, v3;
	v5 =	vld [tilespmem:s25+$0x1830]  }
0x3ae: {  	v3 =	vld [tilespmem:s25+$0x1810]  }
0x3af: {  	[tilespmem:v36+s21+$0x0] =	vst.idx.msk $0xffff, v26  }
0x3b0: {  	v61 =	vld [tilespmem:s24+$0x1C30];
	[tilespmem:v60+s21+$0x0] =	vst.idx.msk $0xffff, v0  }
0x3b1: {  	v62 =	vor.u32 $0xF, v1;
	v0 =	vld [tilespmem:s25+$0x1C20];
	[tilespmem:v38+s21+$0x0] =	vst.idx.msk $0xffff, v2  }
0x3b2: {  	v2 =	vld [tilespmem:s25+$0x1C00];
	[tilespmem:v9+s21+$0x0] =	vst.idx.msk $0xffff, v5  }
0x3b3: {  	[tilespmem:v6+s21+$0x0] =	vst.idx.msk $0xffff, v3;
	v63 =	vld [tilespmem:s25+$0x1C30]  }
0x3b4: {  	[tilespmem:v35+s21+$0x0] =	vst.idx.msk $0xffff, v27;
	v3 =	vld [tilespmem:s25+$0x1C10]  }
0x3b5: {  	[tilespmem:v34+s21+$0x0] =	vst.idx.msk $0xffff, v61  }
0x3b6: {  	[tilespmem:v62+s21+$0x0] =	vst.idx.msk $0xffff, v0  }
0x3b7: {  	[tilespmem:v24+s21+$0x0] =	vst.idx.msk $0xffff, v2  }
0x3b8: {  	[tilespmem:v21+s21+$0x0] =	vst.idx.msk $0xffff, v63  }
0x3b9: {  	s23 =	sadd.s32 $0x1, s23;
	[tilespmem:v20+s21+$0x0] =	vst.idx.msk $0xffff, v3  }
0x3ba: {  	[hbm4b:s11+s17] =	stream.strided.scatter [tilespmem:s21], [sflag:$0x4], $0x4000, s18, s17, $0x38;
	[tilespmem:$0x10000] =	vst v63  }
0x3bb: {  	p0 =	sne.s32 s23, s12;
	_ =	swait.ge [sflag:s19], $0x4000  }
.Ltmp4:
0x3bc: {  	[sflag:s19] =	ssyncset.done $0x0;
	(pc) =	sbr.rel @p0 .LBB2_1-.Ltmp4, $4  }
0x3bd: {  	[sflag:s19] =	ssyncadd.s32 $0xFFFFC000  }
0x3be: {  	_ =	swait.ge [sflag:s22], $0x4000  }
0x3bf: {  	[sflag:s22] =	ssyncset.done $0x0  }
0x3c0: {  	[sflag:s22] =	ssyncadd.s32 $0xFFFFC000  }
0x3c1: {  	_ =	sfence.sel $0x180000  }
0x3c2: {  	[bflag:$0x0] =	sbarrier.arrive $0xFFFF  }
0x3c3: {  	p0 =	sne.s32 s0, $0x0;
	_ =	strace $0x90000047  }
0x3c4: {  	s0 =	sadd.s32 @!p0 $0x100000, s1;
	[bflag:$0x2] =	sbarrier.arrive $0xFFFF  }
0x3c5: {  	[sflag:s0] =	ssyncadd.tile.s32 @!p0 $0x1;
	_ =	shalt  }
.Lfunc_end2:
_tile_overlayer_lowered:
.L_overlay_start_2:
0x3c6: {  	(tag) =	ssettag $0x2  }
0x3c7: {  	s0 =	rddreg [dreg:$0x0];
	s2 =	stileid.u32  }
0x3c8: {  	s1 =	rddreg [dreg:$0x1];
	p0 =	sne.s32 s2, $0x0  }
0x3c9: {  	s3 =	rddreg [dreg:$0x2];
	[bflag:$0x3] =	sbarrier.arrive $0xFFFF;
	s2 =	simm.s32 @!p0 $0x1C05  }
0x3ca: {  	[timem:s3], [sflag:s2] =	dma.local @!p0 [hbm:s0], s1  }
0x3cb: {  	s0 =	simm.s32 @!p0 $0x5  }
0x3cc: {  	_ =	swait.ge @!p0 [sflag:s0], s1  }
0x3cd: {  	s1 =	ssub.s32 @!p0 $0x0, s1;
	[sflag:s0] =	ssyncset.done @!p0 $0x0  }
0x3ce: {  	[sflag:s0] =	ssyncadd.s32 @!p0 s1  }
0x3cf: {  	[bflag:$0x3] =	sbarrier.arrive $0xFFFF  }
0x3d0: {  	_ =	shalt  }

// kernel: kernel.7.cloned.1.call-start
scs
__scs_entry_jumppad:
0x0: {  	(pc) =	sbr.rel $0x88, $3  }
0x1: {  	(tag) =	ssettag $0x0;
	lr =	simm.s32 $0x1  }
0x2: {  	[smem:$0x3F9F] =	sst lr;
	_ =	strace $0xD0000000  }
0x3: {  	_ = 	snop  }
0x4: {  	_ = 	snop  }
0x5: {  	_ = 	snop  }
0x6: {  	_ = 	snop  }
0x7: {  	_ = 	snop  }
__scs_overlays_trampoline_lowered:
0x8: {  	[smem:$0x3FAE] =	sst s0  }
0x9: {  	[smem:$0x3FAF] =	sst s1  }
0xa: {  	[smem:$0x3FB0] =	sst s2  }
0xb: {  	[smem:$0x3FB1] =	sst s3  }
0xc: {  	[smem:$0x3FB2] =	sst s4  }
0xd: {  	[smem:$0x3FB3] =	sst s5  }
0xe: {  	[smem:$0x3FB4] =	sst s6  }
0xf: {  	[smem:$0x3FB5] =	sst s7  }
0x10: {  	[smem:$0x3FB6] =	sst s8  }
0x11: {  	[smem:$0x3FB7] =	sst s9;
	s0 =	simm.s32 @!p0 $0x0  }
0x12: {  	s1 =	sld [smem:$0x3F9D];
	s0 =	simm.s32 @p0 $0x1  }
0x13: {  	[smem:$0x3FB8] =	sst s0;
	s0 =	simm.s32 @!p1 $0x0  }
0x14: {  	s2 =	sld [smem:$0x3F9C];
	s0 =	simm.s32 @p1 $0x1  }
0x15: {  	[smem:$0x3FB9] =	sst s0;
	s0 =	simm.s32 @!p2 $0x0  }
0x16: {  	s3 =	sld [smem:$0x3FDB];
	s0 =	simm.s32 @p2 $0x1  }
0x17: {  	s4 =	simm.s32 $0x1BF5;
	[smem:$0x3FBB] =	sst s0  }
0x18: {  	s0 =	sld [smem:$0x3F9E];
	_ =	swait.ge [sflag:s4], $0x0  }
0x19: {  	s7 =	sld [smem:$0x3F9F]  }
0x1a: {  	s8 =	sadd.s32 $0xFFFFE003, lr  }
0x1b: {  	s9 =	sadd.s32 $0xFFFFFEF7, lr;
	s5 =	simm.s32 $0xFFFFFFFF;
	p2 =	slt.u32 s8, $0xFFFFF086  }
0x1c: {  	p1 =	slt.u32 s9, $0xF7A;
	s5 =	simm.s32 @!p2 $0x0  }
0x1d: {  	s5 =	simm.s32 @p1 $0x1;
	p0 =	seq.s32 s7, s2  }
0x1e: {  	s7 =	smul.u32 @!p0 $0xF7A, s2;
	p2 =	seq.s32 @!p0 s5, $0x0  }
0x1f: {  	s9 =	smul.u32 $0xF7A, s1;
	s8 =	simm.s32 @!p0 $0x1BF5;
	p2 =	por !p2, p0  }
0x20: {  	[sflag:s8] =	ssyncset.s32 @!p0 $0xFFFFF086;
	s6 =	sadd.s32 @!p0 s3, s7;
	s7 =	simm.s32 @!p0 $0x108  }
0x21: {  	s3 =	sadd.s32 s3, s9;
	s6 =	sadd.s32 @!p0 $0x88, s6;
	s7 =	simm.s32 @p2 $0x1082  }
0x22: {  	[simem:s7], [sflag:s8] =	dma.local @!p0 [hbm:s6], $0xF7A  }
0x23: {  	s9 =	sor.u32 $0xD0000000, s2;
	s6 =	simm.s32 $0x108;
	_ =	swait.ge @!p0 [sflag:s8], $0x0  }
0x24: {  	s3 =	sadd.s32 $0x88, s3;
	s6 =	simm.s32 @!p1 $0x1082;
	[sflag:s4] =	ssyncset.s32 $0xFFFFF086  }
0x25: {  	[simem:s6], [sflag:s4] =	dma.local [hbm:s3], $0xF7A  }
0x26: {  	[smem:$0x3F9F] =	sst s1;
	(tag) =	ssettag s2;
	_ =	strace s9  }
0x27: {  	s1 =	sld [smem:$0x3FAF]  }
0x28: {  	s2 =	sld [smem:$0x3FB0]  }
0x29: {  	s4 =	sld [smem:$0x3FB2]  }
0x2a: {  	p0 =	seq.s32 s5, $0x0;
	s5 =	sld [smem:$0x3FB3]  }
0x2b: {  	s6 =	sld [smem:$0x3FB4]  }
0x2c: {  	s7 =	sld [smem:$0x3FB5]  }
0x2d: {  	s3 =	simm.s32 $0x108;
	s8 =	sld [smem:$0x3FB6]  }
0x2e: {  	s3 =	simm.s32 @!p0 $0x1082;
	s9 =	sld [smem:$0x3FB7]  }
0x2f: {  	lr =	sadd.s32 s0, s3;
	s0 =	sld [smem:$0x3FAE]  }
0x30: {  	s3 =	sld [smem:$0x3FB1]  }
0x31: {  	[smem:$0x3FBA] =	sst s10  }
0x32: {  	s10 =	sld [smem:$0x3FB8];
	_ =	sdelay $0x3  }
0x33: {  	p0 =	seq.s32 s10, $0x1;
	s10 =	sld [smem:$0x3FBA];
	_ =	sdelay $0x3  }
0x34: {  	[smem:$0x3FBA] =	sst s10  }
0x35: {  	s10 =	sld [smem:$0x3FB9];
	_ =	sdelay $0x3  }
0x36: {  	p1 =	seq.s32 s10, $0x1;
	s10 =	sld [smem:$0x3FBA];
	_ =	sdelay $0x3  }
0x37: {  	[smem:$0x3FBA] =	sst s10  }
0x38: {  	s10 =	sld [smem:$0x3FBB]  }
0x39: {  	_ = 	snop;
	(pc) =	sbr.ind lr, $3  }
0x3a: {  	_ = 	snop  }
0x3b: {  	_ = 	snop  }
0x3c: {  	p2 =	seq.s32 s10, $0x1;
	s10 =	sld [smem:$0x3FBA]  }
0x3d: {  	_ =	shalt  }
0x3e: {  	_ =	shalt  }
0x3f: {  	_ =	shalt  }
0x40: {  	_ =	shalt  }
0x41: {  	_ =	shalt  }
0x42: {  	_ =	shalt  }
0x43: {  	_ =	shalt  }
0x44: {  	_ =	shalt  }
0x45: {  	_ =	shalt  }
0x46: {  	_ =	shalt  }
0x47: {  	_ =	shalt  }
0x48: {  	_ =	shalt  }
0x49: {  	_ =	shalt  }
0x4a: {  	_ =	shalt  }
0x4b: {  	_ =	shalt  }
0x4c: {  	_ =	shalt  }
0x4d: {  	_ =	shalt  }
0x4e: {  	_ =	shalt  }
0x4f: {  	_ =	shalt  }
0x50: {  	_ =	shalt  }
0x51: {  	_ =	shalt  }
0x52: {  	_ =	shalt  }
0x53: {  	_ =	shalt  }
0x54: {  	_ =	shalt  }
0x55: {  	_ =	shalt  }
0x56: {  	_ =	shalt  }
0x57: {  	_ =	shalt  }
0x58: {  	_ =	shalt  }
0x59: {  	_ =	shalt  }
0x5a: {  	_ =	shalt  }
0x5b: {  	_ =	shalt  }
0x5c: {  	_ =	shalt  }
0x5d: {  	_ =	shalt  }
0x5e: {  	_ =	shalt  }
0x5f: {  	_ =	shalt  }
0x60: {  	_ =	shalt  }
0x61: {  	_ =	shalt  }
0x62: {  	_ =	shalt  }
0x63: {  	_ =	shalt  }
0x64: {  	_ =	shalt  }
0x65: {  	_ =	shalt  }
0x66: {  	_ =	shalt  }
0x67: {  	_ =	shalt  }
0x68: {  	_ =	shalt  }
0x69: {  	_ =	shalt  }
0x6a: {  	_ =	shalt  }
0x6b: {  	_ =	shalt  }
0x6c: {  	_ =	shalt  }
0x6d: {  	_ =	shalt  }
0x6e: {  	_ =	shalt  }
0x6f: {  	_ =	shalt  }
0x70: {  	_ =	shalt  }
0x71: {  	_ =	shalt  }
0x72: {  	_ =	shalt  }
0x73: {  	_ =	shalt  }
0x74: {  	_ =	shalt  }
0x75: {  	_ =	shalt  }
0x76: {  	_ =	shalt  }
0x77: {  	_ =	shalt  }
0x78: {  	_ =	shalt  }
0x79: {  	_ =	shalt  }
0x7a: {  	_ =	shalt  }
0x7b: {  	_ =	shalt  }
0x7c: {  	_ =	shalt  }
0x7d: {  	_ =	shalt  }
0x7e: {  	_ =	shalt  }
0x7f: {  	_ =	shalt  }
0x80: {  	_ =	shalt  }
0x81: {  	_ =	shalt  }
0x82: {  	_ =	shalt  }
0x83: {  	_ =	shalt  }
0x84: {  	_ =	shalt  }
0x85: {  	_ =	shalt  }
0x86: {  	_ =	shalt  }
0x87: {  	_ =	shalt  }
.Lfunc_end0:
.L_simem_size_0:
called_computation.1_lowered:
.L_overlay_start_0:
0x88: {  	s2 =	sld [smem:$0x3FD9]  }
0x89: {  	s3 =	sld [smem:$0x3FFE];
	_ =	sdelay $0x1  }
0x8a: {  	s1 =	srdreg.scid  }
0x8b: {  	s0 =	sand.u32 $0x1, s1  }
0x8c: {  	s17 =	sshll.u32 s0, $0xA;
	s2 =	sadd.s32 s3, s2  }
0x8d: {  	s2 =	sadd.s32 s2, s17  }
0x8e: {  	[smem:$0x3FC6] =	sst s2  }
0x8f: {  	_ = 	snop  }
0x90: {  	s2 =	sld [smem:$0x3FD0];
	(tm) =	ssettm $0x1  }
0x91: {  	s18 =	sld [smem:$0x3FFB];
	_ =	sdelay $0x3  }
0x92: {  	_ =	strace s18  }
0x93: {  	s3 =	sld [smem:$0x3FFC];
	_ =	sdelay $0x3  }
0x94: {  	_ =	strace s3  }
0x95: {  	s3 =	sld [smem:$0x3FFD];
	_ =	sdelay $0x3  }
0x96: {  	_ =	strace s3  }
0x97: {  	_ =	strace $0x8FFFFFFF  }
0x98: {  	s19 =	sld [smem:$0x3FDB];
	_ =	sdelay $0x1  }
0x99: {  	s4 =	simm.s32 $_scs_section_size  }
0x9a: {  	s5 =	simm.s32 $_size__tile_overlayer_lowered;
	s6 =	simm.s32 $_tile_overlayer_lowered  }
0x9b: {  	s22 =	simm.s32 $0x1BFF;
	s21 =	sshll.u32 s6, $0x1;
	s3 =	sadd.s32 s4, s19  }
0x9c: {  	s7 =	simm.s32 $0x0;
	s20 =	sshll.u32 s5, $0x1;
	s5 =	sadd.s32 s21, s3  }
0x9d: {  	[timem:s7], [sflag:s22] =	dma.local [hbm:s5], s20  }
0x9e: {  	_ =	swait.ge [sflag:s22], s20  }
0x9f: {  	s4 =	ssub.s32 $0x0, s20;
	[sflag:s22] =	ssyncset.done $0x0  }
0xa0: {  	[sflag:s22] =	ssyncadd.s32 s4;
	_ =	sdelay $0x1  }
0xa1: {  	s23 =	simm.s32 $0x1B8B  }
0xa2: {  	_ =	swait.ge [sflag:s23], $0x1  }
0xa3: {  	[sflag:s23] =	ssyncset.done $0x0  }
0xa4: {  	s25 =	simm.s32 $0x1B8E;
	s24 =	sld [smem:$0x3FFE];
	[sflag:s23] =	ssyncadd.s32 $0xFFFFFFFF  }
0xa5: {  	s26 =	simm.s32 $execute0_lowered;
	[smem:$0x3FD2] =	sst s25  }
0xa6: {  	s5 =	sshll.u32 s26, $0x1;
	_ =	strace $0x80000049;
	[dreg:$0x1] =	wrdreg $0xFFFFFFFF  }
0xa7: {  	s28 =	simm.s32 $_size_execute0_lowered;
	s3 =	sadd.s32 s3, s5;
	[dreg:$0x0] =	wrdreg $0x0  }
0xa8: {  	s5 =	sshll.u32 s28, $0x1;
	[dreg:$0x2] =	wrdreg s3  }
0xa9: {  	[dreg:$0x3] =	wrdreg s5  }
0xaa: {  	[dreg:$0x4] =	wrdreg $0xC0  }
0xab: {  	_ =	task [dreg:s7], $0x5FFFF  }
0xac: {  	[dreg:$0x1] =	wrdreg $0xFFFFFFFF  }
0xad: {  	[dreg:$0x0] =	wrdreg $0x60  }
0xae: {  	[dreg:$0x2] =	wrdreg s24  }
0xaf: {  	[dreg:$0x3] =	wrdreg s2  }
0xb0: {  	[dreg:$0x4] =	wrdreg $0x9  }
0xb1: {  	_ =	task.clear_ibuf [dreg:s7], $0x5FFFF;
	_ =	strace $0x90000049  }
0xb2: {  	s29 =	simm.s32 $0x9;
	_ =	strace $0x8000004B  }
0xb3: {  	_ =	swait.ge [sflag:s29], $0x1  }
0xb4: {  	[sflag:s29] =	ssyncadd.s32 $0xFFFFFFFF  }
0xb5: {  	_ =	strace $0x9000004B  }
0xb6: {  	_ =	sfence  }
0xb7: {  	s30 =	sld [smem:$0x0];
	_ =	sdelay $0x2  }
0xb8: {  	s31 =	sshll.u32 s1, $0xD;
	s1 =	sshrl.u32 s1, $0x2  }
0xb9: {  	s3 =	sand.u32 $0x4000, s31;
	s1 =	sadd.s32 s1, s30  }
0xba: {  	s0 =	sor.u32 s3, s0;
	s1 =	sshll.u32 s1, $0x11  }
0xbb: {  	s0 =	sor.u32 s1, s0  }
0xbc: {  	s0 =	sadd.s32 $0x8F2B, s0  }
0xbd: {  	[sflag:s0] =	ssyncadd.remote.s32 $0x1  }
0xbe: {  	_ =	sfence.sel $0xFFFF  }
0xbf: {  	[dreg:$0x0] =	wrdreg $0xFFFFFFFF;
	(pc) =	sbr.abs _section_cstart, $3  }
0xc0: {  	[dreg:$0x1] =	wrdreg $0xFFFFFFFF  }
0xc1: {  	_ =	task.clear_ibuf [dreg:s7], $0x2FFFF;
	_ =	strace $0x9FFFFFFF  }
0xc2: {  	(tm) =	ssettm $0x7FFFFFFF  }
0xc3: {  	_ =	shalt  }
tec
execute0_lowered:
.L_overlay_start_1:
0x0: {  	(tag) =	ssettag $0x1  }
0x1: {  	s0 =	srdreg.scid  }
0x2: {  	s2 =	stileid.u32;
	s4 =	rddreg [dreg:$0x0]  }
0x3: {  	s29 =	simm.s32 $0x14DD0;
	s30 =	simm.s32 $0x1;
	s31 =	simm.s32 $0x4  }
0x4: {  	s1 =	sand.u32 $0x1, s0;
	s24 =	sshll.u32 s2, $0x1;
	s0 =	rddreg [dreg:$0x1]  }
0x5: {  	s3 =	sadd.s32 $0xA00, s4;
	s2 =	sor.u32 s1, s24;
	s1 =	ssub.s32 $0x2, s1  }
0x6: {  	s5 =	smul.u32 $0x3C1, s2;
	s2 =	simm.s32 $0x0;
	s25 =	sshrl.u32 s1, $0x1  }
0x7: {  	s4 =	sadd.s32 $0x40A00, s4;
	[smem:$0x7FF] =	sst s2;
	s1 =	ssub.s32 s1, s25  }
0x8: {  	s6 =	sadd.s32 $0x3C1, s5;
	_ =	strace $0x8000004A;
	s9 =	sshrl.u32 s5, $0x5  }
0x9: {  	[dreg:$0x3] =	wrdreg s4;
	s6 =	sshrl.u32 s6, $0x5;
	s5 =	sadd.s32 $0x4, s9  }
0xa: {  	s19 =	sadd.s32 $0x8, s9;
	s21 =	sadd.s32 $0xC, s9;
	s10 =	sadd.s32 $0xFFFFFFFC, s6  }
0xb: {  	s23 =	sadd.s32 $0x10, s9;
	s11 =	smin.u32 s9, s10;
	s14 =	smin.u32 s5, s10  }
0xc: {  	s18 =	smin.u32 s19, s10;
	s19 =	smin.u32 s21, s10;
	s21 =	sadd.s32 $0x14, s9  }
0xd: {  	s26 =	sadd.s32 $0x1, s11;
	s12 =	sadd.s32 $0x2, s11;
	s13 =	sadd.s32 $0x3, s11  }
0xe: {  	v27 =	vimm.s32 $0x83828180;
	v28 =	vimm.s32 $0xC3C2C1C0;
	s15 =	sadd.s32 $0x1, s14;
	s16 =	sadd.s32 $0x2, s14;
	s17 =	sadd.s32 $0x3, s14  }
0xf: {  	v29 =	vimm.s32 $0x43424140;
	v30 =	vunpack.c.0.s8.s32 v27;
	v27 =	vimm.s32 $0x3020100;
	s20 =	sshll.u32 s11, $0xA;
	s7 =	sshll.u32 s14, $0xA;
	s8 =	sshll.u32 s18, $0xA  }
0x10: {  	v31 =	vunpack.c.0.s8.s32 v28;
	v33 =	vunpack.c.0.s8.s32 v29;
	v32 =	vunpack.c.0.s8.s32 v27;
	s25 =	sshll.u32 s19, $0xA;
	s21 =	smin.u32 s21, s10;
	s4 =	sadd.s32 $0x3, s18  }
0x11: {  	vm0 =	vcmask $0x1F10;
	v0 =	vmov s11;
	s11 =	sadd.s32 $0x1, s19;
	s5 =	sand.u32 $0x1FFFFC00, s20;
	s22 =	sand.u32 $0x1FFFFC00, s7  }
0x12: {  	v31 =	vsel vm0, v31, v30;
	v32 =	vsel vm0, v33, v32;
	s20 =	smin.u32 s23, s10;
	s24 =	sand.u32 $0x1FFFFC00, s8;
	s8 =	sand.u32 $0x1FFFFC00, s25  }
0x13: {  	v34 =	vcombine.low v32, v31;
	s23 =	sadd.s32 $0x1, s18;
	s25 =	sadd.s32 $0x2, s19;
	v2 =	vmov s12;
	s12 =	sadd.s32 $0x3, s19  }
0x14: {  	v31 =	vlaneseq.u32;
	v6 =	vmov s16;
	v7 =	vmov s17;
	s16 =	sadd.s32 $0x1, s21;
	s17 =	sadd.s32 $0x2, s21;
	s5 =	sadd.s32 s0, s5  }
0x15: {  	v33 =	vand.u32 $0x7, v31;
	v35 =	vshrl.u32 v31, $0x3;
	v34 =	vand.u32 $0xFF, v34;
	s6 =	sadd.s32 s0, s22;
	s7 =	sadd.s32 s0, s24;
	s8 =	sadd.s32 s0, s8  }
0x16: {  	v35 =	vmul.u32 $0x8, v35;
	v36 =	vor.u32 $0x40, v33;
	v3 =	vmov s13;
	s22 =	sadd.s32 $0x18, s9;
	s24 =	sadd.s32 $0x2, s18;
	s13 =	sadd.s32 $0x1, s20  }
0x17: {  	v4 =	vmov s14;
	v8 =	vmov s18;
	v5 =	vmov s15;
	s14 =	sadd.s32 $0x2, s20;
	s15 =	sadd.s32 $0x3, s20;
	s18 =	sadd.s32 $0x3, s21  }
0x18: {  	v1 =	vmov s26;
	s26 =	sshll.u32 s20, $0xA;
	v21 =	vmov s16;
	v22 =	vmov s17;
	s17 =	sshll.u32 s21, $0xA;
	s16 =	simm.s32 $0x5D0  }
0x19: {  	v37 =	vor.u32 $0x100, v33;
	v38 =	vor.u32 $0x80, v33;
	s22 =	smin.u32 s22, s10;
	v10 =	vmov s24;
	s24 =	sand.u32 $0x1FFFFC00, s26;
	s26 =	sadd.s32 $0x1C, s9  }
0x1a: {  	v17 =	vmov s13;
	v18 =	vmov s14;
	v19 =	vmov s15;
	s13 =	smax.u32 s1, $0x1;
	s14 =	simm.s32 $0x7;
	s15 =	simm.s32 $0x3D0  }
0x1b: {  	v39 =	vor.u32 $0x200, v33;
	v9 =	vmov s23;
	v23 =	vmov s18;
	s18 =	simm.s32 $0xDD0;
	s1 =	simm.s32 $0x6;
	s23 =	sadd.s32 $0x1, s22  }
0x1c: {  	v40 =	vor.u32 $0xC0, v33;
	v12 =	vmov s19;
	v16 =	vmov s20;
	s19 =	sadd.s32 $0x2, s22;
	s20 =	sadd.s32 $0x3, s22;
	s9 =	sadd.s32 s0, s24  }
0x1d: {  	v41 =	vor.u32 $0x300, v33;
	v11 =	vmov s4;
	v20 =	vmov s21;
	s4 =	smin.u32 s26, s10;
	s21 =	sshll.u32 s22, $0xA;
	s10 =	sand.u32 $0x1FFFFC00, s17  }
0x1e: {  	v42 =	vor.u32 $0x400, v33;
	v43 =	vor.u32 $0x140, v33;
	v24 =	vmov s22;
	s17 =	simm.s32 $0x80;
	s22 =	simm.s32 $0x8DD0;
	s24 =	sadd.s32 $0x1, s4  }
0x1f: {  	v44 =	vor.u32 $0x500, v33;
	v45 =	vor.u32 $0x180, v33;
	v14 =	vmov s25;
	s25 =	sadd.s32 $0x2, s4;
	s28 =	sadd.s32 $0x3, s4;
	s26 =	sshll.u32 s4, $0xA  }
0x20: {  	v46 =	vor.u32 $0x600, v33;
	v13 =	vmov s11;
	s11 =	sand.u32 $0x1FFFFC00, s21;
	s10 =	sadd.s32 s0, s10;
	v27 =	vmov s20;
	s20 =	simm.s32 $0x4DD0  }
0x21: {  	v47 =	vor.u32 $0x1C0, v33;
	v15 =	vmov s12;
	v26 =	vmov s19;
	s19 =	simm.s32 $0x2;
	s21 =	simm.s32 $0x5;
	s12 =	sand.u32 $0x1FFFFC00, s26  }
0x22: {  	v48 =	vor.u32 $0x700, v33;
	v25 =	vmov s23;
	s11 =	sadd.s32 s0, s11;
	v29 =	vmov s24;
	s24 =	simm.s32 $0xCDD0;
	s26 =	simm.s32 $0x10DD0  }
0x23: {  	v28 =	vmov s4;
	v30 =	vmov s25;
	v32 =	vmov s28;
	s28 =	simm.s32 $0x3;
	s12 =	sadd.s32 s0, s12;
	s0 =	simm.s32 $0x0  }
.LBB2_1:
0x24: {  	s4 =	rddreg [dreg:$0x3]  }
0x25: {  	[tilespmem:s2], [sflag:$0x7] =	stream.linear.gather [hbm4b:s4+s2], $0x3D0, $0x38;
	[tilespmem:$0x18DD0] =	vst v63  }
0x26: {  	_ =	swait.ge [sflag:s14], $0x3D0  }
0x27: {  	[sflag:s14] =	ssyncset.done $0x0  }
0x28: {  	[sflag:s14] =	ssyncadd.s32 $0xFFFFFC30  }
0x29: {  	v49 =	vld.idx.msk [tilespmem:v0+s2+$0x0], $0xffff;
	_ =	sdelay $0x4  }
0x2a: {  	v50 =	vmul.u32 $0x10C98, v49;
	_ =	sdelay $0x1  }
0x2b: {  	v50 =	vshrl.u32 v50, $0x16  }
0x2c: {  	v50 =	vmul.u32 $0x3, v50;
	_ =	sdelay $0x1  }
0x2d: {  	v49 =	vadd.s32 v50, v49  }
0x2e: {  	v49 =	vadd.s32 v34, v49  }
0x2f: {  	[tilespmem:$0x3D0] =	vst v49  }
0x30: {  	v49 =	vld.idx.msk [tilespmem:v1+s2+$0x0], $0xffff;
	_ =	sdelay $0x4  }
0x31: {  	v61 =	vmul.u32 $0x10C98, v49;
	_ =	sdelay $0x1  }
0x32: {  	v50 =	vshrl.u32 v61, $0x16  }
0x33: {  	v50 =	vmul.u32 $0x3, v50;
	_ =	sdelay $0x1  }
0x34: {  	v49 =	vadd.s32 v50, v49  }
0x35: {  	v49 =	vadd.s32 v34, v49  }
0x36: {  	[tilespmem:$0x3E0] =	vst v49  }
0x37: {  	v49 =	vld.idx.msk [tilespmem:v2+s2+$0x0], $0xffff;
	_ =	sdelay $0x4  }
0x38: {  	v62 =	vmul.u32 $0x10C98, v49;
	_ =	sdelay $0x1  }
0x39: {  	v50 =	vshrl.u32 v62, $0x16  }
0x3a: {  	v50 =	vmul.u32 $0x3, v50;
	_ =	sdelay $0x1  }
0x3b: {  	v49 =	vadd.s32 v50, v49  }
0x3c: {  	v49 =	vadd.s32 v34, v49  }
0x3d: {  	[tilespmem:$0x3F0] =	vst v49  }
0x3e: {  	v49 =	vld.idx.msk [tilespmem:v3+s2+$0x0], $0xffff;
	_ =	sdelay $0x4  }
0x3f: {  	v51 =	vmov s2;
	v63 =	vmul.u32 $0x10C98, v49  }
0x40: {  	v52 =	vshrl.u32 v51, $0x2  }
0x41: {  	v52 =	vand.u32 $0x38, v52;
	v50 =	vshrl.u32 v63, $0x16  }
0x42: {  	v52 =	vor.u32 v33, v52;
	v50 =	vmul.u32 $0x3, v50;
	_ =	sdelay $0x1  }
0x43: {  	v49 =	vadd.s32 v50, v49  }
0x44: {  	v49 =	vadd.s32 v34, v49  }
0x45: {  	s23 =	simm.s32 $0x10;
	[tilespmem:$0x400] =	vst v49  }
0x46: {  	s25 =	simm.s32 $0x0;
	s4 =	simm.s32 $0x20;
	v51 =	vand.u32 $0xF8, v51;
	v49 =	vmov s23;
	v50 =	vld.idx.msk [tilespmem:v52+s15+$0x0], $0xffff  }
.LBB2_2:
0x47: {  	p0 =	sne.s32 s4, $0xF0;
	v52 =	vshrl.u32 v49, $0x2;
	v51 =	vor.u32 v35, v51  }
0x48: {  	v52 =	vand.u32 $0x38, v52;
	v51 =	vor.u32 v33, v51  }
0x49: {  	v53 =	vor.u32 s25, v31;
	s25 =	smov.u32 s23;
	s23 =	smov.u32 s4;
	v52 =	vor.u32 v33, v52  }
0x4a: {  	v53 =	vshrl.u32 v53, $0x3  }
.Ltmp0:
0x4b: {  	v53 =	vand.u32 $0x3, v53;
	v50 =	vshll.u32 v50, $0x2;
	(pc) =	sbr.rel @p0 .LBB2_2-.Ltmp0, $4  }
0x4c: {  	v50 =	vor.u32 v53, v50  }
0x4d: {  	[tilespmem:v51+s16+$0x0] =	vst.idx.msk $0xffff, v50  }
0x4e: {  	v50 =	vld.idx.msk [tilespmem:v52+s15+$0x0], $0xffff  }
0x4f: {  	s4 =	sadd.s32 $0x10, s4;
	v51 =	vand.u32 $0xF8, v49;
	v49 =	vmov s23  }
0x50: {  	v52 =	vshrl.u32 v49, $0x2;
	v51 =	vor.u32 v35, v51  }
0x51: {  	v52 =	vand.u32 $0x38, v52;
	v51 =	vor.u32 v33, v51  }
0x52: {  	v53 =	vor.u32 s25, v31;
	v52 =	vor.u32 v33, v52  }
0x53: {  	v53 =	vshrl.u32 v53, $0x3  }
0x54: {  	v53 =	vand.u32 $0x3, v53;
	v50 =	vshll.u32 v50, $0x2  }
0x55: {  	v50 =	vor.u32 v53, v50  }
0x56: {  	[tilespmem:v51+s16+$0x0] =	vst.idx.msk $0xffff, v50  }
0x57: {  	v56 =	vand.u32 $0xF8, v49;
	v50 =	vld.idx.msk [tilespmem:v52+s15+$0x0], $0xffff  }
0x58: {  	v49 =	vor.u32 v35, v56  }
0x59: {  	v49 =	vor.u32 v33, v49  }
0x5a: {  	v57 =	vor.u32 s23, v31  }
0x5b: {  	v51 =	vshrl.u32 v57, $0x3  }
0x5c: {  	v51 =	vand.u32 $0x3, v51;
	v50 =	vshll.u32 v50, $0x2  }
0x5d: {  	v50 =	vor.u32 v51, v50  }
0x5e: {  	[tilespmem:v49+s16+$0x0] =	vst.idx.msk $0xffff, v50  }
0x5f: {  	[tilespmem:s18], [sflag:$0x1] =	stream.indirect.gather [hbm4b:s3+s17], $0x80, s16, s17, $0xb8;
	[tilespmem:$0x18DD0] =	vst v63  }
0x60: {  	s4 =	simm.s32 $0x650;
	s23 =	simm.s32 $0x0  }
0x61: {  	[tilespmem:s20], [sflag:$0x1] =	stream.indirect.gather [hbm4b:s3+s17], $0x80, s4, s17, $0xb8;
	[tilespmem:$0x18DD0] =	vst v63  }
0x62: {  	v49 =	vld.idx.msk [tilespmem:v4+s23+$0x0], $0xffff;
	_ =	sdelay $0x4  }
0x63: {  	v58 =	vmul.u32 $0x10C98, v49;
	_ =	sdelay $0x1  }
0x64: {  	v50 =	vshrl.u32 v58, $0x16  }
0x65: {  	v50 =	vmul.u32 $0x3, v50;
	_ =	sdelay $0x1  }
0x66: {  	v49 =	vadd.s32 v50, v49  }
0x67: {  	v49 =	vadd.s32 v34, v49  }
0x68: {  	[tilespmem:$0x410] =	vst v49  }
0x69: {  	v49 =	vld.idx.msk [tilespmem:v5+s23+$0x0], $0xffff;
	_ =	sdelay $0x4  }
0x6a: {  	v59 =	vmul.u32 $0x10C98, v49;
	_ =	sdelay $0x1  }
0x6b: {  	v50 =	vshrl.u32 v59, $0x16  }
0x6c: {  	v50 =	vmul.u32 $0x3, v50;
	_ =	sdelay $0x1  }
0x6d: {  	v49 =	vadd.s32 v50, v49  }
0x6e: {  	v49 =	vadd.s32 v34, v49  }
0x6f: {  	[tilespmem:$0x420] =	vst v49  }
0x70: {  	v49 =	vld.idx.msk [tilespmem:v6+s23+$0x0], $0xffff;
	_ =	sdelay $0x4  }
0x71: {  	v60 =	vmul.u32 $0x10C98, v49;
	_ =	sdelay $0x1  }
0x72: {  	v50 =	vshrl.u32 v60, $0x16  }
0x73: {  	v50 =	vmul.u32 $0x3, v50;
	_ =	sdelay $0x1  }
0x74: {  	v49 =	vadd.s32 v50, v49  }
0x75: {  	v49 =	vadd.s32 v34, v49  }
0x76: {  	[tilespmem:$0x430] =	vst v49  }
0x77: {  	v49 =	vld.idx.msk [tilespmem:v7+s23+$0x0], $0xffff;
	_ =	sdelay $0x4  }
0x78: {  	v62 =	vmov s23;
	v61 =	vmul.u32 $0x10C98, v49  }
0x79: {  	v63 =	vshrl.u32 v62, $0x2  }
0x7a: {  	v52 =	vand.u32 $0x38, v63;
	v50 =	vshrl.u32 v61, $0x16  }
0x7b: {  	v52 =	vor.u32 v36, v52;
	v50 =	vmul.u32 $0x3, v50;
	_ =	sdelay $0x1  }
0x7c: {  	v49 =	vadd.s32 v50, v49  }
0x7d: {  	v49 =	vadd.s32 v34, v49  }
0x7e: {  	s25 =	simm.s32 $0x10;
	[tilespmem:$0x440] =	vst v49  }
0x7f: {  	v51 =	vand.u32 $0xF8, v62;
	s4 =	simm.s32 $0x20;
	v49 =	vmov s25;
	v50 =	vld.idx.msk [tilespmem:v52+s15+$0x0], $0xffff  }
.LBB2_4:
0x80: {  	p0 =	sne.s32 s4, $0xF0;
	v52 =	vshrl.u32 v49, $0x2;
	v51 =	vor.u32 v35, v51  }
0x81: {  	v52 =	vand.u32 $0x38, v52;
	v51 =	vor.u32 v37, v51  }
0x82: {  	v53 =	vor.u32 s23, v31;
	s23 =	smov.u32 s25;
	s25 =	smov.u32 s4;
	v52 =	vor.u32 v36, v52  }
0x83: {  	v53 =	vshrl.u32 v53, $0x3  }
.Ltmp1:
0x84: {  	v53 =	vand.u32 $0x3, v53;
	v50 =	vshll.u32 v50, $0x2;
	(pc) =	sbr.rel @p0 .LBB2_4-.Ltmp1, $4  }
0x85: {  	v50 =	vor.u32 v53, v50  }
0x86: {  	[tilespmem:v51+s16+$0x0] =	vst.idx.msk $0xffff, v50  }
0x87: {  	v50 =	vld.idx.msk [tilespmem:v52+s15+$0x0], $0xffff  }
0x88: {  	s4 =	sadd.s32 $0x10, s4;
	v51 =	vand.u32 $0xF8, v49;
	v49 =	vmov s25  }
0x89: {  	v52 =	vshrl.u32 v49, $0x2;
	v51 =	vor.u32 v35, v51  }
0x8a: {  	v52 =	vand.u32 $0x38, v52;
	v51 =	vor.u32 v37, v51  }
0x8b: {  	v53 =	vor.u32 s23, v31;
	v52 =	vor.u32 v36, v52  }
0x8c: {  	v53 =	vshrl.u32 v53, $0x3  }
0x8d: {  	v53 =	vand.u32 $0x3, v53;
	v50 =	vshll.u32 v50, $0x2  }
0x8e: {  	v50 =	vor.u32 v53, v50  }
0x8f: {  	[tilespmem:v51+s16+$0x0] =	vst.idx.msk $0xffff, v50  }
0x90: {  	v56 =	vand.u32 $0xF8, v49;
	v50 =	vld.idx.msk [tilespmem:v52+s15+$0x0], $0xffff  }
0x91: {  	v49 =	vor.u32 v35, v56  }
0x92: {  	v49 =	vor.u32 v37, v49  }
0x93: {  	v57 =	vor.u32 s25, v31  }
0x94: {  	v51 =	vshrl.u32 v57, $0x3  }
0x95: {  	v51 =	vand.u32 $0x3, v51;
	v50 =	vshll.u32 v50, $0x2  }
0x96: {  	v50 =	vor.u32 v51, v50  }
0x97: {  	s4 =	simm.s32 $0x6D0;
	[tilespmem:v49+s16+$0x0] =	vst.idx.msk $0xffff, v50  }
0x98: {  	[tilespmem:s22], [sflag:$0x2] =	stream.indirect.gather [hbm4b:s3+s17], $0x80, s4, s17, $0xb8;
	[tilespmem:$0x18DD0] =	vst v63  }
0x99: {  	s25 =	simm.s32 $0x750;
	s23 =	simm.s32 $0x0  }
0x9a: {  	[tilespmem:s24], [sflag:$0x2] =	stream.indirect.gather [hbm4b:s3+s17], $0x80, s25, s17, $0xb8;
	[tilespmem:$0x18DD0] =	vst v63  }
0x9b: {  	v49 =	vld.idx.msk [tilespmem:v8+s23+$0x0], $0xffff;
	_ =	sdelay $0x4  }
0x9c: {  	v58 =	vmul.u32 $0x10C98, v49;
	_ =	sdelay $0x1  }
0x9d: {  	v50 =	vshrl.u32 v58, $0x16  }
0x9e: {  	v50 =	vmul.u32 $0x3, v50;
	_ =	sdelay $0x1  }
0x9f: {  	v49 =	vadd.s32 v50, v49  }
0xa0: {  	v49 =	vadd.s32 v34, v49  }
0xa1: {  	[tilespmem:$0x450] =	vst v49  }
0xa2: {  	v49 =	vld.idx.msk [tilespmem:v9+s23+$0x0], $0xffff;
	_ =	sdelay $0x4  }
0xa3: {  	v59 =	vmul.u32 $0x10C98, v49;
	_ =	sdelay $0x1  }
0xa4: {  	v50 =	vshrl.u32 v59, $0x16  }
0xa5: {  	v50 =	vmul.u32 $0x3, v50;
	_ =	sdelay $0x1  }
0xa6: {  	v49 =	vadd.s32 v50, v49  }
0xa7: {  	v49 =	vadd.s32 v34, v49  }
0xa8: {  	[tilespmem:$0x460] =	vst v49  }
0xa9: {  	v49 =	vld.idx.msk [tilespmem:v10+s23+$0x0], $0xffff;
	_ =	sdelay $0x4  }
0xaa: {  	v60 =	vmul.u32 $0x10C98, v49;
	_ =	sdelay $0x1  }
0xab: {  	v50 =	vshrl.u32 v60, $0x16  }
0xac: {  	v50 =	vmul.u32 $0x3, v50;
	_ =	sdelay $0x1  }
0xad: {  	v49 =	vadd.s32 v50, v49  }
0xae: {  	v49 =	vadd.s32 v34, v49  }
0xaf: {  	[tilespmem:$0x470] =	vst v49  }
0xb0: {  	v49 =	vld.idx.msk [tilespmem:v11+s23+$0x0], $0xffff;
	_ =	sdelay $0x4  }
0xb1: {  	v62 =	vmov s23;
	v61 =	vmul.u32 $0x10C98, v49  }
0xb2: {  	v63 =	vshrl.u32 v62, $0x2  }
0xb3: {  	v52 =	vand.u32 $0x38, v63;
	v50 =	vshrl.u32 v61, $0x16  }
0xb4: {  	v52 =	vor.u32 v38, v52;
	v50 =	vmul.u32 $0x3, v50;
	_ =	sdelay $0x1  }
0xb5: {  	v49 =	vadd.s32 v50, v49  }
0xb6: {  	v49 =	vadd.s32 v34, v49  }
0xb7: {  	s25 =	simm.s32 $0x10;
	[tilespmem:$0x480] =	vst v49  }
0xb8: {  	v51 =	vand.u32 $0xF8, v62;
	s4 =	simm.s32 $0x20;
	v49 =	vmov s25;
	v50 =	vld.idx.msk [tilespmem:v52+s15+$0x0], $0xffff  }
.LBB2_6:
0xb9: {  	p0 =	sne.s32 s4, $0xF0;
	v52 =	vshrl.u32 v49, $0x2;
	v51 =	vor.u32 v35, v51  }
0xba: {  	v52 =	vand.u32 $0x38, v52;
	v51 =	vor.u32 v39, v51  }
0xbb: {  	v53 =	vor.u32 s23, v31;
	s23 =	smov.u32 s25;
	s25 =	smov.u32 s4;
	v52 =	vor.u32 v38, v52  }
0xbc: {  	v53 =	vshrl.u32 v53, $0x3  }
.Ltmp2:
0xbd: {  	v53 =	vand.u32 $0x3, v53;
	v50 =	vshll.u32 v50, $0x2;
	(pc) =	sbr.rel @p0 .LBB2_6-.Ltmp2, $4  }
0xbe: {  	v50 =	vor.u32 v53, v50  }
0xbf: {  	[tilespmem:v51+s16+$0x0] =	vst.idx.msk $0xffff, v50  }
0xc0: {  	v50 =	vld.idx.msk [tilespmem:v52+s15+$0x0], $0xffff  }
0xc1: {  	s4 =	sadd.s32 $0x10, s4;
	v51 =	vand.u32 $0xF8, v49;
	v49 =	vmov s25  }
0xc2: {  	v52 =	vshrl.u32 v49, $0x2;
	v51 =	vor.u32 v35, v51  }
0xc3: {  	v52 =	vand.u32 $0x38, v52;
	v51 =	vor.u32 v39, v51  }
0xc4: {  	v53 =	vor.u32 s23, v31;
	v52 =	vor.u32 v38, v52  }
0xc5: {  	v53 =	vshrl.u32 v53, $0x3  }
0xc6: {  	v53 =	vand.u32 $0x3, v53;
	v50 =	vshll.u32 v50, $0x2  }
0xc7: {  	v50 =	vor.u32 v53, v50  }
0xc8: {  	[tilespmem:v51+s16+$0x0] =	vst.idx.msk $0xffff, v50  }
0xc9: {  	v55 =	vand.u32 $0xF8, v49;
	v50 =	vld.idx.msk [tilespmem:v52+s15+$0x0], $0xffff  }
0xca: {  	v49 =	vor.u32 v35, v55  }
0xcb: {  	v49 =	vor.u32 v39, v49  }
0xcc: {  	v56 =	vor.u32 s25, v31  }
0xcd: {  	v51 =	vshrl.u32 v56, $0x3  }
0xce: {  	v51 =	vand.u32 $0x3, v51;
	v50 =	vshll.u32 v50, $0x2  }
0xcf: {  	v50 =	vor.u32 v51, v50  }
0xd0: {  	s4 =	simm.s32 $0x7D0;
	[tilespmem:v49+s16+$0x0] =	vst.idx.msk $0xffff, v50  }
0xd1: {  	[tilespmem:s26], [sflag:$0x3] =	stream.indirect.gather [hbm4b:s3+s17], $0x80, s4, s17, $0xb8;
	[tilespmem:$0x18DD0] =	vst v63  }
0xd2: {  	s25 =	simm.s32 $0x850  }
0xd3: {  	[tilespmem:s29], [sflag:$0x3] =	stream.indirect.gather [hbm4b:s3+s17], $0x80, s25, s17, $0xb8;
	[tilespmem:$0x18DD0] =	vst v63  }
0xd4: {  	_ =	swait.ge [sflag:s30], $0x4000  }
0xd5: {  	[sflag:s30] =	ssyncset.done $0x0  }
0xd6: {  	[sflag:s30] =	ssyncadd.s32 $0xFFFFC000  }
0xd7: {  	_ =	swait.ge [sflag:s30], $0x4000  }
0xd8: {  	[sflag:s30] =	ssyncset.done $0x0  }
0xd9: {  	s23 =	simm.s32 $0x0;
	[sflag:s30] =	ssyncadd.s32 $0xFFFFC000  }
0xda: {  	[hbm4b:s5+s23] =	stream.linear.scatter [tilespmem:s18], [sflag:$0x4], $0x8000, $0x38;
	[tilespmem:$0x18DD0] =	vst v63  }
0xdb: {  	_ =	swait.ge [sflag:s31], $0x8000  }
0xdc: {  	[sflag:s31] =	ssyncset.done $0x0  }
0xdd: {  	[sflag:s31] =	ssyncadd.s32 $0xFFFF8000  }
0xde: {  	v57 =	vld.idx.msk [tilespmem:v12+s23+$0x0], $0xffff;
	_ =	sdelay $0x4  }
0xdf: {  	v58 =	vmul.u32 $0x10C98, v57;
	_ =	sdelay $0x1  }
0xe0: {  	v50 =	vshrl.u32 v58, $0x16  }
0xe1: {  	v50 =	vmul.u32 $0x3, v50;
	_ =	sdelay $0x1  }
0xe2: {  	v49 =	vadd.s32 v50, v57  }
0xe3: {  	v49 =	vadd.s32 v34, v49  }
0xe4: {  	[tilespmem:$0x490] =	vst v49  }
0xe5: {  	v49 =	vld.idx.msk [tilespmem:v13+s23+$0x0], $0xffff;
	_ =	sdelay $0x4  }
0xe6: {  	v59 =	vmul.u32 $0x10C98, v49;
	_ =	sdelay $0x1  }
0xe7: {  	v50 =	vshrl.u32 v59, $0x16  }
0xe8: {  	v50 =	vmul.u32 $0x3, v50;
	_ =	sdelay $0x1  }
0xe9: {  	v49 =	vadd.s32 v50, v49  }
0xea: {  	v49 =	vadd.s32 v34, v49  }
0xeb: {  	[tilespmem:$0x4A0] =	vst v49  }
0xec: {  	v49 =	vld.idx.msk [tilespmem:v14+s23+$0x0], $0xffff;
	_ =	sdelay $0x4  }
0xed: {  	v60 =	vmul.u32 $0x10C98, v49;
	_ =	sdelay $0x1  }
0xee: {  	v50 =	vshrl.u32 v60, $0x16  }
0xef: {  	v50 =	vmul.u32 $0x3, v50;
	_ =	sdelay $0x1  }
0xf0: {  	v49 =	vadd.s32 v50, v49  }
0xf1: {  	v49 =	vadd.s32 v34, v49  }
0xf2: {  	[tilespmem:$0x4B0] =	vst v49  }
0xf3: {  	v49 =	vld.idx.msk [tilespmem:v15+s23+$0x0], $0xffff;
	_ =	sdelay $0x4  }
0xf4: {  	v62 =	vmov s23;
	v61 =	vmul.u32 $0x10C98, v49  }
0xf5: {  	v63 =	vshrl.u32 v62, $0x2  }
0xf6: {  	v52 =	vand.u32 $0x38, v63;
	v50 =	vshrl.u32 v61, $0x16  }
0xf7: {  	v52 =	vor.u32 v40, v52;
	v50 =	vmul.u32 $0x3, v50;
	_ =	sdelay $0x1  }
0xf8: {  	v49 =	vadd.s32 v50, v49  }
0xf9: {  	v49 =	vadd.s32 v34, v49  }
0xfa: {  	s25 =	simm.s32 $0x10;
	[tilespmem:$0x4C0] =	vst v49  }
0xfb: {  	v51 =	vand.u32 $0xF8, v62;
	s4 =	simm.s32 $0x20;
	v49 =	vmov s25;
	v50 =	vld.idx.msk [tilespmem:v52+s15+$0x0], $0xffff  }
.LBB2_8:
0xfc: {  	p0 =	sne.s32 s4, $0xF0;
	v52 =	vshrl.u32 v49, $0x2;
	v51 =	vor.u32 v35, v51  }
0xfd: {  	v52 =	vand.u32 $0x38, v52;
	v51 =	vor.u32 v41, v51  }
0xfe: {  	v53 =	vor.u32 s23, v31;
	s23 =	smov.u32 s25;
	s25 =	smov.u32 s4;
	v52 =	vor.u32 v40, v52  }
0xff: {  	v53 =	vshrl.u32 v53, $0x3  }
.Ltmp3:
0x100: {  	v53 =	vand.u32 $0x3, v53;
	v50 =	vshll.u32 v50, $0x2;
	(pc) =	sbr.rel @p0 .LBB2_8-.Ltmp3, $4  }
0x101: {  	v50 =	vor.u32 v53, v50  }
0x102: {  	[tilespmem:v51+s16+$0x0] =	vst.idx.msk $0xffff, v50  }
0x103: {  	v50 =	vld.idx.msk [tilespmem:v52+s15+$0x0], $0xffff  }
0x104: {  	s4 =	sadd.s32 $0x10, s4;
	v51 =	vand.u32 $0xF8, v49;
	v49 =	vmov s25  }
0x105: {  	v52 =	vshrl.u32 v49, $0x2;
	v51 =	vor.u32 v35, v51  }
0x106: {  	v52 =	vand.u32 $0x38, v52;
	v51 =	vor.u32 v41, v51  }
0x107: {  	v53 =	vor.u32 s23, v31;
	v52 =	vor.u32 v40, v52  }
0x108: {  	v53 =	vshrl.u32 v53, $0x3  }
0x109: {  	v53 =	vand.u32 $0x3, v53;
	v50 =	vshll.u32 v50, $0x2  }
0x10a: {  	v50 =	vor.u32 v53, v50  }
0x10b: {  	[tilespmem:v51+s16+$0x0] =	vst.idx.msk $0xffff, v50  }
0x10c: {  	v55 =	vand.u32 $0xF8, v49;
	v50 =	vld.idx.msk [tilespmem:v52+s15+$0x0], $0xffff  }
0x10d: {  	v49 =	vor.u32 v35, v55  }
0x10e: {  	v49 =	vor.u32 v41, v49  }
0x10f: {  	v56 =	vor.u32 s25, v31  }
0x110: {  	v51 =	vshrl.u32 v56, $0x3  }
0x111: {  	v51 =	vand.u32 $0x3, v51;
	v50 =	vshll.u32 v50, $0x2  }
0x112: {  	v50 =	vor.u32 v51, v50  }
0x113: {  	s4 =	simm.s32 $0x8D0;
	[tilespmem:v49+s16+$0x0] =	vst.idx.msk $0xffff, v50  }
0x114: {  	[tilespmem:s18], [sflag:$0x1] =	stream.indirect.gather [hbm4b:s3+s17], $0x80, s4, s17, $0xb8;
	[tilespmem:$0x18DD0] =	vst v63  }
0x115: {  	s25 =	simm.s32 $0x950  }
0x116: {  	[tilespmem:s20], [sflag:$0x1] =	stream.indirect.gather [hbm4b:s3+s17], $0x80, s25, s17, $0xb8;
	[tilespmem:$0x18DD0] =	vst v63  }
0x117: {  	_ =	swait.ge [sflag:s19], $0x4000  }
0x118: {  	[sflag:s19] =	ssyncset.done $0x0  }
0x119: {  	[sflag:s19] =	ssyncadd.s32 $0xFFFFC000  }
0x11a: {  	_ =	swait.ge [sflag:s19], $0x4000  }
0x11b: {  	[sflag:s19] =	ssyncset.done $0x0  }
0x11c: {  	s23 =	simm.s32 $0x0;
	[sflag:s19] =	ssyncadd.s32 $0xFFFFC000  }
0x11d: {  	[hbm4b:s6+s23] =	stream.linear.scatter [tilespmem:s22], [sflag:$0x5], $0x8000, $0x38;
	[tilespmem:$0x18DD0] =	vst v63  }
0x11e: {  	_ =	swait.ge [sflag:s21], $0x8000  }
0x11f: {  	[sflag:s21] =	ssyncset.done $0x0  }
0x120: {  	[sflag:s21] =	ssyncadd.s32 $0xFFFF8000  }
0x121: {  	v57 =	vld.idx.msk [tilespmem:v16+s23+$0x0], $0xffff;
	_ =	sdelay $0x4  }
0x122: {  	v58 =	vmul.u32 $0x10C98, v57;
	_ =	sdelay $0x1  }
0x123: {  	v50 =	vshrl.u32 v58, $0x16  }
0x124: {  	v50 =	vmul.u32 $0x3, v50;
	_ =	sdelay $0x1  }
0x125: {  	v49 =	vadd.s32 v50, v57  }
0x126: {  	v49 =	vadd.s32 v34, v49  }
0x127: {  	[tilespmem:$0x4D0] =	vst v49  }
0x128: {  	v49 =	vld.idx.msk [tilespmem:v17+s23+$0x0], $0xffff;
	_ =	sdelay $0x4  }
0x129: {  	v59 =	vmul.u32 $0x10C98, v49;
	_ =	sdelay $0x1  }
0x12a: {  	v50 =	vshrl.u32 v59, $0x16  }
0x12b: {  	v50 =	vmul.u32 $0x3, v50;
	_ =	sdelay $0x1  }
0x12c: {  	v49 =	vadd.s32 v50, v49  }
0x12d: {  	v49 =	vadd.s32 v34, v49  }
0x12e: {  	[tilespmem:$0x4E0] =	vst v49  }
0x12f: {  	v49 =	vld.idx.msk [tilespmem:v18+s23+$0x0], $0xffff;
	_ =	sdelay $0x4  }
0x130: {  	v60 =	vmul.u32 $0x10C98, v49;
	_ =	sdelay $0x1  }
0x131: {  	v50 =	vshrl.u32 v60, $0x16  }
0x132: {  	v50 =	vmul.u32 $0x3, v50;
	_ =	sdelay $0x1  }
0x133: {  	v49 =	vadd.s32 v50, v49  }
0x134: {  	v49 =	vadd.s32 v34, v49  }
0x135: {  	[tilespmem:$0x4F0] =	vst v49  }
0x136: {  	v49 =	vld.idx.msk [tilespmem:v19+s23+$0x0], $0xffff;
	_ =	sdelay $0x4  }
0x137: {  	v62 =	vmov s23;
	v61 =	vmul.u32 $0x10C98, v49  }
0x138: {  	v63 =	vshrl.u32 v62, $0x2  }
0x139: {  	v52 =	vand.u32 $0x38, v63;
	v50 =	vshrl.u32 v61, $0x16  }
0x13a: {  	v52 =	vor.u32 v37, v52;
	v50 =	vmul.u32 $0x3, v50;
	_ =	sdelay $0x1  }
0x13b: {  	v49 =	vadd.s32 v50, v49  }
0x13c: {  	v49 =	vadd.s32 v34, v49  }
0x13d: {  	s25 =	simm.s32 $0x10;
	[tilespmem:$0x500] =	vst v49  }
0x13e: {  	v51 =	vand.u32 $0xF8, v62;
	s4 =	simm.s32 $0x20;
	v49 =	vmov s25;
	v50 =	vld.idx.msk [tilespmem:v52+s15+$0x0], $0xffff  }
.LBB2_10:
0x13f: {  	p0 =	sne.s32 s4, $0xF0;
	v52 =	vshrl.u32 v49, $0x2;
	v51 =	vor.u32 v35, v51  }
0x140: {  	v52 =	vand.u32 $0x38, v52;
	v51 =	vor.u32 v42, v51  }
0x141: {  	v53 =	vor.u32 s23, v31;
	s23 =	smov.u32 s25;
	s25 =	smov.u32 s4;
	v52 =	vor.u32 v37, v52  }
0x142: {  	v53 =	vshrl.u32 v53, $0x3  }
.Ltmp4:
0x143: {  	v53 =	vand.u32 $0x3, v53;
	v50 =	vshll.u32 v50, $0x2;
	(pc) =	sbr.rel @p0 .LBB2_10-.Ltmp4, $4  }
0x144: {  	v50 =	vor.u32 v53, v50  }
0x145: {  	[tilespmem:v51+s16+$0x0] =	vst.idx.msk $0xffff, v50  }
0x146: {  	v50 =	vld.idx.msk [tilespmem:v52+s15+$0x0], $0xffff  }
0x147: {  	s4 =	sadd.s32 $0x10, s4;
	v51 =	vand.u32 $0xF8, v49;
	v49 =	vmov s25  }
0x148: {  	v52 =	vshrl.u32 v49, $0x2;
	v51 =	vor.u32 v35, v51  }
0x149: {  	v52 =	vand.u32 $0x38, v52;
	v51 =	vor.u32 v42, v51  }
0x14a: {  	v53 =	vor.u32 s23, v31;
	v52 =	vor.u32 v37, v52  }
0x14b: {  	v53 =	vshrl.u32 v53, $0x3  }
0x14c: {  	v53 =	vand.u32 $0x3, v53;
	v50 =	vshll.u32 v50, $0x2  }
0x14d: {  	v50 =	vor.u32 v53, v50  }
0x14e: {  	[tilespmem:v51+s16+$0x0] =	vst.idx.msk $0xffff, v50  }
0x14f: {  	v55 =	vand.u32 $0xF8, v49;
	v50 =	vld.idx.msk [tilespmem:v52+s15+$0x0], $0xffff  }
0x150: {  	v49 =	vor.u32 v35, v55  }
0x151: {  	v49 =	vor.u32 v42, v49  }
0x152: {  	v56 =	vor.u32 s25, v31  }
0x153: {  	v51 =	vshrl.u32 v56, $0x3  }
0x154: {  	v51 =	vand.u32 $0x3, v51;
	v50 =	vshll.u32 v50, $0x2  }
0x155: {  	v50 =	vor.u32 v51, v50  }
0x156: {  	s4 =	simm.s32 $0x9D0;
	[tilespmem:v49+s16+$0x0] =	vst.idx.msk $0xffff, v50  }
0x157: {  	[tilespmem:s22], [sflag:$0x2] =	stream.indirect.gather [hbm4b:s3+s17], $0x80, s4, s17, $0xb8;
	[tilespmem:$0x18DD0] =	vst v63  }
0x158: {  	s25 =	simm.s32 $0xA50  }
0x159: {  	[tilespmem:s24], [sflag:$0x2] =	stream.indirect.gather [hbm4b:s3+s17], $0x80, s25, s17, $0xb8;
	[tilespmem:$0x18DD0] =	vst v63  }
0x15a: {  	_ =	swait.ge [sflag:s28], $0x4000  }
0x15b: {  	[sflag:s28] =	ssyncset.done $0x0  }
0x15c: {  	[sflag:s28] =	ssyncadd.s32 $0xFFFFC000  }
0x15d: {  	_ =	swait.ge [sflag:s28], $0x4000  }
0x15e: {  	[sflag:s28] =	ssyncset.done $0x0  }
0x15f: {  	s23 =	simm.s32 $0x0;
	[sflag:s28] =	ssyncadd.s32 $0xFFFFC000  }
0x160: {  	[hbm4b:s7+s23] =	stream.linear.scatter [tilespmem:s26], [sflag:$0x6], $0x8000, $0x38;
	[tilespmem:$0x18DD0] =	vst v63  }
0x161: {  	_ =	swait.ge [sflag:s1], $0x8000  }
0x162: {  	[sflag:s1] =	ssyncset.done $0x0  }
0x163: {  	[sflag:s1] =	ssyncadd.s32 $0xFFFF8000  }
0x164: {  	v57 =	vld.idx.msk [tilespmem:v20+s23+$0x0], $0xffff;
	_ =	sdelay $0x4  }
0x165: {  	v58 =	vmul.u32 $0x10C98, v57;
	_ =	sdelay $0x1  }
0x166: {  	v50 =	vshrl.u32 v58, $0x16  }
0x167: {  	v50 =	vmul.u32 $0x3, v50;
	_ =	sdelay $0x1  }
0x168: {  	v49 =	vadd.s32 v50, v57  }
0x169: {  	v49 =	vadd.s32 v34, v49  }
0x16a: {  	[tilespmem:$0x510] =	vst v49  }
0x16b: {  	v49 =	vld.idx.msk [tilespmem:v21+s23+$0x0], $0xffff;
	_ =	sdelay $0x4  }
0x16c: {  	v59 =	vmul.u32 $0x10C98, v49;
	_ =	sdelay $0x1  }
0x16d: {  	v50 =	vshrl.u32 v59, $0x16  }
0x16e: {  	v50 =	vmul.u32 $0x3, v50;
	_ =	sdelay $0x1  }
0x16f: {  	v49 =	vadd.s32 v50, v49  }
0x170: {  	v49 =	vadd.s32 v34, v49  }
0x171: {  	[tilespmem:$0x520] =	vst v49  }
0x172: {  	v49 =	vld.idx.msk [tilespmem:v22+s23+$0x0], $0xffff;
	_ =	sdelay $0x4  }
0x173: {  	v60 =	vmul.u32 $0x10C98, v49;
	_ =	sdelay $0x1  }
0x174: {  	v50 =	vshrl.u32 v60, $0x16  }
0x175: {  	v50 =	vmul.u32 $0x3, v50;
	_ =	sdelay $0x1  }
0x176: {  	v49 =	vadd.s32 v50, v49  }
0x177: {  	v49 =	vadd.s32 v34, v49  }
0x178: {  	[tilespmem:$0x530] =	vst v49  }
0x179: {  	v49 =	vld.idx.msk [tilespmem:v23+s23+$0x0], $0xffff;
	_ =	sdelay $0x4  }
0x17a: {  	v62 =	vmov s23;
	v61 =	vmul.u32 $0x10C98, v49  }
0x17b: {  	v63 =	vshrl.u32 v62, $0x2  }
0x17c: {  	v52 =	vand.u32 $0x38, v63;
	v50 =	vshrl.u32 v61, $0x16  }
0x17d: {  	v52 =	vor.u32 v43, v52;
	v50 =	vmul.u32 $0x3, v50;
	_ =	sdelay $0x1  }
0x17e: {  	v49 =	vadd.s32 v50, v49  }
0x17f: {  	v49 =	vadd.s32 v34, v49  }
0x180: {  	s25 =	simm.s32 $0x10;
	[tilespmem:$0x540] =	vst v49  }
0x181: {  	v51 =	vand.u32 $0xF8, v62;
	s4 =	simm.s32 $0x20;
	v49 =	vmov s25;
	v50 =	vld.idx.msk [tilespmem:v52+s15+$0x0], $0xffff  }
.LBB2_12:
0x182: {  	p0 =	sne.s32 s4, $0xF0;
	v52 =	vshrl.u32 v49, $0x2;
	v51 =	vor.u32 v35, v51  }
0x183: {  	v52 =	vand.u32 $0x38, v52;
	v51 =	vor.u32 v44, v51  }
0x184: {  	v53 =	vor.u32 s23, v31;
	s23 =	smov.u32 s25;
	s25 =	smov.u32 s4;
	v52 =	vor.u32 v43, v52  }
0x185: {  	v53 =	vshrl.u32 v53, $0x3  }
.Ltmp5:
0x186: {  	v53 =	vand.u32 $0x3, v53;
	v50 =	vshll.u32 v50, $0x2;
	(pc) =	sbr.rel @p0 .LBB2_12-.Ltmp5, $4  }
0x187: {  	v50 =	vor.u32 v53, v50  }
0x188: {  	[tilespmem:v51+s16+$0x0] =	vst.idx.msk $0xffff, v50  }
0x189: {  	v50 =	vld.idx.msk [tilespmem:v52+s15+$0x0], $0xffff  }
0x18a: {  	s4 =	sadd.s32 $0x10, s4;
	v51 =	vand.u32 $0xF8, v49;
	v49 =	vmov s25  }
0x18b: {  	v52 =	vshrl.u32 v49, $0x2;
	v51 =	vor.u32 v35, v51  }
0x18c: {  	v52 =	vand.u32 $0x38, v52;
	v51 =	vor.u32 v44, v51  }
0x18d: {  	v53 =	vor.u32 s23, v31;
	v52 =	vor.u32 v43, v52  }
0x18e: {  	v53 =	vshrl.u32 v53, $0x3  }
0x18f: {  	v53 =	vand.u32 $0x3, v53;
	v50 =	vshll.u32 v50, $0x2  }
0x190: {  	v50 =	vor.u32 v53, v50  }
0x191: {  	[tilespmem:v51+s16+$0x0] =	vst.idx.msk $0xffff, v50  }
0x192: {  	v55 =	vand.u32 $0xF8, v49;
	v50 =	vld.idx.msk [tilespmem:v52+s15+$0x0], $0xffff  }
0x193: {  	v49 =	vor.u32 v35, v55  }
0x194: {  	v49 =	vor.u32 v44, v49  }
0x195: {  	v56 =	vor.u32 s25, v31  }
0x196: {  	v51 =	vshrl.u32 v56, $0x3  }
0x197: {  	v51 =	vand.u32 $0x3, v51;
	v50 =	vshll.u32 v50, $0x2  }
0x198: {  	v50 =	vor.u32 v51, v50  }
0x199: {  	s4 =	simm.s32 $0xAD0;
	[tilespmem:v49+s16+$0x0] =	vst.idx.msk $0xffff, v50  }
0x19a: {  	[tilespmem:s26], [sflag:$0x3] =	stream.indirect.gather [hbm4b:s3+s17], $0x80, s4, s17, $0xb8;
	[tilespmem:$0x18DD0] =	vst v63  }
0x19b: {  	s25 =	simm.s32 $0xB50  }
0x19c: {  	[tilespmem:s29], [sflag:$0x3] =	stream.indirect.gather [hbm4b:s3+s17], $0x80, s25, s17, $0xb8;
	[tilespmem:$0x18DD0] =	vst v63  }
0x19d: {  	_ =	swait.ge [sflag:s30], $0x4000  }
0x19e: {  	[sflag:s30] =	ssyncset.done $0x0  }
0x19f: {  	[sflag:s30] =	ssyncadd.s32 $0xFFFFC000  }
0x1a0: {  	_ =	swait.ge [sflag:s30], $0x4000  }
0x1a1: {  	[sflag:s30] =	ssyncset.done $0x0  }
0x1a2: {  	s23 =	simm.s32 $0x0;
	[sflag:s30] =	ssyncadd.s32 $0xFFFFC000  }
0x1a3: {  	[hbm4b:s8+s23] =	stream.linear.scatter [tilespmem:s18], [sflag:$0x4], $0x8000, $0x38;
	[tilespmem:$0x18DD0] =	vst v63  }
0x1a4: {  	_ =	swait.ge [sflag:s31], $0x8000  }
0x1a5: {  	[sflag:s31] =	ssyncset.done $0x0  }
0x1a6: {  	[sflag:s31] =	ssyncadd.s32 $0xFFFF8000  }
0x1a7: {  	v57 =	vld.idx.msk [tilespmem:v24+s23+$0x0], $0xffff;
	_ =	sdelay $0x4  }
0x1a8: {  	v58 =	vmul.u32 $0x10C98, v57;
	_ =	sdelay $0x1  }
0x1a9: {  	v50 =	vshrl.u32 v58, $0x16  }
0x1aa: {  	v50 =	vmul.u32 $0x3, v50;
	_ =	sdelay $0x1  }
0x1ab: {  	v49 =	vadd.s32 v50, v57  }
0x1ac: {  	v49 =	vadd.s32 v34, v49  }
0x1ad: {  	[tilespmem:$0x550] =	vst v49  }
0x1ae: {  	v49 =	vld.idx.msk [tilespmem:v25+s23+$0x0], $0xffff;
	_ =	sdelay $0x4  }
0x1af: {  	v59 =	vmul.u32 $0x10C98, v49;
	_ =	sdelay $0x1  }
0x1b0: {  	v50 =	vshrl.u32 v59, $0x16  }
0x1b1: {  	v50 =	vmul.u32 $0x3, v50;
	_ =	sdelay $0x1  }
0x1b2: {  	v49 =	vadd.s32 v50, v49  }
0x1b3: {  	v49 =	vadd.s32 v34, v49  }
0x1b4: {  	[tilespmem:$0x560] =	vst v49  }
0x1b5: {  	v49 =	vld.idx.msk [tilespmem:v26+s23+$0x0], $0xffff;
	_ =	sdelay $0x4  }
0x1b6: {  	v60 =	vmul.u32 $0x10C98, v49;
	_ =	sdelay $0x1  }
0x1b7: {  	v50 =	vshrl.u32 v60, $0x16  }
0x1b8: {  	v50 =	vmul.u32 $0x3, v50;
	_ =	sdelay $0x1  }
0x1b9: {  	v49 =	vadd.s32 v50, v49  }
0x1ba: {  	v49 =	vadd.s32 v34, v49  }
0x1bb: {  	[tilespmem:$0x570] =	vst v49  }
0x1bc: {  	v49 =	vld.idx.msk [tilespmem:v27+s23+$0x0], $0xffff;
	_ =	sdelay $0x4  }
0x1bd: {  	v62 =	vmov s23;
	v61 =	vmul.u32 $0x10C98, v49  }
0x1be: {  	v63 =	vshrl.u32 v62, $0x2  }
0x1bf: {  	v52 =	vand.u32 $0x38, v63;
	v50 =	vshrl.u32 v61, $0x16  }
0x1c0: {  	v52 =	vor.u32 v45, v52;
	v50 =	vmul.u32 $0x3, v50;
	_ =	sdelay $0x1  }
0x1c1: {  	v49 =	vadd.s32 v50, v49  }
0x1c2: {  	v49 =	vadd.s32 v34, v49  }
0x1c3: {  	s25 =	simm.s32 $0x10;
	[tilespmem:$0x580] =	vst v49  }
0x1c4: {  	v51 =	vand.u32 $0xF8, v62;
	s4 =	simm.s32 $0x20;
	v49 =	vmov s25;
	v50 =	vld.idx.msk [tilespmem:v52+s15+$0x0], $0xffff  }
.LBB2_14:
0x1c5: {  	p0 =	sne.s32 s4, $0xF0;
	v52 =	vshrl.u32 v49, $0x2;
	v51 =	vor.u32 v35, v51  }
0x1c6: {  	v52 =	vand.u32 $0x38, v52;
	v51 =	vor.u32 v46, v51  }
0x1c7: {  	v53 =	vor.u32 s23, v31;
	s23 =	smov.u32 s25;
	s25 =	smov.u32 s4;
	v52 =	vor.u32 v45, v52  }
0x1c8: {  	v53 =	vshrl.u32 v53, $0x3  }
.Ltmp6:
0x1c9: {  	v53 =	vand.u32 $0x3, v53;
	v50 =	vshll.u32 v50, $0x2;
	(pc) =	sbr.rel @p0 .LBB2_14-.Ltmp6, $4  }
0x1ca: {  	v50 =	vor.u32 v53, v50  }
0x1cb: {  	[tilespmem:v51+s16+$0x0] =	vst.idx.msk $0xffff, v50  }
0x1cc: {  	v50 =	vld.idx.msk [tilespmem:v52+s15+$0x0], $0xffff  }
0x1cd: {  	s4 =	sadd.s32 $0x10, s4;
	v51 =	vand.u32 $0xF8, v49;
	v49 =	vmov s25  }
0x1ce: {  	v52 =	vshrl.u32 v49, $0x2;
	v51 =	vor.u32 v35, v51  }
0x1cf: {  	v52 =	vand.u32 $0x38, v52;
	v51 =	vor.u32 v46, v51  }
0x1d0: {  	v53 =	vor.u32 s23, v31;
	v52 =	vor.u32 v45, v52  }
0x1d1: {  	v53 =	vshrl.u32 v53, $0x3  }
0x1d2: {  	v53 =	vand.u32 $0x3, v53;
	v50 =	vshll.u32 v50, $0x2  }
0x1d3: {  	v50 =	vor.u32 v53, v50  }
0x1d4: {  	[tilespmem:v51+s16+$0x0] =	vst.idx.msk $0xffff, v50  }
0x1d5: {  	v55 =	vand.u32 $0xF8, v49;
	v50 =	vld.idx.msk [tilespmem:v52+s15+$0x0], $0xffff  }
0x1d6: {  	v49 =	vor.u32 v35, v55  }
0x1d7: {  	v49 =	vor.u32 v46, v49  }
0x1d8: {  	v56 =	vor.u32 s25, v31  }
0x1d9: {  	v51 =	vshrl.u32 v56, $0x3  }
0x1da: {  	v51 =	vand.u32 $0x3, v51;
	v50 =	vshll.u32 v50, $0x2  }
0x1db: {  	v50 =	vor.u32 v51, v50  }
0x1dc: {  	s4 =	simm.s32 $0xBD0;
	[tilespmem:v49+s16+$0x0] =	vst.idx.msk $0xffff, v50  }
0x1dd: {  	[tilespmem:s18], [sflag:$0x1] =	stream.indirect.gather [hbm4b:s3+s17], $0x80, s4, s17, $0xb8;
	[tilespmem:$0x18DD0] =	vst v63  }
0x1de: {  	s25 =	simm.s32 $0xC50  }
0x1df: {  	[tilespmem:s20], [sflag:$0x1] =	stream.indirect.gather [hbm4b:s3+s17], $0x80, s25, s17, $0xb8;
	[tilespmem:$0x18DD0] =	vst v63  }
0x1e0: {  	_ =	swait.ge [sflag:s19], $0x4000  }
0x1e1: {  	[sflag:s19] =	ssyncset.done $0x0  }
0x1e2: {  	[sflag:s19] =	ssyncadd.s32 $0xFFFFC000  }
0x1e3: {  	_ =	swait.ge [sflag:s19], $0x4000  }
0x1e4: {  	[sflag:s19] =	ssyncset.done $0x0  }
0x1e5: {  	s23 =	simm.s32 $0x0;
	[sflag:s19] =	ssyncadd.s32 $0xFFFFC000  }
0x1e6: {  	[hbm4b:s9+s23] =	stream.linear.scatter [tilespmem:s22], [sflag:$0x5], $0x8000, $0x38;
	[tilespmem:$0x18DD0] =	vst v63  }
0x1e7: {  	_ =	swait.ge [sflag:s21], $0x8000  }
0x1e8: {  	[sflag:s21] =	ssyncset.done $0x0  }
0x1e9: {  	[sflag:s21] =	ssyncadd.s32 $0xFFFF8000  }
0x1ea: {  	v57 =	vld.idx.msk [tilespmem:v28+s23+$0x0], $0xffff;
	_ =	sdelay $0x4  }
0x1eb: {  	v58 =	vmul.u32 $0x10C98, v57;
	_ =	sdelay $0x1  }
0x1ec: {  	v50 =	vshrl.u32 v58, $0x16  }
0x1ed: {  	v50 =	vmul.u32 $0x3, v50;
	_ =	sdelay $0x1  }
0x1ee: {  	v49 =	vadd.s32 v50, v57  }
0x1ef: {  	v49 =	vadd.s32 v34, v49  }
0x1f0: {  	[tilespmem:$0x590] =	vst v49  }
0x1f1: {  	v49 =	vld.idx.msk [tilespmem:v29+s23+$0x0], $0xffff;
	_ =	sdelay $0x4  }
0x1f2: {  	v59 =	vmul.u32 $0x10C98, v49;
	_ =	sdelay $0x1  }
0x1f3: {  	v50 =	vshrl.u32 v59, $0x16  }
0x1f4: {  	v50 =	vmul.u32 $0x3, v50;
	_ =	sdelay $0x1  }
0x1f5: {  	v49 =	vadd.s32 v50, v49  }
0x1f6: {  	v49 =	vadd.s32 v34, v49  }
0x1f7: {  	[tilespmem:$0x5A0] =	vst v49  }
0x1f8: {  	v49 =	vld.idx.msk [tilespmem:v30+s23+$0x0], $0xffff;
	_ =	sdelay $0x4  }
0x1f9: {  	v60 =	vmul.u32 $0x10C98, v49;
	_ =	sdelay $0x1  }
0x1fa: {  	v50 =	vshrl.u32 v60, $0x16  }
0x1fb: {  	v50 =	vmul.u32 $0x3, v50;
	_ =	sdelay $0x1  }
0x1fc: {  	v49 =	vadd.s32 v50, v49  }
0x1fd: {  	v49 =	vadd.s32 v34, v49  }
0x1fe: {  	[tilespmem:$0x5B0] =	vst v49  }
0x1ff: {  	v49 =	vld.idx.msk [tilespmem:v32+s23+$0x0], $0xffff;
	_ =	sdelay $0x4  }
0x200: {  	v62 =	vmov s23;
	v61 =	vmul.u32 $0x10C98, v49  }
0x201: {  	v63 =	vshrl.u32 v62, $0x2  }
0x202: {  	v52 =	vand.u32 $0x38, v63;
	v50 =	vshrl.u32 v61, $0x16  }
0x203: {  	v52 =	vor.u32 v47, v52;
	v50 =	vmul.u32 $0x3, v50;
	_ =	sdelay $0x1  }
0x204: {  	v49 =	vadd.s32 v50, v49  }
0x205: {  	v49 =	vadd.s32 v34, v49  }
0x206: {  	s25 =	simm.s32 $0x10;
	[tilespmem:$0x5C0] =	vst v49  }
0x207: {  	v51 =	vand.u32 $0xF8, v62;
	s4 =	simm.s32 $0x20;
	v49 =	vmov s25;
	v50 =	vld.idx.msk [tilespmem:v52+s15+$0x0], $0xffff  }
.LBB2_16:
0x208: {  	p0 =	sne.s32 s4, $0xF0;
	v52 =	vshrl.u32 v49, $0x2;
	v51 =	vor.u32 v35, v51  }
0x209: {  	v52 =	vand.u32 $0x38, v52;
	v51 =	vor.u32 v48, v51  }
0x20a: {  	v53 =	vor.u32 s23, v31;
	s23 =	smov.u32 s25;
	s25 =	smov.u32 s4;
	v52 =	vor.u32 v47, v52  }
0x20b: {  	v53 =	vshrl.u32 v53, $0x3  }
.Ltmp7:
0x20c: {  	v53 =	vand.u32 $0x3, v53;
	v50 =	vshll.u32 v50, $0x2;
	(pc) =	sbr.rel @p0 .LBB2_16-.Ltmp7, $4  }
0x20d: {  	v50 =	vor.u32 v53, v50  }
0x20e: {  	[tilespmem:v51+s16+$0x0] =	vst.idx.msk $0xffff, v50  }
0x20f: {  	v50 =	vld.idx.msk [tilespmem:v52+s15+$0x0], $0xffff  }
0x210: {  	s4 =	sadd.s32 $0x10, s4;
	v51 =	vand.u32 $0xF8, v49;
	v49 =	vmov s25  }
0x211: {  	v52 =	vshrl.u32 v49, $0x2;
	v51 =	vor.u32 v35, v51  }
0x212: {  	v52 =	vand.u32 $0x38, v52;
	v51 =	vor.u32 v48, v51  }
0x213: {  	v53 =	vor.u32 s23, v31;
	v52 =	vor.u32 v47, v52  }
0x214: {  	v53 =	vshrl.u32 v53, $0x3  }
0x215: {  	v53 =	vand.u32 $0x3, v53;
	v50 =	vshll.u32 v50, $0x2  }
0x216: {  	v50 =	vor.u32 v53, v50  }
0x217: {  	[tilespmem:v51+s16+$0x0] =	vst.idx.msk $0xffff, v50  }
0x218: {  	v62 =	vand.u32 $0xF8, v49;
	v50 =	vld.idx.msk [tilespmem:v52+s15+$0x0], $0xffff  }
0x219: {  	v49 =	vor.u32 v35, v62  }
0x21a: {  	v49 =	vor.u32 v48, v49  }
0x21b: {  	v63 =	vor.u32 s25, v31  }
0x21c: {  	v51 =	vshrl.u32 v63, $0x3  }
0x21d: {  	v51 =	vand.u32 $0x3, v51;
	v50 =	vshll.u32 v50, $0x2  }
0x21e: {  	v50 =	vor.u32 v51, v50  }
0x21f: {  	s4 =	simm.s32 $0xCD0;
	[tilespmem:v49+s16+$0x0] =	vst.idx.msk $0xffff, v50  }
0x220: {  	[tilespmem:s22], [sflag:$0x2] =	stream.indirect.gather [hbm4b:s3+s17], $0x80, s4, s17, $0xb8;
	[tilespmem:$0x18DD0] =	vst v63  }
0x221: {  	s25 =	simm.s32 $0xD50  }
0x222: {  	[tilespmem:s24], [sflag:$0x2] =	stream.indirect.gather [hbm4b:s3+s17], $0x80, s25, s17, $0xb8;
	[tilespmem:$0x18DD0] =	vst v63  }
0x223: {  	_ =	swait.ge [sflag:s28], $0x4000  }
0x224: {  	[sflag:s28] =	ssyncset.done $0x0  }
0x225: {  	[sflag:s28] =	ssyncadd.s32 $0xFFFFC000  }
0x226: {  	_ =	swait.ge [sflag:s28], $0x4000  }
0x227: {  	[sflag:s28] =	ssyncset.done $0x0  }
0x228: {  	[sflag:s28] =	ssyncadd.s32 $0xFFFFC000  }
0x229: {  	[hbm4b:s10+s2] =	stream.linear.scatter [tilespmem:s26], [sflag:$0x6], $0x8000, $0x38;
	[tilespmem:$0x18DD0] =	vst v63  }
0x22a: {  	_ =	swait.ge [sflag:s30], $0x4000  }
0x22b: {  	[sflag:s30] =	ssyncset.done $0x0  }
0x22c: {  	[sflag:s30] =	ssyncadd.s32 $0xFFFFC000  }
0x22d: {  	_ =	swait.ge [sflag:s30], $0x4000  }
0x22e: {  	[sflag:s30] =	ssyncset.done $0x0  }
0x22f: {  	[sflag:s30] =	ssyncadd.s32 $0xFFFFC000  }
0x230: {  	[hbm4b:s11+s2] =	stream.linear.scatter [tilespmem:s18], [sflag:$0x4], $0x8000, $0x38;
	[tilespmem:$0x18DD0] =	vst v63  }
0x231: {  	_ =	swait.ge [sflag:s19], $0x4000  }
0x232: {  	[sflag:s19] =	ssyncset.done $0x0  }
0x233: {  	[sflag:s19] =	ssyncadd.s32 $0xFFFFC000  }
0x234: {  	_ =	swait.ge [sflag:s19], $0x4000  }
0x235: {  	[sflag:s19] =	ssyncset.done $0x0  }
0x236: {  	[sflag:s19] =	ssyncadd.s32 $0xFFFFC000  }
0x237: {  	[hbm4b:s12+s2] =	stream.linear.scatter [tilespmem:s22], [sflag:$0x5], $0x8000, $0x38;
	[tilespmem:$0x18DD0] =	vst v63  }
0x238: {  	_ =	swait.ge [sflag:s31], $0x8000  }
0x239: {  	[sflag:s31] =	ssyncset.done $0x0  }
0x23a: {  	s0 =	sadd.s32 $0x1, s0;
	[sflag:s31] =	ssyncadd.s32 $0xFFFF8000  }
0x23b: {  	p0 =	sne.s32 s0, s13;
	_ =	swait.ge [sflag:s21], $0x8000  }
.Ltmp8:
0x23c: {  	[sflag:s21] =	ssyncset.done $0x0;
	(pc) =	sbr.rel @p0 .LBB2_1-.Ltmp8, $4  }
0x23d: {  	[sflag:s21] =	ssyncadd.s32 $0xFFFF8000  }
0x23e: {  	_ =	swait.ge [sflag:s1], $0x8000  }
0x23f: {  	[sflag:s1] =	ssyncset.done $0x0  }
0x240: {  	[sflag:s1] =	ssyncadd.s32 $0xFFFF8000  }
0x241: {  	_ =	sfence.sel $0x180000  }
0x242: {  	[bflag:$0x0] =	sbarrier.arrive $0xFFFF  }
0x243: {  	_ =	strace $0x9000004A  }
0x244: {  	s0 =	stileid.u32;
	[bflag:$0x2] =	sbarrier.arrive $0xFFFF  }
0x245: {  	p0 =	sne.s32 s0, $0x0;
	s0 =	rddreg [dreg:$0x2]  }
0x246: {  	s0 =	sadd.s32 @!p0 $0x100000, s0  }
0x247: {  	[sflag:s0] =	ssyncadd.tile.s32 @!p0 $0x1;
	_ =	shalt  }
.Lfunc_end2:
_tile_overlayer_lowered:
.L_overlay_start_2:
0x248: {  	(tag) =	ssettag $0x2  }
0x249: {  	s0 =	rddreg [dreg:$0x0];
	s2 =	stileid.u32  }
0x24a: {  	s1 =	rddreg [dreg:$0x1];
	p0 =	sne.s32 s2, $0x0  }
0x24b: {  	s3 =	rddreg [dreg:$0x2];
	[bflag:$0x3] =	sbarrier.arrive $0xFFFF;
	s2 =	simm.s32 @!p0 $0x1C07  }
0x24c: {  	[timem:s3], [sflag:s2] =	dma.local @!p0 [hbm:s0], s1  }
0x24d: {  	s0 =	simm.s32 @!p0 $0x7  }
0x24e: {  	_ =	swait.ge @!p0 [sflag:s0], s1  }
0x24f: {  	s1 =	ssub.s32 @!p0 $0x0, s1;
	[sflag:s0] =	ssyncset.done @!p0 $0x0  }
0x250: {  	[sflag:s0] =	ssyncadd.s32 @!p0 s1  }
0x251: {  	[bflag:$0x3] =	sbarrier.arrive $0xFFFF  }
0x252: {  	_ =	shalt  }

</sc_bundles>
